<compile_context>
chip_gen: v7x
topology: tpu7x:2x2x1
jax: 0.10.2.dev20260603
libtpu: 0.0.44.dev20260713+nightly
codegen_flags: <defaults>
</compile_context>

<pallas_src>
import functools

import jax
import jax.numpy as jnp
from jax import lax
from jax.experimental import pallas as pl
from jax.experimental.pallas import tpu as pltpu
from jax.experimental.pallas import tpu_sc as plsc

D = 64
L = 16
W = 128
NBUF = 4


def _recommender_scores(uids, iids, utabT, itabT, utail, itail, *,
                        n_workers, b_per_w):
    mesh = plsc.VectorSubcoreMesh(core_axis_name="c", subcore_axis_name="s")

    @functools.partial(
        pl.kernel,
        mesh=mesh,
        compiler_params=pltpu.CompilerParams(needs_layout_passes=False),
        out_type=jax.ShapeDtypeStruct((n_workers, b_per_w), jnp.float32),
        scratch_types=[
            pltpu.VMEM((b_per_w,), jnp.int32),
            pltpu.VMEM((b_per_w,), jnp.int32),
            pltpu.VMEM((D,), jnp.int32),
            pltpu.VMEM((D, W), jnp.float32),
            pltpu.VMEM((D, W), jnp.float32),
            pltpu.VMEM((NBUF, D, W), jnp.float32),
            pltpu.VMEM((NBUF, D, W), jnp.float32),
            pltpu.VMEM((L * b_per_w,), jnp.float32),
            pltpu.VMEM((b_per_w,), jnp.float32),
            pltpu.SemaphoreType.DMA,
            pltpu.SemaphoreType.DMA,
            pltpu.SemaphoreType.DMA,
            pltpu.SemaphoreType.DMA,
        ],
    )
    def k(uid_hbm, iid_hbm, utab_hbm, itab_hbm, utail_hbm, itail_hbm,
          out_hbm, uids_v, iids_v, fidx_v, utail_v, itail_v, uwin, iwin,
          tpose_v, out_v, sem0, sem1, sem2, sem3):
        wid = lax.axis_index("s") * mesh.num_cores + lax.axis_index("c")
        pltpu.sync_copy(uid_hbm.at[wid], uids_v)
        pltpu.sync_copy(iid_hbm.at[wid], iids_v)
        pltpu.sync_copy(utail_hbm, utail_v)
        pltpu.sync_copy(itail_hbm, itail_v)
        for c in range(D // L):
            fidx_v[pl.ds(c * L, L)] = lax.iota(jnp.int32, L) + c * L
        sems = (sem0, sem1, sem2, sem3)
        lane_ids = lax.iota(jnp.int32, L)

        n_cols = utab_hbm.shape[1]
        tail = (n_cols // W) * W
        last_base = tail - W

        def bases(uvec, ivec, k_):
            ub = pl.multiple_of(
                jnp.minimum(uvec[k_] >> 7, last_base // W) * W, W)
            ib = pl.multiple_of(
                jnp.minimum(ivec[k_] >> 7, last_base // W) * W, W)
            return ub, ib

        def fire(uvec, ivec, k_):
            s = k_ % NBUF
            ub, ib = bases(uvec, ivec, k_)
            pltpu.async_copy(utab_hbm.at[:, pl.ds(ub, W)],
                             uwin.at[s], sems[s])
            pltpu.async_copy(itab_hbm.at[:, pl.ds(ib, W)],
                             iwin.at[s], sems[s])

        def drain(uvec, ivec, k_):
            s = k_ % NBUF
            ub, ib = bases(uvec, ivec, k_)
            pltpu.make_async_copy(utab_hbm.at[:, pl.ds(ub, W)],
                                  uwin.at[s], sems[s]).wait()
            pltpu.make_async_copy(itab_hbm.at[:, pl.ds(ib, W)],
                                  iwin.at[s], sems[s]).wait()

        def pick(win_s, tail_v, idv):
            full_id = jnp.full((L,), idv, jnp.int32)
            lcol = full_id & (W - 1)
            tcol = jnp.maximum(full_id - tail, 0)
            in_tail = full_id >= tail
            def chunk(c):
                wv = plsc.load_gather(win_s, [lane_ids + c * L, lcol])
                tv = plsc.load_gather(tail_v, [lane_ids + c * L, tcol])
                return jnp.where(in_tail, tv, wv)
            return chunk

        def compute(uvec, ivec, p, k_):
            s = k_ % NBUF
            uchunk = pick(uwin.at[s], utail_v, uvec[k_])
            ichunk = pick(iwin.at[s], itail_v, ivec[k_])
            acc = uchunk(0) * ichunk(0)
            for c in range(1, D // L):
                acc += uchunk(c) * ichunk(c)
            plsc.store_scatter(tpose_v, [lane_ids * b_per_w + p], acc)

        n_groups = b_per_w // L
        uvec0 = uids_v[pl.ds(0, L)]
        ivec0 = iids_v[pl.ds(0, L)]
        for k_ in range(NBUF - 1):
            fire(uvec0, ivec0, k_)

        @pl.loop(0, n_groups)
        def body(g):
            uvec = uids_v[pl.ds(g * L, L)]
            ivec = iids_v[pl.ds(g * L, L)]
            for k_ in range(L):
                ahead = k_ + NBUF - 1
                if ahead < L:
                    fire(uvec, ivec, ahead)
                else:
                    @pl.when(g + 1 < n_groups)
                    def _():
                        uv2 = uids_v[pl.ds((g + 1) * L, L)]
                        iv2 = iids_v[pl.ds((g + 1) * L, L)]
                        fire(uv2, iv2, ahead - L)

                drain(uvec, ivec, k_)
                compute(uvec, ivec, g * L + k_, k_)

        @plsc.parallel_loop(0, b_per_w // L, 1, unroll=2)
        def reduce_body(m):
            acc = tpose_v[pl.ds(m * L, L)]
            for c in range(1, L):
                acc += tpose_v[pl.ds(c * b_per_w + m * L, L)]
            out_v[pl.ds(m * L, L)] = acc

        pltpu.sync_copy(out_v, out_hbm.at[wid])

    return k(uids, iids, utabT, itabT, utail, itail)


def _tail_pad(tabT):
    n_cols = tabT.shape[1]
    tail = (n_cols // W) * W
    t = tabT[:, tail:]
    return jnp.pad(t, ((0, 0), (0, W - t.shape[1])))


def kernel(user_ids, item_ids, user_table, item_table):
    b = user_ids.shape[0]
    info = plsc.get_sparse_core_info()
    n_workers = info.num_cores * info.num_subcores
    b_per_w = b // n_workers
    uids = user_ids.astype(jnp.int32).reshape(n_workers, b_per_w)
    iids = item_ids.astype(jnp.int32).reshape(n_workers, b_per_w)
    utabT, itabT = user_table.T, item_table.T
    out = _recommender_scores(uids, iids, utabT, itabT,
                              _tail_pad(utabT), _tail_pad(itabT),
                              n_workers=n_workers, b_per_w=b_per_w)
    return out.reshape(b)

# --- scband reference (transcript-rebuilt; emitter-appended) ---
"""Pipeline reference for scband-abstract-recommender-369367188011 (READ-ONLY COPY).

The authoritative reference and input builder live on the scoring server;
editing this copy changes nothing except your own understanding.
"""

import jax, jax.numpy as jnp
import numpy as np

N_USERS = 1000000
N_ITEMS = 1000000
D = 64
B = 16384


def setup_inputs(seed: int = 0) -> dict:
    key = jax.random.key(seed)
    k1, k2, k3, k4 = jax.random.split(key, 4)
    user_ids = jax.random.randint(k1, (B,), 0, N_USERS, dtype=jnp.int64 if jax.config.jax_enable_x64 else jnp.int32)
    item_ids = jax.random.randint(k2, (B,), 0, N_ITEMS, dtype=jnp.int64 if jax.config.jax_enable_x64 else jnp.int32)
    # Xavier-uniform init as in the torch module's _init_weights
    limit_u = float(np.sqrt(6.0 / (N_USERS + D)))
    limit_i = float(np.sqrt(6.0 / (N_ITEMS + D)))
    user_table = jax.random.uniform(k3, (N_USERS, D), minval=-limit_u, maxval=limit_u, dtype=jnp.float32)
    item_table = jax.random.uniform(k4, (N_ITEMS, D), minval=-limit_i, maxval=limit_i, dtype=jnp.float32)
    return {
        "user_ids": user_ids,
        "item_ids": item_ids,
        "user_table": user_table,
        "item_table": item_table,
    }


def reference(user_ids, item_ids, user_table, item_table):
    # AbstractRecommender.predict: embedding lookups + per-pair dot product
    user_embeds = jnp.take(user_table, user_ids, axis=0)
    item_embeds = jnp.take(item_table, item_ids, axis=0)
    scores = (user_embeds * item_embeds).sum(axis=1)
    return scores

if __name__ == "__main__":
    import jax
    _d = setup_inputs()
    print(jax.jit(kernel)(*tuple(_d.values())))

</pallas_src>

<mosaic_0001>
#map = affine_map<(d0, d1) -> (0, 0)>
module attributes {stable_mosaic.version = 14 : i64} {
  func.func @k(%arg0: i32, %arg1: i32, %arg2: memref<32x512xi32, #tpu.memory_space<hbm>>, %arg3: memref<32x512xi32, #tpu.memory_space<hbm>>, %arg4: memref<64x1000000xf32, #tpu.memory_space<hbm>>, %arg5: memref<64x1000000xf32, #tpu.memory_space<hbm>>, %arg6: memref<64x128xf32, #tpu.memory_space<hbm>>, %arg7: memref<64x128xf32, #tpu.memory_space<hbm>>, %arg8: memref<32x512xf32, #tpu.memory_space<hbm>>, %arg9: memref<512xi32, #tpu.memory_space<vmem>>, %arg10: memref<512xi32, #tpu.memory_space<vmem>>, %arg11: memref<64xi32, #tpu.memory_space<vmem>>, %arg12: memref<64x128xf32, #tpu.memory_space<vmem>>, %arg13: memref<64x128xf32, #tpu.memory_space<vmem>>, %arg14: memref<4x64x128xf32, #tpu.memory_space<vmem>>, %arg15: memref<4x64x128xf32, #tpu.memory_space<vmem>>, %arg16: memref<8192xf32, #tpu.memory_space<vmem>>, %arg17: memref<512xf32, #tpu.memory_space<vmem>>, %arg18: memref<!tpu.dma_semaphore, #tpu.memory_space<semaphore_mem>>, %arg19: memref<!tpu.dma_semaphore, #tpu.memory_space<semaphore_mem>>, %arg20: memref<!tpu.dma_semaphore, #tpu.memory_space<semaphore_mem>>, %arg21: memref<!tpu.dma_semaphore, #tpu.memory_space<semaphore_mem>>) attributes {dimension_semantics = [#tpu.dimension_semantics<core_parallel>, #tpu.dimension_semantics<subcore_parallel>], iteration_bounds = array<i64: 2, 16>, scalar_prefetch = 0 : i64, scratch_operands = 13 : i64, tpu.core_type = #tpu.core_type<sc_vector_subcore>, window_params = [{transform_indices = #map}, {transform_indices = #map}, {transform_indices = #map}, {transform_indices = #map}, {transform_indices = #map}, {transform_indices = #map}, {transform_indices = #map}]} {
    %mul3A = arith.constant 2 : i32
    %mul3A_0 = arith.muli %arg1, %mul3A : i32
    %add3A = arith.addi %mul3A_0, %arg0 : i32
    "tpu.region"() ({
      %run_scoped3A = tpu.sem_alloc : memref<!tpu.dma_semaphore, #tpu.memory_space<semaphore_mem>>
      %dma_start3A_159 = arith.constant 0 : i32
      %dma_start3A_160 = tpu.memref_slice %arg2[%add3A, %dma_start3A_159] : memref<32x512xi32, #tpu.memory_space<hbm>> -> memref<1x512xi32, #tpu.memory_space<hbm>>
      %dma_start3A_161 = tpu.memref_squeeze %dma_start3A_160 : memref<1x512xi32, #tpu.memory_space<hbm>> -> memref<512xi32, #tpu.memory_space<hbm>>
      %dma_start3A_162 = arith.constant 0 : i32
      %dma_start3A_163 = tpu.memref_slice %arg2[%add3A, %dma_start3A_162] : memref<32x512xi32, #tpu.memory_space<hbm>> -> memref<1x512xi32, #tpu.memory_space<hbm>>
      %dma_start3A_164 = tpu.memref_squeeze %dma_start3A_163 : memref<1x512xi32, #tpu.memory_space<hbm>> -> memref<512xi32, #tpu.memory_space<hbm>>
      tpu.enqueue_dma source(%dma_start3A_164 : memref<512xi32, #tpu.memory_space<hbm>>) target(%arg9 : memref<512xi32, #tpu.memory_space<vmem>>) target_semaphore(%run_scoped3A : memref<!tpu.dma_semaphore, #tpu.memory_space<semaphore_mem>>)
      %dma_wait3A = arith.constant 0 : i32
      %dma_wait3A_165 = tpu.memref_slice %arg2[%add3A, %dma_wait3A] : memref<32x512xi32, #tpu.memory_space<hbm>> -> memref<1x512xi32, #tpu.memory_space<hbm>>
      %dma_wait3A_166 = tpu.memref_squeeze %dma_wait3A_165 : memref<1x512xi32, #tpu.memory_space<hbm>> -> memref<512xi32, #tpu.memory_space<hbm>>
      %dma_wait3A_167 = arith.constant 0 : i32
      %dma_wait3A_168 = tpu.memref_slice %arg2[%add3A, %dma_wait3A_167] : memref<32x512xi32, #tpu.memory_space<hbm>> -> memref<1x512xi32, #tpu.memory_space<hbm>>
      %dma_wait3A_169 = tpu.memref_squeeze %dma_wait3A_168 : memref<1x512xi32, #tpu.memory_space<hbm>> -> memref<512xi32, #tpu.memory_space<hbm>>
      tpu.wait_dma2 semaphore(%run_scoped3A : memref<!tpu.dma_semaphore, #tpu.memory_space<semaphore_mem>>) src(%dma_wait3A_169 : memref<512xi32, #tpu.memory_space<hbm>>) dst(%arg9 : memref<512xi32, #tpu.memory_space<vmem>>)
      tpu.yield
    }) : () -> ()
    "tpu.region"() ({
      %run_scoped3A = tpu.sem_alloc : memref<!tpu.dma_semaphore, #tpu.memory_space<semaphore_mem>>
      %dma_start3A_159 = arith.constant 0 : i32
      %dma_start3A_160 = tpu.memref_slice %arg3[%add3A, %dma_start3A_159] : memref<32x512xi32, #tpu.memory_space<hbm>> -> memref<1x512xi32, #tpu.memory_space<hbm>>
      %dma_start3A_161 = tpu.memref_squeeze %dma_start3A_160 : memref<1x512xi32, #tpu.memory_space<hbm>> -> memref<512xi32, #tpu.memory_space<hbm>>
      %dma_start3A_162 = arith.constant 0 : i32
      %dma_start3A_163 = tpu.memref_slice %arg3[%add3A, %dma_start3A_162] : memref<32x512xi32, #tpu.memory_space<hbm>> -> memref<1x512xi32, #tpu.memory_space<hbm>>
      %dma_start3A_164 = tpu.memref_squeeze %dma_start3A_163 : memref<1x512xi32, #tpu.memory_space<hbm>> -> memref<512xi32, #tpu.memory_space<hbm>>
      tpu.enqueue_dma source(%dma_start3A_164 : memref<512xi32, #tpu.memory_space<hbm>>) target(%arg10 : memref<512xi32, #tpu.memory_space<vmem>>) target_semaphore(%run_scoped3A : memref<!tpu.dma_semaphore, #tpu.memory_space<semaphore_mem>>)
      %dma_wait3A = arith.constant 0 : i32
      %dma_wait3A_165 = tpu.memref_slice %arg3[%add3A, %dma_wait3A] : memref<32x512xi32, #tpu.memory_space<hbm>> -> memref<1x512xi32, #tpu.memory_space<hbm>>
      %dma_wait3A_166 = tpu.memref_squeeze %dma_wait3A_165 : memref<1x512xi32, #tpu.memory_space<hbm>> -> memref<512xi32, #tpu.memory_space<hbm>>
      %dma_wait3A_167 = arith.constant 0 : i32
      %dma_wait3A_168 = tpu.memref_slice %arg3[%add3A, %dma_wait3A_167] : memref<32x512xi32, #tpu.memory_space<hbm>> -> memref<1x512xi32, #tpu.memory_space<hbm>>
      %dma_wait3A_169 = tpu.memref_squeeze %dma_wait3A_168 : memref<1x512xi32, #tpu.memory_space<hbm>> -> memref<512xi32, #tpu.memory_space<hbm>>
      tpu.wait_dma2 semaphore(%run_scoped3A : memref<!tpu.dma_semaphore, #tpu.memory_space<semaphore_mem>>) src(%dma_wait3A_169 : memref<512xi32, #tpu.memory_space<hbm>>) dst(%arg10 : memref<512xi32, #tpu.memory_space<vmem>>)
      tpu.yield
    }) : () -> ()
    "tpu.region"() ({
      %run_scoped3A = tpu.sem_alloc : memref<!tpu.dma_semaphore, #tpu.memory_space<semaphore_mem>>
      tpu.enqueue_dma source(%arg6 : memref<64x128xf32, #tpu.memory_space<hbm>>) target(%arg12 : memref<64x128xf32, #tpu.memory_space<vmem>>) target_semaphore(%run_scoped3A : memref<!tpu.dma_semaphore, #tpu.memory_space<semaphore_mem>>)
      tpu.wait_dma2 semaphore(%run_scoped3A : memref<!tpu.dma_semaphore, #tpu.memory_space<semaphore_mem>>) src(%arg6 : memref<64x128xf32, #tpu.memory_space<hbm>>) dst(%arg12 : memref<64x128xf32, #tpu.memory_space<vmem>>)
      tpu.yield
    }) : () -> ()
    "tpu.region"() ({
      %run_scoped3A = tpu.sem_alloc : memref<!tpu.dma_semaphore, #tpu.memory_space<semaphore_mem>>
      tpu.enqueue_dma source(%arg7 : memref<64x128xf32, #tpu.memory_space<hbm>>) target(%arg13 : memref<64x128xf32, #tpu.memory_space<vmem>>) target_semaphore(%run_scoped3A : memref<!tpu.dma_semaphore, #tpu.memory_space<semaphore_mem>>)
      tpu.wait_dma2 semaphore(%run_scoped3A : memref<!tpu.dma_semaphore, #tpu.memory_space<semaphore_mem>>) src(%arg7 : memref<64x128xf32, #tpu.memory_space<hbm>>) dst(%arg13 : memref<64x128xf32, #tpu.memory_space<vmem>>)
      tpu.yield
    }) : () -> ()
    %iota3A = tpu.iota {dimensions = array<i32: 0>} : vector<16xi32>
    %add3A_1 = arith.constant 0 : i32
    %add3A_2 = vector.broadcast %add3A_1 : i32 to vector<16xi32>
    %add3A_3 = arith.addi %iota3A, %add3A_2 : vector<16xi32>
    %swap3A = arith.constant 0 : index
    %swap3A_4 = tpu.vector_load %arg11[%swap3A] {strides = array<i32>} : memref<64xi32, #tpu.memory_space<vmem>>, vector<16xi32>,
    tpu.vector_store %arg11[%swap3A], %add3A_3 {strides = array<i32>} : memref<64xi32, #tpu.memory_space<vmem>>, vector<16xi32>,
    %iota3A_5 = tpu.iota {dimensions = array<i32: 0>} : vector<16xi32>
    %add3A_6 = arith.constant 16 : i32
    %add3A_7 = vector.broadcast %add3A_6 : i32 to vector<16xi32>
    %add3A_8 = arith.addi %iota3A_5, %add3A_7 : vector<16xi32>
    %swap3A_9 = arith.constant 16 : index
    %swap3A_10 = tpu.vector_load %arg11[%swap3A_9] {strides = array<i32>} : memref<64xi32, #tpu.memory_space<vmem>>, vector<16xi32>,
    tpu.vector_store %arg11[%swap3A_9], %add3A_8 {strides = array<i32>} : memref<64xi32, #tpu.memory_space<vmem>>, vector<16xi32>,
    %iota3A_11 = tpu.iota {dimensions = array<i32: 0>} : vector<16xi32>
    %add3A_12 = arith.constant 32 : i32
    %add3A_13 = vector.broadcast %add3A_12 : i32 to vector<16xi32>
    %add3A_14 = arith.addi %iota3A_11, %add3A_13 : vector<16xi32>
    %swap3A_15 = arith.constant 32 : index
    %swap3A_16 = tpu.vector_load %arg11[%swap3A_15] {strides = array<i32>} : memref<64xi32, #tpu.memory_space<vmem>>, vector<16xi32>,
    tpu.vector_store %arg11[%swap3A_15], %add3A_14 {strides = array<i32>} : memref<64xi32, #tpu.memory_space<vmem>>, vector<16xi32>,
    %iota3A_17 = tpu.iota {dimensions = array<i32: 0>} : vector<16xi32>
    %add3A_18 = arith.constant 48 : i32
    %add3A_19 = vector.broadcast %add3A_18 : i32 to vector<16xi32>
    %add3A_20 = arith.addi %iota3A_17, %add3A_19 : vector<16xi32>
    %swap3A_21 = arith.constant 48 : index
    %swap3A_22 = tpu.vector_load %arg11[%swap3A_21] {strides = array<i32>} : memref<64xi32, #tpu.memory_space<vmem>>, vector<16xi32>,
    tpu.vector_store %arg11[%swap3A_21], %add3A_20 {strides = array<i32>} : memref<64xi32, #tpu.memory_space<vmem>>, vector<16xi32>,
    %iota3A_23 = tpu.iota {dimensions = array<i32: 0>} : vector<16xi32>
    %get3A = arith.constant 0 : index
    %get3A_24 = tpu.vector_load %arg9[%get3A] {strides = array<i32>} : memref<512xi32, #tpu.memory_space<vmem>>, vector<16xi32>,
    %get3A_25 = arith.constant 0 : index
    %get3A_26 = tpu.vector_load %arg10[%get3A_25] {strides = array<i32>} : memref<512xi32, #tpu.memory_space<vmem>>, vector<16xi32>,
    %slice3A = vector.extract_strided_slice %get3A_24 {offsets = [0], sizes = [1], strides = [1]} : vector<16xi32> to vector<1xi32>
    %squeeze3A = vector.extract %slice3A[0] : i32 from vector<1xi32>
    %shift_right_arithmetic3A = arith.constant 7 : i32
    %shift_right_arithmetic3A_27 = arith.shrsi %squeeze3A, %shift_right_arithmetic3A : i32
    %min3A = arith.constant 7811 : i32
    %min3A_28 = arith.minsi %shift_right_arithmetic3A_27, %min3A : i32
    %mul3A_29 = arith.constant 128 : i32
    %mul3A_30 = arith.muli %min3A_28, %mul3A_29 : i32
    %multiple_of3A = tpu.assume_multiple %mul3A_30, 128 : i32
    %slice3A_31 = vector.extract_strided_slice %get3A_26 {offsets = [0], sizes = [1], strides = [1]} : vector<16xi32> to vector<1xi32>
    %squeeze3A_32 = vector.extract %slice3A_31[0] : i32 from vector<1xi32>
    %shift_right_arithmetic3A_33 = arith.constant 7 : i32
    %shift_right_arithmetic3A_34 = arith.shrsi %squeeze3A_32, %shift_right_arithmetic3A_33 : i32
    %min3A_35 = arith.constant 7811 : i32
    %min3A_36 = arith.minsi %shift_right_arithmetic3A_34, %min3A_35 : i32
    %mul3A_37 = arith.constant 128 : i32
    %mul3A_38 = arith.muli %min3A_36, %mul3A_37 : i32
    %multiple_of3A_39 = tpu.assume_multiple %mul3A_38, 128 : i32
    %dma_start3A = arith.constant 0 : i32
    %dma_start3A_40 = arith.constant 0 : i32
    %dma_start3A_41 = arith.constant 0 : i32
    %dma_start3A_42 = tpu.memref_slice %arg14[%dma_start3A, %dma_start3A_40, %dma_start3A_41] : memref<4x64x128xf32, #tpu.memory_space<vmem>> -> memref<1x64x128xf32, #tpu.memory_space<vmem>>
    %dma_start3A_43 = tpu.memref_squeeze %dma_start3A_42 : memref<1x64x128xf32, #tpu.memory_space<vmem>> -> memref<64x128xf32, #tpu.memory_space<vmem>>
    %dma_start3A_44 = arith.constant 0 : i32
    %dma_start3A_45 = tpu.memref_slice %arg4[%dma_start3A_44, %multiple_of3A] : memref<64x1000000xf32, #tpu.memory_space<hbm>> -> memref<64x128xf32, #tpu.memory_space<hbm>>
    %dma_start3A_46 = arith.constant 0 : i32
    %dma_start3A_47 = arith.constant 0 : i32
    %dma_start3A_48 = tpu.memref_slice %arg14[%dma_start3A, %dma_start3A_46, %dma_start3A_47] : memref<4x64x128xf32, #tpu.memory_space<vmem>> -> memref<1x64x128xf32, #tpu.memory_space<vmem>>
    %dma_start3A_49 = tpu.memref_squeeze %dma_start3A_48 : memref<1x64x128xf32, #tpu.memory_space<vmem>> -> memref<64x128xf32, #tpu.memory_space<vmem>>
    %dma_start3A_50 = arith.constant 0 : i32
    %dma_start3A_51 = tpu.memref_slice %arg4[%dma_start3A_50, %multiple_of3A] : memref<64x1000000xf32, #tpu.memory_space<hbm>> -> memref<64x128xf32, #tpu.memory_space<hbm>>
    tpu.enqueue_dma source(%dma_start3A_51 : memref<64x128xf32, #tpu.memory_space<hbm>>) target(%dma_start3A_49 : memref<64x128xf32, #tpu.memory_space<vmem>>) target_semaphore(%arg18 : memref<!tpu.dma_semaphore, #tpu.memory_space<semaphore_mem>>)
    %dma_start3A_52 = arith.constant 0 : i32
    %dma_start3A_53 = arith.constant 0 : i32
    %dma_start3A_54 = arith.constant 0 : i32
    %dma_start3A_55 = tpu.memref_slice %arg15[%dma_start3A_52, %dma_start3A_53, %dma_start3A_54] : memref<4x64x128xf32, #tpu.memory_space<vmem>> -> memref<1x64x128xf32, #tpu.memory_space<vmem>>
    %dma_start3A_56 = tpu.memref_squeeze %dma_start3A_55 : memref<1x64x128xf32, #tpu.memory_space<vmem>> -> memref<64x128xf32, #tpu.memory_space<vmem>>
    %dma_start3A_57 = arith.constant 0 : i32
    %dma_start3A_58 = tpu.memref_slice %arg5[%dma_start3A_57, %multiple_of3A_39] : memref<64x1000000xf32, #tpu.memory_space<hbm>> -> memref<64x128xf32, #tpu.memory_space<hbm>>
    %dma_start3A_59 = arith.constant 0 : i32
    %dma_start3A_60 = arith.constant 0 : i32
    %dma_start3A_61 = tpu.memref_slice %arg15[%dma_start3A_52, %dma_start3A_59, %dma_start3A_60] : memref<4x64x128xf32, #tpu.memory_space<vmem>> -> memref<1x64x128xf32, #tpu.memory_space<vmem>>
    %dma_start3A_62 = tpu.memref_squeeze %dma_start3A_61 : memref<1x64x128xf32, #tpu.memory_space<vmem>> -> memref<64x128xf32, #tpu.memory_space<vmem>>
    %dma_start3A_63 = arith.constant 0 : i32
    %dma_start3A_64 = tpu.memref_slice %arg5[%dma_start3A_63, %multiple_of3A_39] : memref<64x1000000xf32, #tpu.memory_space<hbm>> -> memref<64x128xf32, #tpu.memory_space<hbm>>
    tpu.enqueue_dma source(%dma_start3A_64 : memref<64x128xf32, #tpu.memory_space<hbm>>) target(%dma_start3A_62 : memref<64x128xf32, #tpu.memory_space<vmem>>) target_semaphore(%arg18 : memref<!tpu.dma_semaphore, #tpu.memory_space<semaphore_mem>>)
    %slice3A_65 = vector.extract_strided_slice %get3A_24 {offsets = [1], sizes = [1], strides = [1]} : vector<16xi32> to vector<1xi32>
    %squeeze3A_66 = vector.extract %slice3A_65[0] : i32 from vector<1xi32>
    %shift_right_arithmetic3A_67 = arith.constant 7 : i32
    %shift_right_arithmetic3A_68 = arith.shrsi %squeeze3A_66, %shift_right_arithmetic3A_67 : i32
    %min3A_69 = arith.constant 7811 : i32
    %min3A_70 = arith.minsi %shift_right_arithmetic3A_68, %min3A_69 : i32
    %mul3A_71 = arith.constant 128 : i32
    %mul3A_72 = arith.muli %min3A_70, %mul3A_71 : i32
    %multiple_of3A_73 = tpu.assume_multiple %mul3A_72, 128 : i32
    %slice3A_74 = vector.extract_strided_slice %get3A_26 {offsets = [1], sizes = [1], strides = [1]} : vector<16xi32> to vector<1xi32>
    %squeeze3A_75 = vector.extract %slice3A_74[0] : i32 from vector<1xi32>
    %shift_right_arithmetic3A_76 = arith.constant 7 : i32
    %shift_right_arithmetic3A_77 = arith.shrsi %squeeze3A_75, %shift_right_arithmetic3A_76 : i32
    %min3A_78 = arith.constant 7811 : i32
    %min3A_79 = arith.minsi %shift_right_arithmetic3A_77, %min3A_78 : i32
    %mul3A_80 = arith.constant 128 : i32
    %mul3A_81 = arith.muli %min3A_79, %mul3A_80 : i32
    %multiple_of3A_82 = tpu.assume_multiple %mul3A_81, 128 : i32
    %dma_start3A_83 = arith.constant 1 : i32
    %dma_start3A_84 = arith.constant 0 : i32
    %dma_start3A_85 = arith.constant 0 : i32
    %dma_start3A_86 = tpu.memref_slice %arg14[%dma_start3A_83, %dma_start3A_84, %dma_start3A_85] : memref<4x64x128xf32, #tpu.memory_space<vmem>> -> memref<1x64x128xf32, #tpu.memory_space<vmem>>
    %dma_start3A_87 = tpu.memref_squeeze %dma_start3A_86 : memref<1x64x128xf32, #tpu.memory_space<vmem>> -> memref<64x128xf32, #tpu.memory_space<vmem>>
    %dma_start3A_88 = arith.constant 0 : i32
    %dma_start3A_89 = tpu.memref_slice %arg4[%dma_start3A_88, %multiple_of3A_73] : memref<64x1000000xf32, #tpu.memory_space<hbm>> -> memref<64x128xf32, #tpu.memory_space<hbm>>
    %dma_start3A_90 = arith.constant 0 : i32
    %dma_start3A_91 = arith.constant 0 : i32
    %dma_start3A_92 = tpu.memref_slice %arg14[%dma_start3A_83, %dma_start3A_90, %dma_start3A_91] : memref<4x64x128xf32, #tpu.memory_space<vmem>> -> memref<1x64x128xf32, #tpu.memory_space<vmem>>
    %dma_start3A_93 = tpu.memref_squeeze %dma_start3A_92 : memref<1x64x128xf32, #tpu.memory_space<vmem>> -> memref<64x128xf32, #tpu.memory_space<vmem>>
    %dma_start3A_94 = arith.constant 0 : i32
    %dma_start3A_95 = tpu.memref_slice %arg4[%dma_start3A_94, %multiple_of3A_73] : memref<64x1000000xf32, #tpu.memory_space<hbm>> -> memref<64x128xf32, #tpu.memory_space<hbm>>
    tpu.enqueue_dma source(%dma_start3A_95 : memref<64x128xf32, #tpu.memory_space<hbm>>) target(%dma_start3A_93 : memref<64x128xf32, #tpu.memory_space<vmem>>) target_semaphore(%arg19 : memref<!tpu.dma_semaphore, #tpu.memory_space<semaphore_mem>>)
    %dma_start3A_96 = arith.constant 1 : i32
    %dma_start3A_97 = arith.constant 0 : i32
    %dma_start3A_98 = arith.constant 0 : i32
    %dma_start3A_99 = tpu.memref_slice %arg15[%dma_start3A_96, %dma_start3A_97, %dma_start3A_98] : memref<4x64x128xf32, #tpu.memory_space<vmem>> -> memref<1x64x128xf32, #tpu.memory_space<vmem>>
    %dma_start3A_100 = tpu.memref_squeeze %dma_start3A_99 : memref<1x64x128xf32, #tpu.memory_space<vmem>> -> memref<64x128xf32, #tpu.memory_space<vmem>>
    %dma_start3A_101 = arith.constant 0 : i32
    %dma_start3A_102 = tpu.memref_slice %arg5[%dma_start3A_101, %multiple_of3A_82] : memref<64x1000000xf32, #tpu.memory_space<hbm>> -> memref<64x128xf32, #tpu.memory_space<hbm>>
    %dma_start3A_103 = arith.constant 0 : i32
    %dma_start3A_104 = arith.constant 0 : i32
    %dma_start3A_105 = tpu.memref_slice %arg15[%dma_start3A_96, %dma_start3A_103, %dma_start3A_104] : memref<4x64x128xf32, #tpu.memory_space<vmem>> -> memref<1x64x128xf32, #tpu.memory_space<vmem>>
    %dma_start3A_106 = tpu.memref_squeeze %dma_start3A_105 : memref<1x64x128xf32, #tpu.memory_space<vmem>> -> memref<64x128xf32, #tpu.memory_space<vmem>>
    %dma_start3A_107 = arith.constant 0 : i32
    %dma_start3A_108 = tpu.memref_slice %arg5[%dma_start3A_107, %multiple_of3A_82] : memref<64x1000000xf32, #tpu.memory_space<hbm>> -> memref<64x128xf32, #tpu.memory_space<hbm>>
    tpu.enqueue_dma source(%dma_start3A_108 : memref<64x128xf32, #tpu.memory_space<hbm>>) target(%dma_start3A_106 : memref<64x128xf32, #tpu.memory_space<vmem>>) target_semaphore(%arg19 : memref<!tpu.dma_semaphore, #tpu.memory_space<semaphore_mem>>)
    %slice3A_109 = vector.extract_strided_slice %get3A_24 {offsets = [2], sizes = [1], strides = [1]} : vector<16xi32> to vector<1xi32>
    %squeeze3A_110 = vector.extract %slice3A_109[0] : i32 from vector<1xi32>
    %shift_right_arithmetic3A_111 = arith.constant 7 : i32
    %shift_right_arithmetic3A_112 = arith.shrsi %squeeze3A_110, %shift_right_arithmetic3A_111 : i32
    %min3A_113 = arith.constant 7811 : i32
    %min3A_114 = arith.minsi %shift_right_arithmetic3A_112, %min3A_113 : i32
    %mul3A_115 = arith.constant 128 : i32
    %mul3A_116 = arith.muli %min3A_114, %mul3A_115 : i32
    %multiple_of3A_117 = tpu.assume_multiple %mul3A_116, 128 : i32
    %slice3A_118 = vector.extract_strided_slice %get3A_26 {offsets = [2], sizes = [1], strides = [1]} : vector<16xi32> to vector<1xi32>
    %squeeze3A_119 = vector.extract %slice3A_118[0] : i32 from vector<1xi32>
    %shift_right_arithmetic3A_120 = arith.constant 7 : i32
    %shift_right_arithmetic3A_121 = arith.shrsi %squeeze3A_119, %shift_right_arithmetic3A_120 : i32
    %min3A_122 = arith.constant 7811 : i32
    %min3A_123 = arith.minsi %shift_right_arithmetic3A_121, %min3A_122 : i32
    %mul3A_124 = arith.constant 128 : i32
    %mul3A_125 = arith.muli %min3A_123, %mul3A_124 : i32
    %multiple_of3A_126 = tpu.assume_multiple %mul3A_125, 128 : i32
    %dma_start3A_127 = arith.constant 2 : i32
    %dma_start3A_128 = arith.constant 0 : i32
    %dma_start3A_129 = arith.constant 0 : i32
    %dma_start3A_130 = tpu.memref_slice %arg14[%dma_start3A_127, %dma_start3A_128, %dma_start3A_129] : memref<4x64x128xf32, #tpu.memory_space<vmem>> -> memref<1x64x128xf32, #tpu.memory_space<vmem>>
    %dma_start3A_131 = tpu.memref_squeeze %dma_start3A_130 : memref<1x64x128xf32, #tpu.memory_space<vmem>> -> memref<64x128xf32, #tpu.memory_space<vmem>>
    %dma_start3A_132 = arith.constant 0 : i32
    %dma_start3A_133 = tpu.memref_slice %arg4[%dma_start3A_132, %multiple_of3A_117] : memref<64x1000000xf32, #tpu.memory_space<hbm>> -> memref<64x128xf32, #tpu.memory_space<hbm>>
    %dma_start3A_134 = arith.constant 0 : i32
    %dma_start3A_135 = arith.constant 0 : i32
    %dma_start3A_136 = tpu.memref_slice %arg14[%dma_start3A_127, %dma_start3A_134, %dma_start3A_135] : memref<4x64x128xf32, #tpu.memory_space<vmem>> -> memref<1x64x128xf32, #tpu.memory_space<vmem>>
    %dma_start3A_137 = tpu.memref_squeeze %dma_start3A_136 : memref<1x64x128xf32, #tpu.memory_space<vmem>> -> memref<64x128xf32, #tpu.memory_space<vmem>>
    %dma_start3A_138 = arith.constant 0 : i32
    %dma_start3A_139 = tpu.memref_slice %arg4[%dma_start3A_138, %multiple_of3A_117] : memref<64x1000000xf32, #tpu.memory_space<hbm>> -> memref<64x128xf32, #tpu.memory_space<hbm>>
    tpu.enqueue_dma source(%dma_start3A_139 : memref<64x128xf32, #tpu.memory_space<hbm>>) target(%dma_start3A_137 : memref<64x128xf32, #tpu.memory_space<vmem>>) target_semaphore(%arg20 : memref<!tpu.dma_semaphore, #tpu.memory_space<semaphore_mem>>)
    %dma_start3A_140 = arith.constant 2 : i32
    %dma_start3A_141 = arith.constant 0 : i32
    %dma_start3A_142 = arith.constant 0 : i32
    %dma_start3A_143 = tpu.memref_slice %arg15[%dma_start3A_140, %dma_start3A_141, %dma_start3A_142] : memref<4x64x128xf32, #tpu.memory_space<vmem>> -> memref<1x64x128xf32, #tpu.memory_space<vmem>>
    %dma_start3A_144 = tpu.memref_squeeze %dma_start3A_143 : memref<1x64x128xf32, #tpu.memory_space<vmem>> -> memref<64x128xf32, #tpu.memory_space<vmem>>
    %dma_start3A_145 = arith.constant 0 : i32
    %dma_start3A_146 = tpu.memref_slice %arg5[%dma_start3A_145, %multiple_of3A_126] : memref<64x1000000xf32, #tpu.memory_space<hbm>> -> memref<64x128xf32, #tpu.memory_space<hbm>>
    %dma_start3A_147 = arith.constant 0 : i32
    %dma_start3A_148 = arith.constant 0 : i32
    %dma_start3A_149 = tpu.memref_slice %arg15[%dma_start3A_140, %dma_start3A_147, %dma_start3A_148] : memref<4x64x128xf32, #tpu.memory_space<vmem>> -> memref<1x64x128xf32, #tpu.memory_space<vmem>>
    %dma_start3A_150 = tpu.memref_squeeze %dma_start3A_149 : memref<1x64x128xf32, #tpu.memory_space<vmem>> -> memref<64x128xf32, #tpu.memory_space<vmem>>
    %dma_start3A_151 = arith.constant 0 : i32
    %dma_start3A_152 = tpu.memref_slice %arg5[%dma_start3A_151, %multiple_of3A_126] : memref<64x1000000xf32, #tpu.memory_space<hbm>> -> memref<64x128xf32, #tpu.memory_space<hbm>>
    tpu.enqueue_dma source(%dma_start3A_152 : memref<64x128xf32, #tpu.memory_space<hbm>>) target(%dma_start3A_150 : memref<64x128xf32, #tpu.memory_space<vmem>>) target_semaphore(%arg20 : memref<!tpu.dma_semaphore, #tpu.memory_space<semaphore_mem>>)
    %scan3A = arith.constant 0 : i32
    %scan3A_153 = arith.constant 32 : i32
    %scan3A_154 = arith.addi %scan3A, %scan3A_153 : i32
    %scan3A_155 = arith.constant 1 : i32
    scf.for %scan3A_159 = %scan3A to %scan3A_154 step %scan3A_155  : i32 {
      %mul3A_160 = arith.constant 1 : i32
      %mul3A_161 = arith.muli %scan3A_159, %mul3A_160 : i32
      %add3A_162 = arith.constant 0 : i32
      %add3A_163 = arith.addi %add3A_162, %mul3A_161 : i32
      %mul3A_164 = arith.constant 16 : i32
      %mul3A_165 = arith.muli %add3A_163, %mul3A_164 : i32
      %get3A_166 = arith.index_cast %mul3A_165 : i32 to index
      %get3A_167 = tpu.vector_load %arg9[%get3A_166] {strides = array<i32>} : memref<512xi32, #tpu.memory_space<vmem>>, vector<16xi32>,
      %mul3A_168 = arith.constant 16 : i32
      %mul3A_169 = arith.muli %add3A_163, %mul3A_168 : i32
      %get3A_170 = arith.index_cast %mul3A_169 : i32 to index
      %get3A_171 = tpu.vector_load %arg10[%get3A_170] {strides = array<i32>} : memref<512xi32, #tpu.memory_space<vmem>>, vector<16xi32>,
      %slice3A_172 = vector.extract_strided_slice %get3A_167 {offsets = [3], sizes = [1], strides = [1]} : vector<16xi32> to vector<1xi32>
      %squeeze3A_173 = vector.extract %slice3A_172[0] : i32 from vector<1xi32>
      %shift_right_arithmetic3A_174 = arith.constant 7 : i32
      %shift_right_arithmetic3A_175 = arith.shrsi %squeeze3A_173, %shift_right_arithmetic3A_174 : i32
      %min3A_176 = arith.constant 7811 : i32
      %min3A_177 = arith.minsi %shift_right_arithmetic3A_175, %min3A_176 : i32
      %mul3A_178 = arith.constant 128 : i32
      %mul3A_179 = arith.muli %min3A_177, %mul3A_178 : i32
      %multiple_of3A_180 = tpu.assume_multiple %mul3A_179, 128 : i32
      %slice3A_181 = vector.extract_strided_slice %get3A_171 {offsets = [3], sizes = [1], strides = [1]} : vector<16xi32> to vector<1xi32>
      %squeeze3A_182 = vector.extract %slice3A_181[0] : i32 from vector<1xi32>
      %shift_right_arithmetic3A_183 = arith.constant 7 : i32
      %shift_right_arithmetic3A_184 = arith.shrsi %squeeze3A_182, %shift_right_arithmetic3A_183 : i32
      %min3A_185 = arith.constant 7811 : i32
      %min3A_186 = arith.minsi %shift_right_arithmetic3A_184, %min3A_185 : i32
      %mul3A_187 = arith.constant 128 : i32
      %mul3A_188 = arith.muli %min3A_186, %mul3A_187 : i32
      %multiple_of3A_189 = tpu.assume_multiple %mul3A_188, 128 : i32
      %dma_start3A_190 = arith.constant 3 : i32
      %dma_start3A_191 = arith.constant 0 : i32
      %dma_start3A_192 = arith.constant 0 : i32
      %dma_start3A_193 = tpu.memref_slice %arg14[%dma_start3A_190, %dma_start3A_191, %dma_start3A_192] : memref<4x64x128xf32, #tpu.memory_space<vmem>> -> memref<1x64x128xf32, #tpu.memory_space<vmem>>
      %dma_start3A_194 = tpu.memref_squeeze %dma_start3A_193 : memref<1x64x128xf32, #tpu.memory_space<vmem>> -> memref<64x128xf32, #tpu.memory_space<vmem>>
      %dma_start3A_195 = arith.constant 0 : i32
      %dma_start3A_196 = tpu.memref_slice %arg4[%dma_start3A_195, %multiple_of3A_180] : memref<64x1000000xf32, #tpu.memory_space<hbm>> -> memref<64x128xf32, #tpu.memory_space<hbm>>
      %dma_start3A_197 = arith.constant 0 : i32
      %dma_start3A_198 = arith.constant 0 : i32
      %dma_start3A_199 = tpu.memref_slice %arg14[%dma_start3A_190, %dma_start3A_197, %dma_start3A_198] : memref<4x64x128xf32, #tpu.memory_space<vmem>> -> memref<1x64x128xf32, #tpu.memory_space<vmem>>
      %dma_start3A_200 = tpu.memref_squeeze %dma_start3A_199 : memref<1x64x128xf32, #tpu.memory_space<vmem>> -> memref<64x128xf32, #tpu.memory_space<vmem>>
      %dma_start3A_201 = arith.constant 0 : i32
      %dma_start3A_202 = tpu.memref_slice %arg4[%dma_start3A_201, %multiple_of3A_180] : memref<64x1000000xf32, #tpu.memory_space<hbm>> -> memref<64x128xf32, #tpu.memory_space<hbm>>
      tpu.enqueue_dma source(%dma_start3A_202 : memref<64x128xf32, #tpu.memory_space<hbm>>) target(%dma_start3A_200 : memref<64x128xf32, #tpu.memory_space<vmem>>) target_semaphore(%arg21 : memref<!tpu.dma_semaphore, #tpu.memory_space<semaphore_mem>>)
      %dma_start3A_203 = arith.constant 3 : i32
      %dma_start3A_204 = arith.constant 0 : i32
      %dma_start3A_205 = arith.constant 0 : i32
      %dma_start3A_206 = tpu.memref_slice %arg15[%dma_start3A_203, %dma_start3A_204, %dma_start3A_205] : memref<4x64x128xf32, #tpu.memory_space<vmem>> -> memref<1x64x128xf32, #tpu.memory_space<vmem>>
      %dma_start3A_207 = tpu.memref_squeeze %dma_start3A_206 : memref<1x64x128xf32, #tpu.memory_space<vmem>> -> memref<64x128xf32, #tpu.memory_space<vmem>>
      %dma_start3A_208 = arith.constant 0 : i32
      %dma_start3A_209 = tpu.memref_slice %arg5[%dma_start3A_208, %multiple_of3A_189] : memref<64x1000000xf32, #tpu.memory_space<hbm>> -> memref<64x128xf32, #tpu.memory_space<hbm>>
      %dma_start3A_210 = arith.constant 0 : i32
      %dma_start3A_211 = arith.constant 0 : i32
      %dma_start3A_212 = tpu.memref_slice %arg15[%dma_start3A_203, %dma_start3A_210, %dma_start3A_211] : memref<4x64x128xf32, #tpu.memory_space<vmem>> -> memref<1x64x128xf32, #tpu.memory_space<vmem>>
      %dma_start3A_213 = tpu.memref_squeeze %dma_start3A_212 : memref<1x64x128xf32, #tpu.memory_space<vmem>> -> memref<64x128xf32, #tpu.memory_space<vmem>>
      %dma_start3A_214 = arith.constant 0 : i32
      %dma_start3A_215 = tpu.memref_slice %arg5[%dma_start3A_214, %multiple_of3A_189] : memref<64x1000000xf32, #tpu.memory_space<hbm>> -> memref<64x128xf32, #tpu.memory_space<hbm>>
      tpu.enqueue_dma source(%dma_start3A_215 : memref<64x128xf32, #tpu.memory_space<hbm>>) target(%dma_start3A_213 : memref<64x128xf32, #tpu.memory_space<vmem>>) target_semaphore(%arg21 : memref<!tpu.dma_semaphore, #tpu.memory_space<semaphore_mem>>)
      %slice3A_216 = vector.extract_strided_slice %get3A_167 {offsets = [0], sizes = [1], strides = [1]} : vector<16xi32> to vector<1xi32>
      %squeeze3A_217 = vector.extract %slice3A_216[0] : i32 from vector<1xi32>
      %shift_right_arithmetic3A_218 = arith.constant 7 : i32
      %shift_right_arithmetic3A_219 = arith.shrsi %squeeze3A_217, %shift_right_arithmetic3A_218 : i32
      %min3A_220 = arith.constant 7811 : i32
      %min3A_221 = arith.minsi %shift_right_arithmetic3A_219, %min3A_220 : i32
      %mul3A_222 = arith.constant 128 : i32
      %mul3A_223 = arith.muli %min3A_221, %mul3A_222 : i32
      %multiple_of3A_224 = tpu.assume_multiple %mul3A_223, 128 : i32
      %slice3A_225 = vector.extract_strided_slice %get3A_171 {offsets = [0], sizes = [1], strides = [1]} : vector<16xi32> to vector<1xi32>
      %squeeze3A_226 = vector.extract %slice3A_225[0] : i32 from vector<1xi32>
      %shift_right_arithmetic3A_227 = arith.constant 7 : i32
      %shift_right_arithmetic3A_228 = arith.shrsi %squeeze3A_226, %shift_right_arithmetic3A_227 : i32
      %min3A_229 = arith.constant 7811 : i32
      %min3A_230 = arith.minsi %shift_right_arithmetic3A_228, %min3A_229 : i32
      %mul3A_231 = arith.constant 128 : i32
      %mul3A_232 = arith.muli %min3A_230, %mul3A_231 : i32
      %multiple_of3A_233 = tpu.assume_multiple %mul3A_232, 128 : i32
      %dma_wait3A = arith.constant 0 : i32
      %dma_wait3A_234 = arith.constant 0 : i32
      %dma_wait3A_235 = arith.constant 0 : i32
      %dma_wait3A_236 = tpu.memref_slice %arg14[%dma_wait3A, %dma_wait3A_234, %dma_wait3A_235] : memref<4x64x128xf32, #tpu.memory_space<vmem>> -> memref<1x64x128xf32, #tpu.memory_space<vmem>>
      %dma_wait3A_237 = tpu.memref_squeeze %dma_wait3A_236 : memref<1x64x128xf32, #tpu.memory_space<vmem>> -> memref<64x128xf32, #tpu.memory_space<vmem>>
      %dma_wait3A_238 = arith.constant 0 : i32
      %dma_wait3A_239 = tpu.memref_slice %arg4[%dma_wait3A_238, %multiple_of3A_224] : memref<64x1000000xf32, #tpu.memory_space<hbm>> -> memref<64x128xf32, #tpu.memory_space<hbm>>
      %dma_wait3A_240 = arith.constant 0 : i32
      %dma_wait3A_241 = arith.constant 0 : i32
      %dma_wait3A_242 = tpu.memref_slice %arg14[%dma_wait3A, %dma_wait3A_240, %dma_wait3A_241] : memref<4x64x128xf32, #tpu.memory_space<vmem>> -> memref<1x64x128xf32, #tpu.memory_space<vmem>>
      %dma_wait3A_243 = tpu.memref_squeeze %dma_wait3A_242 : memref<1x64x128xf32, #tpu.memory_space<vmem>> -> memref<64x128xf32, #tpu.memory_space<vmem>>
      %dma_wait3A_244 = arith.constant 0 : i32
      %dma_wait3A_245 = tpu.memref_slice %arg4[%dma_wait3A_244, %multiple_of3A_224] : memref<64x1000000xf32, #tpu.memory_space<hbm>> -> memref<64x128xf32, #tpu.memory_space<hbm>>
      tpu.wait_dma2 semaphore(%arg18 : memref<!tpu.dma_semaphore, #tpu.memory_space<semaphore_mem>>) src(%dma_wait3A_245 : memref<64x128xf32, #tpu.memory_space<hbm>>) dst(%dma_wait3A_243 : memref<64x128xf32, #tpu.memory_space<vmem>>)
      %dma_wait3A_246 = arith.constant 0 : i32
      %dma_wait3A_247 = arith.constant 0 : i32
      %dma_wait3A_248 = arith.constant 0 : i32
      %dma_wait3A_249 = tpu.memref_slice %arg15[%dma_wait3A_246, %dma_wait3A_247, %dma_wait3A_248] : memref<4x64x128xf32, #tpu.memory_space<vmem>> -> memref<1x64x128xf32, #tpu.memory_space<vmem>>
      %dma_wait3A_250 = tpu.memref_squeeze %dma_wait3A_249 : memref<1x64x128xf32, #tpu.memory_space<vmem>> -> memref<64x128xf32, #tpu.memory_space<vmem>>
      %dma_wait3A_251 = arith.constant 0 : i32
      %dma_wait3A_252 = tpu.memref_slice %arg5[%dma_wait3A_251, %multiple_of3A_233] : memref<64x1000000xf32, #tpu.memory_space<hbm>> -> memref<64x128xf32, #tpu.memory_space<hbm>>
      %dma_wait3A_253 = arith.constant 0 : i32
      %dma_wait3A_254 = arith.constant 0 : i32
      %dma_wait3A_255 = tpu.memref_slice %arg15[%dma_wait3A_246, %dma_wait3A_253, %dma_wait3A_254] : memref<4x64x128xf32, #tpu.memory_space<vmem>> -> memref<1x64x128xf32, #tpu.memory_space<vmem>>
      %dma_wait3A_256 = tpu.memref_squeeze %dma_wait3A_255 : memref<1x64x128xf32, #tpu.memory_space<vmem>> -> memref<64x128xf32, #tpu.memory_space<vmem>>
      %dma_wait3A_257 = arith.constant 0 : i32
      %dma_wait3A_258 = tpu.memref_slice %arg5[%dma_wait3A_257, %multiple_of3A_233] : memref<64x1000000xf32, #tpu.memory_space<hbm>> -> memref<64x128xf32, #tpu.memory_space<hbm>>
      tpu.wait_dma2 semaphore(%arg18 : memref<!tpu.dma_semaphore, #tpu.memory_space<semaphore_mem>>) src(%dma_wait3A_258 : memref<64x128xf32, #tpu.memory_space<hbm>>) dst(%dma_wait3A_256 : memref<64x128xf32, #tpu.memory_space<vmem>>)
      %mul3A_259 = arith.constant 16 : i32
      %mul3A_260 = arith.muli %add3A_163, %mul3A_259 : i32
      %add3A_261 = arith.constant 0 : i32
      %add3A_262 = arith.addi %mul3A_260, %add3A_261 : i32
      %slice3A_263 = vector.extract_strided_slice %get3A_167 {offsets = [0], sizes = [1], strides = [1]} : vector<16xi32> to vector<1xi32>
      %squeeze3A_264 = vector.extract %slice3A_263[0] : i32 from vector<1xi32>
      %broadcast_in_dim3A = vector.broadcast %squeeze3A_264 : i32 to vector<16xi32>
      %and3A = arith.constant 127 : i32
      %and3A_265 = vector.broadcast %and3A : i32 to vector<16xi32>
      %and3A_266 = arith.andi %broadcast_in_dim3A, %and3A_265 : vector<16xi32>
      %sub3A = arith.constant 999936 : i32
      %sub3A_267 = vector.broadcast %sub3A : i32 to vector<16xi32>
      %sub3A_268 = arith.subi %broadcast_in_dim3A, %sub3A_267 : vector<16xi32>
      %max3A = arith.constant 0 : i32
      %max3A_269 = vector.broadcast %max3A : i32 to vector<16xi32>
      %max3A_270 = arith.maxsi %sub3A_268, %max3A_269 : vector<16xi32>
      %ge3A = arith.constant 999936 : i32
      %ge3A_271 = vector.broadcast %ge3A : i32 to vector<16xi32>
      %ge3A_272 = arith.cmpi sge, %broadcast_in_dim3A, %ge3A_271 : vector<16xi32>
      %slice3A_273 = vector.extract_strided_slice %get3A_171 {offsets = [0], sizes = [1], strides = [1]} : vector<16xi32> to vector<1xi32>
      %squeeze3A_274 = vector.extract %slice3A_273[0] : i32 from vector<1xi32>
      %broadcast_in_dim3A_275 = vector.broadcast %squeeze3A_274 : i32 to vector<16xi32>
      %and3A_276 = arith.constant 127 : i32
      %and3A_277 = vector.broadcast %and3A_276 : i32 to vector<16xi32>
      %and3A_278 = arith.andi %broadcast_in_dim3A_275, %and3A_277 : vector<16xi32>
      %sub3A_279 = arith.constant 999936 : i32
      %sub3A_280 = vector.broadcast %sub3A_279 : i32 to vector<16xi32>
      %sub3A_281 = arith.subi %broadcast_in_dim3A_275, %sub3A_280 : vector<16xi32>
      %max3A_282 = arith.constant 0 : i32
      %max3A_283 = vector.broadcast %max3A_282 : i32 to vector<16xi32>
      %max3A_284 = arith.maxsi %sub3A_281, %max3A_283 : vector<16xi32>
      %ge3A_285 = arith.constant 999936 : i32
      %ge3A_286 = vector.broadcast %ge3A_285 : i32 to vector<16xi32>
      %ge3A_287 = arith.cmpi sge, %broadcast_in_dim3A_275, %ge3A_286 : vector<16xi32>
      %add3A_288 = arith.constant 0 : i32
      %add3A_289 = vector.broadcast %add3A_288 : i32 to vector<16xi32>
      %add3A_290 = arith.addi %iota3A_23, %add3A_289 : vector<16xi32>
      %gather3A = arith.constant 0 : i32
      %gather3A_291 = arith.constant 0 : i32
      %gather3A_292 = arith.constant 0 : i32
      %gather3A_293 = tpu.memref_slice %arg14[%gather3A, %gather3A_291, %gather3A_292] : memref<4x64x128xf32, #tpu.memory_space<vmem>> -> memref<1x64x128xf32, #tpu.memory_space<vmem>>
      %gather3A_294 = tpu.memref_squeeze %gather3A_293 : memref<1x64x128xf32, #tpu.memory_space<vmem>> -> memref<64x128xf32, #tpu.memory_space<vmem>>
      %gather3A_295 = tpu.vector_load_idx %gather3A_294[%add3A_290, %and3A_266] : memref<64x128xf32, #tpu.memory_space<vmem>>[vector<16xi32>, vector<16xi32>], vector<16xf32>,
      %add3A_296 = arith.constant 0 : i32
      %add3A_297 = vector.broadcast %add3A_296 : i32 to vector<16xi32>
      %add3A_298 = arith.addi %iota3A_23, %add3A_297 : vector<16xi32>
      %gather3A_299 = tpu.vector_load_idx %arg12[%add3A_298, %max3A_270] : memref<64x128xf32, #tpu.memory_space<vmem>>[vector<16xi32>, vector<16xi32>], vector<16xf32>,
      %select_n3A = arith.select %ge3A_272, %gather3A_299, %gather3A_295 : vector<16xi1>, vector<16xf32>
      %add3A_300 = arith.constant 0 : i32
      %add3A_301 = vector.broadcast %add3A_300 : i32 to vector<16xi32>
      %add3A_302 = arith.addi %iota3A_23, %add3A_301 : vector<16xi32>
      %gather3A_303 = arith.constant 0 : i32
      %gather3A_304 = arith.constant 0 : i32
      %gather3A_305 = arith.constant 0 : i32
      %gather3A_306 = tpu.memref_slice %arg15[%gather3A_303, %gather3A_304, %gather3A_305] : memref<4x64x128xf32, #tpu.memory_space<vmem>> -> memref<1x64x128xf32, #tpu.memory_space<vmem>>
      %gather3A_307 = tpu.memref_squeeze %gather3A_306 : memref<1x64x128xf32, #tpu.memory_space<vmem>> -> memref<64x128xf32, #tpu.memory_space<vmem>>
      %gather3A_308 = tpu.vector_load_idx %gather3A_307[%add3A_302, %and3A_278] : memref<64x128xf32, #tpu.memory_space<vmem>>[vector<16xi32>, vector<16xi32>], vector<16xf32>,
      %add3A_309 = arith.constant 0 : i32
      %add3A_310 = vector.broadcast %add3A_309 : i32 to vector<16xi32>
      %add3A_311 = arith.addi %iota3A_23, %add3A_310 : vector<16xi32>
      %gather3A_312 = tpu.vector_load_idx %arg13[%add3A_311, %max3A_284] : memref<64x128xf32, #tpu.memory_space<vmem>>[vector<16xi32>, vector<16xi32>], vector<16xf32>,
      %select_n3A_313 = arith.select %ge3A_287, %gather3A_312, %gather3A_308 : vector<16xi1>, vector<16xf32>
      %mul3A_314 = arith.mulf %select_n3A, %select_n3A_313 : vector<16xf32>
      %add3A_315 = arith.constant 16 : i32
      %add3A_316 = vector.broadcast %add3A_315 : i32 to vector<16xi32>
      %add3A_317 = arith.addi %iota3A_23, %add3A_316 : vector<16xi32>
      %gather3A_318 = arith.constant 0 : i32
      %gather3A_319 = arith.constant 0 : i32
      %gather3A_320 = arith.constant 0 : i32
      %gather3A_321 = tpu.memref_slice %arg14[%gather3A_318, %gather3A_319, %gather3A_320] : memref<4x64x128xf32, #tpu.memory_space<vmem>> -> memref<1x64x128xf32, #tpu.memory_space<vmem>>
      %gather3A_322 = tpu.memref_squeeze %gather3A_321 : memref<1x64x128xf32, #tpu.memory_space<vmem>> -> memref<64x128xf32, #tpu.memory_space<vmem>>
      %gather3A_323 = tpu.vector_load_idx %gather3A_322[%add3A_317, %and3A_266] : memref<64x128xf32, #tpu.memory_space<vmem>>[vector<16xi32>, vector<16xi32>], vector<16xf32>,
      %add3A_324 = arith.constant 16 : i32
      %add3A_325 = vector.broadcast %add3A_324 : i32 to vector<16xi32>
      %add3A_326 = arith.addi %iota3A_23, %add3A_325 : vector<16xi32>
      %gather3A_327 = tpu.vector_load_idx %arg12[%add3A_326, %max3A_270] : memref<64x128xf32, #tpu.memory_space<vmem>>[vector<16xi32>, vector<16xi32>], vector<16xf32>,
      %select_n3A_328 = arith.select %ge3A_272, %gather3A_327, %gather3A_323 : vector<16xi1>, vector<16xf32>
      %add3A_329 = arith.constant 16 : i32
      %add3A_330 = vector.broadcast %add3A_329 : i32 to vector<16xi32>
      %add3A_331 = arith.addi %iota3A_23, %add3A_330 : vector<16xi32>
      %gather3A_332 = arith.constant 0 : i32
      %gather3A_333 = arith.constant 0 : i32
      %gather3A_334 = arith.constant 0 : i32
      %gather3A_335 = tpu.memref_slice %arg15[%gather3A_332, %gather3A_333, %gather3A_334] : memref<4x64x128xf32, #tpu.memory_space<vmem>> -> memref<1x64x128xf32, #tpu.memory_space<vmem>>
      %gather3A_336 = tpu.memref_squeeze %gather3A_335 : memref<1x64x128xf32, #tpu.memory_space<vmem>> -> memref<64x128xf32, #tpu.memory_space<vmem>>
      %gather3A_337 = tpu.vector_load_idx %gather3A_336[%add3A_331, %and3A_278] : memref<64x128xf32, #tpu.memory_space<vmem>>[vector<16xi32>, vector<16xi32>], vector<16xf32>,
      %add3A_338 = arith.constant 16 : i32
      %add3A_339 = vector.broadcast %add3A_338 : i32 to vector<16xi32>
      %add3A_340 = arith.addi %iota3A_23, %add3A_339 : vector<16xi32>
      %gather3A_341 = tpu.vector_load_idx %arg13[%add3A_340, %max3A_284] : memref<64x128xf32, #tpu.memory_space<vmem>>[vector<16xi32>, vector<16xi32>], vector<16xf32>,
      %select_n3A_342 = arith.select %ge3A_287, %gather3A_341, %gather3A_337 : vector<16xi1>, vector<16xf32>
      %mul3A_343 = arith.mulf %select_n3A_328, %select_n3A_342 : vector<16xf32>
      %add3A_344 = arith.addf %mul3A_314, %mul3A_343 : vector<16xf32>
      %add3A_345 = arith.constant 32 : i32
      %add3A_346 = vector.broadcast %add3A_345 : i32 to vector<16xi32>
      %add3A_347 = arith.addi %iota3A_23, %add3A_346 : vector<16xi32>
      %gather3A_348 = arith.constant 0 : i32
      %gather3A_349 = arith.constant 0 : i32
      %gather3A_350 = arith.constant 0 : i32
      %gather3A_351 = tpu.memref_slice %arg14[%gather3A_348, %gather3A_349, %gather3A_350] : memref<4x64x128xf32, #tpu.memory_space<vmem>> -> memref<1x64x128xf32, #tpu.memory_space<vmem>>
      %gather3A_352 = tpu.memref_squeeze %gather3A_351 : memref<1x64x128xf32, #tpu.memory_space<vmem>> -> memref<64x128xf32, #tpu.memory_space<vmem>>
      %gather3A_353 = tpu.vector_load_idx %gather3A_352[%add3A_347, %and3A_266] : memref<64x128xf32, #tpu.memory_space<vmem>>[vector<16xi32>, vector<16xi32>], vector<16xf32>,
      %add3A_354 = arith.constant 32 : i32
      %add3A_355 = vector.broadcast %add3A_354 : i32 to vector<16xi32>
      %add3A_356 = arith.addi %iota3A_23, %add3A_355 : vector<16xi32>
      %gather3A_357 = tpu.vector_load_idx %arg12[%add3A_356, %max3A_270] : memref<64x128xf32, #tpu.memory_space<vmem>>[vector<16xi32>, vector<16xi32>], vector<16xf32>,
      %select_n3A_358 = arith.select %ge3A_272, %gather3A_357, %gather3A_353 : vector<16xi1>, vector<16xf32>
      %add3A_359 = arith.constant 32 : i32
      %add3A_360 = vector.broadcast %add3A_359 : i32 to vector<16xi32>
      %add3A_361 = arith.addi %iota3A_23, %add3A_360 : vector<16xi32>
      %gather3A_362 = arith.constant 0 : i32
      %gather3A_363 = arith.constant 0 : i32
      %gather3A_364 = arith.constant 0 : i32
      %gather3A_365 = tpu.memref_slice %arg15[%gather3A_362, %gather3A_363, %gather3A_364] : memref<4x64x128xf32, #tpu.memory_space<vmem>> -> memref<1x64x128xf32, #tpu.memory_space<vmem>>
      %gather3A_366 = tpu.memref_squeeze %gather3A_365 : memref<1x64x128xf32, #tpu.memory_space<vmem>> -> memref<64x128xf32, #tpu.memory_space<vmem>>
      %gather3A_367 = tpu.vector_load_idx %gather3A_366[%add3A_361, %and3A_278] : memref<64x128xf32, #tpu.memory_space<vmem>>[vector<16xi32>, vector<16xi32>], vector<16xf32>,
      %add3A_368 = arith.constant 32 : i32
      %add3A_369 = vector.broadcast %add3A_368 : i32 to vector<16xi32>
      %add3A_370 = arith.addi %iota3A_23, %add3A_369 : vector<16xi32>
      %gather3A_371 = tpu.vector_load_idx %arg13[%add3A_370, %max3A_284] : memref<64x128xf32, #tpu.memory_space<vmem>>[vector<16xi32>, vector<16xi32>], vector<16xf32>,
      %select_n3A_372 = arith.select %ge3A_287, %gather3A_371, %gather3A_367 : vector<16xi1>, vector<16xf32>
      %mul3A_373 = arith.mulf %select_n3A_358, %select_n3A_372 : vector<16xf32>
      %add3A_374 = arith.addf %add3A_344, %mul3A_373 : vector<16xf32>
      %add3A_375 = arith.constant 48 : i32
      %add3A_376 = vector.broadcast %add3A_375 : i32 to vector<16xi32>
      %add3A_377 = arith.addi %iota3A_23, %add3A_376 : vector<16xi32>
      %gather3A_378 = arith.constant 0 : i32
      %gather3A_379 = arith.constant 0 : i32
      %gather3A_380 = arith.constant 0 : i32
      %gather3A_381 = tpu.memref_slice %arg14[%gather3A_378, %gather3A_379, %gather3A_380] : memref<4x64x128xf32, #tpu.memory_space<vmem>> -> memref<1x64x128xf32, #tpu.memory_space<vmem>>
      %gather3A_382 = tpu.memref_squeeze %gather3A_381 : memref<1x64x128xf32, #tpu.memory_space<vmem>> -> memref<64x128xf32, #tpu.memory_space<vmem>>
      %gather3A_383 = tpu.vector_load_idx %gather3A_382[%add3A_377, %and3A_266] : memref<64x128xf32, #tpu.memory_space<vmem>>[vector<16xi32>, vector<16xi32>], vector<16xf32>,
      %add3A_384 = arith.constant 48 : i32
      %add3A_385 = vector.broadcast %add3A_384 : i32 to vector<16xi32>
      %add3A_386 = arith.addi %iota3A_23, %add3A_385 : vector<16xi32>
      %gather3A_387 = tpu.vector_load_idx %arg12[%add3A_386, %max3A_270] : memref<64x128xf32, #tpu.memory_space<vmem>>[vector<16xi32>, vector<16xi32>], vector<16xf32>,
      %select_n3A_388 = arith.select %ge3A_272, %gather3A_387, %gather3A_383 : vector<16xi1>, vector<16xf32>
      %add3A_389 = arith.constant 48 : i32
      %add3A_390 = vector.broadcast %add3A_389 : i32 to vector<16xi32>
      %add3A_391 = arith.addi %iota3A_23, %add3A_390 : vector<16xi32>
      %gather3A_392 = arith.constant 0 : i32
      %gather3A_393 = arith.constant 0 : i32
      %gather3A_394 = arith.constant 0 : i32
      %gather3A_395 = tpu.memref_slice %arg15[%gather3A_392, %gather3A_393, %gather3A_394] : memref<4x64x128xf32, #tpu.memory_space<vmem>> -> memref<1x64x128xf32, #tpu.memory_space<vmem>>
      %gather3A_396 = tpu.memref_squeeze %gather3A_395 : memref<1x64x128xf32, #tpu.memory_space<vmem>> -> memref<64x128xf32, #tpu.memory_space<vmem>>
      %gather3A_397 = tpu.vector_load_idx %gather3A_396[%add3A_391, %and3A_278] : memref<64x128xf32, #tpu.memory_space<vmem>>[vector<16xi32>, vector<16xi32>], vector<16xf32>,
      %add3A_398 = arith.constant 48 : i32
      %add3A_399 = vector.broadcast %add3A_398 : i32 to vector<16xi32>
      %add3A_400 = arith.addi %iota3A_23, %add3A_399 : vector<16xi32>
      %gather3A_401 = tpu.vector_load_idx %arg13[%add3A_400, %max3A_284] : memref<64x128xf32, #tpu.memory_space<vmem>>[vector<16xi32>, vector<16xi32>], vector<16xf32>,
      %select_n3A_402 = arith.select %ge3A_287, %gather3A_401, %gather3A_397 : vector<16xi1>, vector<16xf32>
      %mul3A_403 = arith.mulf %select_n3A_388, %select_n3A_402 : vector<16xf32>
      %add3A_404 = arith.addf %add3A_374, %mul3A_403 : vector<16xf32>
      %mul3A_405 = arith.constant 512 : i32
      %mul3A_406 = vector.broadcast %mul3A_405 : i32 to vector<16xi32>
      %mul3A_407 = arith.muli %iota3A_23, %mul3A_406 : vector<16xi32>
      %add3A_408 = vector.broadcast %add3A_262 : i32 to vector<16xi32>
      %add3A_409 = arith.addi %mul3A_407, %add3A_408 : vector<16xi32>
      tpu.vector_store_idx %arg16[%add3A_409], %add3A_404 : memref<8192xf32, #tpu.memory_space<vmem>>[vector<16xi32>], vector<16xf32>,
      %slice3A_410 = vector.extract_strided_slice %get3A_167 {offsets = [4], sizes = [1], strides = [1]} : vector<16xi32> to vector<1xi32>
      %squeeze3A_411 = vector.extract %slice3A_410[0] : i32 from vector<1xi32>
      %shift_right_arithmetic3A_412 = arith.constant 7 : i32
      %shift_right_arithmetic3A_413 = arith.shrsi %squeeze3A_411, %shift_right_arithmetic3A_412 : i32
      %min3A_414 = arith.constant 7811 : i32
      %min3A_415 = arith.minsi %shift_right_arithmetic3A_413, %min3A_414 : i32
      %mul3A_416 = arith.constant 128 : i32
      %mul3A_417 = arith.muli %min3A_415, %mul3A_416 : i32
      %multiple_of3A_418 = tpu.assume_multiple %mul3A_417, 128 : i32
      %slice3A_419 = vector.extract_strided_slice %get3A_171 {offsets = [4], sizes = [1], strides = [1]} : vector<16xi32> to vector<1xi32>
      %squeeze3A_420 = vector.extract %slice3A_419[0] : i32 from vector<1xi32>
      %shift_right_arithmetic3A_421 = arith.constant 7 : i32
      %shift_right_arithmetic3A_422 = arith.shrsi %squeeze3A_420, %shift_right_arithmetic3A_421 : i32
      %min3A_423 = arith.constant 7811 : i32
      %min3A_424 = arith.minsi %shift_right_arithmetic3A_422, %min3A_423 : i32
      %mul3A_425 = arith.constant 128 : i32
      %mul3A_426 = arith.muli %min3A_424, %mul3A_425 : i32
      %multiple_of3A_427 = tpu.assume_multiple %mul3A_426, 128 : i32
      %dma_start3A_428 = arith.constant 0 : i32
      %dma_start3A_429 = arith.constant 0 : i32
      %dma_start3A_430 = arith.constant 0 : i32
      %dma_start3A_431 = tpu.memref_slice %arg14[%dma_start3A_428, %dma_start3A_429, %dma_start3A_430] : memref<4x64x128xf32, #tpu.memory_space<vmem>> -> memref<1x64x128xf32, #tpu.memory_space<vmem>>
      %dma_start3A_432 = tpu.memref_squeeze %dma_start3A_431 : memref<1x64x128xf32, #tpu.memory_space<vmem>> -> memref<64x128xf32, #tpu.memory_space<vmem>>
      %dma_start3A_433 = arith.constant 0 : i32
      %dma_start3A_434 = tpu.memref_slice %arg4[%dma_start3A_433, %multiple_of3A_418] : memref<64x1000000xf32, #tpu.memory_space<hbm>> -> memref<64x128xf32, #tpu.memory_space<hbm>>
      %dma_start3A_435 = arith.constant 0 : i32
      %dma_start3A_436 = arith.constant 0 : i32
      %dma_start3A_437 = tpu.memref_slice %arg14[%dma_start3A_428, %dma_start3A_435, %dma_start3A_436] : memref<4x64x128xf32, #tpu.memory_space<vmem>> -> memref<1x64x128xf32, #tpu.memory_space<vmem>>
      %dma_start3A_438 = tpu.memref_squeeze %dma_start3A_437 : memref<1x64x128xf32, #tpu.memory_space<vmem>> -> memref<64x128xf32, #tpu.memory_space<vmem>>
      %dma_start3A_439 = arith.constant 0 : i32
      %dma_start3A_440 = tpu.memref_slice %arg4[%dma_start3A_439, %multiple_of3A_418] : memref<64x1000000xf32, #tpu.memory_space<hbm>> -> memref<64x128xf32, #tpu.memory_space<hbm>>
      tpu.enqueue_dma source(%dma_start3A_440 : memref<64x128xf32, #tpu.memory_space<hbm>>) target(%dma_start3A_438 : memref<64x128xf32, #tpu.memory_space<vmem>>) target_semaphore(%arg18 : memref<!tpu.dma_semaphore, #tpu.memory_space<semaphore_mem>>)
      %dma_start3A_441 = arith.constant 0 : i32
      %dma_start3A_442 = arith.constant 0 : i32
      %dma_start3A_443 = arith.constant 0 : i32
      %dma_start3A_444 = tpu.memref_slice %arg15[%dma_start3A_441, %dma_start3A_442, %dma_start3A_443] : memref<4x64x128xf32, #tpu.memory_space<vmem>> -> memref<1x64x128xf32, #tpu.memory_space<vmem>>
      %dma_start3A_445 = tpu.memref_squeeze %dma_start3A_444 : memref<1x64x128xf32, #tpu.memory_space<vmem>> -> memref<64x128xf32, #tpu.memory_space<vmem>>
      %dma_start3A_446 = arith.constant 0 : i32
      %dma_start3A_447 = tpu.memref_slice %arg5[%dma_start3A_446, %multiple_of3A_427] : memref<64x1000000xf32, #tpu.memory_space<hbm>> -> memref<64x128xf32, #tpu.memory_space<hbm>>
      %dma_start3A_448 = arith.constant 0 : i32
      %dma_start3A_449 = arith.constant 0 : i32
      %dma_start3A_450 = tpu.memref_slice %arg15[%dma_start3A_441, %dma_start3A_448, %dma_start3A_449] : memref<4x64x128xf32, #tpu.memory_space<vmem>> -> memref<1x64x128xf32, #tpu.memory_space<vmem>>
      %dma_start3A_451 = tpu.memref_squeeze %dma_start3A_450 : memref<1x64x128xf32, #tpu.memory_space<vmem>> -> memref<64x128xf32, #tpu.memory_space<vmem>>
      %dma_start3A_452 = arith.constant 0 : i32
      %dma_start3A_453 = tpu.memref_slice %arg5[%dma_start3A_452, %multiple_of3A_427] : memref<64x1000000xf32, #tpu.memory_space<hbm>> -> memref<64x128xf32, #tpu.memory_space<hbm>>
      tpu.enqueue_dma source(%dma_start3A_453 : memref<64x128xf32, #tpu.memory_space<hbm>>) target(%dma_start3A_451 : memref<64x128xf32, #tpu.memory_space<vmem>>) target_semaphore(%arg18 : memref<!tpu.dma_semaphore, #tpu.memory_space<semaphore_mem>>)
      %slice3A_454 = vector.extract_strided_slice %get3A_167 {offsets = [1], sizes = [1], strides = [1]} : vector<16xi32> to vector<1xi32>
      %squeeze3A_455 = vector.extract %slice3A_454[0] : i32 from vector<1xi32>
      %shift_right_arithmetic3A_456 = arith.constant 7 : i32
      %shift_right_arithmetic3A_457 = arith.shrsi %squeeze3A_455, %shift_right_arithmetic3A_456 : i32
      %min3A_458 = arith.constant 7811 : i32
      %min3A_459 = arith.minsi %shift_right_arithmetic3A_457, %min3A_458 : i32
      %mul3A_460 = arith.constant 128 : i32
      %mul3A_461 = arith.muli %min3A_459, %mul3A_460 : i32
      %multiple_of3A_462 = tpu.assume_multiple %mul3A_461, 128 : i32
      %slice3A_463 = vector.extract_strided_slice %get3A_171 {offsets = [1], sizes = [1], strides = [1]} : vector<16xi32> to vector<1xi32>
      %squeeze3A_464 = vector.extract %slice3A_463[0] : i32 from vector<1xi32>
      %shift_right_arithmetic3A_465 = arith.constant 7 : i32
      %shift_right_arithmetic3A_466 = arith.shrsi %squeeze3A_464, %shift_right_arithmetic3A_465 : i32
      %min3A_467 = arith.constant 7811 : i32
      %min3A_468 = arith.minsi %shift_right_arithmetic3A_466, %min3A_467 : i32
      %mul3A_469 = arith.constant 128 : i32
      %mul3A_470 = arith.muli %min3A_468, %mul3A_469 : i32
      %multiple_of3A_471 = tpu.assume_multiple %mul3A_470, 128 : i32
      %dma_wait3A_472 = arith.constant 1 : i32
      %dma_wait3A_473 = arith.constant 0 : i32
      %dma_wait3A_474 = arith.constant 0 : i32
      %dma_wait3A_475 = tpu.memref_slice %arg14[%dma_wait3A_472, %dma_wait3A_473, %dma_wait3A_474] : memref<4x64x128xf32, #tpu.memory_space<vmem>> -> memref<1x64x128xf32, #tpu.memory_space<vmem>>
      %dma_wait3A_476 = tpu.memref_squeeze %dma_wait3A_475 : memref<1x64x128xf32, #tpu.memory_space<vmem>> -> memref<64x128xf32, #tpu.memory_space<vmem>>
      %dma_wait3A_477 = arith.constant 0 : i32
      %dma_wait3A_478 = tpu.memref_slice %arg4[%dma_wait3A_477, %multiple_of3A_462] : memref<64x1000000xf32, #tpu.memory_space<hbm>> -> memref<64x128xf32, #tpu.memory_space<hbm>>
      %dma_wait3A_479 = arith.constant 0 : i32
      %dma_wait3A_480 = arith.constant 0 : i32
      %dma_wait3A_481 = tpu.memref_slice %arg14[%dma_wait3A_472, %dma_wait3A_479, %dma_wait3A_480] : memref<4x64x128xf32, #tpu.memory_space<vmem>> -> memref<1x64x128xf32, #tpu.memory_space<vmem>>
      %dma_wait3A_482 = tpu.memref_squeeze %dma_wait3A_481 : memref<1x64x128xf32, #tpu.memory_space<vmem>> -> memref<64x128xf32, #tpu.memory_space<vmem>>
      %dma_wait3A_483 = arith.constant 0 : i32
      %dma_wait3A_484 = tpu.memref_slice %arg4[%dma_wait3A_483, %multiple_of3A_462] : memref<64x1000000xf32, #tpu.memory_space<hbm>> -> memref<64x128xf32, #tpu.memory_space<hbm>>
      tpu.wait_dma2 semaphore(%arg19 : memref<!tpu.dma_semaphore, #tpu.memory_space<semaphore_mem>>) src(%dma_wait3A_484 : memref<64x128xf32, #tpu.memory_space<hbm>>) dst(%dma_wait3A_482 : memref<64x128xf32, #tpu.memory_space<vmem>>)
      %dma_wait3A_485 = arith.constant 1 : i32
      %dma_wait3A_486 = arith.constant 0 : i32
      %dma_wait3A_487 = arith.constant 0 : i32
      %dma_wait3A_488 = tpu.memref_slice %arg15[%dma_wait3A_485, %dma_wait3A_486, %dma_wait3A_487] : memref<4x64x128xf32, #tpu.memory_space<vmem>> -> memref<1x64x128xf32, #tpu.memory_space<vmem>>
      %dma_wait3A_489 = tpu.memref_squeeze %dma_wait3A_488 : memref<1x64x128xf32, #tpu.memory_space<vmem>> -> memref<64x128xf32, #tpu.memory_space<vmem>>
      %dma_wait3A_490 = arith.constant 0 : i32
      %dma_wait3A_491 = tpu.memref_slice %arg5[%dma_wait3A_490, %multiple_of3A_471] : memref<64x1000000xf32, #tpu.memory_space<hbm>> -> memref<64x128xf32, #tpu.memory_space<hbm>>
      %dma_wait3A_492 = arith.constant 0 : i32
      %dma_wait3A_493 = arith.constant 0 : i32
      %dma_wait3A_494 = tpu.memref_slice %arg15[%dma_wait3A_485, %dma_wait3A_492, %dma_wait3A_493] : memref<4x64x128xf32, #tpu.memory_space<vmem>> -> memref<1x64x128xf32, #tpu.memory_space<vmem>>
      %dma_wait3A_495 = tpu.memref_squeeze %dma_wait3A_494 : memref<1x64x128xf32, #tpu.memory_space<vmem>> -> memref<64x128xf32, #tpu.memory_space<vmem>>
      %dma_wait3A_496 = arith.constant 0 : i32
      %dma_wait3A_497 = tpu.memref_slice %arg5[%dma_wait3A_496, %multiple_of3A_471] : memref<64x1000000xf32, #tpu.memory_space<hbm>> -> memref<64x128xf32, #tpu.memory_space<hbm>>
      tpu.wait_dma2 semaphore(%arg19 : memref<!tpu.dma_semaphore, #tpu.memory_space<semaphore_mem>>) src(%dma_wait3A_497 : memref<64x128xf32, #tpu.memory_space<hbm>>) dst(%dma_wait3A_495 : memref<64x128xf32, #tpu.memory_space<vmem>>)
      %mul3A_498 = arith.constant 16 : i32
      %mul3A_499 = arith.muli %add3A_163, %mul3A_498 : i32
      %add3A_500 = arith.constant 1 : i32
      %add3A_501 = arith.addi %mul3A_499, %add3A_500 : i32
      %slice3A_502 = vector.extract_strided_slice %get3A_167 {offsets = [1], sizes = [1], strides = [1]} : vector<16xi32> to vector<1xi32>
      %squeeze3A_503 = vector.extract %slice3A_502[0] : i32 from vector<1xi32>
      %broadcast_in_dim3A_504 = vector.broadcast %squeeze3A_503 : i32 to vector<16xi32>
      %and3A_505 = arith.constant 127 : i32
      %and3A_506 = vector.broadcast %and3A_505 : i32 to vector<16xi32>
      %and3A_507 = arith.andi %broadcast_in_dim3A_504, %and3A_506 : vector<16xi32>
      %sub3A_508 = arith.constant 999936 : i32
      %sub3A_509 = vector.broadcast %sub3A_508 : i32 to vector<16xi32>
      %sub3A_510 = arith.subi %broadcast_in_dim3A_504, %sub3A_509 : vector<16xi32>
      %max3A_511 = arith.constant 0 : i32
      %max3A_512 = vector.broadcast %max3A_511 : i32 to vector<16xi32>
      %max3A_513 = arith.maxsi %sub3A_510, %max3A_512 : vector<16xi32>
      %ge3A_514 = arith.constant 999936 : i32
      %ge3A_515 = vector.broadcast %ge3A_514 : i32 to vector<16xi32>
      %ge3A_516 = arith.cmpi sge, %broadcast_in_dim3A_504, %ge3A_515 : vector<16xi32>
      %slice3A_517 = vector.extract_strided_slice %get3A_171 {offsets = [1], sizes = [1], strides = [1]} : vector<16xi32> to vector<1xi32>
      %squeeze3A_518 = vector.extract %slice3A_517[0] : i32 from vector<1xi32>
      %broadcast_in_dim3A_519 = vector.broadcast %squeeze3A_518 : i32 to vector<16xi32>
      %and3A_520 = arith.constant 127 : i32
      %and3A_521 = vector.broadcast %and3A_520 : i32 to vector<16xi32>
      %and3A_522 = arith.andi %broadcast_in_dim3A_519, %and3A_521 : vector<16xi32>
      %sub3A_523 = arith.constant 999936 : i32
      %sub3A_524 = vector.broadcast %sub3A_523 : i32 to vector<16xi32>
      %sub3A_525 = arith.subi %broadcast_in_dim3A_519, %sub3A_524 : vector<16xi32>
      %max3A_526 = arith.constant 0 : i32
      %max3A_527 = vector.broadcast %max3A_526 : i32 to vector<16xi32>
      %max3A_528 = arith.maxsi %sub3A_525, %max3A_527 : vector<16xi32>
      %ge3A_529 = arith.constant 999936 : i32
      %ge3A_530 = vector.broadcast %ge3A_529 : i32 to vector<16xi32>
      %ge3A_531 = arith.cmpi sge, %broadcast_in_dim3A_519, %ge3A_530 : vector<16xi32>
      %add3A_532 = arith.constant 0 : i32
      %add3A_533 = vector.broadcast %add3A_532 : i32 to vector<16xi32>
      %add3A_534 = arith.addi %iota3A_23, %add3A_533 : vector<16xi32>
      %gather3A_535 = arith.constant 1 : i32
      %gather3A_536 = arith.constant 0 : i32
      %gather3A_537 = arith.constant 0 : i32
      %gather3A_538 = tpu.memref_slice %arg14[%gather3A_535, %gather3A_536, %gather3A_537] : memref<4x64x128xf32, #tpu.memory_space<vmem>> -> memref<1x64x128xf32, #tpu.memory_space<vmem>>
      %gather3A_539 = tpu.memref_squeeze %gather3A_538 : memref<1x64x128xf32, #tpu.memory_space<vmem>> -> memref<64x128xf32, #tpu.memory_space<vmem>>
      %gather3A_540 = tpu.vector_load_idx %gather3A_539[%add3A_534, %and3A_507] : memref<64x128xf32, #tpu.memory_space<vmem>>[vector<16xi32>, vector<16xi32>], vector<16xf32>,
      %add3A_541 = arith.constant 0 : i32
      %add3A_542 = vector.broadcast %add3A_541 : i32 to vector<16xi32>
      %add3A_543 = arith.addi %iota3A_23, %add3A_542 : vector<16xi32>
      %gather3A_544 = tpu.vector_load_idx %arg12[%add3A_543, %max3A_513] : memref<64x128xf32, #tpu.memory_space<vmem>>[vector<16xi32>, vector<16xi32>], vector<16xf32>,
      %select_n3A_545 = arith.select %ge3A_516, %gather3A_544, %gather3A_540 : vector<16xi1>, vector<16xf32>
      %add3A_546 = arith.constant 0 : i32
      %add3A_547 = vector.broadcast %add3A_546 : i32 to vector<16xi32>
      %add3A_548 = arith.addi %iota3A_23, %add3A_547 : vector<16xi32>
      %gather3A_549 = arith.constant 1 : i32
      %gather3A_550 = arith.constant 0 : i32
      %gather3A_551 = arith.constant 0 : i32
      %gather3A_552 = tpu.memref_slice %arg15[%gather3A_549, %gather3A_550, %gather3A_551] : memref<4x64x128xf32, #tpu.memory_space<vmem>> -> memref<1x64x128xf32, #tpu.memory_space<vmem>>
      %gather3A_553 = tpu.memref_squeeze %gather3A_552 : memref<1x64x128xf32, #tpu.memory_space<vmem>> -> memref<64x128xf32, #tpu.memory_space<vmem>>
      %gather3A_554 = tpu.vector_load_idx %gather3A_553[%add3A_548, %and3A_522] : memref<64x128xf32, #tpu.memory_space<vmem>>[vector<16xi32>, vector<16xi32>], vector<16xf32>,
      %add3A_555 = arith.constant 0 : i32
      %add3A_556 = vector.broadcast %add3A_555 : i32 to vector<16xi32>
      %add3A_557 = arith.addi %iota3A_23, %add3A_556 : vector<16xi32>
      %gather3A_558 = tpu.vector_load_idx %arg13[%add3A_557, %max3A_528] : memref<64x128xf32, #tpu.memory_space<vmem>>[vector<16xi32>, vector<16xi32>], vector<16xf32>,
      %select_n3A_559 = arith.select %ge3A_531, %gather3A_558, %gather3A_554 : vector<16xi1>, vector<16xf32>
      %mul3A_560 = arith.mulf %select_n3A_545, %select_n3A_559 : vector<16xf32>
      %add3A_561 = arith.constant 16 : i32
      %add3A_562 = vector.broadcast %add3A_561 : i32 to vector<16xi32>
      %add3A_563 = arith.addi %iota3A_23, %add3A_562 : vector<16xi32>
      %gather3A_564 = arith.constant 1 : i32
      %gather3A_565 = arith.constant 0 : i32
      %gather3A_566 = arith.constant 0 : i32
      %gather3A_567 = tpu.memref_slice %arg14[%gather3A_564, %gather3A_565, %gather3A_566] : memref<4x64x128xf32, #tpu.memory_space<vmem>> -> memref<1x64x128xf32, #tpu.memory_space<vmem>>
      %gather3A_568 = tpu.memref_squeeze %gather3A_567 : memref<1x64x128xf32, #tpu.memory_space<vmem>> -> memref<64x128xf32, #tpu.memory_space<vmem>>
      %gather3A_569 = tpu.vector_load_idx %gather3A_568[%add3A_563, %and3A_507] : memref<64x128xf32, #tpu.memory_space<vmem>>[vector<16xi32>, vector<16xi32>], vector<16xf32>,
      %add3A_570 = arith.constant 16 : i32
      %add3A_571 = vector.broadcast %add3A_570 : i32 to vector<16xi32>
      %add3A_572 = arith.addi %iota3A_23, %add3A_571 : vector<16xi32>
      %gather3A_573 = tpu.vector_load_idx %arg12[%add3A_572, %max3A_513] : memref<64x128xf32, #tpu.memory_space<vmem>>[vector<16xi32>, vector<16xi32>], vector<16xf32>,
      %select_n3A_574 = arith.select %ge3A_516, %gather3A_573, %gather3A_569 : vector<16xi1>, vector<16xf32>
      %add3A_575 = arith.constant 16 : i32
      %add3A_576 = vector.broadcast %add3A_575 : i32 to vector<16xi32>
      %add3A_577 = arith.addi %iota3A_23, %add3A_576 : vector<16xi32>
      %gather3A_578 = arith.constant 1 : i32
      %gather3A_579 = arith.constant 0 : i32
      %gather3A_580 = arith.constant 0 : i32
      %gather3A_581 = tpu.memref_slice %arg15[%gather3A_578, %gather3A_579, %gather3A_580] : memref<4x64x128xf32, #tpu.memory_space<vmem>> -> memref<1x64x128xf32, #tpu.memory_space<vmem>>
      %gather3A_582 = tpu.memref_squeeze %gather3A_581 : memref<1x64x128xf32, #tpu.memory_space<vmem>> -> memref<64x128xf32, #tpu.memory_space<vmem>>
      %gather3A_583 = tpu.vector_load_idx %gather3A_582[%add3A_577, %and3A_522] : memref<64x128xf32, #tpu.memory_space<vmem>>[vector<16xi32>, vector<16xi32>], vector<16xf32>,
      %add3A_584 = arith.constant 16 : i32
      %add3A_585 = vector.broadcast %add3A_584 : i32 to vector<16xi32>
      %add3A_586 = arith.addi %iota3A_23, %add3A_585 : vector<16xi32>
      %gather3A_587 = tpu.vector_load_idx %arg13[%add3A_586, %max3A_528] : memref<64x128xf32, #tpu.memory_space<vmem>>[vector<16xi32>, vector<16xi32>], vector<16xf32>,
      %select_n3A_588 = arith.select %ge3A_531, %gather3A_587, %gather3A_583 : vector<16xi1>, vector<16xf32>
      %mul3A_589 = arith.mulf %select_n3A_574, %select_n3A_588 : vector<16xf32>
      %add3A_590 = arith.addf %mul3A_560, %mul3A_589 : vector<16xf32>
      %add3A_591 = arith.constant 32 : i32
      %add3A_592 = vector.broadcast %add3A_591 : i32 to vector<16xi32>
      %add3A_593 = arith.addi %iota3A_23, %add3A_592 : vector<16xi32>
      %gather3A_594 = arith.constant 1 : i32
      %gather3A_595 = arith.constant 0 : i32
      %gather3A_596 = arith.constant 0 : i32
      %gather3A_597 = tpu.memref_slice %arg14[%gather3A_594, %gather3A_595, %gather3A_596] : memref<4x64x128xf32, #tpu.memory_space<vmem>> -> memref<1x64x128xf32, #tpu.memory_space<vmem>>
      %gather3A_598 = tpu.memref_squeeze %gather3A_597 : memref<1x64x128xf32, #tpu.memory_space<vmem>> -> memref<64x128xf32, #tpu.memory_space<vmem>>
      %gather3A_599 = tpu.vector_load_idx %gather3A_598[%add3A_593, %and3A_507] : memref<64x128xf32, #tpu.memory_space<vmem>>[vector<16xi32>, vector<16xi32>], vector<16xf32>,
      %add3A_600 = arith.constant 32 : i32
      %add3A_601 = vector.broadcast %add3A_600 : i32 to vector<16xi32>
      %add3A_602 = arith.addi %iota3A_23, %add3A_601 : vector<16xi32>
      %gather3A_603 = tpu.vector_load_idx %arg12[%add3A_602, %max3A_513] : memref<64x128xf32, #tpu.memory_space<vmem>>[vector<16xi32>, vector<16xi32>], vector<16xf32>,
      %select_n3A_604 = arith.select %ge3A_516, %gather3A_603, %gather3A_599 : vector<16xi1>, vector<16xf32>
      %add3A_605 = arith.constant 32 : i32
      %add3A_606 = vector.broadcast %add3A_605 : i32 to vector<16xi32>
      %add3A_607 = arith.addi %iota3A_23, %add3A_606 : vector<16xi32>
      %gather3A_608 = arith.constant 1 : i32
      %gather3A_609 = arith.constant 0 : i32
      %gather3A_610 = arith.constant 0 : i32
      %gather3A_611 = tpu.memref_slice %arg15[%gather3A_608, %gather3A_609, %gather3A_610] : memref<4x64x128xf32, #tpu.memory_space<vmem>> -> memref<1x64x128xf32, #tpu.memory_space<vmem>>
      %gather3A_612 = tpu.memref_squeeze %gather3A_611 : memref<1x64x128xf32, #tpu.memory_space<vmem>> -> memref<64x128xf32, #tpu.memory_space<vmem>>
      %gather3A_613 = tpu.vector_load_idx %gather3A_612[%add3A_607, %and3A_522] : memref<64x128xf32, #tpu.memory_space<vmem>>[vector<16xi32>, vector<16xi32>], vector<16xf32>,
      %add3A_614 = arith.constant 32 : i32
      %add3A_615 = vector.broadcast %add3A_614 : i32 to vector<16xi32>
      %add3A_616 = arith.addi %iota3A_23, %add3A_615 : vector<16xi32>
      %gather3A_617 = tpu.vector_load_idx %arg13[%add3A_616, %max3A_528] : memref<64x128xf32, #tpu.memory_space<vmem>>[vector<16xi32>, vector<16xi32>], vector<16xf32>,
      %select_n3A_618 = arith.select %ge3A_531, %gather3A_617, %gather3A_613 : vector<16xi1>, vector<16xf32>
      %mul3A_619 = arith.mulf %select_n3A_604, %select_n3A_618 : vector<16xf32>
      %add3A_620 = arith.addf %add3A_590, %mul3A_619 : vector<16xf32>
      %add3A_621 = arith.constant 48 : i32
      %add3A_622 = vector.broadcast %add3A_621 : i32 to vector<16xi32>
      %add3A_623 = arith.addi %iota3A_23, %add3A_622 : vector<16xi32>
      %gather3A_624 = arith.constant 1 : i32
      %gather3A_625 = arith.constant 0 : i32
      %gather3A_626 = arith.constant 0 : i32
      %gather3A_627 = tpu.memref_slice %arg14[%gather3A_624, %gather3A_625, %gather3A_626] : memref<4x64x128xf32, #tpu.memory_space<vmem>> -> memref<1x64x128xf32, #tpu.memory_space<vmem>>
      %gather3A_628 = tpu.memref_squeeze %gather3A_627 : memref<1x64x128xf32, #tpu.memory_space<vmem>> -> memref<64x128xf32, #tpu.memory_space<vmem>>
      %gather3A_629 = tpu.vector_load_idx %gather3A_628[%add3A_623, %and3A_507] : memref<64x128xf32, #tpu.memory_space<vmem>>[vector<16xi32>, vector<16xi32>], vector<16xf32>,
      %add3A_630 = arith.constant 48 : i32
      %add3A_631 = vector.broadcast %add3A_630 : i32 to vector<16xi32>
      %add3A_632 = arith.addi %iota3A_23, %add3A_631 : vector<16xi32>
      %gather3A_633 = tpu.vector_load_idx %arg12[%add3A_632, %max3A_513] : memref<64x128xf32, #tpu.memory_space<vmem>>[vector<16xi32>, vector<16xi32>], vector<16xf32>,
      %select_n3A_634 = arith.select %ge3A_516, %gather3A_633, %gather3A_629 : vector<16xi1>, vector<16xf32>
      %add3A_635 = arith.constant 48 : i32
      %add3A_636 = vector.broadcast %add3A_635 : i32 to vector<16xi32>
      %add3A_637 = arith.addi %iota3A_23, %add3A_636 : vector<16xi32>
      %gather3A_638 = arith.constant 1 : i32
      %gather3A_639 = arith.constant 0 : i32
      %gather3A_640 = arith.constant 0 : i32
      %gather3A_641 = tpu.memref_slice %arg15[%gather3A_638, %gather3A_639, %gather3A_640] : memref<4x64x128xf32, #tpu.memory_space<vmem>> -> memref<1x64x128xf32, #tpu.memory_space<vmem>>
      %gather3A_642 = tpu.memref_squeeze %gather3A_641 : memref<1x64x128xf32, #tpu.memory_space<vmem>> -> memref<64x128xf32, #tpu.memory_space<vmem>>
      %gather3A_643 = tpu.vector_load_idx %gather3A_642[%add3A_637, %and3A_522] : memref<64x128xf32, #tpu.memory_space<vmem>>[vector<16xi32>, vector<16xi32>], vector<16xf32>,
      %add3A_644 = arith.constant 48 : i32
      %add3A_645 = vector.broadcast %add3A_644 : i32 to vector<16xi32>
      %add3A_646 = arith.addi %iota3A_23, %add3A_645 : vector<16xi32>
      %gather3A_647 = tpu.vector_load_idx %arg13[%add3A_646, %max3A_528] : memref<64x128xf32, #tpu.memory_space<vmem>>[vector<16xi32>, vector<16xi32>], vector<16xf32>,
      %select_n3A_648 = arith.select %ge3A_531, %gather3A_647, %gather3A_643 : vector<16xi1>, vector<16xf32>
      %mul3A_649 = arith.mulf %select_n3A_634, %select_n3A_648 : vector<16xf32>
      %add3A_650 = arith.addf %add3A_620, %mul3A_649 : vector<16xf32>
      %mul3A_651 = arith.constant 512 : i32
      %mul3A_652 = vector.broadcast %mul3A_651 : i32 to vector<16xi32>
      %mul3A_653 = arith.muli %iota3A_23, %mul3A_652 : vector<16xi32>
      %add3A_654 = vector.broadcast %add3A_501 : i32 to vector<16xi32>
      %add3A_655 = arith.addi %mul3A_653, %add3A_654 : vector<16xi32>
      tpu.vector_store_idx %arg16[%add3A_655], %add3A_650 : memref<8192xf32, #tpu.memory_space<vmem>>[vector<16xi32>], vector<16xf32>,
      %slice3A_656 = vector.extract_strided_slice %get3A_167 {offsets = [5], sizes = [1], strides = [1]} : vector<16xi32> to vector<1xi32>
      %squeeze3A_657 = vector.extract %slice3A_656[0] : i32 from vector<1xi32>
      %shift_right_arithmetic3A_658 = arith.constant 7 : i32
      %shift_right_arithmetic3A_659 = arith.shrsi %squeeze3A_657, %shift_right_arithmetic3A_658 : i32
      %min3A_660 = arith.constant 7811 : i32
      %min3A_661 = arith.minsi %shift_right_arithmetic3A_659, %min3A_660 : i32
      %mul3A_662 = arith.constant 128 : i32
      %mul3A_663 = arith.muli %min3A_661, %mul3A_662 : i32
      %multiple_of3A_664 = tpu.assume_multiple %mul3A_663, 128 : i32
      %slice3A_665 = vector.extract_strided_slice %get3A_171 {offsets = [5], sizes = [1], strides = [1]} : vector<16xi32> to vector<1xi32>
      %squeeze3A_666 = vector.extract %slice3A_665[0] : i32 from vector<1xi32>
      %shift_right_arithmetic3A_667 = arith.constant 7 : i32
      %shift_right_arithmetic3A_668 = arith.shrsi %squeeze3A_666, %shift_right_arithmetic3A_667 : i32
      %min3A_669 = arith.constant 7811 : i32
      %min3A_670 = arith.minsi %shift_right_arithmetic3A_668, %min3A_669 : i32
      %mul3A_671 = arith.constant 128 : i32
      %mul3A_672 = arith.muli %min3A_670, %mul3A_671 : i32
      %multiple_of3A_673 = tpu.assume_multiple %mul3A_672, 128 : i32
      %dma_start3A_674 = arith.constant 1 : i32
      %dma_start3A_675 = arith.constant 0 : i32
      %dma_start3A_676 = arith.constant 0 : i32
      %dma_start3A_677 = tpu.memref_slice %arg14[%dma_start3A_674, %dma_start3A_675, %dma_start3A_676] : memref<4x64x128xf32, #tpu.memory_space<vmem>> -> memref<1x64x128xf32, #tpu.memory_space<vmem>>
      %dma_start3A_678 = tpu.memref_squeeze %dma_start3A_677 : memref<1x64x128xf32, #tpu.memory_space<vmem>> -> memref<64x128xf32, #tpu.memory_space<vmem>>
      %dma_start3A_679 = arith.constant 0 : i32
      %dma_start3A_680 = tpu.memref_slice %arg4[%dma_start3A_679, %multiple_of3A_664] : memref<64x1000000xf32, #tpu.memory_space<hbm>> -> memref<64x128xf32, #tpu.memory_space<hbm>>
      %dma_start3A_681 = arith.constant 0 : i32
      %dma_start3A_682 = arith.constant 0 : i32
      %dma_start3A_683 = tpu.memref_slice %arg14[%dma_start3A_674, %dma_start3A_681, %dma_start3A_682] : memref<4x64x128xf32, #tpu.memory_space<vmem>> -> memref<1x64x128xf32, #tpu.memory_space<vmem>>
      %dma_start3A_684 = tpu.memref_squeeze %dma_start3A_683 : memref<1x64x128xf32, #tpu.memory_space<vmem>> -> memref<64x128xf32, #tpu.memory_space<vmem>>
      %dma_start3A_685 = arith.constant 0 : i32
      %dma_start3A_686 = tpu.memref_slice %arg4[%dma_start3A_685, %multiple_of3A_664] : memref<64x1000000xf32, #tpu.memory_space<hbm>> -> memref<64x128xf32, #tpu.memory_space<hbm>>
      tpu.enqueue_dma source(%dma_start3A_686 : memref<64x128xf32, #tpu.memory_space<hbm>>) target(%dma_start3A_684 : memref<64x128xf32, #tpu.memory_space<vmem>>) target_semaphore(%arg19 : memref<!tpu.dma_semaphore, #tpu.memory_space<semaphore_mem>>)
      %dma_start3A_687 = arith.constant 1 : i32
      %dma_start3A_688 = arith.constant 0 : i32
      %dma_start3A_689 = arith.constant 0 : i32
      %dma_start3A_690 = tpu.memref_slice %arg15[%dma_start3A_687, %dma_start3A_688, %dma_start3A_689] : memref<4x64x128xf32, #tpu.memory_space<vmem>> -> memref<1x64x128xf32, #tpu.memory_space<vmem>>
      %dma_start3A_691 = tpu.memref_squeeze %dma_start3A_690 : memref<1x64x128xf32, #tpu.memory_space<vmem>> -> memref<64x128xf32, #tpu.memory_space<vmem>>
      %dma_start3A_692 = arith.constant 0 : i32
      %dma_start3A_693 = tpu.memref_slice %arg5[%dma_start3A_692, %multiple_of3A_673] : memref<64x1000000xf32, #tpu.memory_space<hbm>> -> memref<64x128xf32, #tpu.memory_space<hbm>>
      %dma_start3A_694 = arith.constant 0 : i32
      %dma_start3A_695 = arith.constant 0 : i32
      %dma_start3A_696 = tpu.memref_slice %arg15[%dma_start3A_687, %dma_start3A_694, %dma_start3A_695] : memref<4x64x128xf32, #tpu.memory_space<vmem>> -> memref<1x64x128xf32, #tpu.memory_space<vmem>>
      %dma_start3A_697 = tpu.memref_squeeze %dma_start3A_696 : memref<1x64x128xf32, #tpu.memory_space<vmem>> -> memref<64x128xf32, #tpu.memory_space<vmem>>
      %dma_start3A_698 = arith.constant 0 : i32
      %dma_start3A_699 = tpu.memref_slice %arg5[%dma_start3A_698, %multiple_of3A_673] : memref<64x1000000xf32, #tpu.memory_space<hbm>> -> memref<64x128xf32, #tpu.memory_space<hbm>>
      tpu.enqueue_dma source(%dma_start3A_699 : memref<64x128xf32, #tpu.memory_space<hbm>>) target(%dma_start3A_697 : memref<64x128xf32, #tpu.memory_space<vmem>>) target_semaphore(%arg19 : memref<!tpu.dma_semaphore, #tpu.memory_space<semaphore_mem>>)
      %slice3A_700 = vector.extract_strided_slice %get3A_167 {offsets = [2], sizes = [1], strides = [1]} : vector<16xi32> to vector<1xi32>
      %squeeze3A_701 = vector.extract %slice3A_700[0] : i32 from vector<1xi32>
      %shift_right_arithmetic3A_702 = arith.constant 7 : i32
      %shift_right_arithmetic3A_703 = arith.shrsi %squeeze3A_701, %shift_right_arithmetic3A_702 : i32
      %min3A_704 = arith.constant 7811 : i32
      %min3A_705 = arith.minsi %shift_right_arithmetic3A_703, %min3A_704 : i32
      %mul3A_706 = arith.constant 128 : i32
      %mul3A_707 = arith.muli %min3A_705, %mul3A_706 : i32
      %multiple_of3A_708 = tpu.assume_multiple %mul3A_707, 128 : i32
      %slice3A_709 = vector.extract_strided_slice %get3A_171 {offsets = [2], sizes = [1], strides = [1]} : vector<16xi32> to vector<1xi32>
      %squeeze3A_710 = vector.extract %slice3A_709[0] : i32 from vector<1xi32>
      %shift_right_arithmetic3A_711 = arith.constant 7 : i32
      %shift_right_arithmetic3A_712 = arith.shrsi %squeeze3A_710, %shift_right_arithmetic3A_711 : i32
      %min3A_713 = arith.constant 7811 : i32
      %min3A_714 = arith.minsi %shift_right_arithmetic3A_712, %min3A_713 : i32
      %mul3A_715 = arith.constant 128 : i32
      %mul3A_716 = arith.muli %min3A_714, %mul3A_715 : i32
      %multiple_of3A_717 = tpu.assume_multiple %mul3A_716, 128 : i32
      %dma_wait3A_718 = arith.constant 2 : i32
      %dma_wait3A_719 = arith.constant 0 : i32
      %dma_wait3A_720 = arith.constant 0 : i32
      %dma_wait3A_721 = tpu.memref_slice %arg14[%dma_wait3A_718, %dma_wait3A_719, %dma_wait3A_720] : memref<4x64x128xf32, #tpu.memory_space<vmem>> -> memref<1x64x128xf32, #tpu.memory_space<vmem>>
      %dma_wait3A_722 = tpu.memref_squeeze %dma_wait3A_721 : memref<1x64x128xf32, #tpu.memory_space<vmem>> -> memref<64x128xf32, #tpu.memory_space<vmem>>
      %dma_wait3A_723 = arith.constant 0 : i32
      %dma_wait3A_724 = tpu.memref_slice %arg4[%dma_wait3A_723, %multiple_of3A_708] : memref<64x1000000xf32, #tpu.memory_space<hbm>> -> memref<64x128xf32, #tpu.memory_space<hbm>>
      %dma_wait3A_725 = arith.constant 0 : i32
      %dma_wait3A_726 = arith.constant 0 : i32
      %dma_wait3A_727 = tpu.memref_slice %arg14[%dma_wait3A_718, %dma_wait3A_725, %dma_wait3A_726] : memref<4x64x128xf32, #tpu.memory_space<vmem>> -> memref<1x64x128xf32, #tpu.memory_space<vmem>>
      %dma_wait3A_728 = tpu.memref_squeeze %dma_wait3A_727 : memref<1x64x128xf32, #tpu.memory_space<vmem>> -> memref<64x128xf32, #tpu.memory_space<vmem>>
      %dma_wait3A_729 = arith.constant 0 : i32
      %dma_wait3A_730 = tpu.memref_slice %arg4[%dma_wait3A_729, %multiple_of3A_708] : memref<64x1000000xf32, #tpu.memory_space<hbm>> -> memref<64x128xf32, #tpu.memory_space<hbm>>
      tpu.wait_dma2 semaphore(%arg20 : memref<!tpu.dma_semaphore, #tpu.memory_space<semaphore_mem>>) src(%dma_wait3A_730 : memref<64x128xf32, #tpu.memory_space<hbm>>) dst(%dma_wait3A_728 : memref<64x128xf32, #tpu.memory_space<vmem>>)
      %dma_wait3A_731 = arith.constant 2 : i32
      %dma_wait3A_732 = arith.constant 0 : i32
      %dma_wait3A_733 = arith.constant 0 : i32
      %dma_wait3A_734 = tpu.memref_slice %arg15[%dma_wait3A_731, %dma_wait3A_732, %dma_wait3A_733] : memref<4x64x128xf32, #tpu.memory_space<vmem>> -> memref<1x64x128xf32, #tpu.memory_space<vmem>>
      %dma_wait3A_735 = tpu.memref_squeeze %dma_wait3A_734 : memref<1x64x128xf32, #tpu.memory_space<vmem>> -> memref<64x128xf32, #tpu.memory_space<vmem>>
      %dma_wait3A_736 = arith.constant 0 : i32
      %dma_wait3A_737 = tpu.memref_slice %arg5[%dma_wait3A_736, %multiple_of3A_717] : memref<64x1000000xf32, #tpu.memory_space<hbm>> -> memref<64x128xf32, #tpu.memory_space<hbm>>
      %dma_wait3A_738 = arith.constant 0 : i32
      %dma_wait3A_739 = arith.constant 0 : i32
      %dma_wait3A_740 = tpu.memref_slice %arg15[%dma_wait3A_731, %dma_wait3A_738, %dma_wait3A_739] : memref<4x64x128xf32, #tpu.memory_space<vmem>> -> memref<1x64x128xf32, #tpu.memory_space<vmem>>
      %dma_wait3A_741 = tpu.memref_squeeze %dma_wait3A_740 : memref<1x64x128xf32, #tpu.memory_space<vmem>> -> memref<64x128xf32, #tpu.memory_space<vmem>>
      %dma_wait3A_742 = arith.constant 0 : i32
      %dma_wait3A_743 = tpu.memref_slice %arg5[%dma_wait3A_742, %multiple_of3A_717] : memref<64x1000000xf32, #tpu.memory_space<hbm>> -> memref<64x128xf32, #tpu.memory_space<hbm>>
      tpu.wait_dma2 semaphore(%arg20 : memref<!tpu.dma_semaphore, #tpu.memory_space<semaphore_mem>>) src(%dma_wait3A_743 : memref<64x128xf32, #tpu.memory_space<hbm>>) dst(%dma_wait3A_741 : memref<64x128xf32, #tpu.memory_space<vmem>>)
      %mul3A_744 = arith.constant 16 : i32
      %mul3A_745 = arith.muli %add3A_163, %mul3A_744 : i32
      %add3A_746 = arith.constant 2 : i32
      %add3A_747 = arith.addi %mul3A_745, %add3A_746 : i32
      %slice3A_748 = vector.extract_strided_slice %get3A_167 {offsets = [2], sizes = [1], strides = [1]} : vector<16xi32> to vector<1xi32>
      %squeeze3A_749 = vector.extract %slice3A_748[0] : i32 from vector<1xi32>
      %broadcast_in_dim3A_750 = vector.broadcast %squeeze3A_749 : i32 to vector<16xi32>
      %and3A_751 = arith.constant 127 : i32
      %and3A_752 = vector.broadcast %and3A_751 : i32 to vector<16xi32>
      %and3A_753 = arith.andi %broadcast_in_dim3A_750, %and3A_752 : vector<16xi32>
      %sub3A_754 = arith.constant 999936 : i32
      %sub3A_755 = vector.broadcast %sub3A_754 : i32 to vector<16xi32>
      %sub3A_756 = arith.subi %broadcast_in_dim3A_750, %sub3A_755 : vector<16xi32>
      %max3A_757 = arith.constant 0 : i32
      %max3A_758 = vector.broadcast %max3A_757 : i32 to vector<16xi32>
      %max3A_759 = arith.maxsi %sub3A_756, %max3A_758 : vector<16xi32>
      %ge3A_760 = arith.constant 999936 : i32
      %ge3A_761 = vector.broadcast %ge3A_760 : i32 to vector<16xi32>
      %ge3A_762 = arith.cmpi sge, %broadcast_in_dim3A_750, %ge3A_761 : vector<16xi32>
      %slice3A_763 = vector.extract_strided_slice %get3A_171 {offsets = [2], sizes = [1], strides = [1]} : vector<16xi32> to vector<1xi32>
      %squeeze3A_764 = vector.extract %slice3A_763[0] : i32 from vector<1xi32>
      %broadcast_in_dim3A_765 = vector.broadcast %squeeze3A_764 : i32 to vector<16xi32>
      %and3A_766 = arith.constant 127 : i32
      %and3A_767 = vector.broadcast %and3A_766 : i32 to vector<16xi32>
      %and3A_768 = arith.andi %broadcast_in_dim3A_765, %and3A_767 : vector<16xi32>
      %sub3A_769 = arith.constant 999936 : i32
      %sub3A_770 = vector.broadcast %sub3A_769 : i32 to vector<16xi32>
      %sub3A_771 = arith.subi %broadcast_in_dim3A_765, %sub3A_770 : vector<16xi32>
      %max3A_772 = arith.constant 0 : i32
      %max3A_773 = vector.broadcast %max3A_772 : i32 to vector<16xi32>
      %max3A_774 = arith.maxsi %sub3A_771, %max3A_773 : vector<16xi32>
      %ge3A_775 = arith.constant 999936 : i32
      %ge3A_776 = vector.broadcast %ge3A_775 : i32 to vector<16xi32>
      %ge3A_777 = arith.cmpi sge, %broadcast_in_dim3A_765, %ge3A_776 : vector<16xi32>
      %add3A_778 = arith.constant 0 : i32
      %add3A_779 = vector.broadcast %add3A_778 : i32 to vector<16xi32>
      %add3A_780 = arith.addi %iota3A_23, %add3A_779 : vector<16xi32>
      %gather3A_781 = arith.constant 2 : i32
      %gather3A_782 = arith.constant 0 : i32
      %gather3A_783 = arith.constant 0 : i32
      %gather3A_784 = tpu.memref_slice %arg14[%gather3A_781, %gather3A_782, %gather3A_783] : memref<4x64x128xf32, #tpu.memory_space<vmem>> -> memref<1x64x128xf32, #tpu.memory_space<vmem>>
      %gather3A_785 = tpu.memref_squeeze %gather3A_784 : memref<1x64x128xf32, #tpu.memory_space<vmem>> -> memref<64x128xf32, #tpu.memory_space<vmem>>
      %gather3A_786 = tpu.vector_load_idx %gather3A_785[%add3A_780, %and3A_753] : memref<64x128xf32, #tpu.memory_space<vmem>>[vector<16xi32>, vector<16xi32>], vector<16xf32>,
      %add3A_787 = arith.constant 0 : i32
      %add3A_788 = vector.broadcast %add3A_787 : i32 to vector<16xi32>
      %add3A_789 = arith.addi %iota3A_23, %add3A_788 : vector<16xi32>
      %gather3A_790 = tpu.vector_load_idx %arg12[%add3A_789, %max3A_759] : memref<64x128xf32, #tpu.memory_space<vmem>>[vector<16xi32>, vector<16xi32>], vector<16xf32>,
      %select_n3A_791 = arith.select %ge3A_762, %gather3A_790, %gather3A_786 : vector<16xi1>, vector<16xf32>
      %add3A_792 = arith.constant 0 : i32
      %add3A_793 = vector.broadcast %add3A_792 : i32 to vector<16xi32>
      %add3A_794 = arith.addi %iota3A_23, %add3A_793 : vector<16xi32>
      %gather3A_795 = arith.constant 2 : i32
      %gather3A_796 = arith.constant 0 : i32
      %gather3A_797 = arith.constant 0 : i32
      %gather3A_798 = tpu.memref_slice %arg15[%gather3A_795, %gather3A_796, %gather3A_797] : memref<4x64x128xf32, #tpu.memory_space<vmem>> -> memref<1x64x128xf32, #tpu.memory_space<vmem>>
      %gather3A_799 = tpu.memref_squeeze %gather3A_798 : memref<1x64x128xf32, #tpu.memory_space<vmem>> -> memref<64x128xf32, #tpu.memory_space<vmem>>
      %gather3A_800 = tpu.vector_load_idx %gather3A_799[%add3A_794, %and3A_768] : memref<64x128xf32, #tpu.memory_space<vmem>>[vector<16xi32>, vector<16xi32>], vector<16xf32>,
      %add3A_801 = arith.constant 0 : i32
      %add3A_802 = vector.broadcast %add3A_801 : i32 to vector<16xi32>
      %add3A_803 = arith.addi %iota3A_23, %add3A_802 : vector<16xi32>
      %gather3A_804 = tpu.vector_load_idx %arg13[%add3A_803, %max3A_774] : memref<64x128xf32, #tpu.memory_space<vmem>>[vector<16xi32>, vector<16xi32>], vector<16xf32>,
      %select_n3A_805 = arith.select %ge3A_777, %gather3A_804, %gather3A_800 : vector<16xi1>, vector<16xf32>
      %mul3A_806 = arith.mulf %select_n3A_791, %select_n3A_805 : vector<16xf32>
      %add3A_807 = arith.constant 16 : i32
      %add3A_808 = vector.broadcast %add3A_807 : i32 to vector<16xi32>
      %add3A_809 = arith.addi %iota3A_23, %add3A_808 : vector<16xi32>
      %gather3A_810 = arith.constant 2 : i32
      %gather3A_811 = arith.constant 0 : i32
      %gather3A_812 = arith.constant 0 : i32
      %gather3A_813 = tpu.memref_slice %arg14[%gather3A_810, %gather3A_811, %gather3A_812] : memref<4x64x128xf32, #tpu.memory_space<vmem>> -> memref<1x64x128xf32, #tpu.memory_space<vmem>>
      %gather3A_814 = tpu.memref_squeeze %gather3A_813 : memref<1x64x128xf32, #tpu.memory_space<vmem>> -> memref<64x128xf32, #tpu.memory_space<vmem>>
      %gather3A_815 = tpu.vector_load_idx %gather3A_814[%add3A_809, %and3A_753] : memref<64x128xf32, #tpu.memory_space<vmem>>[vector<16xi32>, vector<16xi32>], vector<16xf32>,
      %add3A_816 = arith.constant 16 : i32
      %add3A_817 = vector.broadcast %add3A_816 : i32 to vector<16xi32>
      %add3A_818 = arith.addi %iota3A_23, %add3A_817 : vector<16xi32>
      %gather3A_819 = tpu.vector_load_idx %arg12[%add3A_818, %max3A_759] : memref<64x128xf32, #tpu.memory_space<vmem>>[vector<16xi32>, vector<16xi32>], vector<16xf32>,
      %select_n3A_820 = arith.select %ge3A_762, %gather3A_819, %gather3A_815 : vector<16xi1>, vector<16xf32>
      %add3A_821 = arith.constant 16 : i32
      %add3A_822 = vector.broadcast %add3A_821 : i32 to vector<16xi32>
      %add3A_823 = arith.addi %iota3A_23, %add3A_822 : vector<16xi32>
      %gather3A_824 = arith.constant 2 : i32
      %gather3A_825 = arith.constant 0 : i32
      %gather3A_826 = arith.constant 0 : i32
      %gather3A_827 = tpu.memref_slice %arg15[%gather3A_824, %gather3A_825, %gather3A_826] : memref<4x64x128xf32, #tpu.memory_space<vmem>> -> memref<1x64x128xf32, #tpu.memory_space<vmem>>
      %gather3A_828 = tpu.memref_squeeze %gather3A_827 : memref<1x64x128xf32, #tpu.memory_space<vmem>> -> memref<64x128xf32, #tpu.memory_space<vmem>>
      %gather3A_829 = tpu.vector_load_idx %gather3A_828[%add3A_823, %and3A_768] : memref<64x128xf32, #tpu.memory_space<vmem>>[vector<16xi32>, vector<16xi32>], vector<16xf32>,
      %add3A_830 = arith.constant 16 : i32
      %add3A_831 = vector.broadcast %add3A_830 : i32 to vector<16xi32>
      %add3A_832 = arith.addi %iota3A_23, %add3A_831 : vector<16xi32>
      %gather3A_833 = tpu.vector_load_idx %arg13[%add3A_832, %max3A_774] : memref<64x128xf32, #tpu.memory_space<vmem>>[vector<16xi32>, vector<16xi32>], vector<16xf32>,
      %select_n3A_834 = arith.select %ge3A_777, %gather3A_833, %gather3A_829 : vector<16xi1>, vector<16xf32>
      %mul3A_835 = arith.mulf %select_n3A_820, %select_n3A_834 : vector<16xf32>
      %add3A_836 = arith.addf %mul3A_806, %mul3A_835 : vector<16xf32>
      %add3A_837 = arith.constant 32 : i32
      %add3A_838 = vector.broadcast %add3A_837 : i32 to vector<16xi32>
      %add3A_839 = arith.addi %iota3A_23, %add3A_838 : vector<16xi32>
      %gather3A_840 = arith.constant 2 : i32
      %gather3A_841 = arith.constant 0 : i32
      %gather3A_842 = arith.constant 0 : i32
      %gather3A_843 = tpu.memref_slice %arg14[%gather3A_840, %gather3A_841, %gather3A_842] : memref<4x64x128xf32, #tpu.memory_space<vmem>> -> memref<1x64x128xf32, #tpu.memory_space<vmem>>
      %gather3A_844 = tpu.memref_squeeze %gather3A_843 : memref<1x64x128xf32, #tpu.memory_space<vmem>> -> memref<64x128xf32, #tpu.memory_space<vmem>>
      %gather3A_845 = tpu.vector_load_idx %gather3A_844[%add3A_839, %and3A_753] : memref<64x128xf32, #tpu.memory_space<vmem>>[vector<16xi32>, vector<16xi32>], vector<16xf32>,
      %add3A_846 = arith.constant 32 : i32
      %add3A_847 = vector.broadcast %add3A_846 : i32 to vector<16xi32>
      %add3A_848 = arith.addi %iota3A_23, %add3A_847 : vector<16xi32>
      %gather3A_849 = tpu.vector_load_idx %arg12[%add3A_848, %max3A_759] : memref<64x128xf32, #tpu.memory_space<vmem>>[vector<16xi32>, vector<16xi32>], vector<16xf32>,
      %select_n3A_850 = arith.select %ge3A_762, %gather3A_849, %gather3A_845 : vector<16xi1>, vector<16xf32>
      %add3A_851 = arith.constant 32 : i32
      %add3A_852 = vector.broadcast %add3A_851 : i32 to vector<16xi32>
      %add3A_853 = arith.addi %iota3A_23, %add3A_852 : vector<16xi32>
      %gather3A_854 = arith.constant 2 : i32
      %gather3A_855 = arith.constant 0 : i32
      %gather3A_856 = arith.constant 0 : i32
      %gather3A_857 = tpu.memref_slice %arg15[%gather3A_854, %gather3A_855, %gather3A_856] : memref<4x64x128xf32, #tpu.memory_space<vmem>> -> memref<1x64x128xf32, #tpu.memory_space<vmem>>
      %gather3A_858 = tpu.memref_squeeze %gather3A_857 : memref<1x64x128xf32, #tpu.memory_space<vmem>> -> memref<64x128xf32, #tpu.memory_space<vmem>>
      %gather3A_859 = tpu.vector_load_idx %gather3A_858[%add3A_853, %and3A_768] : memref<64x128xf32, #tpu.memory_space<vmem>>[vector<16xi32>, vector<16xi32>], vector<16xf32>,
      %add3A_860 = arith.constant 32 : i32
      %add3A_861 = vector.broadcast %add3A_860 : i32 to vector<16xi32>
      %add3A_862 = arith.addi %iota3A_23, %add3A_861 : vector<16xi32>
      %gather3A_863 = tpu.vector_load_idx %arg13[%add3A_862, %max3A_774] : memref<64x128xf32, #tpu.memory_space<vmem>>[vector<16xi32>, vector<16xi32>], vector<16xf32>,
      %select_n3A_864 = arith.select %ge3A_777, %gather3A_863, %gather3A_859 : vector<16xi1>, vector<16xf32>
      %mul3A_865 = arith.mulf %select_n3A_850, %select_n3A_864 : vector<16xf32>
      %add3A_866 = arith.addf %add3A_836, %mul3A_865 : vector<16xf32>
      %add3A_867 = arith.constant 48 : i32
      %add3A_868 = vector.broadcast %add3A_867 : i32 to vector<16xi32>
      %add3A_869 = arith.addi %iota3A_23, %add3A_868 : vector<16xi32>
      %gather3A_870 = arith.constant 2 : i32
      %gather3A_871 = arith.constant 0 : i32
      %gather3A_872 = arith.constant 0 : i32
      %gather3A_873 = tpu.memref_slice %arg14[%gather3A_870, %gather3A_871, %gather3A_872] : memref<4x64x128xf32, #tpu.memory_space<vmem>> -> memref<1x64x128xf32, #tpu.memory_space<vmem>>
      %gather3A_874 = tpu.memref_squeeze %gather3A_873 : memref<1x64x128xf32, #tpu.memory_space<vmem>> -> memref<64x128xf32, #tpu.memory_space<vmem>>
      %gather3A_875 = tpu.vector_load_idx %gather3A_874[%add3A_869, %and3A_753] : memref<64x128xf32, #tpu.memory_space<vmem>>[vector<16xi32>, vector<16xi32>], vector<16xf32>,
      %add3A_876 = arith.constant 48 : i32
      %add3A_877 = vector.broadcast %add3A_876 : i32 to vector<16xi32>
      %add3A_878 = arith.addi %iota3A_23, %add3A_877 : vector<16xi32>
      %gather3A_879 = tpu.vector_load_idx %arg12[%add3A_878, %max3A_759] : memref<64x128xf32, #tpu.memory_space<vmem>>[vector<16xi32>, vector<16xi32>], vector<16xf32>,
      %select_n3A_880 = arith.select %ge3A_762, %gather3A_879, %gather3A_875 : vector<16xi1>, vector<16xf32>
      %add3A_881 = arith.constant 48 : i32
      %add3A_882 = vector.broadcast %add3A_881 : i32 to vector<16xi32>
      %add3A_883 = arith.addi %iota3A_23, %add3A_882 : vector<16xi32>
      %gather3A_884 = arith.constant 2 : i32
      %gather3A_885 = arith.constant 0 : i32
      %gather3A_886 = arith.constant 0 : i32
      %gather3A_887 = tpu.memref_slice %arg15[%gather3A_884, %gather3A_885, %gather3A_886] : memref<4x64x128xf32, #tpu.memory_space<vmem>> -> memref<1x64x128xf32, #tpu.memory_space<vmem>>
      %gather3A_888 = tpu.memref_squeeze %gather3A_887 : memref<1x64x128xf32, #tpu.memory_space<vmem>> -> memref<64x128xf32, #tpu.memory_space<vmem>>
      %gather3A_889 = tpu.vector_load_idx %gather3A_888[%add3A_883, %and3A_768] : memref<64x128xf32, #tpu.memory_space<vmem>>[vector<16xi32>, vector<16xi32>], vector<16xf32>,
      %add3A_890 = arith.constant 48 : i32
      %add3A_891 = vector.broadcast %add3A_890 : i32 to vector<16xi32>
      %add3A_892 = arith.addi %iota3A_23, %add3A_891 : vector<16xi32>
      %gather3A_893 = tpu.vector_load_idx %arg13[%add3A_892, %max3A_774] : memref<64x128xf32, #tpu.memory_space<vmem>>[vector<16xi32>, vector<16xi32>], vector<16xf32>,
      %select_n3A_894 = arith.select %ge3A_777, %gather3A_893, %gather3A_889 : vector<16xi1>, vector<16xf32>
      %mul3A_895 = arith.mulf %select_n3A_880, %select_n3A_894 : vector<16xf32>
      %add3A_896 = arith.addf %add3A_866, %mul3A_895 : vector<16xf32>
      %mul3A_897 = arith.constant 512 : i32
      %mul3A_898 = vector.broadcast %mul3A_897 : i32 to vector<16xi32>
      %mul3A_899 = arith.muli %iota3A_23, %mul3A_898 : vector<16xi32>
      %add3A_900 = vector.broadcast %add3A_747 : i32 to vector<16xi32>
      %add3A_901 = arith.addi %mul3A_899, %add3A_900 : vector<16xi32>
      tpu.vector_store_idx %arg16[%add3A_901], %add3A_896 : memref<8192xf32, #tpu.memory_space<vmem>>[vector<16xi32>], vector<16xf32>,
      %slice3A_902 = vector.extract_strided_slice %get3A_167 {offsets = [6], sizes = [1], strides = [1]} : vector<16xi32> to vector<1xi32>
      %squeeze3A_903 = vector.extract %slice3A_902[0] : i32 from vector<1xi32>
      %shift_right_arithmetic3A_904 = arith.constant 7 : i32
      %shift_right_arithmetic3A_905 = arith.shrsi %squeeze3A_903, %shift_right_arithmetic3A_904 : i32
      %min3A_906 = arith.constant 7811 : i32
      %min3A_907 = arith.minsi %shift_right_arithmetic3A_905, %min3A_906 : i32
      %mul3A_908 = arith.constant 128 : i32
      %mul3A_909 = arith.muli %min3A_907, %mul3A_908 : i32
      %multiple_of3A_910 = tpu.assume_multiple %mul3A_909, 128 : i32
      %slice3A_911 = vector.extract_strided_slice %get3A_171 {offsets = [6], sizes = [1], strides = [1]} : vector<16xi32> to vector<1xi32>
      %squeeze3A_912 = vector.extract %slice3A_911[0] : i32 from vector<1xi32>
      %shift_right_arithmetic3A_913 = arith.constant 7 : i32
      %shift_right_arithmetic3A_914 = arith.shrsi %squeeze3A_912, %shift_right_arithmetic3A_913 : i32
      %min3A_915 = arith.constant 7811 : i32
      %min3A_916 = arith.minsi %shift_right_arithmetic3A_914, %min3A_915 : i32
      %mul3A_917 = arith.constant 128 : i32
      %mul3A_918 = arith.muli %min3A_916, %mul3A_917 : i32
      %multiple_of3A_919 = tpu.assume_multiple %mul3A_918, 128 : i32
      %dma_start3A_920 = arith.constant 2 : i32
      %dma_start3A_921 = arith.constant 0 : i32
      %dma_start3A_922 = arith.constant 0 : i32
      %dma_start3A_923 = tpu.memref_slice %arg14[%dma_start3A_920, %dma_start3A_921, %dma_start3A_922] : memref<4x64x128xf32, #tpu.memory_space<vmem>> -> memref<1x64x128xf32, #tpu.memory_space<vmem>>
      %dma_start3A_924 = tpu.memref_squeeze %dma_start3A_923 : memref<1x64x128xf32, #tpu.memory_space<vmem>> -> memref<64x128xf32, #tpu.memory_space<vmem>>
      %dma_start3A_925 = arith.constant 0 : i32
      %dma_start3A_926 = tpu.memref_slice %arg4[%dma_start3A_925, %multiple_of3A_910] : memref<64x1000000xf32, #tpu.memory_space<hbm>> -> memref<64x128xf32, #tpu.memory_space<hbm>>
      %dma_start3A_927 = arith.constant 0 : i32
      %dma_start3A_928 = arith.constant 0 : i32
      %dma_start3A_929 = tpu.memref_slice %arg14[%dma_start3A_920, %dma_start3A_927, %dma_start3A_928] : memref<4x64x128xf32, #tpu.memory_space<vmem>> -> memref<1x64x128xf32, #tpu.memory_space<vmem>>
      %dma_start3A_930 = tpu.memref_squeeze %dma_start3A_929 : memref<1x64x128xf32, #tpu.memory_space<vmem>> -> memref<64x128xf32, #tpu.memory_space<vmem>>
      %dma_start3A_931 = arith.constant 0 : i32
      %dma_start3A_932 = tpu.memref_slice %arg4[%dma_start3A_931, %multiple_of3A_910] : memref<64x1000000xf32, #tpu.memory_space<hbm>> -> memref<64x128xf32, #tpu.memory_space<hbm>>
      tpu.enqueue_dma source(%dma_start3A_932 : memref<64x128xf32, #tpu.memory_space<hbm>>) target(%dma_start3A_930 : memref<64x128xf32, #tpu.memory_space<vmem>>) target_semaphore(%arg20 : memref<!tpu.dma_semaphore, #tpu.memory_space<semaphore_mem>>)
      %dma_start3A_933 = arith.constant 2 : i32
      %dma_start3A_934 = arith.constant 0 : i32
      %dma_start3A_935 = arith.constant 0 : i32
      %dma_start3A_936 = tpu.memref_slice %arg15[%dma_start3A_933, %dma_start3A_934, %dma_start3A_935] : memref<4x64x128xf32, #tpu.memory_space<vmem>> -> memref<1x64x128xf32, #tpu.memory_space<vmem>>
      %dma_start3A_937 = tpu.memref_squeeze %dma_start3A_936 : memref<1x64x128xf32, #tpu.memory_space<vmem>> -> memref<64x128xf32, #tpu.memory_space<vmem>>
      %dma_start3A_938 = arith.constant 0 : i32
      %dma_start3A_939 = tpu.memref_slice %arg5[%dma_start3A_938, %multiple_of3A_919] : memref<64x1000000xf32, #tpu.memory_space<hbm>> -> memref<64x128xf32, #tpu.memory_space<hbm>>
      %dma_start3A_940 = arith.constant 0 : i32
      %dma_start3A_941 = arith.constant 0 : i32
      %dma_start3A_942 = tpu.memref_slice %arg15[%dma_start3A_933, %dma_start3A_940, %dma_start3A_941] : memref<4x64x128xf32, #tpu.memory_space<vmem>> -> memref<1x64x128xf32, #tpu.memory_space<vmem>>
      %dma_start3A_943 = tpu.memref_squeeze %dma_start3A_942 : memref<1x64x128xf32, #tpu.memory_space<vmem>> -> memref<64x128xf32, #tpu.memory_space<vmem>>
      %dma_start3A_944 = arith.constant 0 : i32
      %dma_start3A_945 = tpu.memref_slice %arg5[%dma_start3A_944, %multiple_of3A_919] : memref<64x1000000xf32, #tpu.memory_space<hbm>> -> memref<64x128xf32, #tpu.memory_space<hbm>>
      tpu.enqueue_dma source(%dma_start3A_945 : memref<64x128xf32, #tpu.memory_space<hbm>>) target(%dma_start3A_943 : memref<64x128xf32, #tpu.memory_space<vmem>>) target_semaphore(%arg20 : memref<!tpu.dma_semaphore, #tpu.memory_space<semaphore_mem>>)
      %slice3A_946 = vector.extract_strided_slice %get3A_167 {offsets = [3], sizes = [1], strides = [1]} : vector<16xi32> to vector<1xi32>
      %squeeze3A_947 = vector.extract %slice3A_946[0] : i32 from vector<1xi32>
      %shift_right_arithmetic3A_948 = arith.constant 7 : i32
      %shift_right_arithmetic3A_949 = arith.shrsi %squeeze3A_947, %shift_right_arithmetic3A_948 : i32
      %min3A_950 = arith.constant 7811 : i32
      %min3A_951 = arith.minsi %shift_right_arithmetic3A_949, %min3A_950 : i32
      %mul3A_952 = arith.constant 128 : i32
      %mul3A_953 = arith.muli %min3A_951, %mul3A_952 : i32
      %multiple_of3A_954 = tpu.assume_multiple %mul3A_953, 128 : i32
      %slice3A_955 = vector.extract_strided_slice %get3A_171 {offsets = [3], sizes = [1], strides = [1]} : vector<16xi32> to vector<1xi32>
      %squeeze3A_956 = vector.extract %slice3A_955[0] : i32 from vector<1xi32>
      %shift_right_arithmetic3A_957 = arith.constant 7 : i32
      %shift_right_arithmetic3A_958 = arith.shrsi %squeeze3A_956, %shift_right_arithmetic3A_957 : i32
      %min3A_959 = arith.constant 7811 : i32
      %min3A_960 = arith.minsi %shift_right_arithmetic3A_958, %min3A_959 : i32
      %mul3A_961 = arith.constant 128 : i32
      %mul3A_962 = arith.muli %min3A_960, %mul3A_961 : i32
      %multiple_of3A_963 = tpu.assume_multiple %mul3A_962, 128 : i32
      %dma_wait3A_964 = arith.constant 3 : i32
      %dma_wait3A_965 = arith.constant 0 : i32
      %dma_wait3A_966 = arith.constant 0 : i32
      %dma_wait3A_967 = tpu.memref_slice %arg14[%dma_wait3A_964, %dma_wait3A_965, %dma_wait3A_966] : memref<4x64x128xf32, #tpu.memory_space<vmem>> -> memref<1x64x128xf32, #tpu.memory_space<vmem>>
      %dma_wait3A_968 = tpu.memref_squeeze %dma_wait3A_967 : memref<1x64x128xf32, #tpu.memory_space<vmem>> -> memref<64x128xf32, #tpu.memory_space<vmem>>
      %dma_wait3A_969 = arith.constant 0 : i32
      %dma_wait3A_970 = tpu.memref_slice %arg4[%dma_wait3A_969, %multiple_of3A_954] : memref<64x1000000xf32, #tpu.memory_space<hbm>> -> memref<64x128xf32, #tpu.memory_space<hbm>>
      %dma_wait3A_971 = arith.constant 0 : i32
      %dma_wait3A_972 = arith.constant 0 : i32
      %dma_wait3A_973 = tpu.memref_slice %arg14[%dma_wait3A_964, %dma_wait3A_971, %dma_wait3A_972] : memref<4x64x128xf32, #tpu.memory_space<vmem>> -> memref<1x64x128xf32, #tpu.memory_space<vmem>>
      %dma_wait3A_974 = tpu.memref_squeeze %dma_wait3A_973 : memref<1x64x128xf32, #tpu.memory_space<vmem>> -> memref<64x128xf32, #tpu.memory_space<vmem>>
      %dma_wait3A_975 = arith.constant 0 : i32
      %dma_wait3A_976 = tpu.memref_slice %arg4[%dma_wait3A_975, %multiple_of3A_954] : memref<64x1000000xf32, #tpu.memory_space<hbm>> -> memref<64x128xf32, #tpu.memory_space<hbm>>
      tpu.wait_dma2 semaphore(%arg21 : memref<!tpu.dma_semaphore, #tpu.memory_space<semaphore_mem>>) src(%dma_wait3A_976 : memref<64x128xf32, #tpu.memory_space<hbm>>) dst(%dma_wait3A_974 : memref<64x128xf32, #tpu.memory_space<vmem>>)
      %dma_wait3A_977 = arith.constant 3 : i32
      %dma_wait3A_978 = arith.constant 0 : i32
      %dma_wait3A_979 = arith.constant 0 : i32
      %dma_wait3A_980 = tpu.memref_slice %arg15[%dma_wait3A_977, %dma_wait3A_978, %dma_wait3A_979] : memref<4x64x128xf32, #tpu.memory_space<vmem>> -> memref<1x64x128xf32, #tpu.memory_space<vmem>>
      %dma_wait3A_981 = tpu.memref_squeeze %dma_wait3A_980 : memref<1x64x128xf32, #tpu.memory_space<vmem>> -> memref<64x128xf32, #tpu.memory_space<vmem>>
      %dma_wait3A_982 = arith.constant 0 : i32
      %dma_wait3A_983 = tpu.memref_slice %arg5[%dma_wait3A_982, %multiple_of3A_963] : memref<64x1000000xf32, #tpu.memory_space<hbm>> -> memref<64x128xf32, #tpu.memory_space<hbm>>
      %dma_wait3A_984 = arith.constant 0 : i32
      %dma_wait3A_985 = arith.constant 0 : i32
      %dma_wait3A_986 = tpu.memref_slice %arg15[%dma_wait3A_977, %dma_wait3A_984, %dma_wait3A_985] : memref<4x64x128xf32, #tpu.memory_space<vmem>> -> memref<1x64x128xf32, #tpu.memory_space<vmem>>
      %dma_wait3A_987 = tpu.memref_squeeze %dma_wait3A_986 : memref<1x64x128xf32, #tpu.memory_space<vmem>> -> memref<64x128xf32, #tpu.memory_space<vmem>>
      %dma_wait3A_988 = arith.constant 0 : i32
      %dma_wait3A_989 = tpu.memref_slice %arg5[%dma_wait3A_988, %multiple_of3A_963] : memref<64x1000000xf32, #tpu.memory_space<hbm>> -> memref<64x128xf32, #tpu.memory_space<hbm>>
      tpu.wait_dma2 semaphore(%arg21 : memref<!tpu.dma_semaphore, #tpu.memory_space<semaphore_mem>>) src(%dma_wait3A_989 : memref<64x128xf32, #tpu.memory_space<hbm>>) dst(%dma_wait3A_987 : memref<64x128xf32, #tpu.memory_space<vmem>>)
      %mul3A_990 = arith.constant 16 : i32
      %mul3A_991 = arith.muli %add3A_163, %mul3A_990 : i32
      %add3A_992 = arith.constant 3 : i32
      %add3A_993 = arith.addi %mul3A_991, %add3A_992 : i32
      %slice3A_994 = vector.extract_strided_slice %get3A_167 {offsets = [3], sizes = [1], strides = [1]} : vector<16xi32> to vector<1xi32>
      %squeeze3A_995 = vector.extract %slice3A_994[0] : i32 from vector<1xi32>
      %broadcast_in_dim3A_996 = vector.broadcast %squeeze3A_995 : i32 to vector<16xi32>
      %and3A_997 = arith.constant 127 : i32
      %and3A_998 = vector.broadcast %and3A_997 : i32 to vector<16xi32>
      %and3A_999 = arith.andi %broadcast_in_dim3A_996, %and3A_998 : vector<16xi32>
      %sub3A_1000 = arith.constant 999936 : i32
      %sub3A_1001 = vector.broadcast %sub3A_1000 : i32 to vector<16xi32>
      %sub3A_1002 = arith.subi %broadcast_in_dim3A_996, %sub3A_1001 : vector<16xi32>
      %max3A_1003 = arith.constant 0 : i32
      %max3A_1004 = vector.broadcast %max3A_1003 : i32 to vector<16xi32>
      %max3A_1005 = arith.maxsi %sub3A_1002, %max3A_1004 : vector<16xi32>
      %ge3A_1006 = arith.constant 999936 : i32
      %ge3A_1007 = vector.broadcast %ge3A_1006 : i32 to vector<16xi32>
      %ge3A_1008 = arith.cmpi sge, %broadcast_in_dim3A_996, %ge3A_1007 : vector<16xi32>
      %slice3A_1009 = vector.extract_strided_slice %get3A_171 {offsets = [3], sizes = [1], strides = [1]} : vector<16xi32> to vector<1xi32>
      %squeeze3A_1010 = vector.extract %slice3A_1009[0] : i32 from vector<1xi32>
      %broadcast_in_dim3A_1011 = vector.broadcast %squeeze3A_1010 : i32 to vector<16xi32>
      %and3A_1012 = arith.constant 127 : i32
      %and3A_1013 = vector.broadcast %and3A_1012 : i32 to vector<16xi32>
      %and3A_1014 = arith.andi %broadcast_in_dim3A_1011, %and3A_1013 : vector<16xi32>
      %sub3A_1015 = arith.constant 999936 : i32
      %sub3A_1016 = vector.broadcast %sub3A_1015 : i32 to vector<16xi32>
      %sub3A_1017 = arith.subi %broadcast_in_dim3A_1011, %sub3A_1016 : vector<16xi32>
      %max3A_1018 = arith.constant 0 : i32
      %max3A_1019 = vector.broadcast %max3A_1018 : i32 to vector<16xi32>
      %max3A_1020 = arith.maxsi %sub3A_1017, %max3A_1019 : vector<16xi32>
      %ge3A_1021 = arith.constant 999936 : i32
      %ge3A_1022 = vector.broadcast %ge3A_1021 : i32 to vector<16xi32>
      %ge3A_1023 = arith.cmpi sge, %broadcast_in_dim3A_1011, %ge3A_1022 : vector<16xi32>
      %add3A_1024 = arith.constant 0 : i32
      %add3A_1025 = vector.broadcast %add3A_1024 : i32 to vector<16xi32>
      %add3A_1026 = arith.addi %iota3A_23, %add3A_1025 : vector<16xi32>
      %gather3A_1027 = arith.constant 3 : i32
      %gather3A_1028 = arith.constant 0 : i32
      %gather3A_1029 = arith.constant 0 : i32
      %gather3A_1030 = tpu.memref_slice %arg14[%gather3A_1027, %gather3A_1028, %gather3A_1029] : memref<4x64x128xf32, #tpu.memory_space<vmem>> -> memref<1x64x128xf32, #tpu.memory_space<vmem>>
      %gather3A_1031 = tpu.memref_squeeze %gather3A_1030 : memref<1x64x128xf32, #tpu.memory_space<vmem>> -> memref<64x128xf32, #tpu.memory_space<vmem>>
      %gather3A_1032 = tpu.vector_load_idx %gather3A_1031[%add3A_1026, %and3A_999] : memref<64x128xf32, #tpu.memory_space<vmem>>[vector<16xi32>, vector<16xi32>], vector<16xf32>,
      %add3A_1033 = arith.constant 0 : i32
      %add3A_1034 = vector.broadcast %add3A_1033 : i32 to vector<16xi32>
      %add3A_1035 = arith.addi %iota3A_23, %add3A_1034 : vector<16xi32>
      %gather3A_1036 = tpu.vector_load_idx %arg12[%add3A_1035, %max3A_1005] : memref<64x128xf32, #tpu.memory_space<vmem>>[vector<16xi32>, vector<16xi32>], vector<16xf32>,
      %select_n3A_1037 = arith.select %ge3A_1008, %gather3A_1036, %gather3A_1032 : vector<16xi1>, vector<16xf32>
      %add3A_1038 = arith.constant 0 : i32
      %add3A_1039 = vector.broadcast %add3A_1038 : i32 to vector<16xi32>
      %add3A_1040 = arith.addi %iota3A_23, %add3A_1039 : vector<16xi32>
      %gather3A_1041 = arith.constant 3 : i32
      %gather3A_1042 = arith.constant 0 : i32
      %gather3A_1043 = arith.constant 0 : i32
      %gather3A_1044 = tpu.memref_slice %arg15[%gather3A_1041, %gather3A_1042, %gather3A_1043] : memref<4x64x128xf32, #tpu.memory_space<vmem>> -> memref<1x64x128xf32, #tpu.memory_space<vmem>>
      %gather3A_1045 = tpu.memref_squeeze %gather3A_1044 : memref<1x64x128xf32, #tpu.memory_space<vmem>> -> memref<64x128xf32, #tpu.memory_space<vmem>>
      %gather3A_1046 = tpu.vector_load_idx %gather3A_1045[%add3A_1040, %and3A_1014] : memref<64x128xf32, #tpu.memory_space<vmem>>[vector<16xi32>, vector<16xi32>], vector<16xf32>,
      %add3A_1047 = arith.constant 0 : i32
      %add3A_1048 = vector.broadcast %add3A_1047 : i32 to vector<16xi32>
      %add3A_1049 = arith.addi %iota3A_23, %add3A_1048 : vector<16xi32>
      %gather3A_1050 = tpu.vector_load_idx %arg13[%add3A_1049, %max3A_1020] : memref<64x128xf32, #tpu.memory_space<vmem>>[vector<16xi32>, vector<16xi32>], vector<16xf32>,
      %select_n3A_1051 = arith.select %ge3A_1023, %gather3A_1050, %gather3A_1046 : vector<16xi1>, vector<16xf32>
      %mul3A_1052 = arith.mulf %select_n3A_1037, %select_n3A_1051 : vector<16xf32>
      %add3A_1053 = arith.constant 16 : i32
      %add3A_1054 = vector.broadcast %add3A_1053 : i32 to vector<16xi32>
      %add3A_1055 = arith.addi %iota3A_23, %add3A_1054 : vector<16xi32>
      %gather3A_1056 = arith.constant 3 : i32
      %gather3A_1057 = arith.constant 0 : i32
      %gather3A_1058 = arith.constant 0 : i32
      %gather3A_1059 = tpu.memref_slice %arg14[%gather3A_1056, %gather3A_1057, %gather3A_1058] : memref<4x64x128xf32, #tpu.memory_space<vmem>> -> memref<1x64x128xf32, #tpu.memory_space<vmem>>
      %gather3A_1060 = tpu.memref_squeeze %gather3A_1059 : memref<1x64x128xf32, #tpu.memory_space<vmem>> -> memref<64x128xf32, #tpu.memory_space<vmem>>
      %gather3A_1061 = tpu.vector_load_idx %gather3A_1060[%add3A_1055, %and3A_999] : memref<64x128xf32, #tpu.memory_space<vmem>>[vector<16xi32>, vector<16xi32>], vector<16xf32>,
      %add3A_1062 = arith.constant 16 : i32
      %add3A_1063 = vector.broadcast %add3A_1062 : i32 to vector<16xi32>
      %add3A_1064 = arith.addi %iota3A_23, %add3A_1063 : vector<16xi32>
      %gather3A_1065 = tpu.vector_load_idx %arg12[%add3A_1064, %max3A_1005] : memref<64x128xf32, #tpu.memory_space<vmem>>[vector<16xi32>, vector<16xi32>], vector<16xf32>,
      %select_n3A_1066 = arith.select %ge3A_1008, %gather3A_1065, %gather3A_1061 : vector<16xi1>, vector<16xf32>
      %add3A_1067 = arith.constant 16 : i32
      %add3A_1068 = vector.broadcast %add3A_1067 : i32 to vector<16xi32>
      %add3A_1069 = arith.addi %iota3A_23, %add3A_1068 : vector<16xi32>
      %gather3A_1070 = arith.constant 3 : i32
      %gather3A_1071 = arith.constant 0 : i32
      %gather3A_1072 = arith.constant 0 : i32
      %gather3A_1073 = tpu.memref_slice %arg15[%gather3A_1070, %gather3A_1071, %gather3A_1072] : memref<4x64x128xf32, #tpu.memory_space<vmem>> -> memref<1x64x128xf32, #tpu.memory_space<vmem>>
      %gather3A_1074 = tpu.memref_squeeze %gather3A_1073 : memref<1x64x128xf32, #tpu.memory_space<vmem>> -> memref<64x128xf32, #tpu.memory_space<vmem>>
      %gather3A_1075 = tpu.vector_load_idx %gather3A_1074[%add3A_1069, %and3A_1014] : memref<64x128xf32, #tpu.memory_space<vmem>>[vector<16xi32>, vector<16xi32>], vector<16xf32>,
      %add3A_1076 = arith.constant 16 : i32
      %add3A_1077 = vector.broadcast %add3A_1076 : i32 to vector<16xi32>
      %add3A_1078 = arith.addi %iota3A_23, %add3A_1077 : vector<16xi32>
      %gather3A_1079 = tpu.vector_load_idx %arg13[%add3A_1078, %max3A_1020] : memref<64x128xf32, #tpu.memory_space<vmem>>[vector<16xi32>, vector<16xi32>], vector<16xf32>,
      %select_n3A_1080 = arith.select %ge3A_1023, %gather3A_1079, %gather3A_1075 : vector<16xi1>, vector<16xf32>
      %mul3A_1081 = arith.mulf %select_n3A_1066, %select_n3A_1080 : vector<16xf32>
      %add3A_1082 = arith.addf %mul3A_1052, %mul3A_1081 : vector<16xf32>
      %add3A_1083 = arith.constant 32 : i32
      %add3A_1084 = vector.broadcast %add3A_1083 : i32 to vector<16xi32>
      %add3A_1085 = arith.addi %iota3A_23, %add3A_1084 : vector<16xi32>
      %gather3A_1086 = arith.constant 3 : i32
      %gather3A_1087 = arith.constant 0 : i32
      %gather3A_1088 = arith.constant 0 : i32
      %gather3A_1089 = tpu.memref_slice %arg14[%gather3A_1086, %gather3A_1087, %gather3A_1088] : memref<4x64x128xf32, #tpu.memory_space<vmem>> -> memref<1x64x128xf32, #tpu.memory_space<vmem>>
      %gather3A_1090 = tpu.memref_squeeze %gather3A_1089 : memref<1x64x128xf32, #tpu.memory_space<vmem>> -> memref<64x128xf32, #tpu.memory_space<vmem>>
      %gather3A_1091 = tpu.vector_load_idx %gather3A_1090[%add3A_1085, %and3A_999] : memref<64x128xf32, #tpu.memory_space<vmem>>[vector<16xi32>, vector<16xi32>], vector<16xf32>,
      %add3A_1092 = arith.constant 32 : i32
      %add3A_1093 = vector.broadcast %add3A_1092 : i32 to vector<16xi32>
      %add3A_1094 = arith.addi %iota3A_23, %add3A_1093 : vector<16xi32>
      %gather3A_1095 = tpu.vector_load_idx %arg12[%add3A_1094, %max3A_1005] : memref<64x128xf32, #tpu.memory_space<vmem>>[vector<16xi32>, vector<16xi32>], vector<16xf32>,
      %select_n3A_1096 = arith.select %ge3A_1008, %gather3A_1095, %gather3A_1091 : vector<16xi1>, vector<16xf32>
      %add3A_1097 = arith.constant 32 : i32
      %add3A_1098 = vector.broadcast %add3A_1097 : i32 to vector<16xi32>
      %add3A_1099 = arith.addi %iota3A_23, %add3A_1098 : vector<16xi32>
      %gather3A_1100 = arith.constant 3 : i32
      %gather3A_1101 = arith.constant 0 : i32
      %gather3A_1102 = arith.constant 0 : i32
      %gather3A_1103 = tpu.memref_slice %arg15[%gather3A_1100, %gather3A_1101, %gather3A_1102] : memref<4x64x128xf32, #tpu.memory_space<vmem>> -> memref<1x64x128xf32, #tpu.memory_space<vmem>>
      %gather3A_1104 = tpu.memref_squeeze %gather3A_1103 : memref<1x64x128xf32, #tpu.memory_space<vmem>> -> memref<64x128xf32, #tpu.memory_space<vmem>>
      %gather3A_1105 = tpu.vector_load_idx %gather3A_1104[%add3A_1099, %and3A_1014] : memref<64x128xf32, #tpu.memory_space<vmem>>[vector<16xi32>, vector<16xi32>], vector<16xf32>,
      %add3A_1106 = arith.constant 32 : i32
      %add3A_1107 = vector.broadcast %add3A_1106 : i32 to vector<16xi32>
      %add3A_1108 = arith.addi %iota3A_23, %add3A_1107 : vector<16xi32>
      %gather3A_1109 = tpu.vector_load_idx %arg13[%add3A_1108, %max3A_1020] : memref<64x128xf32, #tpu.memory_space<vmem>>[vector<16xi32>, vector<16xi32>], vector<16xf32>,
      %select_n3A_1110 = arith.select %ge3A_1023, %gather3A_1109, %gather3A_1105 : vector<16xi1>, vector<16xf32>
      %mul3A_1111 = arith.mulf %select_n3A_1096, %select_n3A_1110 : vector<16xf32>
      %add3A_1112 = arith.addf %add3A_1082, %mul3A_1111 : vector<16xf32>
      %add3A_1113 = arith.constant 48 : i32
      %add3A_1114 = vector.broadcast %add3A_1113 : i32 to vector<16xi32>
      %add3A_1115 = arith.addi %iota3A_23, %add3A_1114 : vector<16xi32>
      %gather3A_1116 = arith.constant 3 : i32
      %gather3A_1117 = arith.constant 0 : i32
      %gather3A_1118 = arith.constant 0 : i32
      %gather3A_1119 = tpu.memref_slice %arg14[%gather3A_1116, %gather3A_1117, %gather3A_1118] : memref<4x64x128xf32, #tpu.memory_space<vmem>> -> memref<1x64x128xf32, #tpu.memory_space<vmem>>
      %gather3A_1120 = tpu.memref_squeeze %gather3A_1119 : memref<1x64x128xf32, #tpu.memory_space<vmem>> -> memref<64x128xf32, #tpu.memory_space<vmem>>
      %gather3A_1121 = tpu.vector_load_idx %gather3A_1120[%add3A_1115, %and3A_999] : memref<64x128xf32, #tpu.memory_space<vmem>>[vector<16xi32>, vector<16xi32>], vector<16xf32>,
      %add3A_1122 = arith.constant 48 : i32
      %add3A_1123 = vector.broadcast %add3A_1122 : i32 to vector<16xi32>
      %add3A_1124 = arith.addi %iota3A_23, %add3A_1123 : vector<16xi32>
      %gather3A_1125 = tpu.vector_load_idx %arg12[%add3A_1124, %max3A_1005] : memref<64x128xf32, #tpu.memory_space<vmem>>[vector<16xi32>, vector<16xi32>], vector<16xf32>,
      %select_n3A_1126 = arith.select %ge3A_1008, %gather3A_1125, %gather3A_1121 : vector<16xi1>, vector<16xf32>
      %add3A_1127 = arith.constant 48 : i32
      %add3A_1128 = vector.broadcast %add3A_1127 : i32 to vector<16xi32>
      %add3A_1129 = arith.addi %iota3A_23, %add3A_1128 : vector<16xi32>
      %gather3A_1130 = arith.constant 3 : i32
      %gather3A_1131 = arith.constant 0 : i32
      %gather3A_1132 = arith.constant 0 : i32
      %gather3A_1133 = tpu.memref_slice %arg15[%gather3A_1130, %gather3A_1131, %gather3A_1132] : memref<4x64x128xf32, #tpu.memory_space<vmem>> -> memref<1x64x128xf32, #tpu.memory_space<vmem>>
      %gather3A_1134 = tpu.memref_squeeze %gather3A_1133 : memref<1x64x128xf32, #tpu.memory_space<vmem>> -> memref<64x128xf32, #tpu.memory_space<vmem>>
      %gather3A_1135 = tpu.vector_load_idx %gather3A_1134[%add3A_1129, %and3A_1014] : memref<64x128xf32, #tpu.memory_space<vmem>>[vector<16xi32>, vector<16xi32>], vector<16xf32>,
      %add3A_1136 = arith.constant 48 : i32
      %add3A_1137 = vector.broadcast %add3A_1136 : i32 to vector<16xi32>
      %add3A_1138 = arith.addi %iota3A_23, %add3A_1137 : vector<16xi32>
      %gather3A_1139 = tpu.vector_load_idx %arg13[%add3A_1138, %max3A_1020] : memref<64x128xf32, #tpu.memory_space<vmem>>[vector<16xi32>, vector<16xi32>], vector<16xf32>,
      %select_n3A_1140 = arith.select %ge3A_1023, %gather3A_1139, %gather3A_1135 : vector<16xi1>, vector<16xf32>
      %mul3A_1141 = arith.mulf %select_n3A_1126, %select_n3A_1140 : vector<16xf32>
      %add3A_1142 = arith.addf %add3A_1112, %mul3A_1141 : vector<16xf32>
      %mul3A_1143 = arith.constant 512 : i32
      %mul3A_1144 = vector.broadcast %mul3A_1143 : i32 to vector<16xi32>
      %mul3A_1145 = arith.muli %iota3A_23, %mul3A_1144 : vector<16xi32>
      %add3A_1146 = vector.broadcast %add3A_993 : i32 to vector<16xi32>
      %add3A_1147 = arith.addi %mul3A_1145, %add3A_1146 : vector<16xi32>
      tpu.vector_store_idx %arg16[%add3A_1147], %add3A_1142 : memref<8192xf32, #tpu.memory_space<vmem>>[vector<16xi32>], vector<16xf32>,
      %slice3A_1148 = vector.extract_strided_slice %get3A_167 {offsets = [7], sizes = [1], strides = [1]} : vector<16xi32> to vector<1xi32>
      %squeeze3A_1149 = vector.extract %slice3A_1148[0] : i32 from vector<1xi32>
      %shift_right_arithmetic3A_1150 = arith.constant 7 : i32
      %shift_right_arithmetic3A_1151 = arith.shrsi %squeeze3A_1149, %shift_right_arithmetic3A_1150 : i32
      %min3A_1152 = arith.constant 7811 : i32
      %min3A_1153 = arith.minsi %shift_right_arithmetic3A_1151, %min3A_1152 : i32
      %mul3A_1154 = arith.constant 128 : i32
      %mul3A_1155 = arith.muli %min3A_1153, %mul3A_1154 : i32
      %multiple_of3A_1156 = tpu.assume_multiple %mul3A_1155, 128 : i32
      %slice3A_1157 = vector.extract_strided_slice %get3A_171 {offsets = [7], sizes = [1], strides = [1]} : vector<16xi32> to vector<1xi32>
      %squeeze3A_1158 = vector.extract %slice3A_1157[0] : i32 from vector<1xi32>
      %shift_right_arithmetic3A_1159 = arith.constant 7 : i32
      %shift_right_arithmetic3A_1160 = arith.shrsi %squeeze3A_1158, %shift_right_arithmetic3A_1159 : i32
      %min3A_1161 = arith.constant 7811 : i32
      %min3A_1162 = arith.minsi %shift_right_arithmetic3A_1160, %min3A_1161 : i32
      %mul3A_1163 = arith.constant 128 : i32
      %mul3A_1164 = arith.muli %min3A_1162, %mul3A_1163 : i32
      %multiple_of3A_1165 = tpu.assume_multiple %mul3A_1164, 128 : i32
      %dma_start3A_1166 = arith.constant 3 : i32
      %dma_start3A_1167 = arith.constant 0 : i32
      %dma_start3A_1168 = arith.constant 0 : i32
      %dma_start3A_1169 = tpu.memref_slice %arg14[%dma_start3A_1166, %dma_start3A_1167, %dma_start3A_1168] : memref<4x64x128xf32, #tpu.memory_space<vmem>> -> memref<1x64x128xf32, #tpu.memory_space<vmem>>
      %dma_start3A_1170 = tpu.memref_squeeze %dma_start3A_1169 : memref<1x64x128xf32, #tpu.memory_space<vmem>> -> memref<64x128xf32, #tpu.memory_space<vmem>>
      %dma_start3A_1171 = arith.constant 0 : i32
      %dma_start3A_1172 = tpu.memref_slice %arg4[%dma_start3A_1171, %multiple_of3A_1156] : memref<64x1000000xf32, #tpu.memory_space<hbm>> -> memref<64x128xf32, #tpu.memory_space<hbm>>
      %dma_start3A_1173 = arith.constant 0 : i32
      %dma_start3A_1174 = arith.constant 0 : i32
      %dma_start3A_1175 = tpu.memref_slice %arg14[%dma_start3A_1166, %dma_start3A_1173, %dma_start3A_1174] : memref<4x64x128xf32, #tpu.memory_space<vmem>> -> memref<1x64x128xf32, #tpu.memory_space<vmem>>
      %dma_start3A_1176 = tpu.memref_squeeze %dma_start3A_1175 : memref<1x64x128xf32, #tpu.memory_space<vmem>> -> memref<64x128xf32, #tpu.memory_space<vmem>>
      %dma_start3A_1177 = arith.constant 0 : i32
      %dma_start3A_1178 = tpu.memref_slice %arg4[%dma_start3A_1177, %multiple_of3A_1156] : memref<64x1000000xf32, #tpu.memory_space<hbm>> -> memref<64x128xf32, #tpu.memory_space<hbm>>
      tpu.enqueue_dma source(%dma_start3A_1178 : memref<64x128xf32, #tpu.memory_space<hbm>>) target(%dma_start3A_1176 : memref<64x128xf32, #tpu.memory_space<vmem>>) target_semaphore(%arg21 : memref<!tpu.dma_semaphore, #tpu.memory_space<semaphore_mem>>)
      %dma_start3A_1179 = arith.constant 3 : i32
      %dma_start3A_1180 = arith.constant 0 : i32
      %dma_start3A_1181 = arith.constant 0 : i32
      %dma_start3A_1182 = tpu.memref_slice %arg15[%dma_start3A_1179, %dma_start3A_1180, %dma_start3A_1181] : memref<4x64x128xf32, #tpu.memory_space<vmem>> -> memref<1x64x128xf32, #tpu.memory_space<vmem>>
      %dma_start3A_1183 = tpu.memref_squeeze %dma_start3A_1182 : memref<1x64x128xf32, #tpu.memory_space<vmem>> -> memref<64x128xf32, #tpu.memory_space<vmem>>
      %dma_start3A_1184 = arith.constant 0 : i32
      %dma_start3A_1185 = tpu.memref_slice %arg5[%dma_start3A_1184, %multiple_of3A_1165] : memref<64x1000000xf32, #tpu.memory_space<hbm>> -> memref<64x128xf32, #tpu.memory_space<hbm>>
      %dma_start3A_1186 = arith.constant 0 : i32
      %dma_start3A_1187 = arith.constant 0 : i32
      %dma_start3A_1188 = tpu.memref_slice %arg15[%dma_start3A_1179, %dma_start3A_1186, %dma_start3A_1187] : memref<4x64x128xf32, #tpu.memory_space<vmem>> -> memref<1x64x128xf32, #tpu.memory_space<vmem>>
      %dma_start3A_1189 = tpu.memref_squeeze %dma_start3A_1188 : memref<1x64x128xf32, #tpu.memory_space<vmem>> -> memref<64x128xf32, #tpu.memory_space<vmem>>
      %dma_start3A_1190 = arith.constant 0 : i32
      %dma_start3A_1191 = tpu.memref_slice %arg5[%dma_start3A_1190, %multiple_of3A_1165] : memref<64x1000000xf32, #tpu.memory_space<hbm>> -> memref<64x128xf32, #tpu.memory_space<hbm>>
      tpu.enqueue_dma source(%dma_start3A_1191 : memref<64x128xf32, #tpu.memory_space<hbm>>) target(%dma_start3A_1189 : memref<64x128xf32, #tpu.memory_space<vmem>>) target_semaphore(%arg21 : memref<!tpu.dma_semaphore, #tpu.memory_space<semaphore_mem>>)
      %slice3A_1192 = vector.extract_strided_slice %get3A_167 {offsets = [4], sizes = [1], strides = [1]} : vector<16xi32> to vector<1xi32>
      %squeeze3A_1193 = vector.extract %slice3A_1192[0] : i32 from vector<1xi32>
      %shift_right_arithmetic3A_1194 = arith.constant 7 : i32
      %shift_right_arithmetic3A_1195 = arith.shrsi %squeeze3A_1193, %shift_right_arithmetic3A_1194 : i32
      %min3A_1196 = arith.constant 7811 : i32
      %min3A_1197 = arith.minsi %shift_right_arithmetic3A_1195, %min3A_1196 : i32
      %mul3A_1198 = arith.constant 128 : i32
      %mul3A_1199 = arith.muli %min3A_1197, %mul3A_1198 : i32
      %multiple_of3A_1200 = tpu.assume_multiple %mul3A_1199, 128 : i32
      %slice3A_1201 = vector.extract_strided_slice %get3A_171 {offsets = [4], sizes = [1], strides = [1]} : vector<16xi32> to vector<1xi32>
      %squeeze3A_1202 = vector.extract %slice3A_1201[0] : i32 from vector<1xi32>
      %shift_right_arithmetic3A_1203 = arith.constant 7 : i32
      %shift_right_arithmetic3A_1204 = arith.shrsi %squeeze3A_1202, %shift_right_arithmetic3A_1203 : i32
      %min3A_1205 = arith.constant 7811 : i32
      %min3A_1206 = arith.minsi %shift_right_arithmetic3A_1204, %min3A_1205 : i32
      %mul3A_1207 = arith.constant 128 : i32
      %mul3A_1208 = arith.muli %min3A_1206, %mul3A_1207 : i32
      %multiple_of3A_1209 = tpu.assume_multiple %mul3A_1208, 128 : i32
      %dma_wait3A_1210 = arith.constant 0 : i32
      %dma_wait3A_1211 = arith.constant 0 : i32
      %dma_wait3A_1212 = arith.constant 0 : i32
      %dma_wait3A_1213 = tpu.memref_slice %arg14[%dma_wait3A_1210, %dma_wait3A_1211, %dma_wait3A_1212] : memref<4x64x128xf32, #tpu.memory_space<vmem>> -> memref<1x64x128xf32, #tpu.memory_space<vmem>>
      %dma_wait3A_1214 = tpu.memref_squeeze %dma_wait3A_1213 : memref<1x64x128xf32, #tpu.memory_space<vmem>> -> memref<64x128xf32, #tpu.memory_space<vmem>>
      %dma_wait3A_1215 = arith.constant 0 : i32
      %dma_wait3A_1216 = tpu.memref_slice %arg4[%dma_wait3A_1215, %multiple_of3A_1200] : memref<64x1000000xf32, #tpu.memory_space<hbm>> -> memref<64x128xf32, #tpu.memory_space<hbm>>
      %dma_wait3A_1217 = arith.constant 0 : i32
      %dma_wait3A_1218 = arith.constant 0 : i32
      %dma_wait3A_1219 = tpu.memref_slice %arg14[%dma_wait3A_1210, %dma_wait3A_1217, %dma_wait3A_1218] : memref<4x64x128xf32, #tpu.memory_space<vmem>> -> memref<1x64x128xf32, #tpu.memory_space<vmem>>
      %dma_wait3A_1220 = tpu.memref_squeeze %dma_wait3A_1219 : memref<1x64x128xf32, #tpu.memory_space<vmem>> -> memref<64x128xf32, #tpu.memory_space<vmem>>
      %dma_wait3A_1221 = arith.constant 0 : i32
      %dma_wait3A_1222 = tpu.memref_slice %arg4[%dma_wait3A_1221, %multiple_of3A_1200] : memref<64x1000000xf32, #tpu.memory_space<hbm>> -> memref<64x128xf32, #tpu.memory_space<hbm>>
      tpu.wait_dma2 semaphore(%arg18 : memref<!tpu.dma_semaphore, #tpu.memory_space<semaphore_mem>>) src(%dma_wait3A_1222 : memref<64x128xf32, #tpu.memory_space<hbm>>) dst(%dma_wait3A_1220 : memref<64x128xf32, #tpu.memory_space<vmem>>)
      %dma_wait3A_1223 = arith.constant 0 : i32
      %dma_wait3A_1224 = arith.constant 0 : i32
      %dma_wait3A_1225 = arith.constant 0 : i32
      %dma_wait3A_1226 = tpu.memref_slice %arg15[%dma_wait3A_1223, %dma_wait3A_1224, %dma_wait3A_1225] : memref<4x64x128xf32, #tpu.memory_space<vmem>> -> memref<1x64x128xf32, #tpu.memory_space<vmem>>
      %dma_wait3A_1227 = tpu.memref_squeeze %dma_wait3A_1226 : memref<1x64x128xf32, #tpu.memory_space<vmem>> -> memref<64x128xf32, #tpu.memory_space<vmem>>
      %dma_wait3A_1228 = arith.constant 0 : i32
      %dma_wait3A_1229 = tpu.memref_slice %arg5[%dma_wait3A_1228, %multiple_of3A_1209] : memref<64x1000000xf32, #tpu.memory_space<hbm>> -> memref<64x128xf32, #tpu.memory_space<hbm>>
      %dma_wait3A_1230 = arith.constant 0 : i32
      %dma_wait3A_1231 = arith.constant 0 : i32
      %dma_wait3A_1232 = tpu.memref_slice %arg15[%dma_wait3A_1223, %dma_wait3A_1230, %dma_wait3A_1231] : memref<4x64x128xf32, #tpu.memory_space<vmem>> -> memref<1x64x128xf32, #tpu.memory_space<vmem>>
      %dma_wait3A_1233 = tpu.memref_squeeze %dma_wait3A_1232 : memref<1x64x128xf32, #tpu.memory_space<vmem>> -> memref<64x128xf32, #tpu.memory_space<vmem>>
      %dma_wait3A_1234 = arith.constant 0 : i32
      %dma_wait3A_1235 = tpu.memref_slice %arg5[%dma_wait3A_1234, %multiple_of3A_1209] : memref<64x1000000xf32, #tpu.memory_space<hbm>> -> memref<64x128xf32, #tpu.memory_space<hbm>>
      tpu.wait_dma2 semaphore(%arg18 : memref<!tpu.dma_semaphore, #tpu.memory_space<semaphore_mem>>) src(%dma_wait3A_1235 : memref<64x128xf32, #tpu.memory_space<hbm>>) dst(%dma_wait3A_1233 : memref<64x128xf32, #tpu.memory_space<vmem>>)
      %mul3A_1236 = arith.constant 16 : i32
      %mul3A_1237 = arith.muli %add3A_163, %mul3A_1236 : i32
      %add3A_1238 = arith.constant 4 : i32
      %add3A_1239 = arith.addi %mul3A_1237, %add3A_1238 : i32
      %slice3A_1240 = vector.extract_strided_slice %get3A_167 {offsets = [4], sizes = [1], strides = [1]} : vector<16xi32> to vector<1xi32>
      %squeeze3A_1241 = vector.extract %slice3A_1240[0] : i32 from vector<1xi32>
      %broadcast_in_dim3A_1242 = vector.broadcast %squeeze3A_1241 : i32 to vector<16xi32>
      %and3A_1243 = arith.constant 127 : i32
      %and3A_1244 = vector.broadcast %and3A_1243 : i32 to vector<16xi32>
      %and3A_1245 = arith.andi %broadcast_in_dim3A_1242, %and3A_1244 : vector<16xi32>
      %sub3A_1246 = arith.constant 999936 : i32
      %sub3A_1247 = vector.broadcast %sub3A_1246 : i32 to vector<16xi32>
      %sub3A_1248 = arith.subi %broadcast_in_dim3A_1242, %sub3A_1247 : vector<16xi32>
      %max3A_1249 = arith.constant 0 : i32
      %max3A_1250 = vector.broadcast %max3A_1249 : i32 to vector<16xi32>
      %max3A_1251 = arith.maxsi %sub3A_1248, %max3A_1250 : vector<16xi32>
      %ge3A_1252 = arith.constant 999936 : i32
      %ge3A_1253 = vector.broadcast %ge3A_1252 : i32 to vector<16xi32>
      %ge3A_1254 = arith.cmpi sge, %broadcast_in_dim3A_1242, %ge3A_1253 : vector<16xi32>
      %slice3A_1255 = vector.extract_strided_slice %get3A_171 {offsets = [4], sizes = [1], strides = [1]} : vector<16xi32> to vector<1xi32>
      %squeeze3A_1256 = vector.extract %slice3A_1255[0] : i32 from vector<1xi32>
      %broadcast_in_dim3A_1257 = vector.broadcast %squeeze3A_1256 : i32 to vector<16xi32>
      %and3A_1258 = arith.constant 127 : i32
      %and3A_1259 = vector.broadcast %and3A_1258 : i32 to vector<16xi32>
      %and3A_1260 = arith.andi %broadcast_in_dim3A_1257, %and3A_1259 : vector<16xi32>
      %sub3A_1261 = arith.constant 999936 : i32
      %sub3A_1262 = vector.broadcast %sub3A_1261 : i32 to vector<16xi32>
      %sub3A_1263 = arith.subi %broadcast_in_dim3A_1257, %sub3A_1262 : vector<16xi32>
      %max3A_1264 = arith.constant 0 : i32
      %max3A_1265 = vector.broadcast %max3A_1264 : i32 to vector<16xi32>
      %max3A_1266 = arith.maxsi %sub3A_1263, %max3A_1265 : vector<16xi32>
      %ge3A_1267 = arith.constant 999936 : i32
      %ge3A_1268 = vector.broadcast %ge3A_1267 : i32 to vector<16xi32>
      %ge3A_1269 = arith.cmpi sge, %broadcast_in_dim3A_1257, %ge3A_1268 : vector<16xi32>
      %add3A_1270 = arith.constant 0 : i32
      %add3A_1271 = vector.broadcast %add3A_1270 : i32 to vector<16xi32>
      %add3A_1272 = arith.addi %iota3A_23, %add3A_1271 : vector<16xi32>
      %gather3A_1273 = arith.constant 0 : i32
      %gather3A_1274 = arith.constant 0 : i32
      %gather3A_1275 = arith.constant 0 : i32
      %gather3A_1276 = tpu.memref_slice %arg14[%gather3A_1273, %gather3A_1274, %gather3A_1275] : memref<4x64x128xf32, #tpu.memory_space<vmem>> -> memref<1x64x128xf32, #tpu.memory_space<vmem>>
      %gather3A_1277 = tpu.memref_squeeze %gather3A_1276 : memref<1x64x128xf32, #tpu.memory_space<vmem>> -> memref<64x128xf32, #tpu.memory_space<vmem>>
      %gather3A_1278 = tpu.vector_load_idx %gather3A_1277[%add3A_1272, %and3A_1245] : memref<64x128xf32, #tpu.memory_space<vmem>>[vector<16xi32>, vector<16xi32>], vector<16xf32>,
      %add3A_1279 = arith.constant 0 : i32
      %add3A_1280 = vector.broadcast %add3A_1279 : i32 to vector<16xi32>
      %add3A_1281 = arith.addi %iota3A_23, %add3A_1280 : vector<16xi32>
      %gather3A_1282 = tpu.vector_load_idx %arg12[%add3A_1281, %max3A_1251] : memref<64x128xf32, #tpu.memory_space<vmem>>[vector<16xi32>, vector<16xi32>], vector<16xf32>,
      %select_n3A_1283 = arith.select %ge3A_1254, %gather3A_1282, %gather3A_1278 : vector<16xi1>, vector<16xf32>
      %add3A_1284 = arith.constant 0 : i32
      %add3A_1285 = vector.broadcast %add3A_1284 : i32 to vector<16xi32>
      %add3A_1286 = arith.addi %iota3A_23, %add3A_1285 : vector<16xi32>
      %gather3A_1287 = arith.constant 0 : i32
      %gather3A_1288 = arith.constant 0 : i32
      %gather3A_1289 = arith.constant 0 : i32
      %gather3A_1290 = tpu.memref_slice %arg15[%gather3A_1287, %gather3A_1288, %gather3A_1289] : memref<4x64x128xf32, #tpu.memory_space<vmem>> -> memref<1x64x128xf32, #tpu.memory_space<vmem>>
      %gather3A_1291 = tpu.memref_squeeze %gather3A_1290 : memref<1x64x128xf32, #tpu.memory_space<vmem>> -> memref<64x128xf32, #tpu.memory_space<vmem>>
      %gather3A_1292 = tpu.vector_load_idx %gather3A_1291[%add3A_1286, %and3A_1260] : memref<64x128xf32, #tpu.memory_space<vmem>>[vector<16xi32>, vector<16xi32>], vector<16xf32>,
      %add3A_1293 = arith.constant 0 : i32
      %add3A_1294 = vector.broadcast %add3A_1293 : i32 to vector<16xi32>
      %add3A_1295 = arith.addi %iota3A_23, %add3A_1294 : vector<16xi32>
      %gather3A_1296 = tpu.vector_load_idx %arg13[%add3A_1295, %max3A_1266] : memref<64x128xf32, #tpu.memory_space<vmem>>[vector<16xi32>, vector<16xi32>], vector<16xf32>,
      %select_n3A_1297 = arith.select %ge3A_1269, %gather3A_1296, %gather3A_1292 : vector<16xi1>, vector<16xf32>
      %mul3A_1298 = arith.mulf %select_n3A_1283, %select_n3A_1297 : vector<16xf32>
      %add3A_1299 = arith.constant 16 : i32
      %add3A_1300 = vector.broadcast %add3A_1299 : i32 to vector<16xi32>
      %add3A_1301 = arith.addi %iota3A_23, %add3A_1300 : vector<16xi32>
      %gather3A_1302 = arith.constant 0 : i32
      %gather3A_1303 = arith.constant 0 : i32
      %gather3A_1304 = arith.constant 0 : i32
      %gather3A_1305 = tpu.memref_slice %arg14[%gather3A_1302, %gather3A_1303, %gather3A_1304] : memref<4x64x128xf32, #tpu.memory_space<vmem>> -> memref<1x64x128xf32, #tpu.memory_space<vmem>>
      %gather3A_1306 = tpu.memref_squeeze %gather3A_1305 : memref<1x64x128xf32, #tpu.memory_space<vmem>> -> memref<64x128xf32, #tpu.memory_space<vmem>>
      %gather3A_1307 = tpu.vector_load_idx %gather3A_1306[%add3A_1301, %and3A_1245] : memref<64x128xf32, #tpu.memory_space<vmem>>[vector<16xi32>, vector<16xi32>], vector<16xf32>,
      %add3A_1308 = arith.constant 16 : i32
      %add3A_1309 = vector.broadcast %add3A_1308 : i32 to vector<16xi32>
      %add3A_1310 = arith.addi %iota3A_23, %add3A_1309 : vector<16xi32>
      %gather3A_1311 = tpu.vector_load_idx %arg12[%add3A_1310, %max3A_1251] : memref<64x128xf32, #tpu.memory_space<vmem>>[vector<16xi32>, vector<16xi32>], vector<16xf32>,
      %select_n3A_1312 = arith.select %ge3A_1254, %gather3A_1311, %gather3A_1307 : vector<16xi1>, vector<16xf32>
      %add3A_1313 = arith.constant 16 : i32
      %add3A_1314 = vector.broadcast %add3A_1313 : i32 to vector<16xi32>
      %add3A_1315 = arith.addi %iota3A_23, %add3A_1314 : vector<16xi32>
      %gather3A_1316 = arith.constant 0 : i32
      %gather3A_1317 = arith.constant 0 : i32
      %gather3A_1318 = arith.constant 0 : i32
      %gather3A_1319 = tpu.memref_slice %arg15[%gather3A_1316, %gather3A_1317, %gather3A_1318] : memref<4x64x128xf32, #tpu.memory_space<vmem>> -> memref<1x64x128xf32, #tpu.memory_space<vmem>>
      %gather3A_1320 = tpu.memref_squeeze %gather3A_1319 : memref<1x64x128xf32, #tpu.memory_space<vmem>> -> memref<64x128xf32, #tpu.memory_space<vmem>>
      %gather3A_1321 = tpu.vector_load_idx %gather3A_1320[%add3A_1315, %and3A_1260] : memref<64x128xf32, #tpu.memory_space<vmem>>[vector<16xi32>, vector<16xi32>], vector<16xf32>,
      %add3A_1322 = arith.constant 16 : i32
      %add3A_1323 = vector.broadcast %add3A_1322 : i32 to vector<16xi32>
      %add3A_1324 = arith.addi %iota3A_23, %add3A_1323 : vector<16xi32>
      %gather3A_1325 = tpu.vector_load_idx %arg13[%add3A_1324, %max3A_1266] : memref<64x128xf32, #tpu.memory_space<vmem>>[vector<16xi32>, vector<16xi32>], vector<16xf32>,
      %select_n3A_1326 = arith.select %ge3A_1269, %gather3A_1325, %gather3A_1321 : vector<16xi1>, vector<16xf32>
      %mul3A_1327 = arith.mulf %select_n3A_1312, %select_n3A_1326 : vector<16xf32>
      %add3A_1328 = arith.addf %mul3A_1298, %mul3A_1327 : vector<16xf32>
      %add3A_1329 = arith.constant 32 : i32
      %add3A_1330 = vector.broadcast %add3A_1329 : i32 to vector<16xi32>
      %add3A_1331 = arith.addi %iota3A_23, %add3A_1330 : vector<16xi32>
      %gather3A_1332 = arith.constant 0 : i32
      %gather3A_1333 = arith.constant 0 : i32
      %gather3A_1334 = arith.constant 0 : i32
      %gather3A_1335 = tpu.memref_slice %arg14[%gather3A_1332, %gather3A_1333, %gather3A_1334] : memref<4x64x128xf32, #tpu.memory_space<vmem>> -> memref<1x64x128xf32, #tpu.memory_space<vmem>>
      %gather3A_1336 = tpu.memref_squeeze %gather3A_1335 : memref<1x64x128xf32, #tpu.memory_space<vmem>> -> memref<64x128xf32, #tpu.memory_space<vmem>>
      %gather3A_1337 = tpu.vector_load_idx %gather3A_1336[%add3A_1331, %and3A_1245] : memref<64x128xf32, #tpu.memory_space<vmem>>[vector<16xi32>, vector<16xi32>], vector<16xf32>,
      %add3A_1338 = arith.constant 32 : i32
      %add3A_1339 = vector.broadcast %add3A_1338 : i32 to vector<16xi32>
      %add3A_1340 = arith.addi %iota3A_23, %add3A_1339 : vector<16xi32>
      %gather3A_1341 = tpu.vector_load_idx %arg12[%add3A_1340, %max3A_1251] : memref<64x128xf32, #tpu.memory_space<vmem>>[vector<16xi32>, vector<16xi32>], vector<16xf32>,
      %select_n3A_1342 = arith.select %ge3A_1254, %gather3A_1341, %gather3A_1337 : vector<16xi1>, vector<16xf32>
      %add3A_1343 = arith.constant 32 : i32
      %add3A_1344 = vector.broadcast %add3A_1343 : i32 to vector<16xi32>
      %add3A_1345 = arith.addi %iota3A_23, %add3A_1344 : vector<16xi32>
      %gather3A_1346 = arith.constant 0 : i32
      %gather3A_1347 = arith.constant 0 : i32
      %gather3A_1348 = arith.constant 0 : i32
      %gather3A_1349 = tpu.memref_slice %arg15[%gather3A_1346, %gather3A_1347, %gather3A_1348] : memref<4x64x128xf32, #tpu.memory_space<vmem>> -> memref<1x64x128xf32, #tpu.memory_space<vmem>>
      %gather3A_1350 = tpu.memref_squeeze %gather3A_1349 : memref<1x64x128xf32, #tpu.memory_space<vmem>> -> memref<64x128xf32, #tpu.memory_space<vmem>>
      %gather3A_1351 = tpu.vector_load_idx %gather3A_1350[%add3A_1345, %and3A_1260] : memref<64x128xf32, #tpu.memory_space<vmem>>[vector<16xi32>, vector<16xi32>], vector<16xf32>,
      %add3A_1352 = arith.constant 32 : i32
      %add3A_1353 = vector.broadcast %add3A_1352 : i32 to vector<16xi32>
      %add3A_1354 = arith.addi %iota3A_23, %add3A_1353 : vector<16xi32>
      %gather3A_1355 = tpu.vector_load_idx %arg13[%add3A_1354, %max3A_1266] : memref<64x128xf32, #tpu.memory_space<vmem>>[vector<16xi32>, vector<16xi32>], vector<16xf32>,
      %select_n3A_1356 = arith.select %ge3A_1269, %gather3A_1355, %gather3A_1351 : vector<16xi1>, vector<16xf32>
      %mul3A_1357 = arith.mulf %select_n3A_1342, %select_n3A_1356 : vector<16xf32>
      %add3A_1358 = arith.addf %add3A_1328, %mul3A_1357 : vector<16xf32>
      %add3A_1359 = arith.constant 48 : i32
      %add3A_1360 = vector.broadcast %add3A_1359 : i32 to vector<16xi32>
      %add3A_1361 = arith.addi %iota3A_23, %add3A_1360 : vector<16xi32>
      %gather3A_1362 = arith.constant 0 : i32
      %gather3A_1363 = arith.constant 0 : i32
      %gather3A_1364 = arith.constant 0 : i32
      %gather3A_1365 = tpu.memref_slice %arg14[%gather3A_1362, %gather3A_1363, %gather3A_1364] : memref<4x64x128xf32, #tpu.memory_space<vmem>> -> memref<1x64x128xf32, #tpu.memory_space<vmem>>
      %gather3A_1366 = tpu.memref_squeeze %gather3A_1365 : memref<1x64x128xf32, #tpu.memory_space<vmem>> -> memref<64x128xf32, #tpu.memory_space<vmem>>
      %gather3A_1367 = tpu.vector_load_idx %gather3A_1366[%add3A_1361, %and3A_1245] : memref<64x128xf32, #tpu.memory_space<vmem>>[vector<16xi32>, vector<16xi32>], vector<16xf32>,
      %add3A_1368 = arith.constant 48 : i32
      %add3A_1369 = vector.broadcast %add3A_1368 : i32 to vector<16xi32>
      %add3A_1370 = arith.addi %iota3A_23, %add3A_1369 : vector<16xi32>
      %gather3A_1371 = tpu.vector_load_idx %arg12[%add3A_1370, %max3A_1251] : memref<64x128xf32, #tpu.memory_space<vmem>>[vector<16xi32>, vector<16xi32>], vector<16xf32>,
      %select_n3A_1372 = arith.select %ge3A_1254, %gather3A_1371, %gather3A_1367 : vector<16xi1>, vector<16xf32>
      %add3A_1373 = arith.constant 48 : i32
      %add3A_1374 = vector.broadcast %add3A_1373 : i32 to vector<16xi32>
      %add3A_1375 = arith.addi %iota3A_23, %add3A_1374 : vector<16xi32>
      %gather3A_1376 = arith.constant 0 : i32
      %gather3A_1377 = arith.constant 0 : i32
      %gather3A_1378 = arith.constant 0 : i32
      %gather3A_1379 = tpu.memref_slice %arg15[%gather3A_1376, %gather3A_1377, %gather3A_1378] : memref<4x64x128xf32, #tpu.memory_space<vmem>> -> memref<1x64x128xf32, #tpu.memory_space<vmem>>
      %gather3A_1380 = tpu.memref_squeeze %gather3A_1379 : memref<1x64x128xf32, #tpu.memory_space<vmem>> -> memref<64x128xf32, #tpu.memory_space<vmem>>
      %gather3A_1381 = tpu.vector_load_idx %gather3A_1380[%add3A_1375, %and3A_1260] : memref<64x128xf32, #tpu.memory_space<vmem>>[vector<16xi32>, vector<16xi32>], vector<16xf32>,
      %add3A_1382 = arith.constant 48 : i32
      %add3A_1383 = vector.broadcast %add3A_1382 : i32 to vector<16xi32>
      %add3A_1384 = arith.addi %iota3A_23, %add3A_1383 : vector<16xi32>
      %gather3A_1385 = tpu.vector_load_idx %arg13[%add3A_1384, %max3A_1266] : memref<64x128xf32, #tpu.memory_space<vmem>>[vector<16xi32>, vector<16xi32>], vector<16xf32>,
      %select_n3A_1386 = arith.select %ge3A_1269, %gather3A_1385, %gather3A_1381 : vector<16xi1>, vector<16xf32>
      %mul3A_1387 = arith.mulf %select_n3A_1372, %select_n3A_1386 : vector<16xf32>
      %add3A_1388 = arith.addf %add3A_1358, %mul3A_1387 : vector<16xf32>
      %mul3A_1389 = arith.constant 512 : i32
      %mul3A_1390 = vector.broadcast %mul3A_1389 : i32 to vector<16xi32>
      %mul3A_1391 = arith.muli %iota3A_23, %mul3A_1390 : vector<16xi32>
      %add3A_1392 = vector.broadcast %add3A_1239 : i32 to vector<16xi32>
      %add3A_1393 = arith.addi %mul3A_1391, %add3A_1392 : vector<16xi32>
      tpu.vector_store_idx %arg16[%add3A_1393], %add3A_1388 : memref<8192xf32, #tpu.memory_space<vmem>>[vector<16xi32>], vector<16xf32>,
      %slice3A_1394 = vector.extract_strided_slice %get3A_167 {offsets = [8], sizes = [1], strides = [1]} : vector<16xi32> to vector<1xi32>
      %squeeze3A_1395 = vector.extract %slice3A_1394[0] : i32 from vector<1xi32>
      %shift_right_arithmetic3A_1396 = arith.constant 7 : i32
      %shift_right_arithmetic3A_1397 = arith.shrsi %squeeze3A_1395, %shift_right_arithmetic3A_1396 : i32
      %min3A_1398 = arith.constant 7811 : i32
      %min3A_1399 = arith.minsi %shift_right_arithmetic3A_1397, %min3A_1398 : i32
      %mul3A_1400 = arith.constant 128 : i32
      %mul3A_1401 = arith.muli %min3A_1399, %mul3A_1400 : i32
      %multiple_of3A_1402 = tpu.assume_multiple %mul3A_1401, 128 : i32
      %slice3A_1403 = vector.extract_strided_slice %get3A_171 {offsets = [8], sizes = [1], strides = [1]} : vector<16xi32> to vector<1xi32>
      %squeeze3A_1404 = vector.extract %slice3A_1403[0] : i32 from vector<1xi32>
      %shift_right_arithmetic3A_1405 = arith.constant 7 : i32
      %shift_right_arithmetic3A_1406 = arith.shrsi %squeeze3A_1404, %shift_right_arithmetic3A_1405 : i32
      %min3A_1407 = arith.constant 7811 : i32
      %min3A_1408 = arith.minsi %shift_right_arithmetic3A_1406, %min3A_1407 : i32
      %mul3A_1409 = arith.constant 128 : i32
      %mul3A_1410 = arith.muli %min3A_1408, %mul3A_1409 : i32
      %multiple_of3A_1411 = tpu.assume_multiple %mul3A_1410, 128 : i32
      %dma_start3A_1412 = arith.constant 0 : i32
      %dma_start3A_1413 = arith.constant 0 : i32
      %dma_start3A_1414 = arith.constant 0 : i32
      %dma_start3A_1415 = tpu.memref_slice %arg14[%dma_start3A_1412, %dma_start3A_1413, %dma_start3A_1414] : memref<4x64x128xf32, #tpu.memory_space<vmem>> -> memref<1x64x128xf32, #tpu.memory_space<vmem>>
      %dma_start3A_1416 = tpu.memref_squeeze %dma_start3A_1415 : memref<1x64x128xf32, #tpu.memory_space<vmem>> -> memref<64x128xf32, #tpu.memory_space<vmem>>
      %dma_start3A_1417 = arith.constant 0 : i32
      %dma_start3A_1418 = tpu.memref_slice %arg4[%dma_start3A_1417, %multiple_of3A_1402] : memref<64x1000000xf32, #tpu.memory_space<hbm>> -> memref<64x128xf32, #tpu.memory_space<hbm>>
      %dma_start3A_1419 = arith.constant 0 : i32
      %dma_start3A_1420 = arith.constant 0 : i32
      %dma_start3A_1421 = tpu.memref_slice %arg14[%dma_start3A_1412, %dma_start3A_1419, %dma_start3A_1420] : memref<4x64x128xf32, #tpu.memory_space<vmem>> -> memref<1x64x128xf32, #tpu.memory_space<vmem>>
      %dma_start3A_1422 = tpu.memref_squeeze %dma_start3A_1421 : memref<1x64x128xf32, #tpu.memory_space<vmem>> -> memref<64x128xf32, #tpu.memory_space<vmem>>
      %dma_start3A_1423 = arith.constant 0 : i32
      %dma_start3A_1424 = tpu.memref_slice %arg4[%dma_start3A_1423, %multiple_of3A_1402] : memref<64x1000000xf32, #tpu.memory_space<hbm>> -> memref<64x128xf32, #tpu.memory_space<hbm>>
      tpu.enqueue_dma source(%dma_start3A_1424 : memref<64x128xf32, #tpu.memory_space<hbm>>) target(%dma_start3A_1422 : memref<64x128xf32, #tpu.memory_space<vmem>>) target_semaphore(%arg18 : memref<!tpu.dma_semaphore, #tpu.memory_space<semaphore_mem>>)
      %dma_start3A_1425 = arith.constant 0 : i32
      %dma_start3A_1426 = arith.constant 0 : i32
      %dma_start3A_1427 = arith.constant 0 : i32
      %dma_start3A_1428 = tpu.memref_slice %arg15[%dma_start3A_1425, %dma_start3A_1426, %dma_start3A_1427] : memref<4x64x128xf32, #tpu.memory_space<vmem>> -> memref<1x64x128xf32, #tpu.memory_space<vmem>>
      %dma_start3A_1429 = tpu.memref_squeeze %dma_start3A_1428 : memref<1x64x128xf32, #tpu.memory_space<vmem>> -> memref<64x128xf32, #tpu.memory_space<vmem>>
      %dma_start3A_1430 = arith.constant 0 : i32
      %dma_start3A_1431 = tpu.memref_slice %arg5[%dma_start3A_1430, %multiple_of3A_1411] : memref<64x1000000xf32, #tpu.memory_space<hbm>> -> memref<64x128xf32, #tpu.memory_space<hbm>>
      %dma_start3A_1432 = arith.constant 0 : i32
      %dma_start3A_1433 = arith.constant 0 : i32
      %dma_start3A_1434 = tpu.memref_slice %arg15[%dma_start3A_1425, %dma_start3A_1432, %dma_start3A_1433] : memref<4x64x128xf32, #tpu.memory_space<vmem>> -> memref<1x64x128xf32, #tpu.memory_space<vmem>>
      %dma_start3A_1435 = tpu.memref_squeeze %dma_start3A_1434 : memref<1x64x128xf32, #tpu.memory_space<vmem>> -> memref<64x128xf32, #tpu.memory_space<vmem>>
      %dma_start3A_1436 = arith.constant 0 : i32
      %dma_start3A_1437 = tpu.memref_slice %arg5[%dma_start3A_1436, %multiple_of3A_1411] : memref<64x1000000xf32, #tpu.memory_space<hbm>> -> memref<64x128xf32, #tpu.memory_space<hbm>>
      tpu.enqueue_dma source(%dma_start3A_1437 : memref<64x128xf32, #tpu.memory_space<hbm>>) target(%dma_start3A_1435 : memref<64x128xf32, #tpu.memory_space<vmem>>) target_semaphore(%arg18 : memref<!tpu.dma_semaphore, #tpu.memory_space<semaphore_mem>>)
      %slice3A_1438 = vector.extract_strided_slice %get3A_167 {offsets = [5], sizes = [1], strides = [1]} : vector<16xi32> to vector<1xi32>
      %squeeze3A_1439 = vector.extract %slice3A_1438[0] : i32 from vector<1xi32>
      %shift_right_arithmetic3A_1440 = arith.constant 7 : i32
      %shift_right_arithmetic3A_1441 = arith.shrsi %squeeze3A_1439, %shift_right_arithmetic3A_1440 : i32
      %min3A_1442 = arith.constant 7811 : i32
      %min3A_1443 = arith.minsi %shift_right_arithmetic3A_1441, %min3A_1442 : i32
      %mul3A_1444 = arith.constant 128 : i32
      %mul3A_1445 = arith.muli %min3A_1443, %mul3A_1444 : i32
      %multiple_of3A_1446 = tpu.assume_multiple %mul3A_1445, 128 : i32
      %slice3A_1447 = vector.extract_strided_slice %get3A_171 {offsets = [5], sizes = [1], strides = [1]} : vector<16xi32> to vector<1xi32>
      %squeeze3A_1448 = vector.extract %slice3A_1447[0] : i32 from vector<1xi32>
      %shift_right_arithmetic3A_1449 = arith.constant 7 : i32
      %shift_right_arithmetic3A_1450 = arith.shrsi %squeeze3A_1448, %shift_right_arithmetic3A_1449 : i32
      %min3A_1451 = arith.constant 7811 : i32
      %min3A_1452 = arith.minsi %shift_right_arithmetic3A_1450, %min3A_1451 : i32
      %mul3A_1453 = arith.constant 128 : i32
      %mul3A_1454 = arith.muli %min3A_1452, %mul3A_1453 : i32
      %multiple_of3A_1455 = tpu.assume_multiple %mul3A_1454, 128 : i32
      %dma_wait3A_1456 = arith.constant 1 : i32
      %dma_wait3A_1457 = arith.constant 0 : i32
      %dma_wait3A_1458 = arith.constant 0 : i32
      %dma_wait3A_1459 = tpu.memref_slice %arg14[%dma_wait3A_1456, %dma_wait3A_1457, %dma_wait3A_1458] : memref<4x64x128xf32, #tpu.memory_space<vmem>> -> memref<1x64x128xf32, #tpu.memory_space<vmem>>
      %dma_wait3A_1460 = tpu.memref_squeeze %dma_wait3A_1459 : memref<1x64x128xf32, #tpu.memory_space<vmem>> -> memref<64x128xf32, #tpu.memory_space<vmem>>
      %dma_wait3A_1461 = arith.constant 0 : i32
      %dma_wait3A_1462 = tpu.memref_slice %arg4[%dma_wait3A_1461, %multiple_of3A_1446] : memref<64x1000000xf32, #tpu.memory_space<hbm>> -> memref<64x128xf32, #tpu.memory_space<hbm>>
      %dma_wait3A_1463 = arith.constant 0 : i32
      %dma_wait3A_1464 = arith.constant 0 : i32
      %dma_wait3A_1465 = tpu.memref_slice %arg14[%dma_wait3A_1456, %dma_wait3A_1463, %dma_wait3A_1464] : memref<4x64x128xf32, #tpu.memory_space<vmem>> -> memref<1x64x128xf32, #tpu.memory_space<vmem>>
      %dma_wait3A_1466 = tpu.memref_squeeze %dma_wait3A_1465 : memref<1x64x128xf32, #tpu.memory_space<vmem>> -> memref<64x128xf32, #tpu.memory_space<vmem>>
      %dma_wait3A_1467 = arith.constant 0 : i32
      %dma_wait3A_1468 = tpu.memref_slice %arg4[%dma_wait3A_1467, %multiple_of3A_1446] : memref<64x1000000xf32, #tpu.memory_space<hbm>> -> memref<64x128xf32, #tpu.memory_space<hbm>>
      tpu.wait_dma2 semaphore(%arg19 : memref<!tpu.dma_semaphore, #tpu.memory_space<semaphore_mem>>) src(%dma_wait3A_1468 : memref<64x128xf32, #tpu.memory_space<hbm>>) dst(%dma_wait3A_1466 : memref<64x128xf32, #tpu.memory_space<vmem>>)
      %dma_wait3A_1469 = arith.constant 1 : i32
      %dma_wait3A_1470 = arith.constant 0 : i32
      %dma_wait3A_1471 = arith.constant 0 : i32
      %dma_wait3A_1472 = tpu.memref_slice %arg15[%dma_wait3A_1469, %dma_wait3A_1470, %dma_wait3A_1471] : memref<4x64x128xf32, #tpu.memory_space<vmem>> -> memref<1x64x128xf32, #tpu.memory_space<vmem>>
      %dma_wait3A_1473 = tpu.memref_squeeze %dma_wait3A_1472 : memref<1x64x128xf32, #tpu.memory_space<vmem>> -> memref<64x128xf32, #tpu.memory_space<vmem>>
      %dma_wait3A_1474 = arith.constant 0 : i32
      %dma_wait3A_1475 = tpu.memref_slice %arg5[%dma_wait3A_1474, %multiple_of3A_1455] : memref<64x1000000xf32, #tpu.memory_space<hbm>> -> memref<64x128xf32, #tpu.memory_space<hbm>>
      %dma_wait3A_1476 = arith.constant 0 : i32
      %dma_wait3A_1477 = arith.constant 0 : i32
      %dma_wait3A_1478 = tpu.memref_slice %arg15[%dma_wait3A_1469, %dma_wait3A_1476, %dma_wait3A_1477] : memref<4x64x128xf32, #tpu.memory_space<vmem>> -> memref<1x64x128xf32, #tpu.memory_space<vmem>>
      %dma_wait3A_1479 = tpu.memref_squeeze %dma_wait3A_1478 : memref<1x64x128xf32, #tpu.memory_space<vmem>> -> memref<64x128xf32, #tpu.memory_space<vmem>>
      %dma_wait3A_1480 = arith.constant 0 : i32
      %dma_wait3A_1481 = tpu.memref_slice %arg5[%dma_wait3A_1480, %multiple_of3A_1455] : memref<64x1000000xf32, #tpu.memory_space<hbm>> -> memref<64x128xf32, #tpu.memory_space<hbm>>
      tpu.wait_dma2 semaphore(%arg19 : memref<!tpu.dma_semaphore, #tpu.memory_space<semaphore_mem>>) src(%dma_wait3A_1481 : memref<64x128xf32, #tpu.memory_space<hbm>>) dst(%dma_wait3A_1479 : memref<64x128xf32, #tpu.memory_space<vmem>>)
      %mul3A_1482 = arith.constant 16 : i32
      %mul3A_1483 = arith.muli %add3A_163, %mul3A_1482 : i32
      %add3A_1484 = arith.constant 5 : i32
      %add3A_1485 = arith.addi %mul3A_1483, %add3A_1484 : i32
      %slice3A_1486 = vector.extract_strided_slice %get3A_167 {offsets = [5], sizes = [1], strides = [1]} : vector<16xi32> to vector<1xi32>
      %squeeze3A_1487 = vector.extract %slice3A_1486[0] : i32 from vector<1xi32>
      %broadcast_in_dim3A_1488 = vector.broadcast %squeeze3A_1487 : i32 to vector<16xi32>
      %and3A_1489 = arith.constant 127 : i32
      %and3A_1490 = vector.broadcast %and3A_1489 : i32 to vector<16xi32>
      %and3A_1491 = arith.andi %broadcast_in_dim3A_1488, %and3A_1490 : vector<16xi32>
      %sub3A_1492 = arith.constant 999936 : i32
      %sub3A_1493 = vector.broadcast %sub3A_1492 : i32 to vector<16xi32>
      %sub3A_1494 = arith.subi %broadcast_in_dim3A_1488, %sub3A_1493 : vector<16xi32>
      %max3A_1495 = arith.constant 0 : i32
      %max3A_1496 = vector.broadcast %max3A_1495 : i32 to vector<16xi32>
      %max3A_1497 = arith.maxsi %sub3A_1494, %max3A_1496 : vector<16xi32>
      %ge3A_1498 = arith.constant 999936 : i32
      %ge3A_1499 = vector.broadcast %ge3A_1498 : i32 to vector<16xi32>
      %ge3A_1500 = arith.cmpi sge, %broadcast_in_dim3A_1488, %ge3A_1499 : vector<16xi32>
      %slice3A_1501 = vector.extract_strided_slice %get3A_171 {offsets = [5], sizes = [1], strides = [1]} : vector<16xi32> to vector<1xi32>
      %squeeze3A_1502 = vector.extract %slice3A_1501[0] : i32 from vector<1xi32>
      %broadcast_in_dim3A_1503 = vector.broadcast %squeeze3A_1502 : i32 to vector<16xi32>
      %and3A_1504 = arith.constant 127 : i32
      %and3A_1505 = vector.broadcast %and3A_1504 : i32 to vector<16xi32>
      %and3A_1506 = arith.andi %broadcast_in_dim3A_1503, %and3A_1505 : vector<16xi32>
      %sub3A_1507 = arith.constant 999936 : i32
      %sub3A_1508 = vector.broadcast %sub3A_1507 : i32 to vector<16xi32>
      %sub3A_1509 = arith.subi %broadcast_in_dim3A_1503, %sub3A_1508 : vector<16xi32>
      %max3A_1510 = arith.constant 0 : i32
      %max3A_1511 = vector.broadcast %max3A_1510 : i32 to vector<16xi32>
      %max3A_1512 = arith.maxsi %sub3A_1509, %max3A_1511 : vector<16xi32>
      %ge3A_1513 = arith.constant 999936 : i32
      %ge3A_1514 = vector.broadcast %ge3A_1513 : i32 to vector<16xi32>
      %ge3A_1515 = arith.cmpi sge, %broadcast_in_dim3A_1503, %ge3A_1514 : vector<16xi32>
      %add3A_1516 = arith.constant 0 : i32
      %add3A_1517 = vector.broadcast %add3A_1516 : i32 to vector<16xi32>
      %add3A_1518 = arith.addi %iota3A_23, %add3A_1517 : vector<16xi32>
      %gather3A_1519 = arith.constant 1 : i32
      %gather3A_1520 = arith.constant 0 : i32
      %gather3A_1521 = arith.constant 0 : i32
      %gather3A_1522 = tpu.memref_slice %arg14[%gather3A_1519, %gather3A_1520, %gather3A_1521] : memref<4x64x128xf32, #tpu.memory_space<vmem>> -> memref<1x64x128xf32, #tpu.memory_space<vmem>>
      %gather3A_1523 = tpu.memref_squeeze %gather3A_1522 : memref<1x64x128xf32, #tpu.memory_space<vmem>> -> memref<64x128xf32, #tpu.memory_space<vmem>>
      %gather3A_1524 = tpu.vector_load_idx %gather3A_1523[%add3A_1518, %and3A_1491] : memref<64x128xf32, #tpu.memory_space<vmem>>[vector<16xi32>, vector<16xi32>], vector<16xf32>,
      %add3A_1525 = arith.constant 0 : i32
      %add3A_1526 = vector.broadcast %add3A_1525 : i32 to vector<16xi32>
      %add3A_1527 = arith.addi %iota3A_23, %add3A_1526 : vector<16xi32>
      %gather3A_1528 = tpu.vector_load_idx %arg12[%add3A_1527, %max3A_1497] : memref<64x128xf32, #tpu.memory_space<vmem>>[vector<16xi32>, vector<16xi32>], vector<16xf32>,
      %select_n3A_1529 = arith.select %ge3A_1500, %gather3A_1528, %gather3A_1524 : vector<16xi1>, vector<16xf32>
      %add3A_1530 = arith.constant 0 : i32
      %add3A_1531 = vector.broadcast %add3A_1530 : i32 to vector<16xi32>
      %add3A_1532 = arith.addi %iota3A_23, %add3A_1531 : vector<16xi32>
      %gather3A_1533 = arith.constant 1 : i32
      %gather3A_1534 = arith.constant 0 : i32
      %gather3A_1535 = arith.constant 0 : i32
      %gather3A_1536 = tpu.memref_slice %arg15[%gather3A_1533, %gather3A_1534, %gather3A_1535] : memref<4x64x128xf32, #tpu.memory_space<vmem>> -> memref<1x64x128xf32, #tpu.memory_space<vmem>>
      %gather3A_1537 = tpu.memref_squeeze %gather3A_1536 : memref<1x64x128xf32, #tpu.memory_space<vmem>> -> memref<64x128xf32, #tpu.memory_space<vmem>>
      %gather3A_1538 = tpu.vector_load_idx %gather3A_1537[%add3A_1532, %and3A_1506] : memref<64x128xf32, #tpu.memory_space<vmem>>[vector<16xi32>, vector<16xi32>], vector<16xf32>,
      %add3A_1539 = arith.constant 0 : i32
      %add3A_1540 = vector.broadcast %add3A_1539 : i32 to vector<16xi32>
      %add3A_1541 = arith.addi %iota3A_23, %add3A_1540 : vector<16xi32>
      %gather3A_1542 = tpu.vector_load_idx %arg13[%add3A_1541, %max3A_1512] : memref<64x128xf32, #tpu.memory_space<vmem>>[vector<16xi32>, vector<16xi32>], vector<16xf32>,
      %select_n3A_1543 = arith.select %ge3A_1515, %gather3A_1542, %gather3A_1538 : vector<16xi1>, vector<16xf32>
      %mul3A_1544 = arith.mulf %select_n3A_1529, %select_n3A_1543 : vector<16xf32>
      %add3A_1545 = arith.constant 16 : i32
      %add3A_1546 = vector.broadcast %add3A_1545 : i32 to vector<16xi32>
      %add3A_1547 = arith.addi %iota3A_23, %add3A_1546 : vector<16xi32>
      %gather3A_1548 = arith.constant 1 : i32
      %gather3A_1549 = arith.constant 0 : i32
      %gather3A_1550 = arith.constant 0 : i32
      %gather3A_1551 = tpu.memref_slice %arg14[%gather3A_1548, %gather3A_1549, %gather3A_1550] : memref<4x64x128xf32, #tpu.memory_space<vmem>> -> memref<1x64x128xf32, #tpu.memory_space<vmem>>
      %gather3A_1552 = tpu.memref_squeeze %gather3A_1551 : memref<1x64x128xf32, #tpu.memory_space<vmem>> -> memref<64x128xf32, #tpu.memory_space<vmem>>
      %gather3A_1553 = tpu.vector_load_idx %gather3A_1552[%add3A_1547, %and3A_1491] : memref<64x128xf32, #tpu.memory_space<vmem>>[vector<16xi32>, vector<16xi32>], vector<16xf32>,
      %add3A_1554 = arith.constant 16 : i32
      %add3A_1555 = vector.broadcast %add3A_1554 : i32 to vector<16xi32>
      %add3A_1556 = arith.addi %iota3A_23, %add3A_1555 : vector<16xi32>
      %gather3A_1557 = tpu.vector_load_idx %arg12[%add3A_1556, %max3A_1497] : memref<64x128xf32, #tpu.memory_space<vmem>>[vector<16xi32>, vector<16xi32>], vector<16xf32>,
      %select_n3A_1558 = arith.select %ge3A_1500, %gather3A_1557, %gather3A_1553 : vector<16xi1>, vector<16xf32>
      %add3A_1559 = arith.constant 16 : i32
      %add3A_1560 = vector.broadcast %add3A_1559 : i32 to vector<16xi32>
      %add3A_1561 = arith.addi %iota3A_23, %add3A_1560 : vector<16xi32>
      %gather3A_1562 = arith.constant 1 : i32
      %gather3A_1563 = arith.constant 0 : i32
      %gather3A_1564 = arith.constant 0 : i32
      %gather3A_1565 = tpu.memref_slice %arg15[%gather3A_1562, %gather3A_1563, %gather3A_1564] : memref<4x64x128xf32, #tpu.memory_space<vmem>> -> memref<1x64x128xf32, #tpu.memory_space<vmem>>
      %gather3A_1566 = tpu.memref_squeeze %gather3A_1565 : memref<1x64x128xf32, #tpu.memory_space<vmem>> -> memref<64x128xf32, #tpu.memory_space<vmem>>
      %gather3A_1567 = tpu.vector_load_idx %gather3A_1566[%add3A_1561, %and3A_1506] : memref<64x128xf32, #tpu.memory_space<vmem>>[vector<16xi32>, vector<16xi32>], vector<16xf32>,
      %add3A_1568 = arith.constant 16 : i32
      %add3A_1569 = vector.broadcast %add3A_1568 : i32 to vector<16xi32>
      %add3A_1570 = arith.addi %iota3A_23, %add3A_1569 : vector<16xi32>
      %gather3A_1571 = tpu.vector_load_idx %arg13[%add3A_1570, %max3A_1512] : memref<64x128xf32, #tpu.memory_space<vmem>>[vector<16xi32>, vector<16xi32>], vector<16xf32>,
      %select_n3A_1572 = arith.select %ge3A_1515, %gather3A_1571, %gather3A_1567 : vector<16xi1>, vector<16xf32>
      %mul3A_1573 = arith.mulf %select_n3A_1558, %select_n3A_1572 : vector<16xf32>
      %add3A_1574 = arith.addf %mul3A_1544, %mul3A_1573 : vector<16xf32>
      %add3A_1575 = arith.constant 32 : i32
      %add3A_1576 = vector.broadcast %add3A_1575 : i32 to vector<16xi32>
      %add3A_1577 = arith.addi %iota3A_23, %add3A_1576 : vector<16xi32>
      %gather3A_1578 = arith.constant 1 : i32
      %gather3A_1579 = arith.constant 0 : i32
      %gather3A_1580 = arith.constant 0 : i32
      %gather3A_1581 = tpu.memref_slice %arg14[%gather3A_1578, %gather3A_1579, %gather3A_1580] : memref<4x64x128xf32, #tpu.memory_space<vmem>> -> memref<1x64x128xf32, #tpu.memory_space<vmem>>
      %gather3A_1582 = tpu.memref_squeeze %gather3A_1581 : memref<1x64x128xf32, #tpu.memory_space<vmem>> -> memref<64x128xf32, #tpu.memory_space<vmem>>
      %gather3A_1583 = tpu.vector_load_idx %gather3A_1582[%add3A_1577, %and3A_1491] : memref<64x128xf32, #tpu.memory_space<vmem>>[vector<16xi32>, vector<16xi32>], vector<16xf32>,
      %add3A_1584 = arith.constant 32 : i32
      %add3A_1585 = vector.broadcast %add3A_1584 : i32 to vector<16xi32>
      %add3A_1586 = arith.addi %iota3A_23, %add3A_1585 : vector<16xi32>
      %gather3A_1587 = tpu.vector_load_idx %arg12[%add3A_1586, %max3A_1497] : memref<64x128xf32, #tpu.memory_space<vmem>>[vector<16xi32>, vector<16xi32>], vector<16xf32>,
      %select_n3A_1588 = arith.select %ge3A_1500, %gather3A_1587, %gather3A_1583 : vector<16xi1>, vector<16xf32>
      %add3A_1589 = arith.constant 32 : i32
      %add3A_1590 = vector.broadcast %add3A_1589 : i32 to vector<16xi32>
      %add3A_1591 = arith.addi %iota3A_23, %add3A_1590 : vector<16xi32>
      %gather3A_1592 = arith.constant 1 : i32
      %gather3A_1593 = arith.constant 0 : i32
      %gather3A_1594 = arith.constant 0 : i32
      %gather3A_1595 = tpu.memref_slice %arg15[%gather3A_1592, %gather3A_1593, %gather3A_1594] : memref<4x64x128xf32, #tpu.memory_space<vmem>> -> memref<1x64x128xf32, #tpu.memory_space<vmem>>
      %gather3A_1596 = tpu.memref_squeeze %gather3A_1595 : memref<1x64x128xf32, #tpu.memory_space<vmem>> -> memref<64x128xf32, #tpu.memory_space<vmem>>
      %gather3A_1597 = tpu.vector_load_idx %gather3A_1596[%add3A_1591, %and3A_1506] : memref<64x128xf32, #tpu.memory_space<vmem>>[vector<16xi32>, vector<16xi32>], vector<16xf32>,
      %add3A_1598 = arith.constant 32 : i32
      %add3A_1599 = vector.broadcast %add3A_1598 : i32 to vector<16xi32>
      %add3A_1600 = arith.addi %iota3A_23, %add3A_1599 : vector<16xi32>
      %gather3A_1601 = tpu.vector_load_idx %arg13[%add3A_1600, %max3A_1512] : memref<64x128xf32, #tpu.memory_space<vmem>>[vector<16xi32>, vector<16xi32>], vector<16xf32>,
      %select_n3A_1602 = arith.select %ge3A_1515, %gather3A_1601, %gather3A_1597 : vector<16xi1>, vector<16xf32>
      %mul3A_1603 = arith.mulf %select_n3A_1588, %select_n3A_1602 : vector<16xf32>
      %add3A_1604 = arith.addf %add3A_1574, %mul3A_1603 : vector<16xf32>
      %add3A_1605 = arith.constant 48 : i32
      %add3A_1606 = vector.broadcast %add3A_1605 : i32 to vector<16xi32>
      %add3A_1607 = arith.addi %iota3A_23, %add3A_1606 : vector<16xi32>
      %gather3A_1608 = arith.constant 1 : i32
      %gather3A_1609 = arith.constant 0 : i32
      %gather3A_1610 = arith.constant 0 : i32
      %gather3A_1611 = tpu.memref_slice %arg14[%gather3A_1608, %gather3A_1609, %gather3A_1610] : memref<4x64x128xf32, #tpu.memory_space<vmem>> -> memref<1x64x128xf32, #tpu.memory_space<vmem>>
      %gather3A_1612 = tpu.memref_squeeze %gather3A_1611 : memref<1x64x128xf32, #tpu.memory_space<vmem>> -> memref<64x128xf32, #tpu.memory_space<vmem>>
      %gather3A_1613 = tpu.vector_load_idx %gather3A_1612[%add3A_1607, %and3A_1491] : memref<64x128xf32, #tpu.memory_space<vmem>>[vector<16xi32>, vector<16xi32>], vector<16xf32>,
      %add3A_1614 = arith.constant 48 : i32
      %add3A_1615 = vector.broadcast %add3A_1614 : i32 to vector<16xi32>
      %add3A_1616 = arith.addi %iota3A_23, %add3A_1615 : vector<16xi32>
      %gather3A_1617 = tpu.vector_load_idx %arg12[%add3A_1616, %max3A_1497] : memref<64x128xf32, #tpu.memory_space<vmem>>[vector<16xi32>, vector<16xi32>], vector<16xf32>,
      %select_n3A_1618 = arith.select %ge3A_1500, %gather3A_1617, %gather3A_1613 : vector<16xi1>, vector<16xf32>
      %add3A_1619 = arith.constant 48 : i32
      %add3A_1620 = vector.broadcast %add3A_1619 : i32 to vector<16xi32>
      %add3A_1621 = arith.addi %iota3A_23, %add3A_1620 : vector<16xi32>
      %gather3A_1622 = arith.constant 1 : i32
      %gather3A_1623 = arith.constant 0 : i32
      %gather3A_1624 = arith.constant 0 : i32
      %gather3A_1625 = tpu.memref_slice %arg15[%gather3A_1622, %gather3A_1623, %gather3A_1624] : memref<4x64x128xf32, #tpu.memory_space<vmem>> -> memref<1x64x128xf32, #tpu.memory_space<vmem>>
      %gather3A_1626 = tpu.memref_squeeze %gather3A_1625 : memref<1x64x128xf32, #tpu.memory_space<vmem>> -> memref<64x128xf32, #tpu.memory_space<vmem>>
      %gather3A_1627 = tpu.vector_load_idx %gather3A_1626[%add3A_1621, %and3A_1506] : memref<64x128xf32, #tpu.memory_space<vmem>>[vector<16xi32>, vector<16xi32>], vector<16xf32>,
      %add3A_1628 = arith.constant 48 : i32
      %add3A_1629 = vector.broadcast %add3A_1628 : i32 to vector<16xi32>
      %add3A_1630 = arith.addi %iota3A_23, %add3A_1629 : vector<16xi32>
      %gather3A_1631 = tpu.vector_load_idx %arg13[%add3A_1630, %max3A_1512] : memref<64x128xf32, #tpu.memory_space<vmem>>[vector<16xi32>, vector<16xi32>], vector<16xf32>,
      %select_n3A_1632 = arith.select %ge3A_1515, %gather3A_1631, %gather3A_1627 : vector<16xi1>, vector<16xf32>
      %mul3A_1633 = arith.mulf %select_n3A_1618, %select_n3A_1632 : vector<16xf32>
      %add3A_1634 = arith.addf %add3A_1604, %mul3A_1633 : vector<16xf32>
      %mul3A_1635 = arith.constant 512 : i32
      %mul3A_1636 = vector.broadcast %mul3A_1635 : i32 to vector<16xi32>
      %mul3A_1637 = arith.muli %iota3A_23, %mul3A_1636 : vector<16xi32>
      %add3A_1638 = vector.broadcast %add3A_1485 : i32 to vector<16xi32>
      %add3A_1639 = arith.addi %mul3A_1637, %add3A_1638 : vector<16xi32>
      tpu.vector_store_idx %arg16[%add3A_1639], %add3A_1634 : memref<8192xf32, #tpu.memory_space<vmem>>[vector<16xi32>], vector<16xf32>,
      %slice3A_1640 = vector.extract_strided_slice %get3A_167 {offsets = [9], sizes = [1], strides = [1]} : vector<16xi32> to vector<1xi32>
      %squeeze3A_1641 = vector.extract %slice3A_1640[0] : i32 from vector<1xi32>
      %shift_right_arithmetic3A_1642 = arith.constant 7 : i32
      %shift_right_arithmetic3A_1643 = arith.shrsi %squeeze3A_1641, %shift_right_arithmetic3A_1642 : i32
      %min3A_1644 = arith.constant 7811 : i32
      %min3A_1645 = arith.minsi %shift_right_arithmetic3A_1643, %min3A_1644 : i32
      %mul3A_1646 = arith.constant 128 : i32
      %mul3A_1647 = arith.muli %min3A_1645, %mul3A_1646 : i32
      %multiple_of3A_1648 = tpu.assume_multiple %mul3A_1647, 128 : i32
      %slice3A_1649 = vector.extract_strided_slice %get3A_171 {offsets = [9], sizes = [1], strides = [1]} : vector<16xi32> to vector<1xi32>
      %squeeze3A_1650 = vector.extract %slice3A_1649[0] : i32 from vector<1xi32>
      %shift_right_arithmetic3A_1651 = arith.constant 7 : i32
      %shift_right_arithmetic3A_1652 = arith.shrsi %squeeze3A_1650, %shift_right_arithmetic3A_1651 : i32
      %min3A_1653 = arith.constant 7811 : i32
      %min3A_1654 = arith.minsi %shift_right_arithmetic3A_1652, %min3A_1653 : i32
      %mul3A_1655 = arith.constant 128 : i32
      %mul3A_1656 = arith.muli %min3A_1654, %mul3A_1655 : i32
      %multiple_of3A_1657 = tpu.assume_multiple %mul3A_1656, 128 : i32
      %dma_start3A_1658 = arith.constant 1 : i32
      %dma_start3A_1659 = arith.constant 0 : i32
      %dma_start3A_1660 = arith.constant 0 : i32
      %dma_start3A_1661 = tpu.memref_slice %arg14[%dma_start3A_1658, %dma_start3A_1659, %dma_start3A_1660] : memref<4x64x128xf32, #tpu.memory_space<vmem>> -> memref<1x64x128xf32, #tpu.memory_space<vmem>>
      %dma_start3A_1662 = tpu.memref_squeeze %dma_start3A_1661 : memref<1x64x128xf32, #tpu.memory_space<vmem>> -> memref<64x128xf32, #tpu.memory_space<vmem>>
      %dma_start3A_1663 = arith.constant 0 : i32
      %dma_start3A_1664 = tpu.memref_slice %arg4[%dma_start3A_1663, %multiple_of3A_1648] : memref<64x1000000xf32, #tpu.memory_space<hbm>> -> memref<64x128xf32, #tpu.memory_space<hbm>>
      %dma_start3A_1665 = arith.constant 0 : i32
      %dma_start3A_1666 = arith.constant 0 : i32
      %dma_start3A_1667 = tpu.memref_slice %arg14[%dma_start3A_1658, %dma_start3A_1665, %dma_start3A_1666] : memref<4x64x128xf32, #tpu.memory_space<vmem>> -> memref<1x64x128xf32, #tpu.memory_space<vmem>>
      %dma_start3A_1668 = tpu.memref_squeeze %dma_start3A_1667 : memref<1x64x128xf32, #tpu.memory_space<vmem>> -> memref<64x128xf32, #tpu.memory_space<vmem>>
      %dma_start3A_1669 = arith.constant 0 : i32
      %dma_start3A_1670 = tpu.memref_slice %arg4[%dma_start3A_1669, %multiple_of3A_1648] : memref<64x1000000xf32, #tpu.memory_space<hbm>> -> memref<64x128xf32, #tpu.memory_space<hbm>>
      tpu.enqueue_dma source(%dma_start3A_1670 : memref<64x128xf32, #tpu.memory_space<hbm>>) target(%dma_start3A_1668 : memref<64x128xf32, #tpu.memory_space<vmem>>) target_semaphore(%arg19 : memref<!tpu.dma_semaphore, #tpu.memory_space<semaphore_mem>>)
      %dma_start3A_1671 = arith.constant 1 : i32
      %dma_start3A_1672 = arith.constant 0 : i32
      %dma_start3A_1673 = arith.constant 0 : i32
      %dma_start3A_1674 = tpu.memref_slice %arg15[%dma_start3A_1671, %dma_start3A_1672, %dma_start3A_1673] : memref<4x64x128xf32, #tpu.memory_space<vmem>> -> memref<1x64x128xf32, #tpu.memory_space<vmem>>
      %dma_start3A_1675 = tpu.memref_squeeze %dma_start3A_1674 : memref<1x64x128xf32, #tpu.memory_space<vmem>> -> memref<64x128xf32, #tpu.memory_space<vmem>>
      %dma_start3A_1676 = arith.constant 0 : i32
      %dma_start3A_1677 = tpu.memref_slice %arg5[%dma_start3A_1676, %multiple_of3A_1657] : memref<64x1000000xf32, #tpu.memory_space<hbm>> -> memref<64x128xf32, #tpu.memory_space<hbm>>
      %dma_start3A_1678 = arith.constant 0 : i32
      %dma_start3A_1679 = arith.constant 0 : i32
      %dma_start3A_1680 = tpu.memref_slice %arg15[%dma_start3A_1671, %dma_start3A_1678, %dma_start3A_1679] : memref<4x64x128xf32, #tpu.memory_space<vmem>> -> memref<1x64x128xf32, #tpu.memory_space<vmem>>
      %dma_start3A_1681 = tpu.memref_squeeze %dma_start3A_1680 : memref<1x64x128xf32, #tpu.memory_space<vmem>> -> memref<64x128xf32, #tpu.memory_space<vmem>>
      %dma_start3A_1682 = arith.constant 0 : i32
      %dma_start3A_1683 = tpu.memref_slice %arg5[%dma_start3A_1682, %multiple_of3A_1657] : memref<64x1000000xf32, #tpu.memory_space<hbm>> -> memref<64x128xf32, #tpu.memory_space<hbm>>
      tpu.enqueue_dma source(%dma_start3A_1683 : memref<64x128xf32, #tpu.memory_space<hbm>>) target(%dma_start3A_1681 : memref<64x128xf32, #tpu.memory_space<vmem>>) target_semaphore(%arg19 : memref<!tpu.dma_semaphore, #tpu.memory_space<semaphore_mem>>)
      %slice3A_1684 = vector.extract_strided_slice %get3A_167 {offsets = [6], sizes = [1], strides = [1]} : vector<16xi32> to vector<1xi32>
      %squeeze3A_1685 = vector.extract %slice3A_1684[0] : i32 from vector<1xi32>
      %shift_right_arithmetic3A_1686 = arith.constant 7 : i32
      %shift_right_arithmetic3A_1687 = arith.shrsi %squeeze3A_1685, %shift_right_arithmetic3A_1686 : i32
      %min3A_1688 = arith.constant 7811 : i32
      %min3A_1689 = arith.minsi %shift_right_arithmetic3A_1687, %min3A_1688 : i32
      %mul3A_1690 = arith.constant 128 : i32
      %mul3A_1691 = arith.muli %min3A_1689, %mul3A_1690 : i32
      %multiple_of3A_1692 = tpu.assume_multiple %mul3A_1691, 128 : i32
      %slice3A_1693 = vector.extract_strided_slice %get3A_171 {offsets = [6], sizes = [1], strides = [1]} : vector<16xi32> to vector<1xi32>
      %squeeze3A_1694 = vector.extract %slice3A_1693[0] : i32 from vector<1xi32>
      %shift_right_arithmetic3A_1695 = arith.constant 7 : i32
      %shift_right_arithmetic3A_1696 = arith.shrsi %squeeze3A_1694, %shift_right_arithmetic3A_1695 : i32
      %min3A_1697 = arith.constant 7811 : i32
      %min3A_1698 = arith.minsi %shift_right_arithmetic3A_1696, %min3A_1697 : i32
      %mul3A_1699 = arith.constant 128 : i32
      %mul3A_1700 = arith.muli %min3A_1698, %mul3A_1699 : i32
      %multiple_of3A_1701 = tpu.assume_multiple %mul3A_1700, 128 : i32
      %dma_wait3A_1702 = arith.constant 2 : i32
      %dma_wait3A_1703 = arith.constant 0 : i32
      %dma_wait3A_1704 = arith.constant 0 : i32
      %dma_wait3A_1705 = tpu.memref_slice %arg14[%dma_wait3A_1702, %dma_wait3A_1703, %dma_wait3A_1704] : memref<4x64x128xf32, #tpu.memory_space<vmem>> -> memref<1x64x128xf32, #tpu.memory_space<vmem>>
      %dma_wait3A_1706 = tpu.memref_squeeze %dma_wait3A_1705 : memref<1x64x128xf32, #tpu.memory_space<vmem>> -> memref<64x128xf32, #tpu.memory_space<vmem>>
      %dma_wait3A_1707 = arith.constant 0 : i32
      %dma_wait3A_1708 = tpu.memref_slice %arg4[%dma_wait3A_1707, %multiple_of3A_1692] : memref<64x1000000xf32, #tpu.memory_space<hbm>> -> memref<64x128xf32, #tpu.memory_space<hbm>>
      %dma_wait3A_1709 = arith.constant 0 : i32
      %dma_wait3A_1710 = arith.constant 0 : i32
      %dma_wait3A_1711 = tpu.memref_slice %arg14[%dma_wait3A_1702, %dma_wait3A_1709, %dma_wait3A_1710] : memref<4x64x128xf32, #tpu.memory_space<vmem>> -> memref<1x64x128xf32, #tpu.memory_space<vmem>>
      %dma_wait3A_1712 = tpu.memref_squeeze %dma_wait3A_1711 : memref<1x64x128xf32, #tpu.memory_space<vmem>> -> memref<64x128xf32, #tpu.memory_space<vmem>>
      %dma_wait3A_1713 = arith.constant 0 : i32
      %dma_wait3A_1714 = tpu.memref_slice %arg4[%dma_wait3A_1713, %multiple_of3A_1692] : memref<64x1000000xf32, #tpu.memory_space<hbm>> -> memref<64x128xf32, #tpu.memory_space<hbm>>
      tpu.wait_dma2 semaphore(%arg20 : memref<!tpu.dma_semaphore, #tpu.memory_space<semaphore_mem>>) src(%dma_wait3A_1714 : memref<64x128xf32, #tpu.memory_space<hbm>>) dst(%dma_wait3A_1712 : memref<64x128xf32, #tpu.memory_space<vmem>>)
      %dma_wait3A_1715 = arith.constant 2 : i32
      %dma_wait3A_1716 = arith.constant 0 : i32
      %dma_wait3A_1717 = arith.constant 0 : i32
      %dma_wait3A_1718 = tpu.memref_slice %arg15[%dma_wait3A_1715, %dma_wait3A_1716, %dma_wait3A_1717] : memref<4x64x128xf32, #tpu.memory_space<vmem>> -> memref<1x64x128xf32, #tpu.memory_space<vmem>>
      %dma_wait3A_1719 = tpu.memref_squeeze %dma_wait3A_1718 : memref<1x64x128xf32, #tpu.memory_space<vmem>> -> memref<64x128xf32, #tpu.memory_space<vmem>>
      %dma_wait3A_1720 = arith.constant 0 : i32
      %dma_wait3A_1721 = tpu.memref_slice %arg5[%dma_wait3A_1720, %multiple_of3A_1701] : memref<64x1000000xf32, #tpu.memory_space<hbm>> -> memref<64x128xf32, #tpu.memory_space<hbm>>
      %dma_wait3A_1722 = arith.constant 0 : i32
      %dma_wait3A_1723 = arith.constant 0 : i32
      %dma_wait3A_1724 = tpu.memref_slice %arg15[%dma_wait3A_1715, %dma_wait3A_1722, %dma_wait3A_1723] : memref<4x64x128xf32, #tpu.memory_space<vmem>> -> memref<1x64x128xf32, #tpu.memory_space<vmem>>
      %dma_wait3A_1725 = tpu.memref_squeeze %dma_wait3A_1724 : memref<1x64x128xf32, #tpu.memory_space<vmem>> -> memref<64x128xf32, #tpu.memory_space<vmem>>
      %dma_wait3A_1726 = arith.constant 0 : i32
      %dma_wait3A_1727 = tpu.memref_slice %arg5[%dma_wait3A_1726, %multiple_of3A_1701] : memref<64x1000000xf32, #tpu.memory_space<hbm>> -> memref<64x128xf32, #tpu.memory_space<hbm>>
      tpu.wait_dma2 semaphore(%arg20 : memref<!tpu.dma_semaphore, #tpu.memory_space<semaphore_mem>>) src(%dma_wait3A_1727 : memref<64x128xf32, #tpu.memory_space<hbm>>) dst(%dma_wait3A_1725 : memref<64x128xf32, #tpu.memory_space<vmem>>)
      %mul3A_1728 = arith.constant 16 : i32
      %mul3A_1729 = arith.muli %add3A_163, %mul3A_1728 : i32
      %add3A_1730 = arith.constant 6 : i32
      %add3A_1731 = arith.addi %mul3A_1729, %add3A_1730 : i32
      %slice3A_1732 = vector.extract_strided_slice %get3A_167 {offsets = [6], sizes = [1], strides = [1]} : vector<16xi32> to vector<1xi32>
      %squeeze3A_1733 = vector.extract %slice3A_1732[0] : i32 from vector<1xi32>
      %broadcast_in_dim3A_1734 = vector.broadcast %squeeze3A_1733 : i32 to vector<16xi32>
      %and3A_1735 = arith.constant 127 : i32
      %and3A_1736 = vector.broadcast %and3A_1735 : i32 to vector<16xi32>
      %and3A_1737 = arith.andi %broadcast_in_dim3A_1734, %and3A_1736 : vector<16xi32>
      %sub3A_1738 = arith.constant 999936 : i32
      %sub3A_1739 = vector.broadcast %sub3A_1738 : i32 to vector<16xi32>
      %sub3A_1740 = arith.subi %broadcast_in_dim3A_1734, %sub3A_1739 : vector<16xi32>
      %max3A_1741 = arith.constant 0 : i32
      %max3A_1742 = vector.broadcast %max3A_1741 : i32 to vector<16xi32>
      %max3A_1743 = arith.maxsi %sub3A_1740, %max3A_1742 : vector<16xi32>
      %ge3A_1744 = arith.constant 999936 : i32
      %ge3A_1745 = vector.broadcast %ge3A_1744 : i32 to vector<16xi32>
      %ge3A_1746 = arith.cmpi sge, %broadcast_in_dim3A_1734, %ge3A_1745 : vector<16xi32>
      %slice3A_1747 = vector.extract_strided_slice %get3A_171 {offsets = [6], sizes = [1], strides = [1]} : vector<16xi32> to vector<1xi32>
      %squeeze3A_1748 = vector.extract %slice3A_1747[0] : i32 from vector<1xi32>
      %broadcast_in_dim3A_1749 = vector.broadcast %squeeze3A_1748 : i32 to vector<16xi32>
      %and3A_1750 = arith.constant 127 : i32
      %and3A_1751 = vector.broadcast %and3A_1750 : i32 to vector<16xi32>
      %and3A_1752 = arith.andi %broadcast_in_dim3A_1749, %and3A_1751 : vector<16xi32>
      %sub3A_1753 = arith.constant 999936 : i32
      %sub3A_1754 = vector.broadcast %sub3A_1753 : i32 to vector<16xi32>
      %sub3A_1755 = arith.subi %broadcast_in_dim3A_1749, %sub3A_1754 : vector<16xi32>
      %max3A_1756 = arith.constant 0 : i32
      %max3A_1757 = vector.broadcast %max3A_1756 : i32 to vector<16xi32>
      %max3A_1758 = arith.maxsi %sub3A_1755, %max3A_1757 : vector<16xi32>
      %ge3A_1759 = arith.constant 999936 : i32
      %ge3A_1760 = vector.broadcast %ge3A_1759 : i32 to vector<16xi32>
      %ge3A_1761 = arith.cmpi sge, %broadcast_in_dim3A_1749, %ge3A_1760 : vector<16xi32>
      %add3A_1762 = arith.constant 0 : i32
      %add3A_1763 = vector.broadcast %add3A_1762 : i32 to vector<16xi32>
      %add3A_1764 = arith.addi %iota3A_23, %add3A_1763 : vector<16xi32>
      %gather3A_1765 = arith.constant 2 : i32
      %gather3A_1766 = arith.constant 0 : i32
      %gather3A_1767 = arith.constant 0 : i32
      %gather3A_1768 = tpu.memref_slice %arg14[%gather3A_1765, %gather3A_1766, %gather3A_1767] : memref<4x64x128xf32, #tpu.memory_space<vmem>> -> memref<1x64x128xf32, #tpu.memory_space<vmem>>
      %gather3A_1769 = tpu.memref_squeeze %gather3A_1768 : memref<1x64x128xf32, #tpu.memory_space<vmem>> -> memref<64x128xf32, #tpu.memory_space<vmem>>
      %gather3A_1770 = tpu.vector_load_idx %gather3A_1769[%add3A_1764, %and3A_1737] : memref<64x128xf32, #tpu.memory_space<vmem>>[vector<16xi32>, vector<16xi32>], vector<16xf32>,
      %add3A_1771 = arith.constant 0 : i32
      %add3A_1772 = vector.broadcast %add3A_1771 : i32 to vector<16xi32>
      %add3A_1773 = arith.addi %iota3A_23, %add3A_1772 : vector<16xi32>
      %gather3A_1774 = tpu.vector_load_idx %arg12[%add3A_1773, %max3A_1743] : memref<64x128xf32, #tpu.memory_space<vmem>>[vector<16xi32>, vector<16xi32>], vector<16xf32>,
      %select_n3A_1775 = arith.select %ge3A_1746, %gather3A_1774, %gather3A_1770 : vector<16xi1>, vector<16xf32>
      %add3A_1776 = arith.constant 0 : i32
      %add3A_1777 = vector.broadcast %add3A_1776 : i32 to vector<16xi32>
      %add3A_1778 = arith.addi %iota3A_23, %add3A_1777 : vector<16xi32>
      %gather3A_1779 = arith.constant 2 : i32
      %gather3A_1780 = arith.constant 0 : i32
      %gather3A_1781 = arith.constant 0 : i32
      %gather3A_1782 = tpu.memref_slice %arg15[%gather3A_1779, %gather3A_1780, %gather3A_1781] : memref<4x64x128xf32, #tpu.memory_space<vmem>> -> memref<1x64x128xf32, #tpu.memory_space<vmem>>
      %gather3A_1783 = tpu.memref_squeeze %gather3A_1782 : memref<1x64x128xf32, #tpu.memory_space<vmem>> -> memref<64x128xf32, #tpu.memory_space<vmem>>
      %gather3A_1784 = tpu.vector_load_idx %gather3A_1783[%add3A_1778, %and3A_1752] : memref<64x128xf32, #tpu.memory_space<vmem>>[vector<16xi32>, vector<16xi32>], vector<16xf32>,
      %add3A_1785 = arith.constant 0 : i32
      %add3A_1786 = vector.broadcast %add3A_1785 : i32 to vector<16xi32>
      %add3A_1787 = arith.addi %iota3A_23, %add3A_1786 : vector<16xi32>
      %gather3A_1788 = tpu.vector_load_idx %arg13[%add3A_1787, %max3A_1758] : memref<64x128xf32, #tpu.memory_space<vmem>>[vector<16xi32>, vector<16xi32>], vector<16xf32>,
      %select_n3A_1789 = arith.select %ge3A_1761, %gather3A_1788, %gather3A_1784 : vector<16xi1>, vector<16xf32>
      %mul3A_1790 = arith.mulf %select_n3A_1775, %select_n3A_1789 : vector<16xf32>
      %add3A_1791 = arith.constant 16 : i32
      %add3A_1792 = vector.broadcast %add3A_1791 : i32 to vector<16xi32>
      %add3A_1793 = arith.addi %iota3A_23, %add3A_1792 : vector<16xi32>
      %gather3A_1794 = arith.constant 2 : i32
      %gather3A_1795 = arith.constant 0 : i32
      %gather3A_1796 = arith.constant 0 : i32
      %gather3A_1797 = tpu.memref_slice %arg14[%gather3A_1794, %gather3A_1795, %gather3A_1796] : memref<4x64x128xf32, #tpu.memory_space<vmem>> -> memref<1x64x128xf32, #tpu.memory_space<vmem>>
      %gather3A_1798 = tpu.memref_squeeze %gather3A_1797 : memref<1x64x128xf32, #tpu.memory_space<vmem>> -> memref<64x128xf32, #tpu.memory_space<vmem>>
      %gather3A_1799 = tpu.vector_load_idx %gather3A_1798[%add3A_1793, %and3A_1737] : memref<64x128xf32, #tpu.memory_space<vmem>>[vector<16xi32>, vector<16xi32>], vector<16xf32>,
      %add3A_1800 = arith.constant 16 : i32
      %add3A_1801 = vector.broadcast %add3A_1800 : i32 to vector<16xi32>
      %add3A_1802 = arith.addi %iota3A_23, %add3A_1801 : vector<16xi32>
      %gather3A_1803 = tpu.vector_load_idx %arg12[%add3A_1802, %max3A_1743] : memref<64x128xf32, #tpu.memory_space<vmem>>[vector<16xi32>, vector<16xi32>], vector<16xf32>,
      %select_n3A_1804 = arith.select %ge3A_1746, %gather3A_1803, %gather3A_1799 : vector<16xi1>, vector<16xf32>
      %add3A_1805 = arith.constant 16 : i32
      %add3A_1806 = vector.broadcast %add3A_1805 : i32 to vector<16xi32>
      %add3A_1807 = arith.addi %iota3A_23, %add3A_1806 : vector<16xi32>
      %gather3A_1808 = arith.constant 2 : i32
      %gather3A_1809 = arith.constant 0 : i32
      %gather3A_1810 = arith.constant 0 : i32
      %gather3A_1811 = tpu.memref_slice %arg15[%gather3A_1808, %gather3A_1809, %gather3A_1810] : memref<4x64x128xf32, #tpu.memory_space<vmem>> -> memref<1x64x128xf32, #tpu.memory_space<vmem>>
      %gather3A_1812 = tpu.memref_squeeze %gather3A_1811 : memref<1x64x128xf32, #tpu.memory_space<vmem>> -> memref<64x128xf32, #tpu.memory_space<vmem>>
      %gather3A_1813 = tpu.vector_load_idx %gather3A_1812[%add3A_1807, %and3A_1752] : memref<64x128xf32, #tpu.memory_space<vmem>>[vector<16xi32>, vector<16xi32>], vector<16xf32>,
      %add3A_1814 = arith.constant 16 : i32
      %add3A_1815 = vector.broadcast %add3A_1814 : i32 to vector<16xi32>
      %add3A_1816 = arith.addi %iota3A_23, %add3A_1815 : vector<16xi32>
      %gather3A_1817 = tpu.vector_load_idx %arg13[%add3A_1816, %max3A_1758] : memref<64x128xf32, #tpu.memory_space<vmem>>[vector<16xi32>, vector<16xi32>], vector<16xf32>,
      %select_n3A_1818 = arith.select %ge3A_1761, %gather3A_1817, %gather3A_1813 : vector<16xi1>, vector<16xf32>
      %mul3A_1819 = arith.mulf %select_n3A_1804, %select_n3A_1818 : vector<16xf32>
      %add3A_1820 = arith.addf %mul3A_1790, %mul3A_1819 : vector<16xf32>
      %add3A_1821 = arith.constant 32 : i32
      %add3A_1822 = vector.broadcast %add3A_1821 : i32 to vector<16xi32>
      %add3A_1823 = arith.addi %iota3A_23, %add3A_1822 : vector<16xi32>
      %gather3A_1824 = arith.constant 2 : i32
      %gather3A_1825 = arith.constant 0 : i32
      %gather3A_1826 = arith.constant 0 : i32
      %gather3A_1827 = tpu.memref_slice %arg14[%gather3A_1824, %gather3A_1825, %gather3A_1826] : memref<4x64x128xf32, #tpu.memory_space<vmem>> -> memref<1x64x128xf32, #tpu.memory_space<vmem>>
      %gather3A_1828 = tpu.memref_squeeze %gather3A_1827 : memref<1x64x128xf32, #tpu.memory_space<vmem>> -> memref<64x128xf32, #tpu.memory_space<vmem>>
      %gather3A_1829 = tpu.vector_load_idx %gather3A_1828[%add3A_1823, %and3A_1737] : memref<64x128xf32, #tpu.memory_space<vmem>>[vector<16xi32>, vector<16xi32>], vector<16xf32>,
      %add3A_1830 = arith.constant 32 : i32
      %add3A_1831 = vector.broadcast %add3A_1830 : i32 to vector<16xi32>
      %add3A_1832 = arith.addi %iota3A_23, %add3A_1831 : vector<16xi32>
      %gather3A_1833 = tpu.vector_load_idx %arg12[%add3A_1832, %max3A_1743] : memref<64x128xf32, #tpu.memory_space<vmem>>[vector<16xi32>, vector<16xi32>], vector<16xf32>,
      %select_n3A_1834 = arith.select %ge3A_1746, %gather3A_1833, %gather3A_1829 : vector<16xi1>, vector<16xf32>
      %add3A_1835 = arith.constant 32 : i32
      %add3A_1836 = vector.broadcast %add3A_1835 : i32 to vector<16xi32>
      %add3A_1837 = arith.addi %iota3A_23, %add3A_1836 : vector<16xi32>
      %gather3A_1838 = arith.constant 2 : i32
      %gather3A_1839 = arith.constant 0 : i32
      %gather3A_1840 = arith.constant 0 : i32
      %gather3A_1841 = tpu.memref_slice %arg15[%gather3A_1838, %gather3A_1839, %gather3A_1840] : memref<4x64x128xf32, #tpu.memory_space<vmem>> -> memref<1x64x128xf32, #tpu.memory_space<vmem>>
      %gather3A_1842 = tpu.memref_squeeze %gather3A_1841 : memref<1x64x128xf32, #tpu.memory_space<vmem>> -> memref<64x128xf32, #tpu.memory_space<vmem>>
      %gather3A_1843 = tpu.vector_load_idx %gather3A_1842[%add3A_1837, %and3A_1752] : memref<64x128xf32, #tpu.memory_space<vmem>>[vector<16xi32>, vector<16xi32>], vector<16xf32>,
      %add3A_1844 = arith.constant 32 : i32
      %add3A_1845 = vector.broadcast %add3A_1844 : i32 to vector<16xi32>
      %add3A_1846 = arith.addi %iota3A_23, %add3A_1845 : vector<16xi32>
      %gather3A_1847 = tpu.vector_load_idx %arg13[%add3A_1846, %max3A_1758] : memref<64x128xf32, #tpu.memory_space<vmem>>[vector<16xi32>, vector<16xi32>], vector<16xf32>,
      %select_n3A_1848 = arith.select %ge3A_1761, %gather3A_1847, %gather3A_1843 : vector<16xi1>, vector<16xf32>
      %mul3A_1849 = arith.mulf %select_n3A_1834, %select_n3A_1848 : vector<16xf32>
      %add3A_1850 = arith.addf %add3A_1820, %mul3A_1849 : vector<16xf32>
      %add3A_1851 = arith.constant 48 : i32
      %add3A_1852 = vector.broadcast %add3A_1851 : i32 to vector<16xi32>
      %add3A_1853 = arith.addi %iota3A_23, %add3A_1852 : vector<16xi32>
      %gather3A_1854 = arith.constant 2 : i32
      %gather3A_1855 = arith.constant 0 : i32
      %gather3A_1856 = arith.constant 0 : i32
      %gather3A_1857 = tpu.memref_slice %arg14[%gather3A_1854, %gather3A_1855, %gather3A_1856] : memref<4x64x128xf32, #tpu.memory_space<vmem>> -> memref<1x64x128xf32, #tpu.memory_space<vmem>>
      %gather3A_1858 = tpu.memref_squeeze %gather3A_1857 : memref<1x64x128xf32, #tpu.memory_space<vmem>> -> memref<64x128xf32, #tpu.memory_space<vmem>>
      %gather3A_1859 = tpu.vector_load_idx %gather3A_1858[%add3A_1853, %and3A_1737] : memref<64x128xf32, #tpu.memory_space<vmem>>[vector<16xi32>, vector<16xi32>], vector<16xf32>,
      %add3A_1860 = arith.constant 48 : i32
      %add3A_1861 = vector.broadcast %add3A_1860 : i32 to vector<16xi32>
      %add3A_1862 = arith.addi %iota3A_23, %add3A_1861 : vector<16xi32>
      %gather3A_1863 = tpu.vector_load_idx %arg12[%add3A_1862, %max3A_1743] : memref<64x128xf32, #tpu.memory_space<vmem>>[vector<16xi32>, vector<16xi32>], vector<16xf32>,
      %select_n3A_1864 = arith.select %ge3A_1746, %gather3A_1863, %gather3A_1859 : vector<16xi1>, vector<16xf32>
      %add3A_1865 = arith.constant 48 : i32
      %add3A_1866 = vector.broadcast %add3A_1865 : i32 to vector<16xi32>
      %add3A_1867 = arith.addi %iota3A_23, %add3A_1866 : vector<16xi32>
      %gather3A_1868 = arith.constant 2 : i32
      %gather3A_1869 = arith.constant 0 : i32
      %gather3A_1870 = arith.constant 0 : i32
      %gather3A_1871 = tpu.memref_slice %arg15[%gather3A_1868, %gather3A_1869, %gather3A_1870] : memref<4x64x128xf32, #tpu.memory_space<vmem>> -> memref<1x64x128xf32, #tpu.memory_space<vmem>>
      %gather3A_1872 = tpu.memref_squeeze %gather3A_1871 : memref<1x64x128xf32, #tpu.memory_space<vmem>> -> memref<64x128xf32, #tpu.memory_space<vmem>>
      %gather3A_1873 = tpu.vector_load_idx %gather3A_1872[%add3A_1867, %and3A_1752] : memref<64x128xf32, #tpu.memory_space<vmem>>[vector<16xi32>, vector<16xi32>], vector<16xf32>,
      %add3A_1874 = arith.constant 48 : i32
      %add3A_1875 = vector.broadcast %add3A_1874 : i32 to vector<16xi32>
      %add3A_1876 = arith.addi %iota3A_23, %add3A_1875 : vector<16xi32>
      %gather3A_1877 = tpu.vector_load_idx %arg13[%add3A_1876, %max3A_1758] : memref<64x128xf32, #tpu.memory_space<vmem>>[vector<16xi32>, vector<16xi32>], vector<16xf32>,
      %select_n3A_1878 = arith.select %ge3A_1761, %gather3A_1877, %gather3A_1873 : vector<16xi1>, vector<16xf32>
      %mul3A_1879 = arith.mulf %select_n3A_1864, %select_n3A_1878 : vector<16xf32>
      %add3A_1880 = arith.addf %add3A_1850, %mul3A_1879 : vector<16xf32>
      %mul3A_1881 = arith.constant 512 : i32
      %mul3A_1882 = vector.broadcast %mul3A_1881 : i32 to vector<16xi32>
      %mul3A_1883 = arith.muli %iota3A_23, %mul3A_1882 : vector<16xi32>
      %add3A_1884 = vector.broadcast %add3A_1731 : i32 to vector<16xi32>
      %add3A_1885 = arith.addi %mul3A_1883, %add3A_1884 : vector<16xi32>
      tpu.vector_store_idx %arg16[%add3A_1885], %add3A_1880 : memref<8192xf32, #tpu.memory_space<vmem>>[vector<16xi32>], vector<16xf32>,
      %slice3A_1886 = vector.extract_strided_slice %get3A_167 {offsets = [10], sizes = [1], strides = [1]} : vector<16xi32> to vector<1xi32>
      %squeeze3A_1887 = vector.extract %slice3A_1886[0] : i32 from vector<1xi32>
      %shift_right_arithmetic3A_1888 = arith.constant 7 : i32
      %shift_right_arithmetic3A_1889 = arith.shrsi %squeeze3A_1887, %shift_right_arithmetic3A_1888 : i32
      %min3A_1890 = arith.constant 7811 : i32
      %min3A_1891 = arith.minsi %shift_right_arithmetic3A_1889, %min3A_1890 : i32
      %mul3A_1892 = arith.constant 128 : i32
      %mul3A_1893 = arith.muli %min3A_1891, %mul3A_1892 : i32
      %multiple_of3A_1894 = tpu.assume_multiple %mul3A_1893, 128 : i32
      %slice3A_1895 = vector.extract_strided_slice %get3A_171 {offsets = [10], sizes = [1], strides = [1]} : vector<16xi32> to vector<1xi32>
      %squeeze3A_1896 = vector.extract %slice3A_1895[0] : i32 from vector<1xi32>
      %shift_right_arithmetic3A_1897 = arith.constant 7 : i32
      %shift_right_arithmetic3A_1898 = arith.shrsi %squeeze3A_1896, %shift_right_arithmetic3A_1897 : i32
      %min3A_1899 = arith.constant 7811 : i32
      %min3A_1900 = arith.minsi %shift_right_arithmetic3A_1898, %min3A_1899 : i32
      %mul3A_1901 = arith.constant 128 : i32
      %mul3A_1902 = arith.muli %min3A_1900, %mul3A_1901 : i32
      %multiple_of3A_1903 = tpu.assume_multiple %mul3A_1902, 128 : i32
      %dma_start3A_1904 = arith.constant 2 : i32
      %dma_start3A_1905 = arith.constant 0 : i32
      %dma_start3A_1906 = arith.constant 0 : i32
      %dma_start3A_1907 = tpu.memref_slice %arg14[%dma_start3A_1904, %dma_start3A_1905, %dma_start3A_1906] : memref<4x64x128xf32, #tpu.memory_space<vmem>> -> memref<1x64x128xf32, #tpu.memory_space<vmem>>
      %dma_start3A_1908 = tpu.memref_squeeze %dma_start3A_1907 : memref<1x64x128xf32, #tpu.memory_space<vmem>> -> memref<64x128xf32, #tpu.memory_space<vmem>>
      %dma_start3A_1909 = arith.constant 0 : i32
      %dma_start3A_1910 = tpu.memref_slice %arg4[%dma_start3A_1909, %multiple_of3A_1894] : memref<64x1000000xf32, #tpu.memory_space<hbm>> -> memref<64x128xf32, #tpu.memory_space<hbm>>
      %dma_start3A_1911 = arith.constant 0 : i32
      %dma_start3A_1912 = arith.constant 0 : i32
      %dma_start3A_1913 = tpu.memref_slice %arg14[%dma_start3A_1904, %dma_start3A_1911, %dma_start3A_1912] : memref<4x64x128xf32, #tpu.memory_space<vmem>> -> memref<1x64x128xf32, #tpu.memory_space<vmem>>
      %dma_start3A_1914 = tpu.memref_squeeze %dma_start3A_1913 : memref<1x64x128xf32, #tpu.memory_space<vmem>> -> memref<64x128xf32, #tpu.memory_space<vmem>>
      %dma_start3A_1915 = arith.constant 0 : i32
      %dma_start3A_1916 = tpu.memref_slice %arg4[%dma_start3A_1915, %multiple_of3A_1894] : memref<64x1000000xf32, #tpu.memory_space<hbm>> -> memref<64x128xf32, #tpu.memory_space<hbm>>
      tpu.enqueue_dma source(%dma_start3A_1916 : memref<64x128xf32, #tpu.memory_space<hbm>>) target(%dma_start3A_1914 : memref<64x128xf32, #tpu.memory_space<vmem>>) target_semaphore(%arg20 : memref<!tpu.dma_semaphore, #tpu.memory_space<semaphore_mem>>)
      %dma_start3A_1917 = arith.constant 2 : i32
      %dma_start3A_1918 = arith.constant 0 : i32
      %dma_start3A_1919 = arith.constant 0 : i32
      %dma_start3A_1920 = tpu.memref_slice %arg15[%dma_start3A_1917, %dma_start3A_1918, %dma_start3A_1919] : memref<4x64x128xf32, #tpu.memory_space<vmem>> -> memref<1x64x128xf32, #tpu.memory_space<vmem>>
      %dma_start3A_1921 = tpu.memref_squeeze %dma_start3A_1920 : memref<1x64x128xf32, #tpu.memory_space<vmem>> -> memref<64x128xf32, #tpu.memory_space<vmem>>
      %dma_start3A_1922 = arith.constant 0 : i32
      %dma_start3A_1923 = tpu.memref_slice %arg5[%dma_start3A_1922, %multiple_of3A_1903] : memref<64x1000000xf32, #tpu.memory_space<hbm>> -> memref<64x128xf32, #tpu.memory_space<hbm>>
      %dma_start3A_1924 = arith.constant 0 : i32
      %dma_start3A_1925 = arith.constant 0 : i32
      %dma_start3A_1926 = tpu.memref_slice %arg15[%dma_start3A_1917, %dma_start3A_1924, %dma_start3A_1925] : memref<4x64x128xf32, #tpu.memory_space<vmem>> -> memref<1x64x128xf32, #tpu.memory_space<vmem>>
      %dma_start3A_1927 = tpu.memref_squeeze %dma_start3A_1926 : memref<1x64x128xf32, #tpu.memory_space<vmem>> -> memref<64x128xf32, #tpu.memory_space<vmem>>
      %dma_start3A_1928 = arith.constant 0 : i32
      %dma_start3A_1929 = tpu.memref_slice %arg5[%dma_start3A_1928, %multiple_of3A_1903] : memref<64x1000000xf32, #tpu.memory_space<hbm>> -> memref<64x128xf32, #tpu.memory_space<hbm>>
      tpu.enqueue_dma source(%dma_start3A_1929 : memref<64x128xf32, #tpu.memory_space<hbm>>) target(%dma_start3A_1927 : memref<64x128xf32, #tpu.memory_space<vmem>>) target_semaphore(%arg20 : memref<!tpu.dma_semaphore, #tpu.memory_space<semaphore_mem>>)
      %slice3A_1930 = vector.extract_strided_slice %get3A_167 {offsets = [7], sizes = [1], strides = [1]} : vector<16xi32> to vector<1xi32>
      %squeeze3A_1931 = vector.extract %slice3A_1930[0] : i32 from vector<1xi32>
      %shift_right_arithmetic3A_1932 = arith.constant 7 : i32
      %shift_right_arithmetic3A_1933 = arith.shrsi %squeeze3A_1931, %shift_right_arithmetic3A_1932 : i32
      %min3A_1934 = arith.constant 7811 : i32
      %min3A_1935 = arith.minsi %shift_right_arithmetic3A_1933, %min3A_1934 : i32
      %mul3A_1936 = arith.constant 128 : i32
      %mul3A_1937 = arith.muli %min3A_1935, %mul3A_1936 : i32
      %multiple_of3A_1938 = tpu.assume_multiple %mul3A_1937, 128 : i32
      %slice3A_1939 = vector.extract_strided_slice %get3A_171 {offsets = [7], sizes = [1], strides = [1]} : vector<16xi32> to vector<1xi32>
      %squeeze3A_1940 = vector.extract %slice3A_1939[0] : i32 from vector<1xi32>
      %shift_right_arithmetic3A_1941 = arith.constant 7 : i32
      %shift_right_arithmetic3A_1942 = arith.shrsi %squeeze3A_1940, %shift_right_arithmetic3A_1941 : i32
      %min3A_1943 = arith.constant 7811 : i32
      %min3A_1944 = arith.minsi %shift_right_arithmetic3A_1942, %min3A_1943 : i32
      %mul3A_1945 = arith.constant 128 : i32
      %mul3A_1946 = arith.muli %min3A_1944, %mul3A_1945 : i32
      %multiple_of3A_1947 = tpu.assume_multiple %mul3A_1946, 128 : i32
      %dma_wait3A_1948 = arith.constant 3 : i32
      %dma_wait3A_1949 = arith.constant 0 : i32
      %dma_wait3A_1950 = arith.constant 0 : i32
      %dma_wait3A_1951 = tpu.memref_slice %arg14[%dma_wait3A_1948, %dma_wait3A_1949, %dma_wait3A_1950] : memref<4x64x128xf32, #tpu.memory_space<vmem>> -> memref<1x64x128xf32, #tpu.memory_space<vmem>>
      %dma_wait3A_1952 = tpu.memref_squeeze %dma_wait3A_1951 : memref<1x64x128xf32, #tpu.memory_space<vmem>> -> memref<64x128xf32, #tpu.memory_space<vmem>>
      %dma_wait3A_1953 = arith.constant 0 : i32
      %dma_wait3A_1954 = tpu.memref_slice %arg4[%dma_wait3A_1953, %multiple_of3A_1938] : memref<64x1000000xf32, #tpu.memory_space<hbm>> -> memref<64x128xf32, #tpu.memory_space<hbm>>
      %dma_wait3A_1955 = arith.constant 0 : i32
      %dma_wait3A_1956 = arith.constant 0 : i32
      %dma_wait3A_1957 = tpu.memref_slice %arg14[%dma_wait3A_1948, %dma_wait3A_1955, %dma_wait3A_1956] : memref<4x64x128xf32, #tpu.memory_space<vmem>> -> memref<1x64x128xf32, #tpu.memory_space<vmem>>
      %dma_wait3A_1958 = tpu.memref_squeeze %dma_wait3A_1957 : memref<1x64x128xf32, #tpu.memory_space<vmem>> -> memref<64x128xf32, #tpu.memory_space<vmem>>
      %dma_wait3A_1959 = arith.constant 0 : i32
      %dma_wait3A_1960 = tpu.memref_slice %arg4[%dma_wait3A_1959, %multiple_of3A_1938] : memref<64x1000000xf32, #tpu.memory_space<hbm>> -> memref<64x128xf32, #tpu.memory_space<hbm>>
      tpu.wait_dma2 semaphore(%arg21 : memref<!tpu.dma_semaphore, #tpu.memory_space<semaphore_mem>>) src(%dma_wait3A_1960 : memref<64x128xf32, #tpu.memory_space<hbm>>) dst(%dma_wait3A_1958 : memref<64x128xf32, #tpu.memory_space<vmem>>)
      %dma_wait3A_1961 = arith.constant 3 : i32
      %dma_wait3A_1962 = arith.constant 0 : i32
      %dma_wait3A_1963 = arith.constant 0 : i32
      %dma_wait3A_1964 = tpu.memref_slice %arg15[%dma_wait3A_1961, %dma_wait3A_1962, %dma_wait3A_1963] : memref<4x64x128xf32, #tpu.memory_space<vmem>> -> memref<1x64x128xf32, #tpu.memory_space<vmem>>
      %dma_wait3A_1965 = tpu.memref_squeeze %dma_wait3A_1964 : memref<1x64x128xf32, #tpu.memory_space<vmem>> -> memref<64x128xf32, #tpu.memory_space<vmem>>
      %dma_wait3A_1966 = arith.constant 0 : i32
      %dma_wait3A_1967 = tpu.memref_slice %arg5[%dma_wait3A_1966, %multiple_of3A_1947] : memref<64x1000000xf32, #tpu.memory_space<hbm>> -> memref<64x128xf32, #tpu.memory_space<hbm>>
      %dma_wait3A_1968 = arith.constant 0 : i32
      %dma_wait3A_1969 = arith.constant 0 : i32
      %dma_wait3A_1970 = tpu.memref_slice %arg15[%dma_wait3A_1961, %dma_wait3A_1968, %dma_wait3A_1969] : memref<4x64x128xf32, #tpu.memory_space<vmem>> -> memref<1x64x128xf32, #tpu.memory_space<vmem>>
      %dma_wait3A_1971 = tpu.memref_squeeze %dma_wait3A_1970 : memref<1x64x128xf32, #tpu.memory_space<vmem>> -> memref<64x128xf32, #tpu.memory_space<vmem>>
      %dma_wait3A_1972 = arith.constant 0 : i32
      %dma_wait3A_1973 = tpu.memref_slice %arg5[%dma_wait3A_1972, %multiple_of3A_1947] : memref<64x1000000xf32, #tpu.memory_space<hbm>> -> memref<64x128xf32, #tpu.memory_space<hbm>>
      tpu.wait_dma2 semaphore(%arg21 : memref<!tpu.dma_semaphore, #tpu.memory_space<semaphore_mem>>) src(%dma_wait3A_1973 : memref<64x128xf32, #tpu.memory_space<hbm>>) dst(%dma_wait3A_1971 : memref<64x128xf32, #tpu.memory_space<vmem>>)
      %mul3A_1974 = arith.constant 16 : i32
      %mul3A_1975 = arith.muli %add3A_163, %mul3A_1974 : i32
      %add3A_1976 = arith.constant 7 : i32
      %add3A_1977 = arith.addi %mul3A_1975, %add3A_1976 : i32
      %slice3A_1978 = vector.extract_strided_slice %get3A_167 {offsets = [7], sizes = [1], strides = [1]} : vector<16xi32> to vector<1xi32>
      %squeeze3A_1979 = vector.extract %slice3A_1978[0] : i32 from vector<1xi32>
      %broadcast_in_dim3A_1980 = vector.broadcast %squeeze3A_1979 : i32 to vector<16xi32>
      %and3A_1981 = arith.constant 127 : i32
      %and3A_1982 = vector.broadcast %and3A_1981 : i32 to vector<16xi32>
      %and3A_1983 = arith.andi %broadcast_in_dim3A_1980, %and3A_1982 : vector<16xi32>
      %sub3A_1984 = arith.constant 999936 : i32
      %sub3A_1985 = vector.broadcast %sub3A_1984 : i32 to vector<16xi32>
      %sub3A_1986 = arith.subi %broadcast_in_dim3A_1980, %sub3A_1985 : vector<16xi32>
      %max3A_1987 = arith.constant 0 : i32
      %max3A_1988 = vector.broadcast %max3A_1987 : i32 to vector<16xi32>
      %max3A_1989 = arith.maxsi %sub3A_1986, %max3A_1988 : vector<16xi32>
      %ge3A_1990 = arith.constant 999936 : i32
      %ge3A_1991 = vector.broadcast %ge3A_1990 : i32 to vector<16xi32>
      %ge3A_1992 = arith.cmpi sge, %broadcast_in_dim3A_1980, %ge3A_1991 : vector<16xi32>
      %slice3A_1993 = vector.extract_strided_slice %get3A_171 {offsets = [7], sizes = [1], strides = [1]} : vector<16xi32> to vector<1xi32>
      %squeeze3A_1994 = vector.extract %slice3A_1993[0] : i32 from vector<1xi32>
      %broadcast_in_dim3A_1995 = vector.broadcast %squeeze3A_1994 : i32 to vector<16xi32>
      %and3A_1996 = arith.constant 127 : i32
      %and3A_1997 = vector.broadcast %and3A_1996 : i32 to vector<16xi32>
      %and3A_1998 = arith.andi %broadcast_in_dim3A_1995, %and3A_1997 : vector<16xi32>
      %sub3A_1999 = arith.constant 999936 : i32
      %sub3A_2000 = vector.broadcast %sub3A_1999 : i32 to vector<16xi32>
      %sub3A_2001 = arith.subi %broadcast_in_dim3A_1995, %sub3A_2000 : vector<16xi32>
      %max3A_2002 = arith.constant 0 : i32
      %max3A_2003 = vector.broadcast %max3A_2002 : i32 to vector<16xi32>
      %max3A_2004 = arith.maxsi %sub3A_2001, %max3A_2003 : vector<16xi32>
      %ge3A_2005 = arith.constant 999936 : i32
      %ge3A_2006 = vector.broadcast %ge3A_2005 : i32 to vector<16xi32>
      %ge3A_2007 = arith.cmpi sge, %broadcast_in_dim3A_1995, %ge3A_2006 : vector<16xi32>
      %add3A_2008 = arith.constant 0 : i32
      %add3A_2009 = vector.broadcast %add3A_2008 : i32 to vector<16xi32>
      %add3A_2010 = arith.addi %iota3A_23, %add3A_2009 : vector<16xi32>
      %gather3A_2011 = arith.constant 3 : i32
      %gather3A_2012 = arith.constant 0 : i32
      %gather3A_2013 = arith.constant 0 : i32
      %gather3A_2014 = tpu.memref_slice %arg14[%gather3A_2011, %gather3A_2012, %gather3A_2013] : memref<4x64x128xf32, #tpu.memory_space<vmem>> -> memref<1x64x128xf32, #tpu.memory_space<vmem>>
      %gather3A_2015 = tpu.memref_squeeze %gather3A_2014 : memref<1x64x128xf32, #tpu.memory_space<vmem>> -> memref<64x128xf32, #tpu.memory_space<vmem>>
      %gather3A_2016 = tpu.vector_load_idx %gather3A_2015[%add3A_2010, %and3A_1983] : memref<64x128xf32, #tpu.memory_space<vmem>>[vector<16xi32>, vector<16xi32>], vector<16xf32>,
      %add3A_2017 = arith.constant 0 : i32
      %add3A_2018 = vector.broadcast %add3A_2017 : i32 to vector<16xi32>
      %add3A_2019 = arith.addi %iota3A_23, %add3A_2018 : vector<16xi32>
      %gather3A_2020 = tpu.vector_load_idx %arg12[%add3A_2019, %max3A_1989] : memref<64x128xf32, #tpu.memory_space<vmem>>[vector<16xi32>, vector<16xi32>], vector<16xf32>,
      %select_n3A_2021 = arith.select %ge3A_1992, %gather3A_2020, %gather3A_2016 : vector<16xi1>, vector<16xf32>
      %add3A_2022 = arith.constant 0 : i32
      %add3A_2023 = vector.broadcast %add3A_2022 : i32 to vector<16xi32>
      %add3A_2024 = arith.addi %iota3A_23, %add3A_2023 : vector<16xi32>
      %gather3A_2025 = arith.constant 3 : i32
      %gather3A_2026 = arith.constant 0 : i32
      %gather3A_2027 = arith.constant 0 : i32
      %gather3A_2028 = tpu.memref_slice %arg15[%gather3A_2025, %gather3A_2026, %gather3A_2027] : memref<4x64x128xf32, #tpu.memory_space<vmem>> -> memref<1x64x128xf32, #tpu.memory_space<vmem>>
      %gather3A_2029 = tpu.memref_squeeze %gather3A_2028 : memref<1x64x128xf32, #tpu.memory_space<vmem>> -> memref<64x128xf32, #tpu.memory_space<vmem>>
      %gather3A_2030 = tpu.vector_load_idx %gather3A_2029[%add3A_2024, %and3A_1998] : memref<64x128xf32, #tpu.memory_space<vmem>>[vector<16xi32>, vector<16xi32>], vector<16xf32>,
      %add3A_2031 = arith.constant 0 : i32
      %add3A_2032 = vector.broadcast %add3A_2031 : i32 to vector<16xi32>
      %add3A_2033 = arith.addi %iota3A_23, %add3A_2032 : vector<16xi32>
      %gather3A_2034 = tpu.vector_load_idx %arg13[%add3A_2033, %max3A_2004] : memref<64x128xf32, #tpu.memory_space<vmem>>[vector<16xi32>, vector<16xi32>], vector<16xf32>,
      %select_n3A_2035 = arith.select %ge3A_2007, %gather3A_2034, %gather3A_2030 : vector<16xi1>, vector<16xf32>
      %mul3A_2036 = arith.mulf %select_n3A_2021, %select_n3A_2035 : vector<16xf32>
      %add3A_2037 = arith.constant 16 : i32
      %add3A_2038 = vector.broadcast %add3A_2037 : i32 to vector<16xi32>
      %add3A_2039 = arith.addi %iota3A_23, %add3A_2038 : vector<16xi32>
      %gather3A_2040 = arith.constant 3 : i32
      %gather3A_2041 = arith.constant 0 : i32
      %gather3A_2042 = arith.constant 0 : i32
      %gather3A_2043 = tpu.memref_slice %arg14[%gather3A_2040, %gather3A_2041, %gather3A_2042] : memref<4x64x128xf32, #tpu.memory_space<vmem>> -> memref<1x64x128xf32, #tpu.memory_space<vmem>>
      %gather3A_2044 = tpu.memref_squeeze %gather3A_2043 : memref<1x64x128xf32, #tpu.memory_space<vmem>> -> memref<64x128xf32, #tpu.memory_space<vmem>>
      %gather3A_2045 = tpu.vector_load_idx %gather3A_2044[%add3A_2039, %and3A_1983] : memref<64x128xf32, #tpu.memory_space<vmem>>[vector<16xi32>, vector<16xi32>], vector<16xf32>,
      %add3A_2046 = arith.constant 16 : i32
      %add3A_2047 = vector.broadcast %add3A_2046 : i32 to vector<16xi32>
      %add3A_2048 = arith.addi %iota3A_23, %add3A_2047 : vector<16xi32>
      %gather3A_2049 = tpu.vector_load_idx %arg12[%add3A_2048, %max3A_1989] : memref<64x128xf32, #tpu.memory_space<vmem>>[vector<16xi32>, vector<16xi32>], vector<16xf32>,
      %select_n3A_2050 = arith.select %ge3A_1992, %gather3A_2049, %gather3A_2045 : vector<16xi1>, vector<16xf32>
      %add3A_2051 = arith.constant 16 : i32
      %add3A_2052 = vector.broadcast %add3A_2051 : i32 to vector<16xi32>
      %add3A_2053 = arith.addi %iota3A_23, %add3A_2052 : vector<16xi32>
      %gather3A_2054 = arith.constant 3 : i32
      %gather3A_2055 = arith.constant 0 : i32
      %gather3A_2056 = arith.constant 0 : i32
      %gather3A_2057 = tpu.memref_slice %arg15[%gather3A_2054, %gather3A_2055, %gather3A_2056] : memref<4x64x128xf32, #tpu.memory_space<vmem>> -> memref<1x64x128xf32, #tpu.memory_space<vmem>>
      %gather3A_2058 = tpu.memref_squeeze %gather3A_2057 : memref<1x64x128xf32, #tpu.memory_space<vmem>> -> memref<64x128xf32, #tpu.memory_space<vmem>>
      %gather3A_2059 = tpu.vector_load_idx %gather3A_2058[%add3A_2053, %and3A_1998] : memref<64x128xf32, #tpu.memory_space<vmem>>[vector<16xi32>, vector<16xi32>], vector<16xf32>,
      %add3A_2060 = arith.constant 16 : i32
      %add3A_2061 = vector.broadcast %add3A_2060 : i32 to vector<16xi32>
      %add3A_2062 = arith.addi %iota3A_23, %add3A_2061 : vector<16xi32>
      %gather3A_2063 = tpu.vector_load_idx %arg13[%add3A_2062, %max3A_2004] : memref<64x128xf32, #tpu.memory_space<vmem>>[vector<16xi32>, vector<16xi32>], vector<16xf32>,
      %select_n3A_2064 = arith.select %ge3A_2007, %gather3A_2063, %gather3A_2059 : vector<16xi1>, vector<16xf32>
      %mul3A_2065 = arith.mulf %select_n3A_2050, %select_n3A_2064 : vector<16xf32>
      %add3A_2066 = arith.addf %mul3A_2036, %mul3A_2065 : vector<16xf32>
      %add3A_2067 = arith.constant 32 : i32
      %add3A_2068 = vector.broadcast %add3A_2067 : i32 to vector<16xi32>
      %add3A_2069 = arith.addi %iota3A_23, %add3A_2068 : vector<16xi32>
      %gather3A_2070 = arith.constant 3 : i32
      %gather3A_2071 = arith.constant 0 : i32
      %gather3A_2072 = arith.constant 0 : i32
      %gather3A_2073 = tpu.memref_slice %arg14[%gather3A_2070, %gather3A_2071, %gather3A_2072] : memref<4x64x128xf32, #tpu.memory_space<vmem>> -> memref<1x64x128xf32, #tpu.memory_space<vmem>>
      %gather3A_2074 = tpu.memref_squeeze %gather3A_2073 : memref<1x64x128xf32, #tpu.memory_space<vmem>> -> memref<64x128xf32, #tpu.memory_space<vmem>>
      %gather3A_2075 = tpu.vector_load_idx %gather3A_2074[%add3A_2069, %and3A_1983] : memref<64x128xf32, #tpu.memory_space<vmem>>[vector<16xi32>, vector<16xi32>], vector<16xf32>,
      %add3A_2076 = arith.constant 32 : i32
      %add3A_2077 = vector.broadcast %add3A_2076 : i32 to vector<16xi32>
      %add3A_2078 = arith.addi %iota3A_23, %add3A_2077 : vector<16xi32>
      %gather3A_2079 = tpu.vector_load_idx %arg12[%add3A_2078, %max3A_1989] : memref<64x128xf32, #tpu.memory_space<vmem>>[vector<16xi32>, vector<16xi32>], vector<16xf32>,
      %select_n3A_2080 = arith.select %ge3A_1992, %gather3A_2079, %gather3A_2075 : vector<16xi1>, vector<16xf32>
      %add3A_2081 = arith.constant 32 : i32
      %add3A_2082 = vector.broadcast %add3A_2081 : i32 to vector<16xi32>
      %add3A_2083 = arith.addi %iota3A_23, %add3A_2082 : vector<16xi32>
      %gather3A_2084 = arith.constant 3 : i32
      %gather3A_2085 = arith.constant 0 : i32
      %gather3A_2086 = arith.constant 0 : i32
      %gather3A_2087 = tpu.memref_slice %arg15[%gather3A_2084, %gather3A_2085, %gather3A_2086] : memref<4x64x128xf32, #tpu.memory_space<vmem>> -> memref<1x64x128xf32, #tpu.memory_space<vmem>>
      %gather3A_2088 = tpu.memref_squeeze %gather3A_2087 : memref<1x64x128xf32, #tpu.memory_space<vmem>> -> memref<64x128xf32, #tpu.memory_space<vmem>>
      %gather3A_2089 = tpu.vector_load_idx %gather3A_2088[%add3A_2083, %and3A_1998] : memref<64x128xf32, #tpu.memory_space<vmem>>[vector<16xi32>, vector<16xi32>], vector<16xf32>,
      %add3A_2090 = arith.constant 32 : i32
      %add3A_2091 = vector.broadcast %add3A_2090 : i32 to vector<16xi32>
      %add3A_2092 = arith.addi %iota3A_23, %add3A_2091 : vector<16xi32>
      %gather3A_2093 = tpu.vector_load_idx %arg13[%add3A_2092, %max3A_2004] : memref<64x128xf32, #tpu.memory_space<vmem>>[vector<16xi32>, vector<16xi32>], vector<16xf32>,
      %select_n3A_2094 = arith.select %ge3A_2007, %gather3A_2093, %gather3A_2089 : vector<16xi1>, vector<16xf32>
      %mul3A_2095 = arith.mulf %select_n3A_2080, %select_n3A_2094 : vector<16xf32>
      %add3A_2096 = arith.addf %add3A_2066, %mul3A_2095 : vector<16xf32>
      %add3A_2097 = arith.constant 48 : i32
      %add3A_2098 = vector.broadcast %add3A_2097 : i32 to vector<16xi32>
      %add3A_2099 = arith.addi %iota3A_23, %add3A_2098 : vector<16xi32>
      %gather3A_2100 = arith.constant 3 : i32
      %gather3A_2101 = arith.constant 0 : i32
      %gather3A_2102 = arith.constant 0 : i32
      %gather3A_2103 = tpu.memref_slice %arg14[%gather3A_2100, %gather3A_2101, %gather3A_2102] : memref<4x64x128xf32, #tpu.memory_space<vmem>> -> memref<1x64x128xf32, #tpu.memory_space<vmem>>
      %gather3A_2104 = tpu.memref_squeeze %gather3A_2103 : memref<1x64x128xf32, #tpu.memory_space<vmem>> -> memref<64x128xf32, #tpu.memory_space<vmem>>
      %gather3A_2105 = tpu.vector_load_idx %gather3A_2104[%add3A_2099, %and3A_1983] : memref<64x128xf32, #tpu.memory_space<vmem>>[vector<16xi32>, vector<16xi32>], vector<16xf32>,
      %add3A_2106 = arith.constant 48 : i32
      %add3A_2107 = vector.broadcast %add3A_2106 : i32 to vector<16xi32>
      %add3A_2108 = arith.addi %iota3A_23, %add3A_2107 : vector<16xi32>
      %gather3A_2109 = tpu.vector_load_idx %arg12[%add3A_2108, %max3A_1989] : memref<64x128xf32, #tpu.memory_space<vmem>>[vector<16xi32>, vector<16xi32>], vector<16xf32>,
      %select_n3A_2110 = arith.select %ge3A_1992, %gather3A_2109, %gather3A_2105 : vector<16xi1>, vector<16xf32>
      %add3A_2111 = arith.constant 48 : i32
      %add3A_2112 = vector.broadcast %add3A_2111 : i32 to vector<16xi32>
      %add3A_2113 = arith.addi %iota3A_23, %add3A_2112 : vector<16xi32>
      %gather3A_2114 = arith.constant 3 : i32
      %gather3A_2115 = arith.constant 0 : i32
      %gather3A_2116 = arith.constant 0 : i32
      %gather3A_2117 = tpu.memref_slice %arg15[%gather3A_2114, %gather3A_2115, %gather3A_2116] : memref<4x64x128xf32, #tpu.memory_space<vmem>> -> memref<1x64x128xf32, #tpu.memory_space<vmem>>
      %gather3A_2118 = tpu.memref_squeeze %gather3A_2117 : memref<1x64x128xf32, #tpu.memory_space<vmem>> -> memref<64x128xf32, #tpu.memory_space<vmem>>
      %gather3A_2119 = tpu.vector_load_idx %gather3A_2118[%add3A_2113, %and3A_1998] : memref<64x128xf32, #tpu.memory_space<vmem>>[vector<16xi32>, vector<16xi32>], vector<16xf32>,
      %add3A_2120 = arith.constant 48 : i32
      %add3A_2121 = vector.broadcast %add3A_2120 : i32 to vector<16xi32>
      %add3A_2122 = arith.addi %iota3A_23, %add3A_2121 : vector<16xi32>
      %gather3A_2123 = tpu.vector_load_idx %arg13[%add3A_2122, %max3A_2004] : memref<64x128xf32, #tpu.memory_space<vmem>>[vector<16xi32>, vector<16xi32>], vector<16xf32>,
      %select_n3A_2124 = arith.select %ge3A_2007, %gather3A_2123, %gather3A_2119 : vector<16xi1>, vector<16xf32>
      %mul3A_2125 = arith.mulf %select_n3A_2110, %select_n3A_2124 : vector<16xf32>
      %add3A_2126 = arith.addf %add3A_2096, %mul3A_2125 : vector<16xf32>
      %mul3A_2127 = arith.constant 512 : i32
      %mul3A_2128 = vector.broadcast %mul3A_2127 : i32 to vector<16xi32>
      %mul3A_2129 = arith.muli %iota3A_23, %mul3A_2128 : vector<16xi32>
      %add3A_2130 = vector.broadcast %add3A_1977 : i32 to vector<16xi32>
      %add3A_2131 = arith.addi %mul3A_2129, %add3A_2130 : vector<16xi32>
      tpu.vector_store_idx %arg16[%add3A_2131], %add3A_2126 : memref<8192xf32, #tpu.memory_space<vmem>>[vector<16xi32>], vector<16xf32>,
      %slice3A_2132 = vector.extract_strided_slice %get3A_167 {offsets = [11], sizes = [1], strides = [1]} : vector<16xi32> to vector<1xi32>
      %squeeze3A_2133 = vector.extract %slice3A_2132[0] : i32 from vector<1xi32>
      %shift_right_arithmetic3A_2134 = arith.constant 7 : i32
      %shift_right_arithmetic3A_2135 = arith.shrsi %squeeze3A_2133, %shift_right_arithmetic3A_2134 : i32
      %min3A_2136 = arith.constant 7811 : i32
      %min3A_2137 = arith.minsi %shift_right_arithmetic3A_2135, %min3A_2136 : i32
      %mul3A_2138 = arith.constant 128 : i32
      %mul3A_2139 = arith.muli %min3A_2137, %mul3A_2138 : i32
      %multiple_of3A_2140 = tpu.assume_multiple %mul3A_2139, 128 : i32
      %slice3A_2141 = vector.extract_strided_slice %get3A_171 {offsets = [11], sizes = [1], strides = [1]} : vector<16xi32> to vector<1xi32>
      %squeeze3A_2142 = vector.extract %slice3A_2141[0] : i32 from vector<1xi32>
      %shift_right_arithmetic3A_2143 = arith.constant 7 : i32
      %shift_right_arithmetic3A_2144 = arith.shrsi %squeeze3A_2142, %shift_right_arithmetic3A_2143 : i32
      %min3A_2145 = arith.constant 7811 : i32
      %min3A_2146 = arith.minsi %shift_right_arithmetic3A_2144, %min3A_2145 : i32
      %mul3A_2147 = arith.constant 128 : i32
      %mul3A_2148 = arith.muli %min3A_2146, %mul3A_2147 : i32
      %multiple_of3A_2149 = tpu.assume_multiple %mul3A_2148, 128 : i32
      %dma_start3A_2150 = arith.constant 3 : i32
      %dma_start3A_2151 = arith.constant 0 : i32
      %dma_start3A_2152 = arith.constant 0 : i32
      %dma_start3A_2153 = tpu.memref_slice %arg14[%dma_start3A_2150, %dma_start3A_2151, %dma_start3A_2152] : memref<4x64x128xf32, #tpu.memory_space<vmem>> -> memref<1x64x128xf32, #tpu.memory_space<vmem>>
      %dma_start3A_2154 = tpu.memref_squeeze %dma_start3A_2153 : memref<1x64x128xf32, #tpu.memory_space<vmem>> -> memref<64x128xf32, #tpu.memory_space<vmem>>
      %dma_start3A_2155 = arith.constant 0 : i32
      %dma_start3A_2156 = tpu.memref_slice %arg4[%dma_start3A_2155, %multiple_of3A_2140] : memref<64x1000000xf32, #tpu.memory_space<hbm>> -> memref<64x128xf32, #tpu.memory_space<hbm>>
      %dma_start3A_2157 = arith.constant 0 : i32
      %dma_start3A_2158 = arith.constant 0 : i32
      %dma_start3A_2159 = tpu.memref_slice %arg14[%dma_start3A_2150, %dma_start3A_2157, %dma_start3A_2158] : memref<4x64x128xf32, #tpu.memory_space<vmem>> -> memref<1x64x128xf32, #tpu.memory_space<vmem>>
      %dma_start3A_2160 = tpu.memref_squeeze %dma_start3A_2159 : memref<1x64x128xf32, #tpu.memory_space<vmem>> -> memref<64x128xf32, #tpu.memory_space<vmem>>
      %dma_start3A_2161 = arith.constant 0 : i32
      %dma_start3A_2162 = tpu.memref_slice %arg4[%dma_start3A_2161, %multiple_of3A_2140] : memref<64x1000000xf32, #tpu.memory_space<hbm>> -> memref<64x128xf32, #tpu.memory_space<hbm>>
      tpu.enqueue_dma source(%dma_start3A_2162 : memref<64x128xf32, #tpu.memory_space<hbm>>) target(%dma_start3A_2160 : memref<64x128xf32, #tpu.memory_space<vmem>>) target_semaphore(%arg21 : memref<!tpu.dma_semaphore, #tpu.memory_space<semaphore_mem>>)
      %dma_start3A_2163 = arith.constant 3 : i32
      %dma_start3A_2164 = arith.constant 0 : i32
      %dma_start3A_2165 = arith.constant 0 : i32
      %dma_start3A_2166 = tpu.memref_slice %arg15[%dma_start3A_2163, %dma_start3A_2164, %dma_start3A_2165] : memref<4x64x128xf32, #tpu.memory_space<vmem>> -> memref<1x64x128xf32, #tpu.memory_space<vmem>>
      %dma_start3A_2167 = tpu.memref_squeeze %dma_start3A_2166 : memref<1x64x128xf32, #tpu.memory_space<vmem>> -> memref<64x128xf32, #tpu.memory_space<vmem>>
      %dma_start3A_2168 = arith.constant 0 : i32
      %dma_start3A_2169 = tpu.memref_slice %arg5[%dma_start3A_2168, %multiple_of3A_2149] : memref<64x1000000xf32, #tpu.memory_space<hbm>> -> memref<64x128xf32, #tpu.memory_space<hbm>>
      %dma_start3A_2170 = arith.constant 0 : i32
      %dma_start3A_2171 = arith.constant 0 : i32
      %dma_start3A_2172 = tpu.memref_slice %arg15[%dma_start3A_2163, %dma_start3A_2170, %dma_start3A_2171] : memref<4x64x128xf32, #tpu.memory_space<vmem>> -> memref<1x64x128xf32, #tpu.memory_space<vmem>>
      %dma_start3A_2173 = tpu.memref_squeeze %dma_start3A_2172 : memref<1x64x128xf32, #tpu.memory_space<vmem>> -> memref<64x128xf32, #tpu.memory_space<vmem>>
      %dma_start3A_2174 = arith.constant 0 : i32
      %dma_start3A_2175 = tpu.memref_slice %arg5[%dma_start3A_2174, %multiple_of3A_2149] : memref<64x1000000xf32, #tpu.memory_space<hbm>> -> memref<64x128xf32, #tpu.memory_space<hbm>>
      tpu.enqueue_dma source(%dma_start3A_2175 : memref<64x128xf32, #tpu.memory_space<hbm>>) target(%dma_start3A_2173 : memref<64x128xf32, #tpu.memory_space<vmem>>) target_semaphore(%arg21 : memref<!tpu.dma_semaphore, #tpu.memory_space<semaphore_mem>>)
      %slice3A_2176 = vector.extract_strided_slice %get3A_167 {offsets = [8], sizes = [1], strides = [1]} : vector<16xi32> to vector<1xi32>
      %squeeze3A_2177 = vector.extract %slice3A_2176[0] : i32 from vector<1xi32>
      %shift_right_arithmetic3A_2178 = arith.constant 7 : i32
      %shift_right_arithmetic3A_2179 = arith.shrsi %squeeze3A_2177, %shift_right_arithmetic3A_2178 : i32
      %min3A_2180 = arith.constant 7811 : i32
      %min3A_2181 = arith.minsi %shift_right_arithmetic3A_2179, %min3A_2180 : i32
      %mul3A_2182 = arith.constant 128 : i32
      %mul3A_2183 = arith.muli %min3A_2181, %mul3A_2182 : i32
      %multiple_of3A_2184 = tpu.assume_multiple %mul3A_2183, 128 : i32
      %slice3A_2185 = vector.extract_strided_slice %get3A_171 {offsets = [8], sizes = [1], strides = [1]} : vector<16xi32> to vector<1xi32>
      %squeeze3A_2186 = vector.extract %slice3A_2185[0] : i32 from vector<1xi32>
      %shift_right_arithmetic3A_2187 = arith.constant 7 : i32
      %shift_right_arithmetic3A_2188 = arith.shrsi %squeeze3A_2186, %shift_right_arithmetic3A_2187 : i32
      %min3A_2189 = arith.constant 7811 : i32
      %min3A_2190 = arith.minsi %shift_right_arithmetic3A_2188, %min3A_2189 : i32
      %mul3A_2191 = arith.constant 128 : i32
      %mul3A_2192 = arith.muli %min3A_2190, %mul3A_2191 : i32
      %multiple_of3A_2193 = tpu.assume_multiple %mul3A_2192, 128 : i32
      %dma_wait3A_2194 = arith.constant 0 : i32
      %dma_wait3A_2195 = arith.constant 0 : i32
      %dma_wait3A_2196 = arith.constant 0 : i32
      %dma_wait3A_2197 = tpu.memref_slice %arg14[%dma_wait3A_2194, %dma_wait3A_2195, %dma_wait3A_2196] : memref<4x64x128xf32, #tpu.memory_space<vmem>> -> memref<1x64x128xf32, #tpu.memory_space<vmem>>
      %dma_wait3A_2198 = tpu.memref_squeeze %dma_wait3A_2197 : memref<1x64x128xf32, #tpu.memory_space<vmem>> -> memref<64x128xf32, #tpu.memory_space<vmem>>
      %dma_wait3A_2199 = arith.constant 0 : i32
      %dma_wait3A_2200 = tpu.memref_slice %arg4[%dma_wait3A_2199, %multiple_of3A_2184] : memref<64x1000000xf32, #tpu.memory_space<hbm>> -> memref<64x128xf32, #tpu.memory_space<hbm>>
      %dma_wait3A_2201 = arith.constant 0 : i32
      %dma_wait3A_2202 = arith.constant 0 : i32
      %dma_wait3A_2203 = tpu.memref_slice %arg14[%dma_wait3A_2194, %dma_wait3A_2201, %dma_wait3A_2202] : memref<4x64x128xf32, #tpu.memory_space<vmem>> -> memref<1x64x128xf32, #tpu.memory_space<vmem>>
      %dma_wait3A_2204 = tpu.memref_squeeze %dma_wait3A_2203 : memref<1x64x128xf32, #tpu.memory_space<vmem>> -> memref<64x128xf32, #tpu.memory_space<vmem>>
      %dma_wait3A_2205 = arith.constant 0 : i32
      %dma_wait3A_2206 = tpu.memref_slice %arg4[%dma_wait3A_2205, %multiple_of3A_2184] : memref<64x1000000xf32, #tpu.memory_space<hbm>> -> memref<64x128xf32, #tpu.memory_space<hbm>>
      tpu.wait_dma2 semaphore(%arg18 : memref<!tpu.dma_semaphore, #tpu.memory_space<semaphore_mem>>) src(%dma_wait3A_2206 : memref<64x128xf32, #tpu.memory_space<hbm>>) dst(%dma_wait3A_2204 : memref<64x128xf32, #tpu.memory_space<vmem>>)
      %dma_wait3A_2207 = arith.constant 0 : i32
      %dma_wait3A_2208 = arith.constant 0 : i32
      %dma_wait3A_2209 = arith.constant 0 : i32
      %dma_wait3A_2210 = tpu.memref_slice %arg15[%dma_wait3A_2207, %dma_wait3A_2208, %dma_wait3A_2209] : memref<4x64x128xf32, #tpu.memory_space<vmem>> -> memref<1x64x128xf32, #tpu.memory_space<vmem>>
      %dma_wait3A_2211 = tpu.memref_squeeze %dma_wait3A_2210 : memref<1x64x128xf32, #tpu.memory_space<vmem>> -> memref<64x128xf32, #tpu.memory_space<vmem>>
      %dma_wait3A_2212 = arith.constant 0 : i32
      %dma_wait3A_2213 = tpu.memref_slice %arg5[%dma_wait3A_2212, %multiple_of3A_2193] : memref<64x1000000xf32, #tpu.memory_space<hbm>> -> memref<64x128xf32, #tpu.memory_space<hbm>>
      %dma_wait3A_2214 = arith.constant 0 : i32
      %dma_wait3A_2215 = arith.constant 0 : i32
      %dma_wait3A_2216 = tpu.memref_slice %arg15[%dma_wait3A_2207, %dma_wait3A_2214, %dma_wait3A_2215] : memref<4x64x128xf32, #tpu.memory_space<vmem>> -> memref<1x64x128xf32, #tpu.memory_space<vmem>>
      %dma_wait3A_2217 = tpu.memref_squeeze %dma_wait3A_2216 : memref<1x64x128xf32, #tpu.memory_space<vmem>> -> memref<64x128xf32, #tpu.memory_space<vmem>>
      %dma_wait3A_2218 = arith.constant 0 : i32
      %dma_wait3A_2219 = tpu.memref_slice %arg5[%dma_wait3A_2218, %multiple_of3A_2193] : memref<64x1000000xf32, #tpu.memory_space<hbm>> -> memref<64x128xf32, #tpu.memory_space<hbm>>
      tpu.wait_dma2 semaphore(%arg18 : memref<!tpu.dma_semaphore, #tpu.memory_space<semaphore_mem>>) src(%dma_wait3A_2219 : memref<64x128xf32, #tpu.memory_space<hbm>>) dst(%dma_wait3A_2217 : memref<64x128xf32, #tpu.memory_space<vmem>>)
      %mul3A_2220 = arith.constant 16 : i32
      %mul3A_2221 = arith.muli %add3A_163, %mul3A_2220 : i32
      %add3A_2222 = arith.constant 8 : i32
      %add3A_2223 = arith.addi %mul3A_2221, %add3A_2222 : i32
      %slice3A_2224 = vector.extract_strided_slice %get3A_167 {offsets = [8], sizes = [1], strides = [1]} : vector<16xi32> to vector<1xi32>
      %squeeze3A_2225 = vector.extract %slice3A_2224[0] : i32 from vector<1xi32>
      %broadcast_in_dim3A_2226 = vector.broadcast %squeeze3A_2225 : i32 to vector<16xi32>
      %and3A_2227 = arith.constant 127 : i32
      %and3A_2228 = vector.broadcast %and3A_2227 : i32 to vector<16xi32>
      %and3A_2229 = arith.andi %broadcast_in_dim3A_2226, %and3A_2228 : vector<16xi32>
      %sub3A_2230 = arith.constant 999936 : i32
      %sub3A_2231 = vector.broadcast %sub3A_2230 : i32 to vector<16xi32>
      %sub3A_2232 = arith.subi %broadcast_in_dim3A_2226, %sub3A_2231 : vector<16xi32>
      %max3A_2233 = arith.constant 0 : i32
      %max3A_2234 = vector.broadcast %max3A_2233 : i32 to vector<16xi32>
      %max3A_2235 = arith.maxsi %sub3A_2232, %max3A_2234 : vector<16xi32>
      %ge3A_2236 = arith.constant 999936 : i32
      %ge3A_2237 = vector.broadcast %ge3A_2236 : i32 to vector<16xi32>
      %ge3A_2238 = arith.cmpi sge, %broadcast_in_dim3A_2226, %ge3A_2237 : vector<16xi32>
      %slice3A_2239 = vector.extract_strided_slice %get3A_171 {offsets = [8], sizes = [1], strides = [1]} : vector<16xi32> to vector<1xi32>
      %squeeze3A_2240 = vector.extract %slice3A_2239[0] : i32 from vector<1xi32>
      %broadcast_in_dim3A_2241 = vector.broadcast %squeeze3A_2240 : i32 to vector<16xi32>
      %and3A_2242 = arith.constant 127 : i32
      %and3A_2243 = vector.broadcast %and3A_2242 : i32 to vector<16xi32>
      %and3A_2244 = arith.andi %broadcast_in_dim3A_2241, %and3A_2243 : vector<16xi32>
      %sub3A_2245 = arith.constant 999936 : i32
      %sub3A_2246 = vector.broadcast %sub3A_2245 : i32 to vector<16xi32>
      %sub3A_2247 = arith.subi %broadcast_in_dim3A_2241, %sub3A_2246 : vector<16xi32>
      %max3A_2248 = arith.constant 0 : i32
      %max3A_2249 = vector.broadcast %max3A_2248 : i32 to vector<16xi32>
      %max3A_2250 = arith.maxsi %sub3A_2247, %max3A_2249 : vector<16xi32>
      %ge3A_2251 = arith.constant 999936 : i32
      %ge3A_2252 = vector.broadcast %ge3A_2251 : i32 to vector<16xi32>
      %ge3A_2253 = arith.cmpi sge, %broadcast_in_dim3A_2241, %ge3A_2252 : vector<16xi32>
      %add3A_2254 = arith.constant 0 : i32
      %add3A_2255 = vector.broadcast %add3A_2254 : i32 to vector<16xi32>
      %add3A_2256 = arith.addi %iota3A_23, %add3A_2255 : vector<16xi32>
      %gather3A_2257 = arith.constant 0 : i32
      %gather3A_2258 = arith.constant 0 : i32
      %gather3A_2259 = arith.constant 0 : i32
      %gather3A_2260 = tpu.memref_slice %arg14[%gather3A_2257, %gather3A_2258, %gather3A_2259] : memref<4x64x128xf32, #tpu.memory_space<vmem>> -> memref<1x64x128xf32, #tpu.memory_space<vmem>>
      %gather3A_2261 = tpu.memref_squeeze %gather3A_2260 : memref<1x64x128xf32, #tpu.memory_space<vmem>> -> memref<64x128xf32, #tpu.memory_space<vmem>>
      %gather3A_2262 = tpu.vector_load_idx %gather3A_2261[%add3A_2256, %and3A_2229] : memref<64x128xf32, #tpu.memory_space<vmem>>[vector<16xi32>, vector<16xi32>], vector<16xf32>,
      %add3A_2263 = arith.constant 0 : i32
      %add3A_2264 = vector.broadcast %add3A_2263 : i32 to vector<16xi32>
      %add3A_2265 = arith.addi %iota3A_23, %add3A_2264 : vector<16xi32>
      %gather3A_2266 = tpu.vector_load_idx %arg12[%add3A_2265, %max3A_2235] : memref<64x128xf32, #tpu.memory_space<vmem>>[vector<16xi32>, vector<16xi32>], vector<16xf32>,
      %select_n3A_2267 = arith.select %ge3A_2238, %gather3A_2266, %gather3A_2262 : vector<16xi1>, vector<16xf32>
      %add3A_2268 = arith.constant 0 : i32
      %add3A_2269 = vector.broadcast %add3A_2268 : i32 to vector<16xi32>
      %add3A_2270 = arith.addi %iota3A_23, %add3A_2269 : vector<16xi32>
      %gather3A_2271 = arith.constant 0 : i32
      %gather3A_2272 = arith.constant 0 : i32
      %gather3A_2273 = arith.constant 0 : i32
      %gather3A_2274 = tpu.memref_slice %arg15[%gather3A_2271, %gather3A_2272, %gather3A_2273] : memref<4x64x128xf32, #tpu.memory_space<vmem>> -> memref<1x64x128xf32, #tpu.memory_space<vmem>>
      %gather3A_2275 = tpu.memref_squeeze %gather3A_2274 : memref<1x64x128xf32, #tpu.memory_space<vmem>> -> memref<64x128xf32, #tpu.memory_space<vmem>>
      %gather3A_2276 = tpu.vector_load_idx %gather3A_2275[%add3A_2270, %and3A_2244] : memref<64x128xf32, #tpu.memory_space<vmem>>[vector<16xi32>, vector<16xi32>], vector<16xf32>,
      %add3A_2277 = arith.constant 0 : i32
      %add3A_2278 = vector.broadcast %add3A_2277 : i32 to vector<16xi32>
      %add3A_2279 = arith.addi %iota3A_23, %add3A_2278 : vector<16xi32>
      %gather3A_2280 = tpu.vector_load_idx %arg13[%add3A_2279, %max3A_2250] : memref<64x128xf32, #tpu.memory_space<vmem>>[vector<16xi32>, vector<16xi32>], vector<16xf32>,
      %select_n3A_2281 = arith.select %ge3A_2253, %gather3A_2280, %gather3A_2276 : vector<16xi1>, vector<16xf32>
      %mul3A_2282 = arith.mulf %select_n3A_2267, %select_n3A_2281 : vector<16xf32>
      %add3A_2283 = arith.constant 16 : i32
      %add3A_2284 = vector.broadcast %add3A_2283 : i32 to vector<16xi32>
      %add3A_2285 = arith.addi %iota3A_23, %add3A_2284 : vector<16xi32>
      %gather3A_2286 = arith.constant 0 : i32
      %gather3A_2287 = arith.constant 0 : i32
      %gather3A_2288 = arith.constant 0 : i32
      %gather3A_2289 = tpu.memref_slice %arg14[%gather3A_2286, %gather3A_2287, %gather3A_2288] : memref<4x64x128xf32, #tpu.memory_space<vmem>> -> memref<1x64x128xf32, #tpu.memory_space<vmem>>
      %gather3A_2290 = tpu.memref_squeeze %gather3A_2289 : memref<1x64x128xf32, #tpu.memory_space<vmem>> -> memref<64x128xf32, #tpu.memory_space<vmem>>
      %gather3A_2291 = tpu.vector_load_idx %gather3A_2290[%add3A_2285, %and3A_2229] : memref<64x128xf32, #tpu.memory_space<vmem>>[vector<16xi32>, vector<16xi32>], vector<16xf32>,
      %add3A_2292 = arith.constant 16 : i32
      %add3A_2293 = vector.broadcast %add3A_2292 : i32 to vector<16xi32>
      %add3A_2294 = arith.addi %iota3A_23, %add3A_2293 : vector<16xi32>
      %gather3A_2295 = tpu.vector_load_idx %arg12[%add3A_2294, %max3A_2235] : memref<64x128xf32, #tpu.memory_space<vmem>>[vector<16xi32>, vector<16xi32>], vector<16xf32>,
      %select_n3A_2296 = arith.select %ge3A_2238, %gather3A_2295, %gather3A_2291 : vector<16xi1>, vector<16xf32>
      %add3A_2297 = arith.constant 16 : i32
      %add3A_2298 = vector.broadcast %add3A_2297 : i32 to vector<16xi32>
      %add3A_2299 = arith.addi %iota3A_23, %add3A_2298 : vector<16xi32>
      %gather3A_2300 = arith.constant 0 : i32
      %gather3A_2301 = arith.constant 0 : i32
      %gather3A_2302 = arith.constant 0 : i32
      %gather3A_2303 = tpu.memref_slice %arg15[%gather3A_2300, %gather3A_2301, %gather3A_2302] : memref<4x64x128xf32, #tpu.memory_space<vmem>> -> memref<1x64x128xf32, #tpu.memory_space<vmem>>
      %gather3A_2304 = tpu.memref_squeeze %gather3A_2303 : memref<1x64x128xf32, #tpu.memory_space<vmem>> -> memref<64x128xf32, #tpu.memory_space<vmem>>
      %gather3A_2305 = tpu.vector_load_idx %gather3A_2304[%add3A_2299, %and3A_2244] : memref<64x128xf32, #tpu.memory_space<vmem>>[vector<16xi32>, vector<16xi32>], vector<16xf32>,
      %add3A_2306 = arith.constant 16 : i32
      %add3A_2307 = vector.broadcast %add3A_2306 : i32 to vector<16xi32>
      %add3A_2308 = arith.addi %iota3A_23, %add3A_2307 : vector<16xi32>
      %gather3A_2309 = tpu.vector_load_idx %arg13[%add3A_2308, %max3A_2250] : memref<64x128xf32, #tpu.memory_space<vmem>>[vector<16xi32>, vector<16xi32>], vector<16xf32>,
      %select_n3A_2310 = arith.select %ge3A_2253, %gather3A_2309, %gather3A_2305 : vector<16xi1>, vector<16xf32>
      %mul3A_2311 = arith.mulf %select_n3A_2296, %select_n3A_2310 : vector<16xf32>
      %add3A_2312 = arith.addf %mul3A_2282, %mul3A_2311 : vector<16xf32>
      %add3A_2313 = arith.constant 32 : i32
      %add3A_2314 = vector.broadcast %add3A_2313 : i32 to vector<16xi32>
      %add3A_2315 = arith.addi %iota3A_23, %add3A_2314 : vector<16xi32>
      %gather3A_2316 = arith.constant 0 : i32
      %gather3A_2317 = arith.constant 0 : i32
      %gather3A_2318 = arith.constant 0 : i32
      %gather3A_2319 = tpu.memref_slice %arg14[%gather3A_2316, %gather3A_2317, %gather3A_2318] : memref<4x64x128xf32, #tpu.memory_space<vmem>> -> memref<1x64x128xf32, #tpu.memory_space<vmem>>
      %gather3A_2320 = tpu.memref_squeeze %gather3A_2319 : memref<1x64x128xf32, #tpu.memory_space<vmem>> -> memref<64x128xf32, #tpu.memory_space<vmem>>
      %gather3A_2321 = tpu.vector_load_idx %gather3A_2320[%add3A_2315, %and3A_2229] : memref<64x128xf32, #tpu.memory_space<vmem>>[vector<16xi32>, vector<16xi32>], vector<16xf32>,
      %add3A_2322 = arith.constant 32 : i32
      %add3A_2323 = vector.broadcast %add3A_2322 : i32 to vector<16xi32>
      %add3A_2324 = arith.addi %iota3A_23, %add3A_2323 : vector<16xi32>
      %gather3A_2325 = tpu.vector_load_idx %arg12[%add3A_2324, %max3A_2235] : memref<64x128xf32, #tpu.memory_space<vmem>>[vector<16xi32>, vector<16xi32>], vector<16xf32>,
      %select_n3A_2326 = arith.select %ge3A_2238, %gather3A_2325, %gather3A_2321 : vector<16xi1>, vector<16xf32>
      %add3A_2327 = arith.constant 32 : i32
      %add3A_2328 = vector.broadcast %add3A_2327 : i32 to vector<16xi32>
      %add3A_2329 = arith.addi %iota3A_23, %add3A_2328 : vector<16xi32>
      %gather3A_2330 = arith.constant 0 : i32
      %gather3A_2331 = arith.constant 0 : i32
      %gather3A_2332 = arith.constant 0 : i32
      %gather3A_2333 = tpu.memref_slice %arg15[%gather3A_2330, %gather3A_2331, %gather3A_2332] : memref<4x64x128xf32, #tpu.memory_space<vmem>> -> memref<1x64x128xf32, #tpu.memory_space<vmem>>
      %gather3A_2334 = tpu.memref_squeeze %gather3A_2333 : memref<1x64x128xf32, #tpu.memory_space<vmem>> -> memref<64x128xf32, #tpu.memory_space<vmem>>
      %gather3A_2335 = tpu.vector_load_idx %gather3A_2334[%add3A_2329, %and3A_2244] : memref<64x128xf32, #tpu.memory_space<vmem>>[vector<16xi32>, vector<16xi32>], vector<16xf32>,
      %add3A_2336 = arith.constant 32 : i32
      %add3A_2337 = vector.broadcast %add3A_2336 : i32 to vector<16xi32>
      %add3A_2338 = arith.addi %iota3A_23, %add3A_2337 : vector<16xi32>
      %gather3A_2339 = tpu.vector_load_idx %arg13[%add3A_2338, %max3A_2250] : memref<64x128xf32, #tpu.memory_space<vmem>>[vector<16xi32>, vector<16xi32>], vector<16xf32>,
      %select_n3A_2340 = arith.select %ge3A_2253, %gather3A_2339, %gather3A_2335 : vector<16xi1>, vector<16xf32>
      %mul3A_2341 = arith.mulf %select_n3A_2326, %select_n3A_2340 : vector<16xf32>
      %add3A_2342 = arith.addf %add3A_2312, %mul3A_2341 : vector<16xf32>
      %add3A_2343 = arith.constant 48 : i32
      %add3A_2344 = vector.broadcast %add3A_2343 : i32 to vector<16xi32>
      %add3A_2345 = arith.addi %iota3A_23, %add3A_2344 : vector<16xi32>
      %gather3A_2346 = arith.constant 0 : i32
      %gather3A_2347 = arith.constant 0 : i32
      %gather3A_2348 = arith.constant 0 : i32
      %gather3A_2349 = tpu.memref_slice %arg14[%gather3A_2346, %gather3A_2347, %gather3A_2348] : memref<4x64x128xf32, #tpu.memory_space<vmem>> -> memref<1x64x128xf32, #tpu.memory_space<vmem>>
      %gather3A_2350 = tpu.memref_squeeze %gather3A_2349 : memref<1x64x128xf32, #tpu.memory_space<vmem>> -> memref<64x128xf32, #tpu.memory_space<vmem>>
      %gather3A_2351 = tpu.vector_load_idx %gather3A_2350[%add3A_2345, %and3A_2229] : memref<64x128xf32, #tpu.memory_space<vmem>>[vector<16xi32>, vector<16xi32>], vector<16xf32>,
      %add3A_2352 = arith.constant 48 : i32
      %add3A_2353 = vector.broadcast %add3A_2352 : i32 to vector<16xi32>
      %add3A_2354 = arith.addi %iota3A_23, %add3A_2353 : vector<16xi32>
      %gather3A_2355 = tpu.vector_load_idx %arg12[%add3A_2354, %max3A_2235] : memref<64x128xf32, #tpu.memory_space<vmem>>[vector<16xi32>, vector<16xi32>], vector<16xf32>,
      %select_n3A_2356 = arith.select %ge3A_2238, %gather3A_2355, %gather3A_2351 : vector<16xi1>, vector<16xf32>
      %add3A_2357 = arith.constant 48 : i32
      %add3A_2358 = vector.broadcast %add3A_2357 : i32 to vector<16xi32>
      %add3A_2359 = arith.addi %iota3A_23, %add3A_2358 : vector<16xi32>
      %gather3A_2360 = arith.constant 0 : i32
      %gather3A_2361 = arith.constant 0 : i32
      %gather3A_2362 = arith.constant 0 : i32
      %gather3A_2363 = tpu.memref_slice %arg15[%gather3A_2360, %gather3A_2361, %gather3A_2362] : memref<4x64x128xf32, #tpu.memory_space<vmem>> -> memref<1x64x128xf32, #tpu.memory_space<vmem>>
      %gather3A_2364 = tpu.memref_squeeze %gather3A_2363 : memref<1x64x128xf32, #tpu.memory_space<vmem>> -> memref<64x128xf32, #tpu.memory_space<vmem>>
      %gather3A_2365 = tpu.vector_load_idx %gather3A_2364[%add3A_2359, %and3A_2244] : memref<64x128xf32, #tpu.memory_space<vmem>>[vector<16xi32>, vector<16xi32>], vector<16xf32>,
      %add3A_2366 = arith.constant 48 : i32
      %add3A_2367 = vector.broadcast %add3A_2366 : i32 to vector<16xi32>
      %add3A_2368 = arith.addi %iota3A_23, %add3A_2367 : vector<16xi32>
      %gather3A_2369 = tpu.vector_load_idx %arg13[%add3A_2368, %max3A_2250] : memref<64x128xf32, #tpu.memory_space<vmem>>[vector<16xi32>, vector<16xi32>], vector<16xf32>,
      %select_n3A_2370 = arith.select %ge3A_2253, %gather3A_2369, %gather3A_2365 : vector<16xi1>, vector<16xf32>
      %mul3A_2371 = arith.mulf %select_n3A_2356, %select_n3A_2370 : vector<16xf32>
      %add3A_2372 = arith.addf %add3A_2342, %mul3A_2371 : vector<16xf32>
      %mul3A_2373 = arith.constant 512 : i32
      %mul3A_2374 = vector.broadcast %mul3A_2373 : i32 to vector<16xi32>
      %mul3A_2375 = arith.muli %iota3A_23, %mul3A_2374 : vector<16xi32>
      %add3A_2376 = vector.broadcast %add3A_2223 : i32 to vector<16xi32>
      %add3A_2377 = arith.addi %mul3A_2375, %add3A_2376 : vector<16xi32>
      tpu.vector_store_idx %arg16[%add3A_2377], %add3A_2372 : memref<8192xf32, #tpu.memory_space<vmem>>[vector<16xi32>], vector<16xf32>,
      %slice3A_2378 = vector.extract_strided_slice %get3A_167 {offsets = [12], sizes = [1], strides = [1]} : vector<16xi32> to vector<1xi32>
      %squeeze3A_2379 = vector.extract %slice3A_2378[0] : i32 from vector<1xi32>
      %shift_right_arithmetic3A_2380 = arith.constant 7 : i32
      %shift_right_arithmetic3A_2381 = arith.shrsi %squeeze3A_2379, %shift_right_arithmetic3A_2380 : i32
      %min3A_2382 = arith.constant 7811 : i32
      %min3A_2383 = arith.minsi %shift_right_arithmetic3A_2381, %min3A_2382 : i32
      %mul3A_2384 = arith.constant 128 : i32
      %mul3A_2385 = arith.muli %min3A_2383, %mul3A_2384 : i32
      %multiple_of3A_2386 = tpu.assume_multiple %mul3A_2385, 128 : i32
      %slice3A_2387 = vector.extract_strided_slice %get3A_171 {offsets = [12], sizes = [1], strides = [1]} : vector<16xi32> to vector<1xi32>
      %squeeze3A_2388 = vector.extract %slice3A_2387[0] : i32 from vector<1xi32>
      %shift_right_arithmetic3A_2389 = arith.constant 7 : i32
      %shift_right_arithmetic3A_2390 = arith.shrsi %squeeze3A_2388, %shift_right_arithmetic3A_2389 : i32
      %min3A_2391 = arith.constant 7811 : i32
      %min3A_2392 = arith.minsi %shift_right_arithmetic3A_2390, %min3A_2391 : i32
      %mul3A_2393 = arith.constant 128 : i32
      %mul3A_2394 = arith.muli %min3A_2392, %mul3A_2393 : i32
      %multiple_of3A_2395 = tpu.assume_multiple %mul3A_2394, 128 : i32
      %dma_start3A_2396 = arith.constant 0 : i32
      %dma_start3A_2397 = arith.constant 0 : i32
      %dma_start3A_2398 = arith.constant 0 : i32
      %dma_start3A_2399 = tpu.memref_slice %arg14[%dma_start3A_2396, %dma_start3A_2397, %dma_start3A_2398] : memref<4x64x128xf32, #tpu.memory_space<vmem>> -> memref<1x64x128xf32, #tpu.memory_space<vmem>>
      %dma_start3A_2400 = tpu.memref_squeeze %dma_start3A_2399 : memref<1x64x128xf32, #tpu.memory_space<vmem>> -> memref<64x128xf32, #tpu.memory_space<vmem>>
      %dma_start3A_2401 = arith.constant 0 : i32
      %dma_start3A_2402 = tpu.memref_slice %arg4[%dma_start3A_2401, %multiple_of3A_2386] : memref<64x1000000xf32, #tpu.memory_space<hbm>> -> memref<64x128xf32, #tpu.memory_space<hbm>>
      %dma_start3A_2403 = arith.constant 0 : i32
      %dma_start3A_2404 = arith.constant 0 : i32
      %dma_start3A_2405 = tpu.memref_slice %arg14[%dma_start3A_2396, %dma_start3A_2403, %dma_start3A_2404] : memref<4x64x128xf32, #tpu.memory_space<vmem>> -> memref<1x64x128xf32, #tpu.memory_space<vmem>>
      %dma_start3A_2406 = tpu.memref_squeeze %dma_start3A_2405 : memref<1x64x128xf32, #tpu.memory_space<vmem>> -> memref<64x128xf32, #tpu.memory_space<vmem>>
      %dma_start3A_2407 = arith.constant 0 : i32
      %dma_start3A_2408 = tpu.memref_slice %arg4[%dma_start3A_2407, %multiple_of3A_2386] : memref<64x1000000xf32, #tpu.memory_space<hbm>> -> memref<64x128xf32, #tpu.memory_space<hbm>>
      tpu.enqueue_dma source(%dma_start3A_2408 : memref<64x128xf32, #tpu.memory_space<hbm>>) target(%dma_start3A_2406 : memref<64x128xf32, #tpu.memory_space<vmem>>) target_semaphore(%arg18 : memref<!tpu.dma_semaphore, #tpu.memory_space<semaphore_mem>>)
      %dma_start3A_2409 = arith.constant 0 : i32
      %dma_start3A_2410 = arith.constant 0 : i32
      %dma_start3A_2411 = arith.constant 0 : i32
      %dma_start3A_2412 = tpu.memref_slice %arg15[%dma_start3A_2409, %dma_start3A_2410, %dma_start3A_2411] : memref<4x64x128xf32, #tpu.memory_space<vmem>> -> memref<1x64x128xf32, #tpu.memory_space<vmem>>
      %dma_start3A_2413 = tpu.memref_squeeze %dma_start3A_2412 : memref<1x64x128xf32, #tpu.memory_space<vmem>> -> memref<64x128xf32, #tpu.memory_space<vmem>>
      %dma_start3A_2414 = arith.constant 0 : i32
      %dma_start3A_2415 = tpu.memref_slice %arg5[%dma_start3A_2414, %multiple_of3A_2395] : memref<64x1000000xf32, #tpu.memory_space<hbm>> -> memref<64x128xf32, #tpu.memory_space<hbm>>
      %dma_start3A_2416 = arith.constant 0 : i32
      %dma_start3A_2417 = arith.constant 0 : i32
      %dma_start3A_2418 = tpu.memref_slice %arg15[%dma_start3A_2409, %dma_start3A_2416, %dma_start3A_2417] : memref<4x64x128xf32, #tpu.memory_space<vmem>> -> memref<1x64x128xf32, #tpu.memory_space<vmem>>
      %dma_start3A_2419 = tpu.memref_squeeze %dma_start3A_2418 : memref<1x64x128xf32, #tpu.memory_space<vmem>> -> memref<64x128xf32, #tpu.memory_space<vmem>>
      %dma_start3A_2420 = arith.constant 0 : i32
      %dma_start3A_2421 = tpu.memref_slice %arg5[%dma_start3A_2420, %multiple_of3A_2395] : memref<64x1000000xf32, #tpu.memory_space<hbm>> -> memref<64x128xf32, #tpu.memory_space<hbm>>
      tpu.enqueue_dma source(%dma_start3A_2421 : memref<64x128xf32, #tpu.memory_space<hbm>>) target(%dma_start3A_2419 : memref<64x128xf32, #tpu.memory_space<vmem>>) target_semaphore(%arg18 : memref<!tpu.dma_semaphore, #tpu.memory_space<semaphore_mem>>)
      %slice3A_2422 = vector.extract_strided_slice %get3A_167 {offsets = [9], sizes = [1], strides = [1]} : vector<16xi32> to vector<1xi32>
      %squeeze3A_2423 = vector.extract %slice3A_2422[0] : i32 from vector<1xi32>
      %shift_right_arithmetic3A_2424 = arith.constant 7 : i32
      %shift_right_arithmetic3A_2425 = arith.shrsi %squeeze3A_2423, %shift_right_arithmetic3A_2424 : i32
      %min3A_2426 = arith.constant 7811 : i32
      %min3A_2427 = arith.minsi %shift_right_arithmetic3A_2425, %min3A_2426 : i32
      %mul3A_2428 = arith.constant 128 : i32
      %mul3A_2429 = arith.muli %min3A_2427, %mul3A_2428 : i32
      %multiple_of3A_2430 = tpu.assume_multiple %mul3A_2429, 128 : i32
      %slice3A_2431 = vector.extract_strided_slice %get3A_171 {offsets = [9], sizes = [1], strides = [1]} : vector<16xi32> to vector<1xi32>
      %squeeze3A_2432 = vector.extract %slice3A_2431[0] : i32 from vector<1xi32>
      %shift_right_arithmetic3A_2433 = arith.constant 7 : i32
      %shift_right_arithmetic3A_2434 = arith.shrsi %squeeze3A_2432, %shift_right_arithmetic3A_2433 : i32
      %min3A_2435 = arith.constant 7811 : i32
      %min3A_2436 = arith.minsi %shift_right_arithmetic3A_2434, %min3A_2435 : i32
      %mul3A_2437 = arith.constant 128 : i32
      %mul3A_2438 = arith.muli %min3A_2436, %mul3A_2437 : i32
      %multiple_of3A_2439 = tpu.assume_multiple %mul3A_2438, 128 : i32
      %dma_wait3A_2440 = arith.constant 1 : i32
      %dma_wait3A_2441 = arith.constant 0 : i32
      %dma_wait3A_2442 = arith.constant 0 : i32
      %dma_wait3A_2443 = tpu.memref_slice %arg14[%dma_wait3A_2440, %dma_wait3A_2441, %dma_wait3A_2442] : memref<4x64x128xf32, #tpu.memory_space<vmem>> -> memref<1x64x128xf32, #tpu.memory_space<vmem>>
      %dma_wait3A_2444 = tpu.memref_squeeze %dma_wait3A_2443 : memref<1x64x128xf32, #tpu.memory_space<vmem>> -> memref<64x128xf32, #tpu.memory_space<vmem>>
      %dma_wait3A_2445 = arith.constant 0 : i32
      %dma_wait3A_2446 = tpu.memref_slice %arg4[%dma_wait3A_2445, %multiple_of3A_2430] : memref<64x1000000xf32, #tpu.memory_space<hbm>> -> memref<64x128xf32, #tpu.memory_space<hbm>>
      %dma_wait3A_2447 = arith.constant 0 : i32
      %dma_wait3A_2448 = arith.constant 0 : i32
      %dma_wait3A_2449 = tpu.memref_slice %arg14[%dma_wait3A_2440, %dma_wait3A_2447, %dma_wait3A_2448] : memref<4x64x128xf32, #tpu.memory_space<vmem>> -> memref<1x64x128xf32, #tpu.memory_space<vmem>>
      %dma_wait3A_2450 = tpu.memref_squeeze %dma_wait3A_2449 : memref<1x64x128xf32, #tpu.memory_space<vmem>> -> memref<64x128xf32, #tpu.memory_space<vmem>>
      %dma_wait3A_2451 = arith.constant 0 : i32
      %dma_wait3A_2452 = tpu.memref_slice %arg4[%dma_wait3A_2451, %multiple_of3A_2430] : memref<64x1000000xf32, #tpu.memory_space<hbm>> -> memref<64x128xf32, #tpu.memory_space<hbm>>
      tpu.wait_dma2 semaphore(%arg19 : memref<!tpu.dma_semaphore, #tpu.memory_space<semaphore_mem>>) src(%dma_wait3A_2452 : memref<64x128xf32, #tpu.memory_space<hbm>>) dst(%dma_wait3A_2450 : memref<64x128xf32, #tpu.memory_space<vmem>>)
      %dma_wait3A_2453 = arith.constant 1 : i32
      %dma_wait3A_2454 = arith.constant 0 : i32
      %dma_wait3A_2455 = arith.constant 0 : i32
      %dma_wait3A_2456 = tpu.memref_slice %arg15[%dma_wait3A_2453, %dma_wait3A_2454, %dma_wait3A_2455] : memref<4x64x128xf32, #tpu.memory_space<vmem>> -> memref<1x64x128xf32, #tpu.memory_space<vmem>>
      %dma_wait3A_2457 = tpu.memref_squeeze %dma_wait3A_2456 : memref<1x64x128xf32, #tpu.memory_space<vmem>> -> memref<64x128xf32, #tpu.memory_space<vmem>>
      %dma_wait3A_2458 = arith.constant 0 : i32
      %dma_wait3A_2459 = tpu.memref_slice %arg5[%dma_wait3A_2458, %multiple_of3A_2439] : memref<64x1000000xf32, #tpu.memory_space<hbm>> -> memref<64x128xf32, #tpu.memory_space<hbm>>
      %dma_wait3A_2460 = arith.constant 0 : i32
      %dma_wait3A_2461 = arith.constant 0 : i32
      %dma_wait3A_2462 = tpu.memref_slice %arg15[%dma_wait3A_2453, %dma_wait3A_2460, %dma_wait3A_2461] : memref<4x64x128xf32, #tpu.memory_space<vmem>> -> memref<1x64x128xf32, #tpu.memory_space<vmem>>
      %dma_wait3A_2463 = tpu.memref_squeeze %dma_wait3A_2462 : memref<1x64x128xf32, #tpu.memory_space<vmem>> -> memref<64x128xf32, #tpu.memory_space<vmem>>
      %dma_wait3A_2464 = arith.constant 0 : i32
      %dma_wait3A_2465 = tpu.memref_slice %arg5[%dma_wait3A_2464, %multiple_of3A_2439] : memref<64x1000000xf32, #tpu.memory_space<hbm>> -> memref<64x128xf32, #tpu.memory_space<hbm>>
      tpu.wait_dma2 semaphore(%arg19 : memref<!tpu.dma_semaphore, #tpu.memory_space<semaphore_mem>>) src(%dma_wait3A_2465 : memref<64x128xf32, #tpu.memory_space<hbm>>) dst(%dma_wait3A_2463 : memref<64x128xf32, #tpu.memory_space<vmem>>)
      %mul3A_2466 = arith.constant 16 : i32
      %mul3A_2467 = arith.muli %add3A_163, %mul3A_2466 : i32
      %add3A_2468 = arith.constant 9 : i32
      %add3A_2469 = arith.addi %mul3A_2467, %add3A_2468 : i32
      %slice3A_2470 = vector.extract_strided_slice %get3A_167 {offsets = [9], sizes = [1], strides = [1]} : vector<16xi32> to vector<1xi32>
      %squeeze3A_2471 = vector.extract %slice3A_2470[0] : i32 from vector<1xi32>
      %broadcast_in_dim3A_2472 = vector.broadcast %squeeze3A_2471 : i32 to vector<16xi32>
      %and3A_2473 = arith.constant 127 : i32
      %and3A_2474 = vector.broadcast %and3A_2473 : i32 to vector<16xi32>
      %and3A_2475 = arith.andi %broadcast_in_dim3A_2472, %and3A_2474 : vector<16xi32>
      %sub3A_2476 = arith.constant 999936 : i32
      %sub3A_2477 = vector.broadcast %sub3A_2476 : i32 to vector<16xi32>
      %sub3A_2478 = arith.subi %broadcast_in_dim3A_2472, %sub3A_2477 : vector<16xi32>
      %max3A_2479 = arith.constant 0 : i32
      %max3A_2480 = vector.broadcast %max3A_2479 : i32 to vector<16xi32>
      %max3A_2481 = arith.maxsi %sub3A_2478, %max3A_2480 : vector<16xi32>
      %ge3A_2482 = arith.constant 999936 : i32
      %ge3A_2483 = vector.broadcast %ge3A_2482 : i32 to vector<16xi32>
      %ge3A_2484 = arith.cmpi sge, %broadcast_in_dim3A_2472, %ge3A_2483 : vector<16xi32>
      %slice3A_2485 = vector.extract_strided_slice %get3A_171 {offsets = [9], sizes = [1], strides = [1]} : vector<16xi32> to vector<1xi32>
      %squeeze3A_2486 = vector.extract %slice3A_2485[0] : i32 from vector<1xi32>
      %broadcast_in_dim3A_2487 = vector.broadcast %squeeze3A_2486 : i32 to vector<16xi32>
      %and3A_2488 = arith.constant 127 : i32
      %and3A_2489 = vector.broadcast %and3A_2488 : i32 to vector<16xi32>
      %and3A_2490 = arith.andi %broadcast_in_dim3A_2487, %and3A_2489 : vector<16xi32>
      %sub3A_2491 = arith.constant 999936 : i32
      %sub3A_2492 = vector.broadcast %sub3A_2491 : i32 to vector<16xi32>
      %sub3A_2493 = arith.subi %broadcast_in_dim3A_2487, %sub3A_2492 : vector<16xi32>
      %max3A_2494 = arith.constant 0 : i32
      %max3A_2495 = vector.broadcast %max3A_2494 : i32 to vector<16xi32>
      %max3A_2496 = arith.maxsi %sub3A_2493, %max3A_2495 : vector<16xi32>
      %ge3A_2497 = arith.constant 999936 : i32
      %ge3A_2498 = vector.broadcast %ge3A_2497 : i32 to vector<16xi32>
      %ge3A_2499 = arith.cmpi sge, %broadcast_in_dim3A_2487, %ge3A_2498 : vector<16xi32>
      %add3A_2500 = arith.constant 0 : i32
      %add3A_2501 = vector.broadcast %add3A_2500 : i32 to vector<16xi32>
      %add3A_2502 = arith.addi %iota3A_23, %add3A_2501 : vector<16xi32>
      %gather3A_2503 = arith.constant 1 : i32
      %gather3A_2504 = arith.constant 0 : i32
      %gather3A_2505 = arith.constant 0 : i32
      %gather3A_2506 = tpu.memref_slice %arg14[%gather3A_2503, %gather3A_2504, %gather3A_2505] : memref<4x64x128xf32, #tpu.memory_space<vmem>> -> memref<1x64x128xf32, #tpu.memory_space<vmem>>
      %gather3A_2507 = tpu.memref_squeeze %gather3A_2506 : memref<1x64x128xf32, #tpu.memory_space<vmem>> -> memref<64x128xf32, #tpu.memory_space<vmem>>
      %gather3A_2508 = tpu.vector_load_idx %gather3A_2507[%add3A_2502, %and3A_2475] : memref<64x128xf32, #tpu.memory_space<vmem>>[vector<16xi32>, vector<16xi32>], vector<16xf32>,
      %add3A_2509 = arith.constant 0 : i32
      %add3A_2510 = vector.broadcast %add3A_2509 : i32 to vector<16xi32>
      %add3A_2511 = arith.addi %iota3A_23, %add3A_2510 : vector<16xi32>
      %gather3A_2512 = tpu.vector_load_idx %arg12[%add3A_2511, %max3A_2481] : memref<64x128xf32, #tpu.memory_space<vmem>>[vector<16xi32>, vector<16xi32>], vector<16xf32>,
      %select_n3A_2513 = arith.select %ge3A_2484, %gather3A_2512, %gather3A_2508 : vector<16xi1>, vector<16xf32>
      %add3A_2514 = arith.constant 0 : i32
      %add3A_2515 = vector.broadcast %add3A_2514 : i32 to vector<16xi32>
      %add3A_2516 = arith.addi %iota3A_23, %add3A_2515 : vector<16xi32>
      %gather3A_2517 = arith.constant 1 : i32
      %gather3A_2518 = arith.constant 0 : i32
      %gather3A_2519 = arith.constant 0 : i32
      %gather3A_2520 = tpu.memref_slice %arg15[%gather3A_2517, %gather3A_2518, %gather3A_2519] : memref<4x64x128xf32, #tpu.memory_space<vmem>> -> memref<1x64x128xf32, #tpu.memory_space<vmem>>
      %gather3A_2521 = tpu.memref_squeeze %gather3A_2520 : memref<1x64x128xf32, #tpu.memory_space<vmem>> -> memref<64x128xf32, #tpu.memory_space<vmem>>
      %gather3A_2522 = tpu.vector_load_idx %gather3A_2521[%add3A_2516, %and3A_2490] : memref<64x128xf32, #tpu.memory_space<vmem>>[vector<16xi32>, vector<16xi32>], vector<16xf32>,
      %add3A_2523 = arith.constant 0 : i32
      %add3A_2524 = vector.broadcast %add3A_2523 : i32 to vector<16xi32>
      %add3A_2525 = arith.addi %iota3A_23, %add3A_2524 : vector<16xi32>
      %gather3A_2526 = tpu.vector_load_idx %arg13[%add3A_2525, %max3A_2496] : memref<64x128xf32, #tpu.memory_space<vmem>>[vector<16xi32>, vector<16xi32>], vector<16xf32>,
      %select_n3A_2527 = arith.select %ge3A_2499, %gather3A_2526, %gather3A_2522 : vector<16xi1>, vector<16xf32>
      %mul3A_2528 = arith.mulf %select_n3A_2513, %select_n3A_2527 : vector<16xf32>
      %add3A_2529 = arith.constant 16 : i32
      %add3A_2530 = vector.broadcast %add3A_2529 : i32 to vector<16xi32>
      %add3A_2531 = arith.addi %iota3A_23, %add3A_2530 : vector<16xi32>
      %gather3A_2532 = arith.constant 1 : i32
      %gather3A_2533 = arith.constant 0 : i32
      %gather3A_2534 = arith.constant 0 : i32
      %gather3A_2535 = tpu.memref_slice %arg14[%gather3A_2532, %gather3A_2533, %gather3A_2534] : memref<4x64x128xf32, #tpu.memory_space<vmem>> -> memref<1x64x128xf32, #tpu.memory_space<vmem>>
      %gather3A_2536 = tpu.memref_squeeze %gather3A_2535 : memref<1x64x128xf32, #tpu.memory_space<vmem>> -> memref<64x128xf32, #tpu.memory_space<vmem>>
      %gather3A_2537 = tpu.vector_load_idx %gather3A_2536[%add3A_2531, %and3A_2475] : memref<64x128xf32, #tpu.memory_space<vmem>>[vector<16xi32>, vector<16xi32>], vector<16xf32>,
      %add3A_2538 = arith.constant 16 : i32
      %add3A_2539 = vector.broadcast %add3A_2538 : i32 to vector<16xi32>
      %add3A_2540 = arith.addi %iota3A_23, %add3A_2539 : vector<16xi32>
      %gather3A_2541 = tpu.vector_load_idx %arg12[%add3A_2540, %max3A_2481] : memref<64x128xf32, #tpu.memory_space<vmem>>[vector<16xi32>, vector<16xi32>], vector<16xf32>,
      %select_n3A_2542 = arith.select %ge3A_2484, %gather3A_2541, %gather3A_2537 : vector<16xi1>, vector<16xf32>
      %add3A_2543 = arith.constant 16 : i32
      %add3A_2544 = vector.broadcast %add3A_2543 : i32 to vector<16xi32>
      %add3A_2545 = arith.addi %iota3A_23, %add3A_2544 : vector<16xi32>
      %gather3A_2546 = arith.constant 1 : i32
      %gather3A_2547 = arith.constant 0 : i32
      %gather3A_2548 = arith.constant 0 : i32
      %gather3A_2549 = tpu.memref_slice %arg15[%gather3A_2546, %gather3A_2547, %gather3A_2548] : memref<4x64x128xf32, #tpu.memory_space<vmem>> -> memref<1x64x128xf32, #tpu.memory_space<vmem>>
      %gather3A_2550 = tpu.memref_squeeze %gather3A_2549 : memref<1x64x128xf32, #tpu.memory_space<vmem>> -> memref<64x128xf32, #tpu.memory_space<vmem>>
      %gather3A_2551 = tpu.vector_load_idx %gather3A_2550[%add3A_2545, %and3A_2490] : memref<64x128xf32, #tpu.memory_space<vmem>>[vector<16xi32>, vector<16xi32>], vector<16xf32>,
      %add3A_2552 = arith.constant 16 : i32
      %add3A_2553 = vector.broadcast %add3A_2552 : i32 to vector<16xi32>
      %add3A_2554 = arith.addi %iota3A_23, %add3A_2553 : vector<16xi32>
      %gather3A_2555 = tpu.vector_load_idx %arg13[%add3A_2554, %max3A_2496] : memref<64x128xf32, #tpu.memory_space<vmem>>[vector<16xi32>, vector<16xi32>], vector<16xf32>,
      %select_n3A_2556 = arith.select %ge3A_2499, %gather3A_2555, %gather3A_2551 : vector<16xi1>, vector<16xf32>
      %mul3A_2557 = arith.mulf %select_n3A_2542, %select_n3A_2556 : vector<16xf32>
      %add3A_2558 = arith.addf %mul3A_2528, %mul3A_2557 : vector<16xf32>
      %add3A_2559 = arith.constant 32 : i32
      %add3A_2560 = vector.broadcast %add3A_2559 : i32 to vector<16xi32>
      %add3A_2561 = arith.addi %iota3A_23, %add3A_2560 : vector<16xi32>
      %gather3A_2562 = arith.constant 1 : i32
      %gather3A_2563 = arith.constant 0 : i32
      %gather3A_2564 = arith.constant 0 : i32
      %gather3A_2565 = tpu.memref_slice %arg14[%gather3A_2562, %gather3A_2563, %gather3A_2564] : memref<4x64x128xf32, #tpu.memory_space<vmem>> -> memref<1x64x128xf32, #tpu.memory_space<vmem>>
      %gather3A_2566 = tpu.memref_squeeze %gather3A_2565 : memref<1x64x128xf32, #tpu.memory_space<vmem>> -> memref<64x128xf32, #tpu.memory_space<vmem>>
      %gather3A_2567 = tpu.vector_load_idx %gather3A_2566[%add3A_2561, %and3A_2475] : memref<64x128xf32, #tpu.memory_space<vmem>>[vector<16xi32>, vector<16xi32>], vector<16xf32>,
      %add3A_2568 = arith.constant 32 : i32
      %add3A_2569 = vector.broadcast %add3A_2568 : i32 to vector<16xi32>
      %add3A_2570 = arith.addi %iota3A_23, %add3A_2569 : vector<16xi32>
      %gather3A_2571 = tpu.vector_load_idx %arg12[%add3A_2570, %max3A_2481] : memref<64x128xf32, #tpu.memory_space<vmem>>[vector<16xi32>, vector<16xi32>], vector<16xf32>,
      %select_n3A_2572 = arith.select %ge3A_2484, %gather3A_2571, %gather3A_2567 : vector<16xi1>, vector<16xf32>
      %add3A_2573 = arith.constant 32 : i32
      %add3A_2574 = vector.broadcast %add3A_2573 : i32 to vector<16xi32>
      %add3A_2575 = arith.addi %iota3A_23, %add3A_2574 : vector<16xi32>
      %gather3A_2576 = arith.constant 1 : i32
      %gather3A_2577 = arith.constant 0 : i32
      %gather3A_2578 = arith.constant 0 : i32
      %gather3A_2579 = tpu.memref_slice %arg15[%gather3A_2576, %gather3A_2577, %gather3A_2578] : memref<4x64x128xf32, #tpu.memory_space<vmem>> -> memref<1x64x128xf32, #tpu.memory_space<vmem>>
      %gather3A_2580 = tpu.memref_squeeze %gather3A_2579 : memref<1x64x128xf32, #tpu.memory_space<vmem>> -> memref<64x128xf32, #tpu.memory_space<vmem>>
      %gather3A_2581 = tpu.vector_load_idx %gather3A_2580[%add3A_2575, %and3A_2490] : memref<64x128xf32, #tpu.memory_space<vmem>>[vector<16xi32>, vector<16xi32>], vector<16xf32>,
      %add3A_2582 = arith.constant 32 : i32
      %add3A_2583 = vector.broadcast %add3A_2582 : i32 to vector<16xi32>
      %add3A_2584 = arith.addi %iota3A_23, %add3A_2583 : vector<16xi32>
      %gather3A_2585 = tpu.vector_load_idx %arg13[%add3A_2584, %max3A_2496] : memref<64x128xf32, #tpu.memory_space<vmem>>[vector<16xi32>, vector<16xi32>], vector<16xf32>,
      %select_n3A_2586 = arith.select %ge3A_2499, %gather3A_2585, %gather3A_2581 : vector<16xi1>, vector<16xf32>
      %mul3A_2587 = arith.mulf %select_n3A_2572, %select_n3A_2586 : vector<16xf32>
      %add3A_2588 = arith.addf %add3A_2558, %mul3A_2587 : vector<16xf32>
      %add3A_2589 = arith.constant 48 : i32
      %add3A_2590 = vector.broadcast %add3A_2589 : i32 to vector<16xi32>
      %add3A_2591 = arith.addi %iota3A_23, %add3A_2590 : vector<16xi32>
      %gather3A_2592 = arith.constant 1 : i32
      %gather3A_2593 = arith.constant 0 : i32
      %gather3A_2594 = arith.constant 0 : i32
      %gather3A_2595 = tpu.memref_slice %arg14[%gather3A_2592, %gather3A_2593, %gather3A_2594] : memref<4x64x128xf32, #tpu.memory_space<vmem>> -> memref<1x64x128xf32, #tpu.memory_space<vmem>>
      %gather3A_2596 = tpu.memref_squeeze %gather3A_2595 : memref<1x64x128xf32, #tpu.memory_space<vmem>> -> memref<64x128xf32, #tpu.memory_space<vmem>>
      %gather3A_2597 = tpu.vector_load_idx %gather3A_2596[%add3A_2591, %and3A_2475] : memref<64x128xf32, #tpu.memory_space<vmem>>[vector<16xi32>, vector<16xi32>], vector<16xf32>,
      %add3A_2598 = arith.constant 48 : i32
      %add3A_2599 = vector.broadcast %add3A_2598 : i32 to vector<16xi32>
      %add3A_2600 = arith.addi %iota3A_23, %add3A_2599 : vector<16xi32>
      %gather3A_2601 = tpu.vector_load_idx %arg12[%add3A_2600, %max3A_2481] : memref<64x128xf32, #tpu.memory_space<vmem>>[vector<16xi32>, vector<16xi32>], vector<16xf32>,
      %select_n3A_2602 = arith.select %ge3A_2484, %gather3A_2601, %gather3A_2597 : vector<16xi1>, vector<16xf32>
      %add3A_2603 = arith.constant 48 : i32
      %add3A_2604 = vector.broadcast %add3A_2603 : i32 to vector<16xi32>
      %add3A_2605 = arith.addi %iota3A_23, %add3A_2604 : vector<16xi32>
      %gather3A_2606 = arith.constant 1 : i32
      %gather3A_2607 = arith.constant 0 : i32
      %gather3A_2608 = arith.constant 0 : i32
      %gather3A_2609 = tpu.memref_slice %arg15[%gather3A_2606, %gather3A_2607, %gather3A_2608] : memref<4x64x128xf32, #tpu.memory_space<vmem>> -> memref<1x64x128xf32, #tpu.memory_space<vmem>>
      %gather3A_2610 = tpu.memref_squeeze %gather3A_2609 : memref<1x64x128xf32, #tpu.memory_space<vmem>> -> memref<64x128xf32, #tpu.memory_space<vmem>>
      %gather3A_2611 = tpu.vector_load_idx %gather3A_2610[%add3A_2605, %and3A_2490] : memref<64x128xf32, #tpu.memory_space<vmem>>[vector<16xi32>, vector<16xi32>], vector<16xf32>,
      %add3A_2612 = arith.constant 48 : i32
      %add3A_2613 = vector.broadcast %add3A_2612 : i32 to vector<16xi32>
      %add3A_2614 = arith.addi %iota3A_23, %add3A_2613 : vector<16xi32>
      %gather3A_2615 = tpu.vector_load_idx %arg13[%add3A_2614, %max3A_2496] : memref<64x128xf32, #tpu.memory_space<vmem>>[vector<16xi32>, vector<16xi32>], vector<16xf32>,
      %select_n3A_2616 = arith.select %ge3A_2499, %gather3A_2615, %gather3A_2611 : vector<16xi1>, vector<16xf32>
      %mul3A_2617 = arith.mulf %select_n3A_2602, %select_n3A_2616 : vector<16xf32>
      %add3A_2618 = arith.addf %add3A_2588, %mul3A_2617 : vector<16xf32>
      %mul3A_2619 = arith.constant 512 : i32
      %mul3A_2620 = vector.broadcast %mul3A_2619 : i32 to vector<16xi32>
      %mul3A_2621 = arith.muli %iota3A_23, %mul3A_2620 : vector<16xi32>
      %add3A_2622 = vector.broadcast %add3A_2469 : i32 to vector<16xi32>
      %add3A_2623 = arith.addi %mul3A_2621, %add3A_2622 : vector<16xi32>
      tpu.vector_store_idx %arg16[%add3A_2623], %add3A_2618 : memref<8192xf32, #tpu.memory_space<vmem>>[vector<16xi32>], vector<16xf32>,
      %slice3A_2624 = vector.extract_strided_slice %get3A_167 {offsets = [13], sizes = [1], strides = [1]} : vector<16xi32> to vector<1xi32>
      %squeeze3A_2625 = vector.extract %slice3A_2624[0] : i32 from vector<1xi32>
      %shift_right_arithmetic3A_2626 = arith.constant 7 : i32
      %shift_right_arithmetic3A_2627 = arith.shrsi %squeeze3A_2625, %shift_right_arithmetic3A_2626 : i32
      %min3A_2628 = arith.constant 7811 : i32
      %min3A_2629 = arith.minsi %shift_right_arithmetic3A_2627, %min3A_2628 : i32
      %mul3A_2630 = arith.constant 128 : i32
      %mul3A_2631 = arith.muli %min3A_2629, %mul3A_2630 : i32
      %multiple_of3A_2632 = tpu.assume_multiple %mul3A_2631, 128 : i32
      %slice3A_2633 = vector.extract_strided_slice %get3A_171 {offsets = [13], sizes = [1], strides = [1]} : vector<16xi32> to vector<1xi32>
      %squeeze3A_2634 = vector.extract %slice3A_2633[0] : i32 from vector<1xi32>
      %shift_right_arithmetic3A_2635 = arith.constant 7 : i32
      %shift_right_arithmetic3A_2636 = arith.shrsi %squeeze3A_2634, %shift_right_arithmetic3A_2635 : i32
      %min3A_2637 = arith.constant 7811 : i32
      %min3A_2638 = arith.minsi %shift_right_arithmetic3A_2636, %min3A_2637 : i32
      %mul3A_2639 = arith.constant 128 : i32
      %mul3A_2640 = arith.muli %min3A_2638, %mul3A_2639 : i32
      %multiple_of3A_2641 = tpu.assume_multiple %mul3A_2640, 128 : i32
      %dma_start3A_2642 = arith.constant 1 : i32
      %dma_start3A_2643 = arith.constant 0 : i32
      %dma_start3A_2644 = arith.constant 0 : i32
      %dma_start3A_2645 = tpu.memref_slice %arg14[%dma_start3A_2642, %dma_start3A_2643, %dma_start3A_2644] : memref<4x64x128xf32, #tpu.memory_space<vmem>> -> memref<1x64x128xf32, #tpu.memory_space<vmem>>
      %dma_start3A_2646 = tpu.memref_squeeze %dma_start3A_2645 : memref<1x64x128xf32, #tpu.memory_space<vmem>> -> memref<64x128xf32, #tpu.memory_space<vmem>>
      %dma_start3A_2647 = arith.constant 0 : i32
      %dma_start3A_2648 = tpu.memref_slice %arg4[%dma_start3A_2647, %multiple_of3A_2632] : memref<64x1000000xf32, #tpu.memory_space<hbm>> -> memref<64x128xf32, #tpu.memory_space<hbm>>
      %dma_start3A_2649 = arith.constant 0 : i32
      %dma_start3A_2650 = arith.constant 0 : i32
      %dma_start3A_2651 = tpu.memref_slice %arg14[%dma_start3A_2642, %dma_start3A_2649, %dma_start3A_2650] : memref<4x64x128xf32, #tpu.memory_space<vmem>> -> memref<1x64x128xf32, #tpu.memory_space<vmem>>
      %dma_start3A_2652 = tpu.memref_squeeze %dma_start3A_2651 : memref<1x64x128xf32, #tpu.memory_space<vmem>> -> memref<64x128xf32, #tpu.memory_space<vmem>>
      %dma_start3A_2653 = arith.constant 0 : i32
      %dma_start3A_2654 = tpu.memref_slice %arg4[%dma_start3A_2653, %multiple_of3A_2632] : memref<64x1000000xf32, #tpu.memory_space<hbm>> -> memref<64x128xf32, #tpu.memory_space<hbm>>
      tpu.enqueue_dma source(%dma_start3A_2654 : memref<64x128xf32, #tpu.memory_space<hbm>>) target(%dma_start3A_2652 : memref<64x128xf32, #tpu.memory_space<vmem>>) target_semaphore(%arg19 : memref<!tpu.dma_semaphore, #tpu.memory_space<semaphore_mem>>)
      %dma_start3A_2655 = arith.constant 1 : i32
      %dma_start3A_2656 = arith.constant 0 : i32
      %dma_start3A_2657 = arith.constant 0 : i32
      %dma_start3A_2658 = tpu.memref_slice %arg15[%dma_start3A_2655, %dma_start3A_2656, %dma_start3A_2657] : memref<4x64x128xf32, #tpu.memory_space<vmem>> -> memref<1x64x128xf32, #tpu.memory_space<vmem>>
      %dma_start3A_2659 = tpu.memref_squeeze %dma_start3A_2658 : memref<1x64x128xf32, #tpu.memory_space<vmem>> -> memref<64x128xf32, #tpu.memory_space<vmem>>
      %dma_start3A_2660 = arith.constant 0 : i32
      %dma_start3A_2661 = tpu.memref_slice %arg5[%dma_start3A_2660, %multiple_of3A_2641] : memref<64x1000000xf32, #tpu.memory_space<hbm>> -> memref<64x128xf32, #tpu.memory_space<hbm>>
      %dma_start3A_2662 = arith.constant 0 : i32
      %dma_start3A_2663 = arith.constant 0 : i32
      %dma_start3A_2664 = tpu.memref_slice %arg15[%dma_start3A_2655, %dma_start3A_2662, %dma_start3A_2663] : memref<4x64x128xf32, #tpu.memory_space<vmem>> -> memref<1x64x128xf32, #tpu.memory_space<vmem>>
      %dma_start3A_2665 = tpu.memref_squeeze %dma_start3A_2664 : memref<1x64x128xf32, #tpu.memory_space<vmem>> -> memref<64x128xf32, #tpu.memory_space<vmem>>
      %dma_start3A_2666 = arith.constant 0 : i32
      %dma_start3A_2667 = tpu.memref_slice %arg5[%dma_start3A_2666, %multiple_of3A_2641] : memref<64x1000000xf32, #tpu.memory_space<hbm>> -> memref<64x128xf32, #tpu.memory_space<hbm>>
      tpu.enqueue_dma source(%dma_start3A_2667 : memref<64x128xf32, #tpu.memory_space<hbm>>) target(%dma_start3A_2665 : memref<64x128xf32, #tpu.memory_space<vmem>>) target_semaphore(%arg19 : memref<!tpu.dma_semaphore, #tpu.memory_space<semaphore_mem>>)
      %slice3A_2668 = vector.extract_strided_slice %get3A_167 {offsets = [10], sizes = [1], strides = [1]} : vector<16xi32> to vector<1xi32>
      %squeeze3A_2669 = vector.extract %slice3A_2668[0] : i32 from vector<1xi32>
      %shift_right_arithmetic3A_2670 = arith.constant 7 : i32
      %shift_right_arithmetic3A_2671 = arith.shrsi %squeeze3A_2669, %shift_right_arithmetic3A_2670 : i32
      %min3A_2672 = arith.constant 7811 : i32
      %min3A_2673 = arith.minsi %shift_right_arithmetic3A_2671, %min3A_2672 : i32
      %mul3A_2674 = arith.constant 128 : i32
      %mul3A_2675 = arith.muli %min3A_2673, %mul3A_2674 : i32
      %multiple_of3A_2676 = tpu.assume_multiple %mul3A_2675, 128 : i32
      %slice3A_2677 = vector.extract_strided_slice %get3A_171 {offsets = [10], sizes = [1], strides = [1]} : vector<16xi32> to vector<1xi32>
      %squeeze3A_2678 = vector.extract %slice3A_2677[0] : i32 from vector<1xi32>
      %shift_right_arithmetic3A_2679 = arith.constant 7 : i32
      %shift_right_arithmetic3A_2680 = arith.shrsi %squeeze3A_2678, %shift_right_arithmetic3A_2679 : i32
      %min3A_2681 = arith.constant 7811 : i32
      %min3A_2682 = arith.minsi %shift_right_arithmetic3A_2680, %min3A_2681 : i32
      %mul3A_2683 = arith.constant 128 : i32
      %mul3A_2684 = arith.muli %min3A_2682, %mul3A_2683 : i32
      %multiple_of3A_2685 = tpu.assume_multiple %mul3A_2684, 128 : i32
      %dma_wait3A_2686 = arith.constant 2 : i32
      %dma_wait3A_2687 = arith.constant 0 : i32
      %dma_wait3A_2688 = arith.constant 0 : i32
      %dma_wait3A_2689 = tpu.memref_slice %arg14[%dma_wait3A_2686, %dma_wait3A_2687, %dma_wait3A_2688] : memref<4x64x128xf32, #tpu.memory_space<vmem>> -> memref<1x64x128xf32, #tpu.memory_space<vmem>>
      %dma_wait3A_2690 = tpu.memref_squeeze %dma_wait3A_2689 : memref<1x64x128xf32, #tpu.memory_space<vmem>> -> memref<64x128xf32, #tpu.memory_space<vmem>>
      %dma_wait3A_2691 = arith.constant 0 : i32
      %dma_wait3A_2692 = tpu.memref_slice %arg4[%dma_wait3A_2691, %multiple_of3A_2676] : memref<64x1000000xf32, #tpu.memory_space<hbm>> -> memref<64x128xf32, #tpu.memory_space<hbm>>
      %dma_wait3A_2693 = arith.constant 0 : i32
      %dma_wait3A_2694 = arith.constant 0 : i32
      %dma_wait3A_2695 = tpu.memref_slice %arg14[%dma_wait3A_2686, %dma_wait3A_2693, %dma_wait3A_2694] : memref<4x64x128xf32, #tpu.memory_space<vmem>> -> memref<1x64x128xf32, #tpu.memory_space<vmem>>
      %dma_wait3A_2696 = tpu.memref_squeeze %dma_wait3A_2695 : memref<1x64x128xf32, #tpu.memory_space<vmem>> -> memref<64x128xf32, #tpu.memory_space<vmem>>
      %dma_wait3A_2697 = arith.constant 0 : i32
      %dma_wait3A_2698 = tpu.memref_slice %arg4[%dma_wait3A_2697, %multiple_of3A_2676] : memref<64x1000000xf32, #tpu.memory_space<hbm>> -> memref<64x128xf32, #tpu.memory_space<hbm>>
      tpu.wait_dma2 semaphore(%arg20 : memref<!tpu.dma_semaphore, #tpu.memory_space<semaphore_mem>>) src(%dma_wait3A_2698 : memref<64x128xf32, #tpu.memory_space<hbm>>) dst(%dma_wait3A_2696 : memref<64x128xf32, #tpu.memory_space<vmem>>)
      %dma_wait3A_2699 = arith.constant 2 : i32
      %dma_wait3A_2700 = arith.constant 0 : i32
      %dma_wait3A_2701 = arith.constant 0 : i32
      %dma_wait3A_2702 = tpu.memref_slice %arg15[%dma_wait3A_2699, %dma_wait3A_2700, %dma_wait3A_2701] : memref<4x64x128xf32, #tpu.memory_space<vmem>> -> memref<1x64x128xf32, #tpu.memory_space<vmem>>
      %dma_wait3A_2703 = tpu.memref_squeeze %dma_wait3A_2702 : memref<1x64x128xf32, #tpu.memory_space<vmem>> -> memref<64x128xf32, #tpu.memory_space<vmem>>
      %dma_wait3A_2704 = arith.constant 0 : i32
      %dma_wait3A_2705 = tpu.memref_slice %arg5[%dma_wait3A_2704, %multiple_of3A_2685] : memref<64x1000000xf32, #tpu.memory_space<hbm>> -> memref<64x128xf32, #tpu.memory_space<hbm>>
      %dma_wait3A_2706 = arith.constant 0 : i32
      %dma_wait3A_2707 = arith.constant 0 : i32
      %dma_wait3A_2708 = tpu.memref_slice %arg15[%dma_wait3A_2699, %dma_wait3A_2706, %dma_wait3A_2707] : memref<4x64x128xf32, #tpu.memory_space<vmem>> -> memref<1x64x128xf32, #tpu.memory_space<vmem>>
      %dma_wait3A_2709 = tpu.memref_squeeze %dma_wait3A_2708 : memref<1x64x128xf32, #tpu.memory_space<vmem>> -> memref<64x128xf32, #tpu.memory_space<vmem>>
      %dma_wait3A_2710 = arith.constant 0 : i32
      %dma_wait3A_2711 = tpu.memref_slice %arg5[%dma_wait3A_2710, %multiple_of3A_2685] : memref<64x1000000xf32, #tpu.memory_space<hbm>> -> memref<64x128xf32, #tpu.memory_space<hbm>>
      tpu.wait_dma2 semaphore(%arg20 : memref<!tpu.dma_semaphore, #tpu.memory_space<semaphore_mem>>) src(%dma_wait3A_2711 : memref<64x128xf32, #tpu.memory_space<hbm>>) dst(%dma_wait3A_2709 : memref<64x128xf32, #tpu.memory_space<vmem>>)
      %mul3A_2712 = arith.constant 16 : i32
      %mul3A_2713 = arith.muli %add3A_163, %mul3A_2712 : i32
      %add3A_2714 = arith.constant 10 : i32
      %add3A_2715 = arith.addi %mul3A_2713, %add3A_2714 : i32
      %slice3A_2716 = vector.extract_strided_slice %get3A_167 {offsets = [10], sizes = [1], strides = [1]} : vector<16xi32> to vector<1xi32>
      %squeeze3A_2717 = vector.extract %slice3A_2716[0] : i32 from vector<1xi32>
      %broadcast_in_dim3A_2718 = vector.broadcast %squeeze3A_2717 : i32 to vector<16xi32>
      %and3A_2719 = arith.constant 127 : i32
      %and3A_2720 = vector.broadcast %and3A_2719 : i32 to vector<16xi32>
      %and3A_2721 = arith.andi %broadcast_in_dim3A_2718, %and3A_2720 : vector<16xi32>
      %sub3A_2722 = arith.constant 999936 : i32
      %sub3A_2723 = vector.broadcast %sub3A_2722 : i32 to vector<16xi32>
      %sub3A_2724 = arith.subi %broadcast_in_dim3A_2718, %sub3A_2723 : vector<16xi32>
      %max3A_2725 = arith.constant 0 : i32
      %max3A_2726 = vector.broadcast %max3A_2725 : i32 to vector<16xi32>
      %max3A_2727 = arith.maxsi %sub3A_2724, %max3A_2726 : vector<16xi32>
      %ge3A_2728 = arith.constant 999936 : i32
      %ge3A_2729 = vector.broadcast %ge3A_2728 : i32 to vector<16xi32>
      %ge3A_2730 = arith.cmpi sge, %broadcast_in_dim3A_2718, %ge3A_2729 : vector<16xi32>
      %slice3A_2731 = vector.extract_strided_slice %get3A_171 {offsets = [10], sizes = [1], strides = [1]} : vector<16xi32> to vector<1xi32>
      %squeeze3A_2732 = vector.extract %slice3A_2731[0] : i32 from vector<1xi32>
      %broadcast_in_dim3A_2733 = vector.broadcast %squeeze3A_2732 : i32 to vector<16xi32>
      %and3A_2734 = arith.constant 127 : i32
      %and3A_2735 = vector.broadcast %and3A_2734 : i32 to vector<16xi32>
      %and3A_2736 = arith.andi %broadcast_in_dim3A_2733, %and3A_2735 : vector<16xi32>
      %sub3A_2737 = arith.constant 999936 : i32
      %sub3A_2738 = vector.broadcast %sub3A_2737 : i32 to vector<16xi32>
      %sub3A_2739 = arith.subi %broadcast_in_dim3A_2733, %sub3A_2738 : vector<16xi32>
      %max3A_2740 = arith.constant 0 : i32
      %max3A_2741 = vector.broadcast %max3A_2740 : i32 to vector<16xi32>
      %max3A_2742 = arith.maxsi %sub3A_2739, %max3A_2741 : vector<16xi32>
      %ge3A_2743 = arith.constant 999936 : i32
      %ge3A_2744 = vector.broadcast %ge3A_2743 : i32 to vector<16xi32>
      %ge3A_2745 = arith.cmpi sge, %broadcast_in_dim3A_2733, %ge3A_2744 : vector<16xi32>
      %add3A_2746 = arith.constant 0 : i32
      %add3A_2747 = vector.broadcast %add3A_2746 : i32 to vector<16xi32>
      %add3A_2748 = arith.addi %iota3A_23, %add3A_2747 : vector<16xi32>
      %gather3A_2749 = arith.constant 2 : i32
      %gather3A_2750 = arith.constant 0 : i32
      %gather3A_2751 = arith.constant 0 : i32
      %gather3A_2752 = tpu.memref_slice %arg14[%gather3A_2749, %gather3A_2750, %gather3A_2751] : memref<4x64x128xf32, #tpu.memory_space<vmem>> -> memref<1x64x128xf32, #tpu.memory_space<vmem>>
      %gather3A_2753 = tpu.memref_squeeze %gather3A_2752 : memref<1x64x128xf32, #tpu.memory_space<vmem>> -> memref<64x128xf32, #tpu.memory_space<vmem>>
      %gather3A_2754 = tpu.vector_load_idx %gather3A_2753[%add3A_2748, %and3A_2721] : memref<64x128xf32, #tpu.memory_space<vmem>>[vector<16xi32>, vector<16xi32>], vector<16xf32>,
      %add3A_2755 = arith.constant 0 : i32
      %add3A_2756 = vector.broadcast %add3A_2755 : i32 to vector<16xi32>
      %add3A_2757 = arith.addi %iota3A_23, %add3A_2756 : vector<16xi32>
      %gather3A_2758 = tpu.vector_load_idx %arg12[%add3A_2757, %max3A_2727] : memref<64x128xf32, #tpu.memory_space<vmem>>[vector<16xi32>, vector<16xi32>], vector<16xf32>,
      %select_n3A_2759 = arith.select %ge3A_2730, %gather3A_2758, %gather3A_2754 : vector<16xi1>, vector<16xf32>
      %add3A_2760 = arith.constant 0 : i32
      %add3A_2761 = vector.broadcast %add3A_2760 : i32 to vector<16xi32>
      %add3A_2762 = arith.addi %iota3A_23, %add3A_2761 : vector<16xi32>
      %gather3A_2763 = arith.constant 2 : i32
      %gather3A_2764 = arith.constant 0 : i32
      %gather3A_2765 = arith.constant 0 : i32
      %gather3A_2766 = tpu.memref_slice %arg15[%gather3A_2763, %gather3A_2764, %gather3A_2765] : memref<4x64x128xf32, #tpu.memory_space<vmem>> -> memref<1x64x128xf32, #tpu.memory_space<vmem>>
      %gather3A_2767 = tpu.memref_squeeze %gather3A_2766 : memref<1x64x128xf32, #tpu.memory_space<vmem>> -> memref<64x128xf32, #tpu.memory_space<vmem>>
      %gather3A_2768 = tpu.vector_load_idx %gather3A_2767[%add3A_2762, %and3A_2736] : memref<64x128xf32, #tpu.memory_space<vmem>>[vector<16xi32>, vector<16xi32>], vector<16xf32>,
      %add3A_2769 = arith.constant 0 : i32
      %add3A_2770 = vector.broadcast %add3A_2769 : i32 to vector<16xi32>
      %add3A_2771 = arith.addi %iota3A_23, %add3A_2770 : vector<16xi32>
      %gather3A_2772 = tpu.vector_load_idx %arg13[%add3A_2771, %max3A_2742] : memref<64x128xf32, #tpu.memory_space<vmem>>[vector<16xi32>, vector<16xi32>], vector<16xf32>,
      %select_n3A_2773 = arith.select %ge3A_2745, %gather3A_2772, %gather3A_2768 : vector<16xi1>, vector<16xf32>
      %mul3A_2774 = arith.mulf %select_n3A_2759, %select_n3A_2773 : vector<16xf32>
      %add3A_2775 = arith.constant 16 : i32
      %add3A_2776 = vector.broadcast %add3A_2775 : i32 to vector<16xi32>
      %add3A_2777 = arith.addi %iota3A_23, %add3A_2776 : vector<16xi32>
      %gather3A_2778 = arith.constant 2 : i32
      %gather3A_2779 = arith.constant 0 : i32
      %gather3A_2780 = arith.constant 0 : i32
      %gather3A_2781 = tpu.memref_slice %arg14[%gather3A_2778, %gather3A_2779, %gather3A_2780] : memref<4x64x128xf32, #tpu.memory_space<vmem>> -> memref<1x64x128xf32, #tpu.memory_space<vmem>>
      %gather3A_2782 = tpu.memref_squeeze %gather3A_2781 : memref<1x64x128xf32, #tpu.memory_space<vmem>> -> memref<64x128xf32, #tpu.memory_space<vmem>>
      %gather3A_2783 = tpu.vector_load_idx %gather3A_2782[%add3A_2777, %and3A_2721] : memref<64x128xf32, #tpu.memory_space<vmem>>[vector<16xi32>, vector<16xi32>], vector<16xf32>,
      %add3A_2784 = arith.constant 16 : i32
      %add3A_2785 = vector.broadcast %add3A_2784 : i32 to vector<16xi32>
      %add3A_2786 = arith.addi %iota3A_23, %add3A_2785 : vector<16xi32>
      %gather3A_2787 = tpu.vector_load_idx %arg12[%add3A_2786, %max3A_2727] : memref<64x128xf32, #tpu.memory_space<vmem>>[vector<16xi32>, vector<16xi32>], vector<16xf32>,
      %select_n3A_2788 = arith.select %ge3A_2730, %gather3A_2787, %gather3A_2783 : vector<16xi1>, vector<16xf32>
      %add3A_2789 = arith.constant 16 : i32
      %add3A_2790 = vector.broadcast %add3A_2789 : i32 to vector<16xi32>
      %add3A_2791 = arith.addi %iota3A_23, %add3A_2790 : vector<16xi32>
      %gather3A_2792 = arith.constant 2 : i32
      %gather3A_2793 = arith.constant 0 : i32
      %gather3A_2794 = arith.constant 0 : i32
      %gather3A_2795 = tpu.memref_slice %arg15[%gather3A_2792, %gather3A_2793, %gather3A_2794] : memref<4x64x128xf32, #tpu.memory_space<vmem>> -> memref<1x64x128xf32, #tpu.memory_space<vmem>>
      %gather3A_2796 = tpu.memref_squeeze %gather3A_2795 : memref<1x64x128xf32, #tpu.memory_space<vmem>> -> memref<64x128xf32, #tpu.memory_space<vmem>>
      %gather3A_2797 = tpu.vector_load_idx %gather3A_2796[%add3A_2791, %and3A_2736] : memref<64x128xf32, #tpu.memory_space<vmem>>[vector<16xi32>, vector<16xi32>], vector<16xf32>,
      %add3A_2798 = arith.constant 16 : i32
      %add3A_2799 = vector.broadcast %add3A_2798 : i32 to vector<16xi32>
      %add3A_2800 = arith.addi %iota3A_23, %add3A_2799 : vector<16xi32>
      %gather3A_2801 = tpu.vector_load_idx %arg13[%add3A_2800, %max3A_2742] : memref<64x128xf32, #tpu.memory_space<vmem>>[vector<16xi32>, vector<16xi32>], vector<16xf32>,
      %select_n3A_2802 = arith.select %ge3A_2745, %gather3A_2801, %gather3A_2797 : vector<16xi1>, vector<16xf32>
      %mul3A_2803 = arith.mulf %select_n3A_2788, %select_n3A_2802 : vector<16xf32>
      %add3A_2804 = arith.addf %mul3A_2774, %mul3A_2803 : vector<16xf32>
      %add3A_2805 = arith.constant 32 : i32
      %add3A_2806 = vector.broadcast %add3A_2805 : i32 to vector<16xi32>
      %add3A_2807 = arith.addi %iota3A_23, %add3A_2806 : vector<16xi32>
      %gather3A_2808 = arith.constant 2 : i32
      %gather3A_2809 = arith.constant 0 : i32
      %gather3A_2810 = arith.constant 0 : i32
      %gather3A_2811 = tpu.memref_slice %arg14[%gather3A_2808, %gather3A_2809, %gather3A_2810] : memref<4x64x128xf32, #tpu.memory_space<vmem>> -> memref<1x64x128xf32, #tpu.memory_space<vmem>>
      %gather3A_2812 = tpu.memref_squeeze %gather3A_2811 : memref<1x64x128xf32, #tpu.memory_space<vmem>> -> memref<64x128xf32, #tpu.memory_space<vmem>>
      %gather3A_2813 = tpu.vector_load_idx %gather3A_2812[%add3A_2807, %and3A_2721] : memref<64x128xf32, #tpu.memory_space<vmem>>[vector<16xi32>, vector<16xi32>], vector<16xf32>,
      %add3A_2814 = arith.constant 32 : i32
      %add3A_2815 = vector.broadcast %add3A_2814 : i32 to vector<16xi32>
      %add3A_2816 = arith.addi %iota3A_23, %add3A_2815 : vector<16xi32>
      %gather3A_2817 = tpu.vector_load_idx %arg12[%add3A_2816, %max3A_2727] : memref<64x128xf32, #tpu.memory_space<vmem>>[vector<16xi32>, vector<16xi32>], vector<16xf32>,
      %select_n3A_2818 = arith.select %ge3A_2730, %gather3A_2817, %gather3A_2813 : vector<16xi1>, vector<16xf32>
      %add3A_2819 = arith.constant 32 : i32
      %add3A_2820 = vector.broadcast %add3A_2819 : i32 to vector<16xi32>
      %add3A_2821 = arith.addi %iota3A_23, %add3A_2820 : vector<16xi32>
      %gather3A_2822 = arith.constant 2 : i32
      %gather3A_2823 = arith.constant 0 : i32
      %gather3A_2824 = arith.constant 0 : i32
      %gather3A_2825 = tpu.memref_slice %arg15[%gather3A_2822, %gather3A_2823, %gather3A_2824] : memref<4x64x128xf32, #tpu.memory_space<vmem>> -> memref<1x64x128xf32, #tpu.memory_space<vmem>>
      %gather3A_2826 = tpu.memref_squeeze %gather3A_2825 : memref<1x64x128xf32, #tpu.memory_space<vmem>> -> memref<64x128xf32, #tpu.memory_space<vmem>>
      %gather3A_2827 = tpu.vector_load_idx %gather3A_2826[%add3A_2821, %and3A_2736] : memref<64x128xf32, #tpu.memory_space<vmem>>[vector<16xi32>, vector<16xi32>], vector<16xf32>,
      %add3A_2828 = arith.constant 32 : i32
      %add3A_2829 = vector.broadcast %add3A_2828 : i32 to vector<16xi32>
      %add3A_2830 = arith.addi %iota3A_23, %add3A_2829 : vector<16xi32>
      %gather3A_2831 = tpu.vector_load_idx %arg13[%add3A_2830, %max3A_2742] : memref<64x128xf32, #tpu.memory_space<vmem>>[vector<16xi32>, vector<16xi32>], vector<16xf32>,
      %select_n3A_2832 = arith.select %ge3A_2745, %gather3A_2831, %gather3A_2827 : vector<16xi1>, vector<16xf32>
      %mul3A_2833 = arith.mulf %select_n3A_2818, %select_n3A_2832 : vector<16xf32>
      %add3A_2834 = arith.addf %add3A_2804, %mul3A_2833 : vector<16xf32>
      %add3A_2835 = arith.constant 48 : i32
      %add3A_2836 = vector.broadcast %add3A_2835 : i32 to vector<16xi32>
      %add3A_2837 = arith.addi %iota3A_23, %add3A_2836 : vector<16xi32>
      %gather3A_2838 = arith.constant 2 : i32
      %gather3A_2839 = arith.constant 0 : i32
      %gather3A_2840 = arith.constant 0 : i32
      %gather3A_2841 = tpu.memref_slice %arg14[%gather3A_2838, %gather3A_2839, %gather3A_2840] : memref<4x64x128xf32, #tpu.memory_space<vmem>> -> memref<1x64x128xf32, #tpu.memory_space<vmem>>
      %gather3A_2842 = tpu.memref_squeeze %gather3A_2841 : memref<1x64x128xf32, #tpu.memory_space<vmem>> -> memref<64x128xf32, #tpu.memory_space<vmem>>
      %gather3A_2843 = tpu.vector_load_idx %gather3A_2842[%add3A_2837, %and3A_2721] : memref<64x128xf32, #tpu.memory_space<vmem>>[vector<16xi32>, vector<16xi32>], vector<16xf32>,
      %add3A_2844 = arith.constant 48 : i32
      %add3A_2845 = vector.broadcast %add3A_2844 : i32 to vector<16xi32>
      %add3A_2846 = arith.addi %iota3A_23, %add3A_2845 : vector<16xi32>
      %gather3A_2847 = tpu.vector_load_idx %arg12[%add3A_2846, %max3A_2727] : memref<64x128xf32, #tpu.memory_space<vmem>>[vector<16xi32>, vector<16xi32>], vector<16xf32>,
      %select_n3A_2848 = arith.select %ge3A_2730, %gather3A_2847, %gather3A_2843 : vector<16xi1>, vector<16xf32>
      %add3A_2849 = arith.constant 48 : i32
      %add3A_2850 = vector.broadcast %add3A_2849 : i32 to vector<16xi32>
      %add3A_2851 = arith.addi %iota3A_23, %add3A_2850 : vector<16xi32>
      %gather3A_2852 = arith.constant 2 : i32
      %gather3A_2853 = arith.constant 0 : i32
      %gather3A_2854 = arith.constant 0 : i32
      %gather3A_2855 = tpu.memref_slice %arg15[%gather3A_2852, %gather3A_2853, %gather3A_2854] : memref<4x64x128xf32, #tpu.memory_space<vmem>> -> memref<1x64x128xf32, #tpu.memory_space<vmem>>
      %gather3A_2856 = tpu.memref_squeeze %gather3A_2855 : memref<1x64x128xf32, #tpu.memory_space<vmem>> -> memref<64x128xf32, #tpu.memory_space<vmem>>
      %gather3A_2857 = tpu.vector_load_idx %gather3A_2856[%add3A_2851, %and3A_2736] : memref<64x128xf32, #tpu.memory_space<vmem>>[vector<16xi32>, vector<16xi32>], vector<16xf32>,
      %add3A_2858 = arith.constant 48 : i32
      %add3A_2859 = vector.broadcast %add3A_2858 : i32 to vector<16xi32>
      %add3A_2860 = arith.addi %iota3A_23, %add3A_2859 : vector<16xi32>
      %gather3A_2861 = tpu.vector_load_idx %arg13[%add3A_2860, %max3A_2742] : memref<64x128xf32, #tpu.memory_space<vmem>>[vector<16xi32>, vector<16xi32>], vector<16xf32>,
      %select_n3A_2862 = arith.select %ge3A_2745, %gather3A_2861, %gather3A_2857 : vector<16xi1>, vector<16xf32>
      %mul3A_2863 = arith.mulf %select_n3A_2848, %select_n3A_2862 : vector<16xf32>
      %add3A_2864 = arith.addf %add3A_2834, %mul3A_2863 : vector<16xf32>
      %mul3A_2865 = arith.constant 512 : i32
      %mul3A_2866 = vector.broadcast %mul3A_2865 : i32 to vector<16xi32>
      %mul3A_2867 = arith.muli %iota3A_23, %mul3A_2866 : vector<16xi32>
      %add3A_2868 = vector.broadcast %add3A_2715 : i32 to vector<16xi32>
      %add3A_2869 = arith.addi %mul3A_2867, %add3A_2868 : vector<16xi32>
      tpu.vector_store_idx %arg16[%add3A_2869], %add3A_2864 : memref<8192xf32, #tpu.memory_space<vmem>>[vector<16xi32>], vector<16xf32>,
      %slice3A_2870 = vector.extract_strided_slice %get3A_167 {offsets = [14], sizes = [1], strides = [1]} : vector<16xi32> to vector<1xi32>
      %squeeze3A_2871 = vector.extract %slice3A_2870[0] : i32 from vector<1xi32>
      %shift_right_arithmetic3A_2872 = arith.constant 7 : i32
      %shift_right_arithmetic3A_2873 = arith.shrsi %squeeze3A_2871, %shift_right_arithmetic3A_2872 : i32
      %min3A_2874 = arith.constant 7811 : i32
      %min3A_2875 = arith.minsi %shift_right_arithmetic3A_2873, %min3A_2874 : i32
      %mul3A_2876 = arith.constant 128 : i32
      %mul3A_2877 = arith.muli %min3A_2875, %mul3A_2876 : i32
      %multiple_of3A_2878 = tpu.assume_multiple %mul3A_2877, 128 : i32
      %slice3A_2879 = vector.extract_strided_slice %get3A_171 {offsets = [14], sizes = [1], strides = [1]} : vector<16xi32> to vector<1xi32>
      %squeeze3A_2880 = vector.extract %slice3A_2879[0] : i32 from vector<1xi32>
      %shift_right_arithmetic3A_2881 = arith.constant 7 : i32
      %shift_right_arithmetic3A_2882 = arith.shrsi %squeeze3A_2880, %shift_right_arithmetic3A_2881 : i32
      %min3A_2883 = arith.constant 7811 : i32
      %min3A_2884 = arith.minsi %shift_right_arithmetic3A_2882, %min3A_2883 : i32
      %mul3A_2885 = arith.constant 128 : i32
      %mul3A_2886 = arith.muli %min3A_2884, %mul3A_2885 : i32
      %multiple_of3A_2887 = tpu.assume_multiple %mul3A_2886, 128 : i32
      %dma_start3A_2888 = arith.constant 2 : i32
      %dma_start3A_2889 = arith.constant 0 : i32
      %dma_start3A_2890 = arith.constant 0 : i32
      %dma_start3A_2891 = tpu.memref_slice %arg14[%dma_start3A_2888, %dma_start3A_2889, %dma_start3A_2890] : memref<4x64x128xf32, #tpu.memory_space<vmem>> -> memref<1x64x128xf32, #tpu.memory_space<vmem>>
      %dma_start3A_2892 = tpu.memref_squeeze %dma_start3A_2891 : memref<1x64x128xf32, #tpu.memory_space<vmem>> -> memref<64x128xf32, #tpu.memory_space<vmem>>
      %dma_start3A_2893 = arith.constant 0 : i32
      %dma_start3A_2894 = tpu.memref_slice %arg4[%dma_start3A_2893, %multiple_of3A_2878] : memref<64x1000000xf32, #tpu.memory_space<hbm>> -> memref<64x128xf32, #tpu.memory_space<hbm>>
      %dma_start3A_2895 = arith.constant 0 : i32
      %dma_start3A_2896 = arith.constant 0 : i32
      %dma_start3A_2897 = tpu.memref_slice %arg14[%dma_start3A_2888, %dma_start3A_2895, %dma_start3A_2896] : memref<4x64x128xf32, #tpu.memory_space<vmem>> -> memref<1x64x128xf32, #tpu.memory_space<vmem>>
      %dma_start3A_2898 = tpu.memref_squeeze %dma_start3A_2897 : memref<1x64x128xf32, #tpu.memory_space<vmem>> -> memref<64x128xf32, #tpu.memory_space<vmem>>
      %dma_start3A_2899 = arith.constant 0 : i32
      %dma_start3A_2900 = tpu.memref_slice %arg4[%dma_start3A_2899, %multiple_of3A_2878] : memref<64x1000000xf32, #tpu.memory_space<hbm>> -> memref<64x128xf32, #tpu.memory_space<hbm>>
      tpu.enqueue_dma source(%dma_start3A_2900 : memref<64x128xf32, #tpu.memory_space<hbm>>) target(%dma_start3A_2898 : memref<64x128xf32, #tpu.memory_space<vmem>>) target_semaphore(%arg20 : memref<!tpu.dma_semaphore, #tpu.memory_space<semaphore_mem>>)
      %dma_start3A_2901 = arith.constant 2 : i32
      %dma_start3A_2902 = arith.constant 0 : i32
      %dma_start3A_2903 = arith.constant 0 : i32
      %dma_start3A_2904 = tpu.memref_slice %arg15[%dma_start3A_2901, %dma_start3A_2902, %dma_start3A_2903] : memref<4x64x128xf32, #tpu.memory_space<vmem>> -> memref<1x64x128xf32, #tpu.memory_space<vmem>>
      %dma_start3A_2905 = tpu.memref_squeeze %dma_start3A_2904 : memref<1x64x128xf32, #tpu.memory_space<vmem>> -> memref<64x128xf32, #tpu.memory_space<vmem>>
      %dma_start3A_2906 = arith.constant 0 : i32
      %dma_start3A_2907 = tpu.memref_slice %arg5[%dma_start3A_2906, %multiple_of3A_2887] : memref<64x1000000xf32, #tpu.memory_space<hbm>> -> memref<64x128xf32, #tpu.memory_space<hbm>>
      %dma_start3A_2908 = arith.constant 0 : i32
      %dma_start3A_2909 = arith.constant 0 : i32
      %dma_start3A_2910 = tpu.memref_slice %arg15[%dma_start3A_2901, %dma_start3A_2908, %dma_start3A_2909] : memref<4x64x128xf32, #tpu.memory_space<vmem>> -> memref<1x64x128xf32, #tpu.memory_space<vmem>>
      %dma_start3A_2911 = tpu.memref_squeeze %dma_start3A_2910 : memref<1x64x128xf32, #tpu.memory_space<vmem>> -> memref<64x128xf32, #tpu.memory_space<vmem>>
      %dma_start3A_2912 = arith.constant 0 : i32
      %dma_start3A_2913 = tpu.memref_slice %arg5[%dma_start3A_2912, %multiple_of3A_2887] : memref<64x1000000xf32, #tpu.memory_space<hbm>> -> memref<64x128xf32, #tpu.memory_space<hbm>>
      tpu.enqueue_dma source(%dma_start3A_2913 : memref<64x128xf32, #tpu.memory_space<hbm>>) target(%dma_start3A_2911 : memref<64x128xf32, #tpu.memory_space<vmem>>) target_semaphore(%arg20 : memref<!tpu.dma_semaphore, #tpu.memory_space<semaphore_mem>>)
      %slice3A_2914 = vector.extract_strided_slice %get3A_167 {offsets = [11], sizes = [1], strides = [1]} : vector<16xi32> to vector<1xi32>
      %squeeze3A_2915 = vector.extract %slice3A_2914[0] : i32 from vector<1xi32>
      %shift_right_arithmetic3A_2916 = arith.constant 7 : i32
      %shift_right_arithmetic3A_2917 = arith.shrsi %squeeze3A_2915, %shift_right_arithmetic3A_2916 : i32
      %min3A_2918 = arith.constant 7811 : i32
      %min3A_2919 = arith.minsi %shift_right_arithmetic3A_2917, %min3A_2918 : i32
      %mul3A_2920 = arith.constant 128 : i32
      %mul3A_2921 = arith.muli %min3A_2919, %mul3A_2920 : i32
      %multiple_of3A_2922 = tpu.assume_multiple %mul3A_2921, 128 : i32
      %slice3A_2923 = vector.extract_strided_slice %get3A_171 {offsets = [11], sizes = [1], strides = [1]} : vector<16xi32> to vector<1xi32>
      %squeeze3A_2924 = vector.extract %slice3A_2923[0] : i32 from vector<1xi32>
      %shift_right_arithmetic3A_2925 = arith.constant 7 : i32
      %shift_right_arithmetic3A_2926 = arith.shrsi %squeeze3A_2924, %shift_right_arithmetic3A_2925 : i32
      %min3A_2927 = arith.constant 7811 : i32
      %min3A_2928 = arith.minsi %shift_right_arithmetic3A_2926, %min3A_2927 : i32
      %mul3A_2929 = arith.constant 128 : i32
      %mul3A_2930 = arith.muli %min3A_2928, %mul3A_2929 : i32
      %multiple_of3A_2931 = tpu.assume_multiple %mul3A_2930, 128 : i32
      %dma_wait3A_2932 = arith.constant 3 : i32
      %dma_wait3A_2933 = arith.constant 0 : i32
      %dma_wait3A_2934 = arith.constant 0 : i32
      %dma_wait3A_2935 = tpu.memref_slice %arg14[%dma_wait3A_2932, %dma_wait3A_2933, %dma_wait3A_2934] : memref<4x64x128xf32, #tpu.memory_space<vmem>> -> memref<1x64x128xf32, #tpu.memory_space<vmem>>
      %dma_wait3A_2936 = tpu.memref_squeeze %dma_wait3A_2935 : memref<1x64x128xf32, #tpu.memory_space<vmem>> -> memref<64x128xf32, #tpu.memory_space<vmem>>
      %dma_wait3A_2937 = arith.constant 0 : i32
      %dma_wait3A_2938 = tpu.memref_slice %arg4[%dma_wait3A_2937, %multiple_of3A_2922] : memref<64x1000000xf32, #tpu.memory_space<hbm>> -> memref<64x128xf32, #tpu.memory_space<hbm>>
      %dma_wait3A_2939 = arith.constant 0 : i32
      %dma_wait3A_2940 = arith.constant 0 : i32
      %dma_wait3A_2941 = tpu.memref_slice %arg14[%dma_wait3A_2932, %dma_wait3A_2939, %dma_wait3A_2940] : memref<4x64x128xf32, #tpu.memory_space<vmem>> -> memref<1x64x128xf32, #tpu.memory_space<vmem>>
      %dma_wait3A_2942 = tpu.memref_squeeze %dma_wait3A_2941 : memref<1x64x128xf32, #tpu.memory_space<vmem>> -> memref<64x128xf32, #tpu.memory_space<vmem>>
      %dma_wait3A_2943 = arith.constant 0 : i32
      %dma_wait3A_2944 = tpu.memref_slice %arg4[%dma_wait3A_2943, %multiple_of3A_2922] : memref<64x1000000xf32, #tpu.memory_space<hbm>> -> memref<64x128xf32, #tpu.memory_space<hbm>>
      tpu.wait_dma2 semaphore(%arg21 : memref<!tpu.dma_semaphore, #tpu.memory_space<semaphore_mem>>) src(%dma_wait3A_2944 : memref<64x128xf32, #tpu.memory_space<hbm>>) dst(%dma_wait3A_2942 : memref<64x128xf32, #tpu.memory_space<vmem>>)
      %dma_wait3A_2945 = arith.constant 3 : i32
      %dma_wait3A_2946 = arith.constant 0 : i32
      %dma_wait3A_2947 = arith.constant 0 : i32
      %dma_wait3A_2948 = tpu.memref_slice %arg15[%dma_wait3A_2945, %dma_wait3A_2946, %dma_wait3A_2947] : memref<4x64x128xf32, #tpu.memory_space<vmem>> -> memref<1x64x128xf32, #tpu.memory_space<vmem>>
      %dma_wait3A_2949 = tpu.memref_squeeze %dma_wait3A_2948 : memref<1x64x128xf32, #tpu.memory_space<vmem>> -> memref<64x128xf32, #tpu.memory_space<vmem>>
      %dma_wait3A_2950 = arith.constant 0 : i32
      %dma_wait3A_2951 = tpu.memref_slice %arg5[%dma_wait3A_2950, %multiple_of3A_2931] : memref<64x1000000xf32, #tpu.memory_space<hbm>> -> memref<64x128xf32, #tpu.memory_space<hbm>>
      %dma_wait3A_2952 = arith.constant 0 : i32
      %dma_wait3A_2953 = arith.constant 0 : i32
      %dma_wait3A_2954 = tpu.memref_slice %arg15[%dma_wait3A_2945, %dma_wait3A_2952, %dma_wait3A_2953] : memref<4x64x128xf32, #tpu.memory_space<vmem>> -> memref<1x64x128xf32, #tpu.memory_space<vmem>>
      %dma_wait3A_2955 = tpu.memref_squeeze %dma_wait3A_2954 : memref<1x64x128xf32, #tpu.memory_space<vmem>> -> memref<64x128xf32, #tpu.memory_space<vmem>>
      %dma_wait3A_2956 = arith.constant 0 : i32
      %dma_wait3A_2957 = tpu.memref_slice %arg5[%dma_wait3A_2956, %multiple_of3A_2931] : memref<64x1000000xf32, #tpu.memory_space<hbm>> -> memref<64x128xf32, #tpu.memory_space<hbm>>
      tpu.wait_dma2 semaphore(%arg21 : memref<!tpu.dma_semaphore, #tpu.memory_space<semaphore_mem>>) src(%dma_wait3A_2957 : memref<64x128xf32, #tpu.memory_space<hbm>>) dst(%dma_wait3A_2955 : memref<64x128xf32, #tpu.memory_space<vmem>>)
      %mul3A_2958 = arith.constant 16 : i32
      %mul3A_2959 = arith.muli %add3A_163, %mul3A_2958 : i32
      %add3A_2960 = arith.constant 11 : i32
      %add3A_2961 = arith.addi %mul3A_2959, %add3A_2960 : i32
      %slice3A_2962 = vector.extract_strided_slice %get3A_167 {offsets = [11], sizes = [1], strides = [1]} : vector<16xi32> to vector<1xi32>
      %squeeze3A_2963 = vector.extract %slice3A_2962[0] : i32 from vector<1xi32>
      %broadcast_in_dim3A_2964 = vector.broadcast %squeeze3A_2963 : i32 to vector<16xi32>
      %and3A_2965 = arith.constant 127 : i32
      %and3A_2966 = vector.broadcast %and3A_2965 : i32 to vector<16xi32>
      %and3A_2967 = arith.andi %broadcast_in_dim3A_2964, %and3A_2966 : vector<16xi32>
      %sub3A_2968 = arith.constant 999936 : i32
      %sub3A_2969 = vector.broadcast %sub3A_2968 : i32 to vector<16xi32>
      %sub3A_2970 = arith.subi %broadcast_in_dim3A_2964, %sub3A_2969 : vector<16xi32>
      %max3A_2971 = arith.constant 0 : i32
      %max3A_2972 = vector.broadcast %max3A_2971 : i32 to vector<16xi32>
      %max3A_2973 = arith.maxsi %sub3A_2970, %max3A_2972 : vector<16xi32>
      %ge3A_2974 = arith.constant 999936 : i32
      %ge3A_2975 = vector.broadcast %ge3A_2974 : i32 to vector<16xi32>
      %ge3A_2976 = arith.cmpi sge, %broadcast_in_dim3A_2964, %ge3A_2975 : vector<16xi32>
      %slice3A_2977 = vector.extract_strided_slice %get3A_171 {offsets = [11], sizes = [1], strides = [1]} : vector<16xi32> to vector<1xi32>
      %squeeze3A_2978 = vector.extract %slice3A_2977[0] : i32 from vector<1xi32>
      %broadcast_in_dim3A_2979 = vector.broadcast %squeeze3A_2978 : i32 to vector<16xi32>
      %and3A_2980 = arith.constant 127 : i32
      %and3A_2981 = vector.broadcast %and3A_2980 : i32 to vector<16xi32>
      %and3A_2982 = arith.andi %broadcast_in_dim3A_2979, %and3A_2981 : vector<16xi32>
      %sub3A_2983 = arith.constant 999936 : i32
      %sub3A_2984 = vector.broadcast %sub3A_2983 : i32 to vector<16xi32>
      %sub3A_2985 = arith.subi %broadcast_in_dim3A_2979, %sub3A_2984 : vector<16xi32>
      %max3A_2986 = arith.constant 0 : i32
      %max3A_2987 = vector.broadcast %max3A_2986 : i32 to vector<16xi32>
      %max3A_2988 = arith.maxsi %sub3A_2985, %max3A_2987 : vector<16xi32>
      %ge3A_2989 = arith.constant 999936 : i32
      %ge3A_2990 = vector.broadcast %ge3A_2989 : i32 to vector<16xi32>
      %ge3A_2991 = arith.cmpi sge, %broadcast_in_dim3A_2979, %ge3A_2990 : vector<16xi32>
      %add3A_2992 = arith.constant 0 : i32
      %add3A_2993 = vector.broadcast %add3A_2992 : i32 to vector<16xi32>
      %add3A_2994 = arith.addi %iota3A_23, %add3A_2993 : vector<16xi32>
      %gather3A_2995 = arith.constant 3 : i32
      %gather3A_2996 = arith.constant 0 : i32
      %gather3A_2997 = arith.constant 0 : i32
      %gather3A_2998 = tpu.memref_slice %arg14[%gather3A_2995, %gather3A_2996, %gather3A_2997] : memref<4x64x128xf32, #tpu.memory_space<vmem>> -> memref<1x64x128xf32, #tpu.memory_space<vmem>>
      %gather3A_2999 = tpu.memref_squeeze %gather3A_2998 : memref<1x64x128xf32, #tpu.memory_space<vmem>> -> memref<64x128xf32, #tpu.memory_space<vmem>>
      %gather3A_3000 = tpu.vector_load_idx %gather3A_2999[%add3A_2994, %and3A_2967] : memref<64x128xf32, #tpu.memory_space<vmem>>[vector<16xi32>, vector<16xi32>], vector<16xf32>,
      %add3A_3001 = arith.constant 0 : i32
      %add3A_3002 = vector.broadcast %add3A_3001 : i32 to vector<16xi32>
      %add3A_3003 = arith.addi %iota3A_23, %add3A_3002 : vector<16xi32>
      %gather3A_3004 = tpu.vector_load_idx %arg12[%add3A_3003, %max3A_2973] : memref<64x128xf32, #tpu.memory_space<vmem>>[vector<16xi32>, vector<16xi32>], vector<16xf32>,
      %select_n3A_3005 = arith.select %ge3A_2976, %gather3A_3004, %gather3A_3000 : vector<16xi1>, vector<16xf32>
      %add3A_3006 = arith.constant 0 : i32
      %add3A_3007 = vector.broadcast %add3A_3006 : i32 to vector<16xi32>
      %add3A_3008 = arith.addi %iota3A_23, %add3A_3007 : vector<16xi32>
      %gather3A_3009 = arith.constant 3 : i32
      %gather3A_3010 = arith.constant 0 : i32
      %gather3A_3011 = arith.constant 0 : i32
      %gather3A_3012 = tpu.memref_slice %arg15[%gather3A_3009, %gather3A_3010, %gather3A_3011] : memref<4x64x128xf32, #tpu.memory_space<vmem>> -> memref<1x64x128xf32, #tpu.memory_space<vmem>>
      %gather3A_3013 = tpu.memref_squeeze %gather3A_3012 : memref<1x64x128xf32, #tpu.memory_space<vmem>> -> memref<64x128xf32, #tpu.memory_space<vmem>>
      %gather3A_3014 = tpu.vector_load_idx %gather3A_3013[%add3A_3008, %and3A_2982] : memref<64x128xf32, #tpu.memory_space<vmem>>[vector<16xi32>, vector<16xi32>], vector<16xf32>,
      %add3A_3015 = arith.constant 0 : i32
      %add3A_3016 = vector.broadcast %add3A_3015 : i32 to vector<16xi32>
      %add3A_3017 = arith.addi %iota3A_23, %add3A_3016 : vector<16xi32>
      %gather3A_3018 = tpu.vector_load_idx %arg13[%add3A_3017, %max3A_2988] : memref<64x128xf32, #tpu.memory_space<vmem>>[vector<16xi32>, vector<16xi32>], vector<16xf32>,
      %select_n3A_3019 = arith.select %ge3A_2991, %gather3A_3018, %gather3A_3014 : vector<16xi1>, vector<16xf32>
      %mul3A_3020 = arith.mulf %select_n3A_3005, %select_n3A_3019 : vector<16xf32>
      %add3A_3021 = arith.constant 16 : i32
      %add3A_3022 = vector.broadcast %add3A_3021 : i32 to vector<16xi32>
      %add3A_3023 = arith.addi %iota3A_23, %add3A_3022 : vector<16xi32>
      %gather3A_3024 = arith.constant 3 : i32
      %gather3A_3025 = arith.constant 0 : i32
      %gather3A_3026 = arith.constant 0 : i32
      %gather3A_3027 = tpu.memref_slice %arg14[%gather3A_3024, %gather3A_3025, %gather3A_3026] : memref<4x64x128xf32, #tpu.memory_space<vmem>> -> memref<1x64x128xf32, #tpu.memory_space<vmem>>
      %gather3A_3028 = tpu.memref_squeeze %gather3A_3027 : memref<1x64x128xf32, #tpu.memory_space<vmem>> -> memref<64x128xf32, #tpu.memory_space<vmem>>
      %gather3A_3029 = tpu.vector_load_idx %gather3A_3028[%add3A_3023, %and3A_2967] : memref<64x128xf32, #tpu.memory_space<vmem>>[vector<16xi32>, vector<16xi32>], vector<16xf32>,
      %add3A_3030 = arith.constant 16 : i32
      %add3A_3031 = vector.broadcast %add3A_3030 : i32 to vector<16xi32>
      %add3A_3032 = arith.addi %iota3A_23, %add3A_3031 : vector<16xi32>
      %gather3A_3033 = tpu.vector_load_idx %arg12[%add3A_3032, %max3A_2973] : memref<64x128xf32, #tpu.memory_space<vmem>>[vector<16xi32>, vector<16xi32>], vector<16xf32>,
      %select_n3A_3034 = arith.select %ge3A_2976, %gather3A_3033, %gather3A_3029 : vector<16xi1>, vector<16xf32>
      %add3A_3035 = arith.constant 16 : i32
      %add3A_3036 = vector.broadcast %add3A_3035 : i32 to vector<16xi32>
      %add3A_3037 = arith.addi %iota3A_23, %add3A_3036 : vector<16xi32>
      %gather3A_3038 = arith.constant 3 : i32
      %gather3A_3039 = arith.constant 0 : i32
      %gather3A_3040 = arith.constant 0 : i32
      %gather3A_3041 = tpu.memref_slice %arg15[%gather3A_3038, %gather3A_3039, %gather3A_3040] : memref<4x64x128xf32, #tpu.memory_space<vmem>> -> memref<1x64x128xf32, #tpu.memory_space<vmem>>
      %gather3A_3042 = tpu.memref_squeeze %gather3A_3041 : memref<1x64x128xf32, #tpu.memory_space<vmem>> -> memref<64x128xf32, #tpu.memory_space<vmem>>
      %gather3A_3043 = tpu.vector_load_idx %gather3A_3042[%add3A_3037, %and3A_2982] : memref<64x128xf32, #tpu.memory_space<vmem>>[vector<16xi32>, vector<16xi32>], vector<16xf32>,
      %add3A_3044 = arith.constant 16 : i32
      %add3A_3045 = vector.broadcast %add3A_3044 : i32 to vector<16xi32>
      %add3A_3046 = arith.addi %iota3A_23, %add3A_3045 : vector<16xi32>
      %gather3A_3047 = tpu.vector_load_idx %arg13[%add3A_3046, %max3A_2988] : memref<64x128xf32, #tpu.memory_space<vmem>>[vector<16xi32>, vector<16xi32>], vector<16xf32>,
      %select_n3A_3048 = arith.select %ge3A_2991, %gather3A_3047, %gather3A_3043 : vector<16xi1>, vector<16xf32>
      %mul3A_3049 = arith.mulf %select_n3A_3034, %select_n3A_3048 : vector<16xf32>
      %add3A_3050 = arith.addf %mul3A_3020, %mul3A_3049 : vector<16xf32>
      %add3A_3051 = arith.constant 32 : i32
      %add3A_3052 = vector.broadcast %add3A_3051 : i32 to vector<16xi32>
      %add3A_3053 = arith.addi %iota3A_23, %add3A_3052 : vector<16xi32>
      %gather3A_3054 = arith.constant 3 : i32
      %gather3A_3055 = arith.constant 0 : i32
      %gather3A_3056 = arith.constant 0 : i32
      %gather3A_3057 = tpu.memref_slice %arg14[%gather3A_3054, %gather3A_3055, %gather3A_3056] : memref<4x64x128xf32, #tpu.memory_space<vmem>> -> memref<1x64x128xf32, #tpu.memory_space<vmem>>
      %gather3A_3058 = tpu.memref_squeeze %gather3A_3057 : memref<1x64x128xf32, #tpu.memory_space<vmem>> -> memref<64x128xf32, #tpu.memory_space<vmem>>
      %gather3A_3059 = tpu.vector_load_idx %gather3A_3058[%add3A_3053, %and3A_2967] : memref<64x128xf32, #tpu.memory_space<vmem>>[vector<16xi32>, vector<16xi32>], vector<16xf32>,
      %add3A_3060 = arith.constant 32 : i32
      %add3A_3061 = vector.broadcast %add3A_3060 : i32 to vector<16xi32>
      %add3A_3062 = arith.addi %iota3A_23, %add3A_3061 : vector<16xi32>
      %gather3A_3063 = tpu.vector_load_idx %arg12[%add3A_3062, %max3A_2973] : memref<64x128xf32, #tpu.memory_space<vmem>>[vector<16xi32>, vector<16xi32>], vector<16xf32>,
      %select_n3A_3064 = arith.select %ge3A_2976, %gather3A_3063, %gather3A_3059 : vector<16xi1>, vector<16xf32>
      %add3A_3065 = arith.constant 32 : i32
      %add3A_3066 = vector.broadcast %add3A_3065 : i32 to vector<16xi32>
      %add3A_3067 = arith.addi %iota3A_23, %add3A_3066 : vector<16xi32>
      %gather3A_3068 = arith.constant 3 : i32
      %gather3A_3069 = arith.constant 0 : i32
      %gather3A_3070 = arith.constant 0 : i32
      %gather3A_3071 = tpu.memref_slice %arg15[%gather3A_3068, %gather3A_3069, %gather3A_3070] : memref<4x64x128xf32, #tpu.memory_space<vmem>> -> memref<1x64x128xf32, #tpu.memory_space<vmem>>
      %gather3A_3072 = tpu.memref_squeeze %gather3A_3071 : memref<1x64x128xf32, #tpu.memory_space<vmem>> -> memref<64x128xf32, #tpu.memory_space<vmem>>
      %gather3A_3073 = tpu.vector_load_idx %gather3A_3072[%add3A_3067, %and3A_2982] : memref<64x128xf32, #tpu.memory_space<vmem>>[vector<16xi32>, vector<16xi32>], vector<16xf32>,
      %add3A_3074 = arith.constant 32 : i32
      %add3A_3075 = vector.broadcast %add3A_3074 : i32 to vector<16xi32>
      %add3A_3076 = arith.addi %iota3A_23, %add3A_3075 : vector<16xi32>
      %gather3A_3077 = tpu.vector_load_idx %arg13[%add3A_3076, %max3A_2988] : memref<64x128xf32, #tpu.memory_space<vmem>>[vector<16xi32>, vector<16xi32>], vector<16xf32>,
      %select_n3A_3078 = arith.select %ge3A_2991, %gather3A_3077, %gather3A_3073 : vector<16xi1>, vector<16xf32>
      %mul3A_3079 = arith.mulf %select_n3A_3064, %select_n3A_3078 : vector<16xf32>
      %add3A_3080 = arith.addf %add3A_3050, %mul3A_3079 : vector<16xf32>
      %add3A_3081 = arith.constant 48 : i32
      %add3A_3082 = vector.broadcast %add3A_3081 : i32 to vector<16xi32>
      %add3A_3083 = arith.addi %iota3A_23, %add3A_3082 : vector<16xi32>
      %gather3A_3084 = arith.constant 3 : i32
      %gather3A_3085 = arith.constant 0 : i32
      %gather3A_3086 = arith.constant 0 : i32
      %gather3A_3087 = tpu.memref_slice %arg14[%gather3A_3084, %gather3A_3085, %gather3A_3086] : memref<4x64x128xf32, #tpu.memory_space<vmem>> -> memref<1x64x128xf32, #tpu.memory_space<vmem>>
      %gather3A_3088 = tpu.memref_squeeze %gather3A_3087 : memref<1x64x128xf32, #tpu.memory_space<vmem>> -> memref<64x128xf32, #tpu.memory_space<vmem>>
      %gather3A_3089 = tpu.vector_load_idx %gather3A_3088[%add3A_3083, %and3A_2967] : memref<64x128xf32, #tpu.memory_space<vmem>>[vector<16xi32>, vector<16xi32>], vector<16xf32>,
      %add3A_3090 = arith.constant 48 : i32
      %add3A_3091 = vector.broadcast %add3A_3090 : i32 to vector<16xi32>
      %add3A_3092 = arith.addi %iota3A_23, %add3A_3091 : vector<16xi32>
      %gather3A_3093 = tpu.vector_load_idx %arg12[%add3A_3092, %max3A_2973] : memref<64x128xf32, #tpu.memory_space<vmem>>[vector<16xi32>, vector<16xi32>], vector<16xf32>,
      %select_n3A_3094 = arith.select %ge3A_2976, %gather3A_3093, %gather3A_3089 : vector<16xi1>, vector<16xf32>
      %add3A_3095 = arith.constant 48 : i32
      %add3A_3096 = vector.broadcast %add3A_3095 : i32 to vector<16xi32>
      %add3A_3097 = arith.addi %iota3A_23, %add3A_3096 : vector<16xi32>
      %gather3A_3098 = arith.constant 3 : i32
      %gather3A_3099 = arith.constant 0 : i32
      %gather3A_3100 = arith.constant 0 : i32
      %gather3A_3101 = tpu.memref_slice %arg15[%gather3A_3098, %gather3A_3099, %gather3A_3100] : memref<4x64x128xf32, #tpu.memory_space<vmem>> -> memref<1x64x128xf32, #tpu.memory_space<vmem>>
      %gather3A_3102 = tpu.memref_squeeze %gather3A_3101 : memref<1x64x128xf32, #tpu.memory_space<vmem>> -> memref<64x128xf32, #tpu.memory_space<vmem>>
      %gather3A_3103 = tpu.vector_load_idx %gather3A_3102[%add3A_3097, %and3A_2982] : memref<64x128xf32, #tpu.memory_space<vmem>>[vector<16xi32>, vector<16xi32>], vector<16xf32>,
      %add3A_3104 = arith.constant 48 : i32
      %add3A_3105 = vector.broadcast %add3A_3104 : i32 to vector<16xi32>
      %add3A_3106 = arith.addi %iota3A_23, %add3A_3105 : vector<16xi32>
      %gather3A_3107 = tpu.vector_load_idx %arg13[%add3A_3106, %max3A_2988] : memref<64x128xf32, #tpu.memory_space<vmem>>[vector<16xi32>, vector<16xi32>], vector<16xf32>,
      %select_n3A_3108 = arith.select %ge3A_2991, %gather3A_3107, %gather3A_3103 : vector<16xi1>, vector<16xf32>
      %mul3A_3109 = arith.mulf %select_n3A_3094, %select_n3A_3108 : vector<16xf32>
      %add3A_3110 = arith.addf %add3A_3080, %mul3A_3109 : vector<16xf32>
      %mul3A_3111 = arith.constant 512 : i32
      %mul3A_3112 = vector.broadcast %mul3A_3111 : i32 to vector<16xi32>
      %mul3A_3113 = arith.muli %iota3A_23, %mul3A_3112 : vector<16xi32>
      %add3A_3114 = vector.broadcast %add3A_2961 : i32 to vector<16xi32>
      %add3A_3115 = arith.addi %mul3A_3113, %add3A_3114 : vector<16xi32>
      tpu.vector_store_idx %arg16[%add3A_3115], %add3A_3110 : memref<8192xf32, #tpu.memory_space<vmem>>[vector<16xi32>], vector<16xf32>,
      %slice3A_3116 = vector.extract_strided_slice %get3A_167 {offsets = [15], sizes = [1], strides = [1]} : vector<16xi32> to vector<1xi32>
      %squeeze3A_3117 = vector.extract %slice3A_3116[0] : i32 from vector<1xi32>
      %shift_right_arithmetic3A_3118 = arith.constant 7 : i32
      %shift_right_arithmetic3A_3119 = arith.shrsi %squeeze3A_3117, %shift_right_arithmetic3A_3118 : i32
      %min3A_3120 = arith.constant 7811 : i32
      %min3A_3121 = arith.minsi %shift_right_arithmetic3A_3119, %min3A_3120 : i32
      %mul3A_3122 = arith.constant 128 : i32
      %mul3A_3123 = arith.muli %min3A_3121, %mul3A_3122 : i32
      %multiple_of3A_3124 = tpu.assume_multiple %mul3A_3123, 128 : i32
      %slice3A_3125 = vector.extract_strided_slice %get3A_171 {offsets = [15], sizes = [1], strides = [1]} : vector<16xi32> to vector<1xi32>
      %squeeze3A_3126 = vector.extract %slice3A_3125[0] : i32 from vector<1xi32>
      %shift_right_arithmetic3A_3127 = arith.constant 7 : i32
      %shift_right_arithmetic3A_3128 = arith.shrsi %squeeze3A_3126, %shift_right_arithmetic3A_3127 : i32
      %min3A_3129 = arith.constant 7811 : i32
      %min3A_3130 = arith.minsi %shift_right_arithmetic3A_3128, %min3A_3129 : i32
      %mul3A_3131 = arith.constant 128 : i32
      %mul3A_3132 = arith.muli %min3A_3130, %mul3A_3131 : i32
      %multiple_of3A_3133 = tpu.assume_multiple %mul3A_3132, 128 : i32
      %dma_start3A_3134 = arith.constant 3 : i32
      %dma_start3A_3135 = arith.constant 0 : i32
      %dma_start3A_3136 = arith.constant 0 : i32
      %dma_start3A_3137 = tpu.memref_slice %arg14[%dma_start3A_3134, %dma_start3A_3135, %dma_start3A_3136] : memref<4x64x128xf32, #tpu.memory_space<vmem>> -> memref<1x64x128xf32, #tpu.memory_space<vmem>>
      %dma_start3A_3138 = tpu.memref_squeeze %dma_start3A_3137 : memref<1x64x128xf32, #tpu.memory_space<vmem>> -> memref<64x128xf32, #tpu.memory_space<vmem>>
      %dma_start3A_3139 = arith.constant 0 : i32
      %dma_start3A_3140 = tpu.memref_slice %arg4[%dma_start3A_3139, %multiple_of3A_3124] : memref<64x1000000xf32, #tpu.memory_space<hbm>> -> memref<64x128xf32, #tpu.memory_space<hbm>>
      %dma_start3A_3141 = arith.constant 0 : i32
      %dma_start3A_3142 = arith.constant 0 : i32
      %dma_start3A_3143 = tpu.memref_slice %arg14[%dma_start3A_3134, %dma_start3A_3141, %dma_start3A_3142] : memref<4x64x128xf32, #tpu.memory_space<vmem>> -> memref<1x64x128xf32, #tpu.memory_space<vmem>>
      %dma_start3A_3144 = tpu.memref_squeeze %dma_start3A_3143 : memref<1x64x128xf32, #tpu.memory_space<vmem>> -> memref<64x128xf32, #tpu.memory_space<vmem>>
      %dma_start3A_3145 = arith.constant 0 : i32
      %dma_start3A_3146 = tpu.memref_slice %arg4[%dma_start3A_3145, %multiple_of3A_3124] : memref<64x1000000xf32, #tpu.memory_space<hbm>> -> memref<64x128xf32, #tpu.memory_space<hbm>>
      tpu.enqueue_dma source(%dma_start3A_3146 : memref<64x128xf32, #tpu.memory_space<hbm>>) target(%dma_start3A_3144 : memref<64x128xf32, #tpu.memory_space<vmem>>) target_semaphore(%arg21 : memref<!tpu.dma_semaphore, #tpu.memory_space<semaphore_mem>>)
      %dma_start3A_3147 = arith.constant 3 : i32
      %dma_start3A_3148 = arith.constant 0 : i32
      %dma_start3A_3149 = arith.constant 0 : i32
      %dma_start3A_3150 = tpu.memref_slice %arg15[%dma_start3A_3147, %dma_start3A_3148, %dma_start3A_3149] : memref<4x64x128xf32, #tpu.memory_space<vmem>> -> memref<1x64x128xf32, #tpu.memory_space<vmem>>
      %dma_start3A_3151 = tpu.memref_squeeze %dma_start3A_3150 : memref<1x64x128xf32, #tpu.memory_space<vmem>> -> memref<64x128xf32, #tpu.memory_space<vmem>>
      %dma_start3A_3152 = arith.constant 0 : i32
      %dma_start3A_3153 = tpu.memref_slice %arg5[%dma_start3A_3152, %multiple_of3A_3133] : memref<64x1000000xf32, #tpu.memory_space<hbm>> -> memref<64x128xf32, #tpu.memory_space<hbm>>
      %dma_start3A_3154 = arith.constant 0 : i32
      %dma_start3A_3155 = arith.constant 0 : i32
      %dma_start3A_3156 = tpu.memref_slice %arg15[%dma_start3A_3147, %dma_start3A_3154, %dma_start3A_3155] : memref<4x64x128xf32, #tpu.memory_space<vmem>> -> memref<1x64x128xf32, #tpu.memory_space<vmem>>
      %dma_start3A_3157 = tpu.memref_squeeze %dma_start3A_3156 : memref<1x64x128xf32, #tpu.memory_space<vmem>> -> memref<64x128xf32, #tpu.memory_space<vmem>>
      %dma_start3A_3158 = arith.constant 0 : i32
      %dma_start3A_3159 = tpu.memref_slice %arg5[%dma_start3A_3158, %multiple_of3A_3133] : memref<64x1000000xf32, #tpu.memory_space<hbm>> -> memref<64x128xf32, #tpu.memory_space<hbm>>
      tpu.enqueue_dma source(%dma_start3A_3159 : memref<64x128xf32, #tpu.memory_space<hbm>>) target(%dma_start3A_3157 : memref<64x128xf32, #tpu.memory_space<vmem>>) target_semaphore(%arg21 : memref<!tpu.dma_semaphore, #tpu.memory_space<semaphore_mem>>)
      %slice3A_3160 = vector.extract_strided_slice %get3A_167 {offsets = [12], sizes = [1], strides = [1]} : vector<16xi32> to vector<1xi32>
      %squeeze3A_3161 = vector.extract %slice3A_3160[0] : i32 from vector<1xi32>
      %shift_right_arithmetic3A_3162 = arith.constant 7 : i32
      %shift_right_arithmetic3A_3163 = arith.shrsi %squeeze3A_3161, %shift_right_arithmetic3A_3162 : i32
      %min3A_3164 = arith.constant 7811 : i32
      %min3A_3165 = arith.minsi %shift_right_arithmetic3A_3163, %min3A_3164 : i32
      %mul3A_3166 = arith.constant 128 : i32
      %mul3A_3167 = arith.muli %min3A_3165, %mul3A_3166 : i32
      %multiple_of3A_3168 = tpu.assume_multiple %mul3A_3167, 128 : i32
      %slice3A_3169 = vector.extract_strided_slice %get3A_171 {offsets = [12], sizes = [1], strides = [1]} : vector<16xi32> to vector<1xi32>
      %squeeze3A_3170 = vector.extract %slice3A_3169[0] : i32 from vector<1xi32>
      %shift_right_arithmetic3A_3171 = arith.constant 7 : i32
      %shift_right_arithmetic3A_3172 = arith.shrsi %squeeze3A_3170, %shift_right_arithmetic3A_3171 : i32
      %min3A_3173 = arith.constant 7811 : i32
      %min3A_3174 = arith.minsi %shift_right_arithmetic3A_3172, %min3A_3173 : i32
      %mul3A_3175 = arith.constant 128 : i32
      %mul3A_3176 = arith.muli %min3A_3174, %mul3A_3175 : i32
      %multiple_of3A_3177 = tpu.assume_multiple %mul3A_3176, 128 : i32
      %dma_wait3A_3178 = arith.constant 0 : i32
      %dma_wait3A_3179 = arith.constant 0 : i32
      %dma_wait3A_3180 = arith.constant 0 : i32
      %dma_wait3A_3181 = tpu.memref_slice %arg14[%dma_wait3A_3178, %dma_wait3A_3179, %dma_wait3A_3180] : memref<4x64x128xf32, #tpu.memory_space<vmem>> -> memref<1x64x128xf32, #tpu.memory_space<vmem>>
      %dma_wait3A_3182 = tpu.memref_squeeze %dma_wait3A_3181 : memref<1x64x128xf32, #tpu.memory_space<vmem>> -> memref<64x128xf32, #tpu.memory_space<vmem>>
      %dma_wait3A_3183 = arith.constant 0 : i32
      %dma_wait3A_3184 = tpu.memref_slice %arg4[%dma_wait3A_3183, %multiple_of3A_3168] : memref<64x1000000xf32, #tpu.memory_space<hbm>> -> memref<64x128xf32, #tpu.memory_space<hbm>>
      %dma_wait3A_3185 = arith.constant 0 : i32
      %dma_wait3A_3186 = arith.constant 0 : i32
      %dma_wait3A_3187 = tpu.memref_slice %arg14[%dma_wait3A_3178, %dma_wait3A_3185, %dma_wait3A_3186] : memref<4x64x128xf32, #tpu.memory_space<vmem>> -> memref<1x64x128xf32, #tpu.memory_space<vmem>>
      %dma_wait3A_3188 = tpu.memref_squeeze %dma_wait3A_3187 : memref<1x64x128xf32, #tpu.memory_space<vmem>> -> memref<64x128xf32, #tpu.memory_space<vmem>>
      %dma_wait3A_3189 = arith.constant 0 : i32
      %dma_wait3A_3190 = tpu.memref_slice %arg4[%dma_wait3A_3189, %multiple_of3A_3168] : memref<64x1000000xf32, #tpu.memory_space<hbm>> -> memref<64x128xf32, #tpu.memory_space<hbm>>
      tpu.wait_dma2 semaphore(%arg18 : memref<!tpu.dma_semaphore, #tpu.memory_space<semaphore_mem>>) src(%dma_wait3A_3190 : memref<64x128xf32, #tpu.memory_space<hbm>>) dst(%dma_wait3A_3188 : memref<64x128xf32, #tpu.memory_space<vmem>>)
      %dma_wait3A_3191 = arith.constant 0 : i32
      %dma_wait3A_3192 = arith.constant 0 : i32
      %dma_wait3A_3193 = arith.constant 0 : i32
      %dma_wait3A_3194 = tpu.memref_slice %arg15[%dma_wait3A_3191, %dma_wait3A_3192, %dma_wait3A_3193] : memref<4x64x128xf32, #tpu.memory_space<vmem>> -> memref<1x64x128xf32, #tpu.memory_space<vmem>>
      %dma_wait3A_3195 = tpu.memref_squeeze %dma_wait3A_3194 : memref<1x64x128xf32, #tpu.memory_space<vmem>> -> memref<64x128xf32, #tpu.memory_space<vmem>>
      %dma_wait3A_3196 = arith.constant 0 : i32
      %dma_wait3A_3197 = tpu.memref_slice %arg5[%dma_wait3A_3196, %multiple_of3A_3177] : memref<64x1000000xf32, #tpu.memory_space<hbm>> -> memref<64x128xf32, #tpu.memory_space<hbm>>
      %dma_wait3A_3198 = arith.constant 0 : i32
      %dma_wait3A_3199 = arith.constant 0 : i32
      %dma_wait3A_3200 = tpu.memref_slice %arg15[%dma_wait3A_3191, %dma_wait3A_3198, %dma_wait3A_3199] : memref<4x64x128xf32, #tpu.memory_space<vmem>> -> memref<1x64x128xf32, #tpu.memory_space<vmem>>
      %dma_wait3A_3201 = tpu.memref_squeeze %dma_wait3A_3200 : memref<1x64x128xf32, #tpu.memory_space<vmem>> -> memref<64x128xf32, #tpu.memory_space<vmem>>
      %dma_wait3A_3202 = arith.constant 0 : i32
      %dma_wait3A_3203 = tpu.memref_slice %arg5[%dma_wait3A_3202, %multiple_of3A_3177] : memref<64x1000000xf32, #tpu.memory_space<hbm>> -> memref<64x128xf32, #tpu.memory_space<hbm>>
      tpu.wait_dma2 semaphore(%arg18 : memref<!tpu.dma_semaphore, #tpu.memory_space<semaphore_mem>>) src(%dma_wait3A_3203 : memref<64x128xf32, #tpu.memory_space<hbm>>) dst(%dma_wait3A_3201 : memref<64x128xf32, #tpu.memory_space<vmem>>)
      %mul3A_3204 = arith.constant 16 : i32
      %mul3A_3205 = arith.muli %add3A_163, %mul3A_3204 : i32
      %add3A_3206 = arith.constant 12 : i32
      %add3A_3207 = arith.addi %mul3A_3205, %add3A_3206 : i32
      %slice3A_3208 = vector.extract_strided_slice %get3A_167 {offsets = [12], sizes = [1], strides = [1]} : vector<16xi32> to vector<1xi32>
      %squeeze3A_3209 = vector.extract %slice3A_3208[0] : i32 from vector<1xi32>
      %broadcast_in_dim3A_3210 = vector.broadcast %squeeze3A_3209 : i32 to vector<16xi32>
      %and3A_3211 = arith.constant 127 : i32
      %and3A_3212 = vector.broadcast %and3A_3211 : i32 to vector<16xi32>
      %and3A_3213 = arith.andi %broadcast_in_dim3A_3210, %and3A_3212 : vector<16xi32>
      %sub3A_3214 = arith.constant 999936 : i32
      %sub3A_3215 = vector.broadcast %sub3A_3214 : i32 to vector<16xi32>
      %sub3A_3216 = arith.subi %broadcast_in_dim3A_3210, %sub3A_3215 : vector<16xi32>
      %max3A_3217 = arith.constant 0 : i32
      %max3A_3218 = vector.broadcast %max3A_3217 : i32 to vector<16xi32>
      %max3A_3219 = arith.maxsi %sub3A_3216, %max3A_3218 : vector<16xi32>
      %ge3A_3220 = arith.constant 999936 : i32
      %ge3A_3221 = vector.broadcast %ge3A_3220 : i32 to vector<16xi32>
      %ge3A_3222 = arith.cmpi sge, %broadcast_in_dim3A_3210, %ge3A_3221 : vector<16xi32>
      %slice3A_3223 = vector.extract_strided_slice %get3A_171 {offsets = [12], sizes = [1], strides = [1]} : vector<16xi32> to vector<1xi32>
      %squeeze3A_3224 = vector.extract %slice3A_3223[0] : i32 from vector<1xi32>
      %broadcast_in_dim3A_3225 = vector.broadcast %squeeze3A_3224 : i32 to vector<16xi32>
      %and3A_3226 = arith.constant 127 : i32
      %and3A_3227 = vector.broadcast %and3A_3226 : i32 to vector<16xi32>
      %and3A_3228 = arith.andi %broadcast_in_dim3A_3225, %and3A_3227 : vector<16xi32>
      %sub3A_3229 = arith.constant 999936 : i32
      %sub3A_3230 = vector.broadcast %sub3A_3229 : i32 to vector<16xi32>
      %sub3A_3231 = arith.subi %broadcast_in_dim3A_3225, %sub3A_3230 : vector<16xi32>
      %max3A_3232 = arith.constant 0 : i32
      %max3A_3233 = vector.broadcast %max3A_3232 : i32 to vector<16xi32>
      %max3A_3234 = arith.maxsi %sub3A_3231, %max3A_3233 : vector<16xi32>
      %ge3A_3235 = arith.constant 999936 : i32
      %ge3A_3236 = vector.broadcast %ge3A_3235 : i32 to vector<16xi32>
      %ge3A_3237 = arith.cmpi sge, %broadcast_in_dim3A_3225, %ge3A_3236 : vector<16xi32>
      %add3A_3238 = arith.constant 0 : i32
      %add3A_3239 = vector.broadcast %add3A_3238 : i32 to vector<16xi32>
      %add3A_3240 = arith.addi %iota3A_23, %add3A_3239 : vector<16xi32>
      %gather3A_3241 = arith.constant 0 : i32
      %gather3A_3242 = arith.constant 0 : i32
      %gather3A_3243 = arith.constant 0 : i32
      %gather3A_3244 = tpu.memref_slice %arg14[%gather3A_3241, %gather3A_3242, %gather3A_3243] : memref<4x64x128xf32, #tpu.memory_space<vmem>> -> memref<1x64x128xf32, #tpu.memory_space<vmem>>
      %gather3A_3245 = tpu.memref_squeeze %gather3A_3244 : memref<1x64x128xf32, #tpu.memory_space<vmem>> -> memref<64x128xf32, #tpu.memory_space<vmem>>
      %gather3A_3246 = tpu.vector_load_idx %gather3A_3245[%add3A_3240, %and3A_3213] : memref<64x128xf32, #tpu.memory_space<vmem>>[vector<16xi32>, vector<16xi32>], vector<16xf32>,
      %add3A_3247 = arith.constant 0 : i32
      %add3A_3248 = vector.broadcast %add3A_3247 : i32 to vector<16xi32>
      %add3A_3249 = arith.addi %iota3A_23, %add3A_3248 : vector<16xi32>
      %gather3A_3250 = tpu.vector_load_idx %arg12[%add3A_3249, %max3A_3219] : memref<64x128xf32, #tpu.memory_space<vmem>>[vector<16xi32>, vector<16xi32>], vector<16xf32>,
      %select_n3A_3251 = arith.select %ge3A_3222, %gather3A_3250, %gather3A_3246 : vector<16xi1>, vector<16xf32>
      %add3A_3252 = arith.constant 0 : i32
      %add3A_3253 = vector.broadcast %add3A_3252 : i32 to vector<16xi32>
      %add3A_3254 = arith.addi %iota3A_23, %add3A_3253 : vector<16xi32>
      %gather3A_3255 = arith.constant 0 : i32
      %gather3A_3256 = arith.constant 0 : i32
      %gather3A_3257 = arith.constant 0 : i32
      %gather3A_3258 = tpu.memref_slice %arg15[%gather3A_3255, %gather3A_3256, %gather3A_3257] : memref<4x64x128xf32, #tpu.memory_space<vmem>> -> memref<1x64x128xf32, #tpu.memory_space<vmem>>
      %gather3A_3259 = tpu.memref_squeeze %gather3A_3258 : memref<1x64x128xf32, #tpu.memory_space<vmem>> -> memref<64x128xf32, #tpu.memory_space<vmem>>
      %gather3A_3260 = tpu.vector_load_idx %gather3A_3259[%add3A_3254, %and3A_3228] : memref<64x128xf32, #tpu.memory_space<vmem>>[vector<16xi32>, vector<16xi32>], vector<16xf32>,
      %add3A_3261 = arith.constant 0 : i32
      %add3A_3262 = vector.broadcast %add3A_3261 : i32 to vector<16xi32>
      %add3A_3263 = arith.addi %iota3A_23, %add3A_3262 : vector<16xi32>
      %gather3A_3264 = tpu.vector_load_idx %arg13[%add3A_3263, %max3A_3234] : memref<64x128xf32, #tpu.memory_space<vmem>>[vector<16xi32>, vector<16xi32>], vector<16xf32>,
      %select_n3A_3265 = arith.select %ge3A_3237, %gather3A_3264, %gather3A_3260 : vector<16xi1>, vector<16xf32>
      %mul3A_3266 = arith.mulf %select_n3A_3251, %select_n3A_3265 : vector<16xf32>
      %add3A_3267 = arith.constant 16 : i32
      %add3A_3268 = vector.broadcast %add3A_3267 : i32 to vector<16xi32>
      %add3A_3269 = arith.addi %iota3A_23, %add3A_3268 : vector<16xi32>
      %gather3A_3270 = arith.constant 0 : i32
      %gather3A_3271 = arith.constant 0 : i32
      %gather3A_3272 = arith.constant 0 : i32
      %gather3A_3273 = tpu.memref_slice %arg14[%gather3A_3270, %gather3A_3271, %gather3A_3272] : memref<4x64x128xf32, #tpu.memory_space<vmem>> -> memref<1x64x128xf32, #tpu.memory_space<vmem>>
      %gather3A_3274 = tpu.memref_squeeze %gather3A_3273 : memref<1x64x128xf32, #tpu.memory_space<vmem>> -> memref<64x128xf32, #tpu.memory_space<vmem>>
      %gather3A_3275 = tpu.vector_load_idx %gather3A_3274[%add3A_3269, %and3A_3213] : memref<64x128xf32, #tpu.memory_space<vmem>>[vector<16xi32>, vector<16xi32>], vector<16xf32>,
      %add3A_3276 = arith.constant 16 : i32
      %add3A_3277 = vector.broadcast %add3A_3276 : i32 to vector<16xi32>
      %add3A_3278 = arith.addi %iota3A_23, %add3A_3277 : vector<16xi32>
      %gather3A_3279 = tpu.vector_load_idx %arg12[%add3A_3278, %max3A_3219] : memref<64x128xf32, #tpu.memory_space<vmem>>[vector<16xi32>, vector<16xi32>], vector<16xf32>,
      %select_n3A_3280 = arith.select %ge3A_3222, %gather3A_3279, %gather3A_3275 : vector<16xi1>, vector<16xf32>
      %add3A_3281 = arith.constant 16 : i32
      %add3A_3282 = vector.broadcast %add3A_3281 : i32 to vector<16xi32>
      %add3A_3283 = arith.addi %iota3A_23, %add3A_3282 : vector<16xi32>
      %gather3A_3284 = arith.constant 0 : i32
      %gather3A_3285 = arith.constant 0 : i32
      %gather3A_3286 = arith.constant 0 : i32
      %gather3A_3287 = tpu.memref_slice %arg15[%gather3A_3284, %gather3A_3285, %gather3A_3286] : memref<4x64x128xf32, #tpu.memory_space<vmem>> -> memref<1x64x128xf32, #tpu.memory_space<vmem>>
      %gather3A_3288 = tpu.memref_squeeze %gather3A_3287 : memref<1x64x128xf32, #tpu.memory_space<vmem>> -> memref<64x128xf32, #tpu.memory_space<vmem>>
      %gather3A_3289 = tpu.vector_load_idx %gather3A_3288[%add3A_3283, %and3A_3228] : memref<64x128xf32, #tpu.memory_space<vmem>>[vector<16xi32>, vector<16xi32>], vector<16xf32>,
      %add3A_3290 = arith.constant 16 : i32
      %add3A_3291 = vector.broadcast %add3A_3290 : i32 to vector<16xi32>
      %add3A_3292 = arith.addi %iota3A_23, %add3A_3291 : vector<16xi32>
      %gather3A_3293 = tpu.vector_load_idx %arg13[%add3A_3292, %max3A_3234] : memref<64x128xf32, #tpu.memory_space<vmem>>[vector<16xi32>, vector<16xi32>], vector<16xf32>,
      %select_n3A_3294 = arith.select %ge3A_3237, %gather3A_3293, %gather3A_3289 : vector<16xi1>, vector<16xf32>
      %mul3A_3295 = arith.mulf %select_n3A_3280, %select_n3A_3294 : vector<16xf32>
      %add3A_3296 = arith.addf %mul3A_3266, %mul3A_3295 : vector<16xf32>
      %add3A_3297 = arith.constant 32 : i32
      %add3A_3298 = vector.broadcast %add3A_3297 : i32 to vector<16xi32>
      %add3A_3299 = arith.addi %iota3A_23, %add3A_3298 : vector<16xi32>
      %gather3A_3300 = arith.constant 0 : i32
      %gather3A_3301 = arith.constant 0 : i32
      %gather3A_3302 = arith.constant 0 : i32
      %gather3A_3303 = tpu.memref_slice %arg14[%gather3A_3300, %gather3A_3301, %gather3A_3302] : memref<4x64x128xf32, #tpu.memory_space<vmem>> -> memref<1x64x128xf32, #tpu.memory_space<vmem>>
      %gather3A_3304 = tpu.memref_squeeze %gather3A_3303 : memref<1x64x128xf32, #tpu.memory_space<vmem>> -> memref<64x128xf32, #tpu.memory_space<vmem>>
      %gather3A_3305 = tpu.vector_load_idx %gather3A_3304[%add3A_3299, %and3A_3213] : memref<64x128xf32, #tpu.memory_space<vmem>>[vector<16xi32>, vector<16xi32>], vector<16xf32>,
      %add3A_3306 = arith.constant 32 : i32
      %add3A_3307 = vector.broadcast %add3A_3306 : i32 to vector<16xi32>
      %add3A_3308 = arith.addi %iota3A_23, %add3A_3307 : vector<16xi32>
      %gather3A_3309 = tpu.vector_load_idx %arg12[%add3A_3308, %max3A_3219] : memref<64x128xf32, #tpu.memory_space<vmem>>[vector<16xi32>, vector<16xi32>], vector<16xf32>,
      %select_n3A_3310 = arith.select %ge3A_3222, %gather3A_3309, %gather3A_3305 : vector<16xi1>, vector<16xf32>
      %add3A_3311 = arith.constant 32 : i32
      %add3A_3312 = vector.broadcast %add3A_3311 : i32 to vector<16xi32>
      %add3A_3313 = arith.addi %iota3A_23, %add3A_3312 : vector<16xi32>
      %gather3A_3314 = arith.constant 0 : i32
      %gather3A_3315 = arith.constant 0 : i32
      %gather3A_3316 = arith.constant 0 : i32
      %gather3A_3317 = tpu.memref_slice %arg15[%gather3A_3314, %gather3A_3315, %gather3A_3316] : memref<4x64x128xf32, #tpu.memory_space<vmem>> -> memref<1x64x128xf32, #tpu.memory_space<vmem>>
      %gather3A_3318 = tpu.memref_squeeze %gather3A_3317 : memref<1x64x128xf32, #tpu.memory_space<vmem>> -> memref<64x128xf32, #tpu.memory_space<vmem>>
      %gather3A_3319 = tpu.vector_load_idx %gather3A_3318[%add3A_3313, %and3A_3228] : memref<64x128xf32, #tpu.memory_space<vmem>>[vector<16xi32>, vector<16xi32>], vector<16xf32>,
      %add3A_3320 = arith.constant 32 : i32
      %add3A_3321 = vector.broadcast %add3A_3320 : i32 to vector<16xi32>
      %add3A_3322 = arith.addi %iota3A_23, %add3A_3321 : vector<16xi32>
      %gather3A_3323 = tpu.vector_load_idx %arg13[%add3A_3322, %max3A_3234] : memref<64x128xf32, #tpu.memory_space<vmem>>[vector<16xi32>, vector<16xi32>], vector<16xf32>,
      %select_n3A_3324 = arith.select %ge3A_3237, %gather3A_3323, %gather3A_3319 : vector<16xi1>, vector<16xf32>
      %mul3A_3325 = arith.mulf %select_n3A_3310, %select_n3A_3324 : vector<16xf32>
      %add3A_3326 = arith.addf %add3A_3296, %mul3A_3325 : vector<16xf32>
      %add3A_3327 = arith.constant 48 : i32
      %add3A_3328 = vector.broadcast %add3A_3327 : i32 to vector<16xi32>
      %add3A_3329 = arith.addi %iota3A_23, %add3A_3328 : vector<16xi32>
      %gather3A_3330 = arith.constant 0 : i32
      %gather3A_3331 = arith.constant 0 : i32
      %gather3A_3332 = arith.constant 0 : i32
      %gather3A_3333 = tpu.memref_slice %arg14[%gather3A_3330, %gather3A_3331, %gather3A_3332] : memref<4x64x128xf32, #tpu.memory_space<vmem>> -> memref<1x64x128xf32, #tpu.memory_space<vmem>>
      %gather3A_3334 = tpu.memref_squeeze %gather3A_3333 : memref<1x64x128xf32, #tpu.memory_space<vmem>> -> memref<64x128xf32, #tpu.memory_space<vmem>>
      %gather3A_3335 = tpu.vector_load_idx %gather3A_3334[%add3A_3329, %and3A_3213] : memref<64x128xf32, #tpu.memory_space<vmem>>[vector<16xi32>, vector<16xi32>], vector<16xf32>,
      %add3A_3336 = arith.constant 48 : i32
      %add3A_3337 = vector.broadcast %add3A_3336 : i32 to vector<16xi32>
      %add3A_3338 = arith.addi %iota3A_23, %add3A_3337 : vector<16xi32>
      %gather3A_3339 = tpu.vector_load_idx %arg12[%add3A_3338, %max3A_3219] : memref<64x128xf32, #tpu.memory_space<vmem>>[vector<16xi32>, vector<16xi32>], vector<16xf32>,
      %select_n3A_3340 = arith.select %ge3A_3222, %gather3A_3339, %gather3A_3335 : vector<16xi1>, vector<16xf32>
      %add3A_3341 = arith.constant 48 : i32
      %add3A_3342 = vector.broadcast %add3A_3341 : i32 to vector<16xi32>
      %add3A_3343 = arith.addi %iota3A_23, %add3A_3342 : vector<16xi32>
      %gather3A_3344 = arith.constant 0 : i32
      %gather3A_3345 = arith.constant 0 : i32
      %gather3A_3346 = arith.constant 0 : i32
      %gather3A_3347 = tpu.memref_slice %arg15[%gather3A_3344, %gather3A_3345, %gather3A_3346] : memref<4x64x128xf32, #tpu.memory_space<vmem>> -> memref<1x64x128xf32, #tpu.memory_space<vmem>>
      %gather3A_3348 = tpu.memref_squeeze %gather3A_3347 : memref<1x64x128xf32, #tpu.memory_space<vmem>> -> memref<64x128xf32, #tpu.memory_space<vmem>>
      %gather3A_3349 = tpu.vector_load_idx %gather3A_3348[%add3A_3343, %and3A_3228] : memref<64x128xf32, #tpu.memory_space<vmem>>[vector<16xi32>, vector<16xi32>], vector<16xf32>,
      %add3A_3350 = arith.constant 48 : i32
      %add3A_3351 = vector.broadcast %add3A_3350 : i32 to vector<16xi32>
      %add3A_3352 = arith.addi %iota3A_23, %add3A_3351 : vector<16xi32>
      %gather3A_3353 = tpu.vector_load_idx %arg13[%add3A_3352, %max3A_3234] : memref<64x128xf32, #tpu.memory_space<vmem>>[vector<16xi32>, vector<16xi32>], vector<16xf32>,
      %select_n3A_3354 = arith.select %ge3A_3237, %gather3A_3353, %gather3A_3349 : vector<16xi1>, vector<16xf32>
      %mul3A_3355 = arith.mulf %select_n3A_3340, %select_n3A_3354 : vector<16xf32>
      %add3A_3356 = arith.addf %add3A_3326, %mul3A_3355 : vector<16xf32>
      %mul3A_3357 = arith.constant 512 : i32
      %mul3A_3358 = vector.broadcast %mul3A_3357 : i32 to vector<16xi32>
      %mul3A_3359 = arith.muli %iota3A_23, %mul3A_3358 : vector<16xi32>
      %add3A_3360 = vector.broadcast %add3A_3207 : i32 to vector<16xi32>
      %add3A_3361 = arith.addi %mul3A_3359, %add3A_3360 : vector<16xi32>
      tpu.vector_store_idx %arg16[%add3A_3361], %add3A_3356 : memref<8192xf32, #tpu.memory_space<vmem>>[vector<16xi32>], vector<16xf32>,
      %add3A_3362 = arith.constant 1 : i32
      %add3A_3363 = arith.addi %add3A_163, %add3A_3362 : i32
      %lt3A = arith.constant 32 : i32
      %lt3A_3364 = arith.cmpi slt, %add3A_3363, %lt3A : i32
      %convert_element_type3A = arith.extui %lt3A_3364 : i1 to i32
      %cond3A = arith.constant 0 : i32
      %cond3A_3365 = arith.cmpi ne, %convert_element_type3A, %cond3A : i32
      scf.if %cond3A_3365 {
        %add3A_3986 = arith.constant 1 : i32
        %add3A_3987 = arith.addi %add3A_163, %add3A_3986 : i32
        %mul3A_3988 = arith.constant 16 : i32
        %mul3A_3989 = arith.muli %add3A_3987, %mul3A_3988 : i32
        %get3A_3990 = arith.index_cast %mul3A_3989 : i32 to index
        %get3A_3991 = tpu.vector_load %arg9[%get3A_3990] {strides = array<i32>} : memref<512xi32, #tpu.memory_space<vmem>>, vector<16xi32>,
        %add3A_3992 = arith.constant 1 : i32
        %add3A_3993 = arith.addi %add3A_163, %add3A_3992 : i32
        %mul3A_3994 = arith.constant 16 : i32
        %mul3A_3995 = arith.muli %add3A_3993, %mul3A_3994 : i32
        %get3A_3996 = arith.index_cast %mul3A_3995 : i32 to index
        %get3A_3997 = tpu.vector_load %arg10[%get3A_3996] {strides = array<i32>} : memref<512xi32, #tpu.memory_space<vmem>>, vector<16xi32>,
        %slice3A_3998 = vector.extract_strided_slice %get3A_3991 {offsets = [0], sizes = [1], strides = [1]} : vector<16xi32> to vector<1xi32>
        %squeeze3A_3999 = vector.extract %slice3A_3998[0] : i32 from vector<1xi32>
        %shift_right_arithmetic3A_4000 = arith.constant 7 : i32
        %shift_right_arithmetic3A_4001 = arith.shrsi %squeeze3A_3999, %shift_right_arithmetic3A_4000 : i32
        %min3A_4002 = arith.constant 7811 : i32
        %min3A_4003 = arith.minsi %shift_right_arithmetic3A_4001, %min3A_4002 : i32
        %mul3A_4004 = arith.constant 128 : i32
        %mul3A_4005 = arith.muli %min3A_4003, %mul3A_4004 : i32
        %multiple_of3A_4006 = tpu.assume_multiple %mul3A_4005, 128 : i32
        %slice3A_4007 = vector.extract_strided_slice %get3A_3997 {offsets = [0], sizes = [1], strides = [1]} : vector<16xi32> to vector<1xi32>
        %squeeze3A_4008 = vector.extract %slice3A_4007[0] : i32 from vector<1xi32>
        %shift_right_arithmetic3A_4009 = arith.constant 7 : i32
        %shift_right_arithmetic3A_4010 = arith.shrsi %squeeze3A_4008, %shift_right_arithmetic3A_4009 : i32
        %min3A_4011 = arith.constant 7811 : i32
        %min3A_4012 = arith.minsi %shift_right_arithmetic3A_4010, %min3A_4011 : i32
        %mul3A_4013 = arith.constant 128 : i32
        %mul3A_4014 = arith.muli %min3A_4012, %mul3A_4013 : i32
        %multiple_of3A_4015 = tpu.assume_multiple %mul3A_4014, 128 : i32
        %dma_start3A_4016 = arith.constant 0 : i32
        %dma_start3A_4017 = arith.constant 0 : i32
        %dma_start3A_4018 = arith.constant 0 : i32
        %dma_start3A_4019 = tpu.memref_slice %arg14[%dma_start3A_4016, %dma_start3A_4017, %dma_start3A_4018] : memref<4x64x128xf32, #tpu.memory_space<vmem>> -> memref<1x64x128xf32, #tpu.memory_space<vmem>>
        %dma_start3A_4020 = tpu.memref_squeeze %dma_start3A_4019 : memref<1x64x128xf32, #tpu.memory_space<vmem>> -> memref<64x128xf32, #tpu.memory_space<vmem>>
        %dma_start3A_4021 = arith.constant 0 : i32
        %dma_start3A_4022 = tpu.memref_slice %arg4[%dma_start3A_4021, %multiple_of3A_4006] : memref<64x1000000xf32, #tpu.memory_space<hbm>> -> memref<64x128xf32, #tpu.memory_space<hbm>>
        %dma_start3A_4023 = arith.constant 0 : i32
        %dma_start3A_4024 = arith.constant 0 : i32
        %dma_start3A_4025 = tpu.memref_slice %arg14[%dma_start3A_4016, %dma_start3A_4023, %dma_start3A_4024] : memref<4x64x128xf32, #tpu.memory_space<vmem>> -> memref<1x64x128xf32, #tpu.memory_space<vmem>>
        %dma_start3A_4026 = tpu.memref_squeeze %dma_start3A_4025 : memref<1x64x128xf32, #tpu.memory_space<vmem>> -> memref<64x128xf32, #tpu.memory_space<vmem>>
        %dma_start3A_4027 = arith.constant 0 : i32
        %dma_start3A_4028 = tpu.memref_slice %arg4[%dma_start3A_4027, %multiple_of3A_4006] : memref<64x1000000xf32, #tpu.memory_space<hbm>> -> memref<64x128xf32, #tpu.memory_space<hbm>>
        tpu.enqueue_dma source(%dma_start3A_4028 : memref<64x128xf32, #tpu.memory_space<hbm>>) target(%dma_start3A_4026 : memref<64x128xf32, #tpu.memory_space<vmem>>) target_semaphore(%arg18 : memref<!tpu.dma_semaphore, #tpu.memory_space<semaphore_mem>>)
        %dma_start3A_4029 = arith.constant 0 : i32
        %dma_start3A_4030 = arith.constant 0 : i32
        %dma_start3A_4031 = arith.constant 0 : i32
        %dma_start3A_4032 = tpu.memref_slice %arg15[%dma_start3A_4029, %dma_start3A_4030, %dma_start3A_4031] : memref<4x64x128xf32, #tpu.memory_space<vmem>> -> memref<1x64x128xf32, #tpu.memory_space<vmem>>
        %dma_start3A_4033 = tpu.memref_squeeze %dma_start3A_4032 : memref<1x64x128xf32, #tpu.memory_space<vmem>> -> memref<64x128xf32, #tpu.memory_space<vmem>>
        %dma_start3A_4034 = arith.constant 0 : i32
        %dma_start3A_4035 = tpu.memref_slice %arg5[%dma_start3A_4034, %multiple_of3A_4015] : memref<64x1000000xf32, #tpu.memory_space<hbm>> -> memref<64x128xf32, #tpu.memory_space<hbm>>
        %dma_start3A_4036 = arith.constant 0 : i32
        %dma_start3A_4037 = arith.constant 0 : i32
        %dma_start3A_4038 = tpu.memref_slice %arg15[%dma_start3A_4029, %dma_start3A_4036, %dma_start3A_4037] : memref<4x64x128xf32, #tpu.memory_space<vmem>> -> memref<1x64x128xf32, #tpu.memory_space<vmem>>
        %dma_start3A_4039 = tpu.memref_squeeze %dma_start3A_4038 : memref<1x64x128xf32, #tpu.memory_space<vmem>> -> memref<64x128xf32, #tpu.memory_space<vmem>>
        %dma_start3A_4040 = arith.constant 0 : i32
        %dma_start3A_4041 = tpu.memref_slice %arg5[%dma_start3A_4040, %multiple_of3A_4015] : memref<64x1000000xf32, #tpu.memory_space<hbm>> -> memref<64x128xf32, #tpu.memory_space<hbm>>
        tpu.enqueue_dma source(%dma_start3A_4041 : memref<64x128xf32, #tpu.memory_space<hbm>>) target(%dma_start3A_4039 : memref<64x128xf32, #tpu.memory_space<vmem>>) target_semaphore(%arg18 : memref<!tpu.dma_semaphore, #tpu.memory_space<semaphore_mem>>)
      } else {
      }
      %slice3A_3366 = vector.extract_strided_slice %get3A_167 {offsets = [13], sizes = [1], strides = [1]} : vector<16xi32> to vector<1xi32>
      %squeeze3A_3367 = vector.extract %slice3A_3366[0] : i32 from vector<1xi32>
      %shift_right_arithmetic3A_3368 = arith.constant 7 : i32
      %shift_right_arithmetic3A_3369 = arith.shrsi %squeeze3A_3367, %shift_right_arithmetic3A_3368 : i32
      %min3A_3370 = arith.constant 7811 : i32
      %min3A_3371 = arith.minsi %shift_right_arithmetic3A_3369, %min3A_3370 : i32
      %mul3A_3372 = arith.constant 128 : i32
      %mul3A_3373 = arith.muli %min3A_3371, %mul3A_3372 : i32
      %multiple_of3A_3374 = tpu.assume_multiple %mul3A_3373, 128 : i32
      %slice3A_3375 = vector.extract_strided_slice %get3A_171 {offsets = [13], sizes = [1], strides = [1]} : vector<16xi32> to vector<1xi32>
      %squeeze3A_3376 = vector.extract %slice3A_3375[0] : i32 from vector<1xi32>
      %shift_right_arithmetic3A_3377 = arith.constant 7 : i32
      %shift_right_arithmetic3A_3378 = arith.shrsi %squeeze3A_3376, %shift_right_arithmetic3A_3377 : i32
      %min3A_3379 = arith.constant 7811 : i32
      %min3A_3380 = arith.minsi %shift_right_arithmetic3A_3378, %min3A_3379 : i32
      %mul3A_3381 = arith.constant 128 : i32
      %mul3A_3382 = arith.muli %min3A_3380, %mul3A_3381 : i32
      %multiple_of3A_3383 = tpu.assume_multiple %mul3A_3382, 128 : i32
      %dma_wait3A_3384 = arith.constant 1 : i32
      %dma_wait3A_3385 = arith.constant 0 : i32
      %dma_wait3A_3386 = arith.constant 0 : i32
      %dma_wait3A_3387 = tpu.memref_slice %arg14[%dma_wait3A_3384, %dma_wait3A_3385, %dma_wait3A_3386] : memref<4x64x128xf32, #tpu.memory_space<vmem>> -> memref<1x64x128xf32, #tpu.memory_space<vmem>>
      %dma_wait3A_3388 = tpu.memref_squeeze %dma_wait3A_3387 : memref<1x64x128xf32, #tpu.memory_space<vmem>> -> memref<64x128xf32, #tpu.memory_space<vmem>>
      %dma_wait3A_3389 = arith.constant 0 : i32
      %dma_wait3A_3390 = tpu.memref_slice %arg4[%dma_wait3A_3389, %multiple_of3A_3374] : memref<64x1000000xf32, #tpu.memory_space<hbm>> -> memref<64x128xf32, #tpu.memory_space<hbm>>
      %dma_wait3A_3391 = arith.constant 0 : i32
      %dma_wait3A_3392 = arith.constant 0 : i32
      %dma_wait3A_3393 = tpu.memref_slice %arg14[%dma_wait3A_3384, %dma_wait3A_3391, %dma_wait3A_3392] : memref<4x64x128xf32, #tpu.memory_space<vmem>> -> memref<1x64x128xf32, #tpu.memory_space<vmem>>
      %dma_wait3A_3394 = tpu.memref_squeeze %dma_wait3A_3393 : memref<1x64x128xf32, #tpu.memory_space<vmem>> -> memref<64x128xf32, #tpu.memory_space<vmem>>
      %dma_wait3A_3395 = arith.constant 0 : i32
      %dma_wait3A_3396 = tpu.memref_slice %arg4[%dma_wait3A_3395, %multiple_of3A_3374] : memref<64x1000000xf32, #tpu.memory_space<hbm>> -> memref<64x128xf32, #tpu.memory_space<hbm>>
      tpu.wait_dma2 semaphore(%arg19 : memref<!tpu.dma_semaphore, #tpu.memory_space<semaphore_mem>>) src(%dma_wait3A_3396 : memref<64x128xf32, #tpu.memory_space<hbm>>) dst(%dma_wait3A_3394 : memref<64x128xf32, #tpu.memory_space<vmem>>)
      %dma_wait3A_3397 = arith.constant 1 : i32
      %dma_wait3A_3398 = arith.constant 0 : i32
      %dma_wait3A_3399 = arith.constant 0 : i32
      %dma_wait3A_3400 = tpu.memref_slice %arg15[%dma_wait3A_3397, %dma_wait3A_3398, %dma_wait3A_3399] : memref<4x64x128xf32, #tpu.memory_space<vmem>> -> memref<1x64x128xf32, #tpu.memory_space<vmem>>
      %dma_wait3A_3401 = tpu.memref_squeeze %dma_wait3A_3400 : memref<1x64x128xf32, #tpu.memory_space<vmem>> -> memref<64x128xf32, #tpu.memory_space<vmem>>
      %dma_wait3A_3402 = arith.constant 0 : i32
      %dma_wait3A_3403 = tpu.memref_slice %arg5[%dma_wait3A_3402, %multiple_of3A_3383] : memref<64x1000000xf32, #tpu.memory_space<hbm>> -> memref<64x128xf32, #tpu.memory_space<hbm>>
      %dma_wait3A_3404 = arith.constant 0 : i32
      %dma_wait3A_3405 = arith.constant 0 : i32
      %dma_wait3A_3406 = tpu.memref_slice %arg15[%dma_wait3A_3397, %dma_wait3A_3404, %dma_wait3A_3405] : memref<4x64x128xf32, #tpu.memory_space<vmem>> -> memref<1x64x128xf32, #tpu.memory_space<vmem>>
      %dma_wait3A_3407 = tpu.memref_squeeze %dma_wait3A_3406 : memref<1x64x128xf32, #tpu.memory_space<vmem>> -> memref<64x128xf32, #tpu.memory_space<vmem>>
      %dma_wait3A_3408 = arith.constant 0 : i32
      %dma_wait3A_3409 = tpu.memref_slice %arg5[%dma_wait3A_3408, %multiple_of3A_3383] : memref<64x1000000xf32, #tpu.memory_space<hbm>> -> memref<64x128xf32, #tpu.memory_space<hbm>>
      tpu.wait_dma2 semaphore(%arg19 : memref<!tpu.dma_semaphore, #tpu.memory_space<semaphore_mem>>) src(%dma_wait3A_3409 : memref<64x128xf32, #tpu.memory_space<hbm>>) dst(%dma_wait3A_3407 : memref<64x128xf32, #tpu.memory_space<vmem>>)
      %mul3A_3410 = arith.constant 16 : i32
      %mul3A_3411 = arith.muli %add3A_163, %mul3A_3410 : i32
      %add3A_3412 = arith.constant 13 : i32
      %add3A_3413 = arith.addi %mul3A_3411, %add3A_3412 : i32
      %slice3A_3414 = vector.extract_strided_slice %get3A_167 {offsets = [13], sizes = [1], strides = [1]} : vector<16xi32> to vector<1xi32>
      %squeeze3A_3415 = vector.extract %slice3A_3414[0] : i32 from vector<1xi32>
      %broadcast_in_dim3A_3416 = vector.broadcast %squeeze3A_3415 : i32 to vector<16xi32>
      %and3A_3417 = arith.constant 127 : i32
      %and3A_3418 = vector.broadcast %and3A_3417 : i32 to vector<16xi32>
      %and3A_3419 = arith.andi %broadcast_in_dim3A_3416, %and3A_3418 : vector<16xi32>
      %sub3A_3420 = arith.constant 999936 : i32
      %sub3A_3421 = vector.broadcast %sub3A_3420 : i32 to vector<16xi32>
      %sub3A_3422 = arith.subi %broadcast_in_dim3A_3416, %sub3A_3421 : vector<16xi32>
      %max3A_3423 = arith.constant 0 : i32
      %max3A_3424 = vector.broadcast %max3A_3423 : i32 to vector<16xi32>
      %max3A_3425 = arith.maxsi %sub3A_3422, %max3A_3424 : vector<16xi32>
      %ge3A_3426 = arith.constant 999936 : i32
      %ge3A_3427 = vector.broadcast %ge3A_3426 : i32 to vector<16xi32>
      %ge3A_3428 = arith.cmpi sge, %broadcast_in_dim3A_3416, %ge3A_3427 : vector<16xi32>
      %slice3A_3429 = vector.extract_strided_slice %get3A_171 {offsets = [13], sizes = [1], strides = [1]} : vector<16xi32> to vector<1xi32>
      %squeeze3A_3430 = vector.extract %slice3A_3429[0] : i32 from vector<1xi32>
      %broadcast_in_dim3A_3431 = vector.broadcast %squeeze3A_3430 : i32 to vector<16xi32>
      %and3A_3432 = arith.constant 127 : i32
      %and3A_3433 = vector.broadcast %and3A_3432 : i32 to vector<16xi32>
      %and3A_3434 = arith.andi %broadcast_in_dim3A_3431, %and3A_3433 : vector<16xi32>
      %sub3A_3435 = arith.constant 999936 : i32
      %sub3A_3436 = vector.broadcast %sub3A_3435 : i32 to vector<16xi32>
      %sub3A_3437 = arith.subi %broadcast_in_dim3A_3431, %sub3A_3436 : vector<16xi32>
      %max3A_3438 = arith.constant 0 : i32
      %max3A_3439 = vector.broadcast %max3A_3438 : i32 to vector<16xi32>
      %max3A_3440 = arith.maxsi %sub3A_3437, %max3A_3439 : vector<16xi32>
      %ge3A_3441 = arith.constant 999936 : i32
      %ge3A_3442 = vector.broadcast %ge3A_3441 : i32 to vector<16xi32>
      %ge3A_3443 = arith.cmpi sge, %broadcast_in_dim3A_3431, %ge3A_3442 : vector<16xi32>
      %add3A_3444 = arith.constant 0 : i32
      %add3A_3445 = vector.broadcast %add3A_3444 : i32 to vector<16xi32>
      %add3A_3446 = arith.addi %iota3A_23, %add3A_3445 : vector<16xi32>
      %gather3A_3447 = arith.constant 1 : i32
      %gather3A_3448 = arith.constant 0 : i32
      %gather3A_3449 = arith.constant 0 : i32
      %gather3A_3450 = tpu.memref_slice %arg14[%gather3A_3447, %gather3A_3448, %gather3A_3449] : memref<4x64x128xf32, #tpu.memory_space<vmem>> -> memref<1x64x128xf32, #tpu.memory_space<vmem>>
      %gather3A_3451 = tpu.memref_squeeze %gather3A_3450 : memref<1x64x128xf32, #tpu.memory_space<vmem>> -> memref<64x128xf32, #tpu.memory_space<vmem>>
      %gather3A_3452 = tpu.vector_load_idx %gather3A_3451[%add3A_3446, %and3A_3419] : memref<64x128xf32, #tpu.memory_space<vmem>>[vector<16xi32>, vector<16xi32>], vector<16xf32>,
      %add3A_3453 = arith.constant 0 : i32
      %add3A_3454 = vector.broadcast %add3A_3453 : i32 to vector<16xi32>
      %add3A_3455 = arith.addi %iota3A_23, %add3A_3454 : vector<16xi32>
      %gather3A_3456 = tpu.vector_load_idx %arg12[%add3A_3455, %max3A_3425] : memref<64x128xf32, #tpu.memory_space<vmem>>[vector<16xi32>, vector<16xi32>], vector<16xf32>,
      %select_n3A_3457 = arith.select %ge3A_3428, %gather3A_3456, %gather3A_3452 : vector<16xi1>, vector<16xf32>
      %add3A_3458 = arith.constant 0 : i32
      %add3A_3459 = vector.broadcast %add3A_3458 : i32 to vector<16xi32>
      %add3A_3460 = arith.addi %iota3A_23, %add3A_3459 : vector<16xi32>
      %gather3A_3461 = arith.constant 1 : i32
      %gather3A_3462 = arith.constant 0 : i32
      %gather3A_3463 = arith.constant 0 : i32
      %gather3A_3464 = tpu.memref_slice %arg15[%gather3A_3461, %gather3A_3462, %gather3A_3463] : memref<4x64x128xf32, #tpu.memory_space<vmem>> -> memref<1x64x128xf32, #tpu.memory_space<vmem>>
      %gather3A_3465 = tpu.memref_squeeze %gather3A_3464 : memref<1x64x128xf32, #tpu.memory_space<vmem>> -> memref<64x128xf32, #tpu.memory_space<vmem>>
      %gather3A_3466 = tpu.vector_load_idx %gather3A_3465[%add3A_3460, %and3A_3434] : memref<64x128xf32, #tpu.memory_space<vmem>>[vector<16xi32>, vector<16xi32>], vector<16xf32>,
      %add3A_3467 = arith.constant 0 : i32
      %add3A_3468 = vector.broadcast %add3A_3467 : i32 to vector<16xi32>
      %add3A_3469 = arith.addi %iota3A_23, %add3A_3468 : vector<16xi32>
      %gather3A_3470 = tpu.vector_load_idx %arg13[%add3A_3469, %max3A_3440] : memref<64x128xf32, #tpu.memory_space<vmem>>[vector<16xi32>, vector<16xi32>], vector<16xf32>,
      %select_n3A_3471 = arith.select %ge3A_3443, %gather3A_3470, %gather3A_3466 : vector<16xi1>, vector<16xf32>
      %mul3A_3472 = arith.mulf %select_n3A_3457, %select_n3A_3471 : vector<16xf32>
      %add3A_3473 = arith.constant 16 : i32
      %add3A_3474 = vector.broadcast %add3A_3473 : i32 to vector<16xi32>
      %add3A_3475 = arith.addi %iota3A_23, %add3A_3474 : vector<16xi32>
      %gather3A_3476 = arith.constant 1 : i32
      %gather3A_3477 = arith.constant 0 : i32
      %gather3A_3478 = arith.constant 0 : i32
      %gather3A_3479 = tpu.memref_slice %arg14[%gather3A_3476, %gather3A_3477, %gather3A_3478] : memref<4x64x128xf32, #tpu.memory_space<vmem>> -> memref<1x64x128xf32, #tpu.memory_space<vmem>>
      %gather3A_3480 = tpu.memref_squeeze %gather3A_3479 : memref<1x64x128xf32, #tpu.memory_space<vmem>> -> memref<64x128xf32, #tpu.memory_space<vmem>>
      %gather3A_3481 = tpu.vector_load_idx %gather3A_3480[%add3A_3475, %and3A_3419] : memref<64x128xf32, #tpu.memory_space<vmem>>[vector<16xi32>, vector<16xi32>], vector<16xf32>,
      %add3A_3482 = arith.constant 16 : i32
      %add3A_3483 = vector.broadcast %add3A_3482 : i32 to vector<16xi32>
      %add3A_3484 = arith.addi %iota3A_23, %add3A_3483 : vector<16xi32>
      %gather3A_3485 = tpu.vector_load_idx %arg12[%add3A_3484, %max3A_3425] : memref<64x128xf32, #tpu.memory_space<vmem>>[vector<16xi32>, vector<16xi32>], vector<16xf32>,
      %select_n3A_3486 = arith.select %ge3A_3428, %gather3A_3485, %gather3A_3481 : vector<16xi1>, vector<16xf32>
      %add3A_3487 = arith.constant 16 : i32
      %add3A_3488 = vector.broadcast %add3A_3487 : i32 to vector<16xi32>
      %add3A_3489 = arith.addi %iota3A_23, %add3A_3488 : vector<16xi32>
      %gather3A_3490 = arith.constant 1 : i32
      %gather3A_3491 = arith.constant 0 : i32
      %gather3A_3492 = arith.constant 0 : i32
      %gather3A_3493 = tpu.memref_slice %arg15[%gather3A_3490, %gather3A_3491, %gather3A_3492] : memref<4x64x128xf32, #tpu.memory_space<vmem>> -> memref<1x64x128xf32, #tpu.memory_space<vmem>>
      %gather3A_3494 = tpu.memref_squeeze %gather3A_3493 : memref<1x64x128xf32, #tpu.memory_space<vmem>> -> memref<64x128xf32, #tpu.memory_space<vmem>>
      %gather3A_3495 = tpu.vector_load_idx %gather3A_3494[%add3A_3489, %and3A_3434] : memref<64x128xf32, #tpu.memory_space<vmem>>[vector<16xi32>, vector<16xi32>], vector<16xf32>,
      %add3A_3496 = arith.constant 16 : i32
      %add3A_3497 = vector.broadcast %add3A_3496 : i32 to vector<16xi32>
      %add3A_3498 = arith.addi %iota3A_23, %add3A_3497 : vector<16xi32>
      %gather3A_3499 = tpu.vector_load_idx %arg13[%add3A_3498, %max3A_3440] : memref<64x128xf32, #tpu.memory_space<vmem>>[vector<16xi32>, vector<16xi32>], vector<16xf32>,
      %select_n3A_3500 = arith.select %ge3A_3443, %gather3A_3499, %gather3A_3495 : vector<16xi1>, vector<16xf32>
      %mul3A_3501 = arith.mulf %select_n3A_3486, %select_n3A_3500 : vector<16xf32>
      %add3A_3502 = arith.addf %mul3A_3472, %mul3A_3501 : vector<16xf32>
      %add3A_3503 = arith.constant 32 : i32
      %add3A_3504 = vector.broadcast %add3A_3503 : i32 to vector<16xi32>
      %add3A_3505 = arith.addi %iota3A_23, %add3A_3504 : vector<16xi32>
      %gather3A_3506 = arith.constant 1 : i32
      %gather3A_3507 = arith.constant 0 : i32
      %gather3A_3508 = arith.constant 0 : i32
      %gather3A_3509 = tpu.memref_slice %arg14[%gather3A_3506, %gather3A_3507, %gather3A_3508] : memref<4x64x128xf32, #tpu.memory_space<vmem>> -> memref<1x64x128xf32, #tpu.memory_space<vmem>>
      %gather3A_3510 = tpu.memref_squeeze %gather3A_3509 : memref<1x64x128xf32, #tpu.memory_space<vmem>> -> memref<64x128xf32, #tpu.memory_space<vmem>>
      %gather3A_3511 = tpu.vector_load_idx %gather3A_3510[%add3A_3505, %and3A_3419] : memref<64x128xf32, #tpu.memory_space<vmem>>[vector<16xi32>, vector<16xi32>], vector<16xf32>,
      %add3A_3512 = arith.constant 32 : i32
      %add3A_3513 = vector.broadcast %add3A_3512 : i32 to vector<16xi32>
      %add3A_3514 = arith.addi %iota3A_23, %add3A_3513 : vector<16xi32>
      %gather3A_3515 = tpu.vector_load_idx %arg12[%add3A_3514, %max3A_3425] : memref<64x128xf32, #tpu.memory_space<vmem>>[vector<16xi32>, vector<16xi32>], vector<16xf32>,
      %select_n3A_3516 = arith.select %ge3A_3428, %gather3A_3515, %gather3A_3511 : vector<16xi1>, vector<16xf32>
      %add3A_3517 = arith.constant 32 : i32
      %add3A_3518 = vector.broadcast %add3A_3517 : i32 to vector<16xi32>
      %add3A_3519 = arith.addi %iota3A_23, %add3A_3518 : vector<16xi32>
      %gather3A_3520 = arith.constant 1 : i32
      %gather3A_3521 = arith.constant 0 : i32
      %gather3A_3522 = arith.constant 0 : i32
      %gather3A_3523 = tpu.memref_slice %arg15[%gather3A_3520, %gather3A_3521, %gather3A_3522] : memref<4x64x128xf32, #tpu.memory_space<vmem>> -> memref<1x64x128xf32, #tpu.memory_space<vmem>>
      %gather3A_3524 = tpu.memref_squeeze %gather3A_3523 : memref<1x64x128xf32, #tpu.memory_space<vmem>> -> memref<64x128xf32, #tpu.memory_space<vmem>>
      %gather3A_3525 = tpu.vector_load_idx %gather3A_3524[%add3A_3519, %and3A_3434] : memref<64x128xf32, #tpu.memory_space<vmem>>[vector<16xi32>, vector<16xi32>], vector<16xf32>,
      %add3A_3526 = arith.constant 32 : i32
      %add3A_3527 = vector.broadcast %add3A_3526 : i32 to vector<16xi32>
      %add3A_3528 = arith.addi %iota3A_23, %add3A_3527 : vector<16xi32>
      %gather3A_3529 = tpu.vector_load_idx %arg13[%add3A_3528, %max3A_3440] : memref<64x128xf32, #tpu.memory_space<vmem>>[vector<16xi32>, vector<16xi32>], vector<16xf32>,
      %select_n3A_3530 = arith.select %ge3A_3443, %gather3A_3529, %gather3A_3525 : vector<16xi1>, vector<16xf32>
      %mul3A_3531 = arith.mulf %select_n3A_3516, %select_n3A_3530 : vector<16xf32>
      %add3A_3532 = arith.addf %add3A_3502, %mul3A_3531 : vector<16xf32>
      %add3A_3533 = arith.constant 48 : i32
      %add3A_3534 = vector.broadcast %add3A_3533 : i32 to vector<16xi32>
      %add3A_3535 = arith.addi %iota3A_23, %add3A_3534 : vector<16xi32>
      %gather3A_3536 = arith.constant 1 : i32
      %gather3A_3537 = arith.constant 0 : i32
      %gather3A_3538 = arith.constant 0 : i32
      %gather3A_3539 = tpu.memref_slice %arg14[%gather3A_3536, %gather3A_3537, %gather3A_3538] : memref<4x64x128xf32, #tpu.memory_space<vmem>> -> memref<1x64x128xf32, #tpu.memory_space<vmem>>
      %gather3A_3540 = tpu.memref_squeeze %gather3A_3539 : memref<1x64x128xf32, #tpu.memory_space<vmem>> -> memref<64x128xf32, #tpu.memory_space<vmem>>
      %gather3A_3541 = tpu.vector_load_idx %gather3A_3540[%add3A_3535, %and3A_3419] : memref<64x128xf32, #tpu.memory_space<vmem>>[vector<16xi32>, vector<16xi32>], vector<16xf32>,
      %add3A_3542 = arith.constant 48 : i32
      %add3A_3543 = vector.broadcast %add3A_3542 : i32 to vector<16xi32>
      %add3A_3544 = arith.addi %iota3A_23, %add3A_3543 : vector<16xi32>
      %gather3A_3545 = tpu.vector_load_idx %arg12[%add3A_3544, %max3A_3425] : memref<64x128xf32, #tpu.memory_space<vmem>>[vector<16xi32>, vector<16xi32>], vector<16xf32>,
      %select_n3A_3546 = arith.select %ge3A_3428, %gather3A_3545, %gather3A_3541 : vector<16xi1>, vector<16xf32>
      %add3A_3547 = arith.constant 48 : i32
      %add3A_3548 = vector.broadcast %add3A_3547 : i32 to vector<16xi32>
      %add3A_3549 = arith.addi %iota3A_23, %add3A_3548 : vector<16xi32>
      %gather3A_3550 = arith.constant 1 : i32
      %gather3A_3551 = arith.constant 0 : i32
      %gather3A_3552 = arith.constant 0 : i32
      %gather3A_3553 = tpu.memref_slice %arg15[%gather3A_3550, %gather3A_3551, %gather3A_3552] : memref<4x64x128xf32, #tpu.memory_space<vmem>> -> memref<1x64x128xf32, #tpu.memory_space<vmem>>
      %gather3A_3554 = tpu.memref_squeeze %gather3A_3553 : memref<1x64x128xf32, #tpu.memory_space<vmem>> -> memref<64x128xf32, #tpu.memory_space<vmem>>
      %gather3A_3555 = tpu.vector_load_idx %gather3A_3554[%add3A_3549, %and3A_3434] : memref<64x128xf32, #tpu.memory_space<vmem>>[vector<16xi32>, vector<16xi32>], vector<16xf32>,
      %add3A_3556 = arith.constant 48 : i32
      %add3A_3557 = vector.broadcast %add3A_3556 : i32 to vector<16xi32>
      %add3A_3558 = arith.addi %iota3A_23, %add3A_3557 : vector<16xi32>
      %gather3A_3559 = tpu.vector_load_idx %arg13[%add3A_3558, %max3A_3440] : memref<64x128xf32, #tpu.memory_space<vmem>>[vector<16xi32>, vector<16xi32>], vector<16xf32>,
      %select_n3A_3560 = arith.select %ge3A_3443, %gather3A_3559, %gather3A_3555 : vector<16xi1>, vector<16xf32>
      %mul3A_3561 = arith.mulf %select_n3A_3546, %select_n3A_3560 : vector<16xf32>
      %add3A_3562 = arith.addf %add3A_3532, %mul3A_3561 : vector<16xf32>
      %mul3A_3563 = arith.constant 512 : i32
      %mul3A_3564 = vector.broadcast %mul3A_3563 : i32 to vector<16xi32>
      %mul3A_3565 = arith.muli %iota3A_23, %mul3A_3564 : vector<16xi32>
      %add3A_3566 = vector.broadcast %add3A_3413 : i32 to vector<16xi32>
      %add3A_3567 = arith.addi %mul3A_3565, %add3A_3566 : vector<16xi32>
      tpu.vector_store_idx %arg16[%add3A_3567], %add3A_3562 : memref<8192xf32, #tpu.memory_space<vmem>>[vector<16xi32>], vector<16xf32>,
      %add3A_3568 = arith.constant 1 : i32
      %add3A_3569 = arith.addi %add3A_163, %add3A_3568 : i32
      %lt3A_3570 = arith.constant 32 : i32
      %lt3A_3571 = arith.cmpi slt, %add3A_3569, %lt3A_3570 : i32
      %convert_element_type3A_3572 = arith.extui %lt3A_3571 : i1 to i32
      %cond3A_3573 = arith.constant 0 : i32
      %cond3A_3574 = arith.cmpi ne, %convert_element_type3A_3572, %cond3A_3573 : i32
      scf.if %cond3A_3574 {
        %add3A_3986 = arith.constant 1 : i32
        %add3A_3987 = arith.addi %add3A_163, %add3A_3986 : i32
        %mul3A_3988 = arith.constant 16 : i32
        %mul3A_3989 = arith.muli %add3A_3987, %mul3A_3988 : i32
        %get3A_3990 = arith.index_cast %mul3A_3989 : i32 to index
        %get3A_3991 = tpu.vector_load %arg9[%get3A_3990] {strides = array<i32>} : memref<512xi32, #tpu.memory_space<vmem>>, vector<16xi32>,
        %add3A_3992 = arith.constant 1 : i32
        %add3A_3993 = arith.addi %add3A_163, %add3A_3992 : i32
        %mul3A_3994 = arith.constant 16 : i32
        %mul3A_3995 = arith.muli %add3A_3993, %mul3A_3994 : i32
        %get3A_3996 = arith.index_cast %mul3A_3995 : i32 to index
        %get3A_3997 = tpu.vector_load %arg10[%get3A_3996] {strides = array<i32>} : memref<512xi32, #tpu.memory_space<vmem>>, vector<16xi32>,
        %slice3A_3998 = vector.extract_strided_slice %get3A_3991 {offsets = [1], sizes = [1], strides = [1]} : vector<16xi32> to vector<1xi32>
        %squeeze3A_3999 = vector.extract %slice3A_3998[0] : i32 from vector<1xi32>
        %shift_right_arithmetic3A_4000 = arith.constant 7 : i32
        %shift_right_arithmetic3A_4001 = arith.shrsi %squeeze3A_3999, %shift_right_arithmetic3A_4000 : i32
        %min3A_4002 = arith.constant 7811 : i32
        %min3A_4003 = arith.minsi %shift_right_arithmetic3A_4001, %min3A_4002 : i32
        %mul3A_4004 = arith.constant 128 : i32
        %mul3A_4005 = arith.muli %min3A_4003, %mul3A_4004 : i32
        %multiple_of3A_4006 = tpu.assume_multiple %mul3A_4005, 128 : i32
        %slice3A_4007 = vector.extract_strided_slice %get3A_3997 {offsets = [1], sizes = [1], strides = [1]} : vector<16xi32> to vector<1xi32>
        %squeeze3A_4008 = vector.extract %slice3A_4007[0] : i32 from vector<1xi32>
        %shift_right_arithmetic3A_4009 = arith.constant 7 : i32
        %shift_right_arithmetic3A_4010 = arith.shrsi %squeeze3A_4008, %shift_right_arithmetic3A_4009 : i32
        %min3A_4011 = arith.constant 7811 : i32
        %min3A_4012 = arith.minsi %shift_right_arithmetic3A_4010, %min3A_4011 : i32
        %mul3A_4013 = arith.constant 128 : i32
        %mul3A_4014 = arith.muli %min3A_4012, %mul3A_4013 : i32
        %multiple_of3A_4015 = tpu.assume_multiple %mul3A_4014, 128 : i32
        %dma_start3A_4016 = arith.constant 1 : i32
        %dma_start3A_4017 = arith.constant 0 : i32
        %dma_start3A_4018 = arith.constant 0 : i32
        %dma_start3A_4019 = tpu.memref_slice %arg14[%dma_start3A_4016, %dma_start3A_4017, %dma_start3A_4018] : memref<4x64x128xf32, #tpu.memory_space<vmem>> -> memref<1x64x128xf32, #tpu.memory_space<vmem>>
        %dma_start3A_4020 = tpu.memref_squeeze %dma_start3A_4019 : memref<1x64x128xf32, #tpu.memory_space<vmem>> -> memref<64x128xf32, #tpu.memory_space<vmem>>
        %dma_start3A_4021 = arith.constant 0 : i32
        %dma_start3A_4022 = tpu.memref_slice %arg4[%dma_start3A_4021, %multiple_of3A_4006] : memref<64x1000000xf32, #tpu.memory_space<hbm>> -> memref<64x128xf32, #tpu.memory_space<hbm>>
        %dma_start3A_4023 = arith.constant 0 : i32
        %dma_start3A_4024 = arith.constant 0 : i32
        %dma_start3A_4025 = tpu.memref_slice %arg14[%dma_start3A_4016, %dma_start3A_4023, %dma_start3A_4024] : memref<4x64x128xf32, #tpu.memory_space<vmem>> -> memref<1x64x128xf32, #tpu.memory_space<vmem>>
        %dma_start3A_4026 = tpu.memref_squeeze %dma_start3A_4025 : memref<1x64x128xf32, #tpu.memory_space<vmem>> -> memref<64x128xf32, #tpu.memory_space<vmem>>
        %dma_start3A_4027 = arith.constant 0 : i32
        %dma_start3A_4028 = tpu.memref_slice %arg4[%dma_start3A_4027, %multiple_of3A_4006] : memref<64x1000000xf32, #tpu.memory_space<hbm>> -> memref<64x128xf32, #tpu.memory_space<hbm>>
        tpu.enqueue_dma source(%dma_start3A_4028 : memref<64x128xf32, #tpu.memory_space<hbm>>) target(%dma_start3A_4026 : memref<64x128xf32, #tpu.memory_space<vmem>>) target_semaphore(%arg19 : memref<!tpu.dma_semaphore, #tpu.memory_space<semaphore_mem>>)
        %dma_start3A_4029 = arith.constant 1 : i32
        %dma_start3A_4030 = arith.constant 0 : i32
        %dma_start3A_4031 = arith.constant 0 : i32
        %dma_start3A_4032 = tpu.memref_slice %arg15[%dma_start3A_4029, %dma_start3A_4030, %dma_start3A_4031] : memref<4x64x128xf32, #tpu.memory_space<vmem>> -> memref<1x64x128xf32, #tpu.memory_space<vmem>>
        %dma_start3A_4033 = tpu.memref_squeeze %dma_start3A_4032 : memref<1x64x128xf32, #tpu.memory_space<vmem>> -> memref<64x128xf32, #tpu.memory_space<vmem>>
        %dma_start3A_4034 = arith.constant 0 : i32
        %dma_start3A_4035 = tpu.memref_slice %arg5[%dma_start3A_4034, %multiple_of3A_4015] : memref<64x1000000xf32, #tpu.memory_space<hbm>> -> memref<64x128xf32, #tpu.memory_space<hbm>>
        %dma_start3A_4036 = arith.constant 0 : i32
        %dma_start3A_4037 = arith.constant 0 : i32
        %dma_start3A_4038 = tpu.memref_slice %arg15[%dma_start3A_4029, %dma_start3A_4036, %dma_start3A_4037] : memref<4x64x128xf32, #tpu.memory_space<vmem>> -> memref<1x64x128xf32, #tpu.memory_space<vmem>>
        %dma_start3A_4039 = tpu.memref_squeeze %dma_start3A_4038 : memref<1x64x128xf32, #tpu.memory_space<vmem>> -> memref<64x128xf32, #tpu.memory_space<vmem>>
        %dma_start3A_4040 = arith.constant 0 : i32
        %dma_start3A_4041 = tpu.memref_slice %arg5[%dma_start3A_4040, %multiple_of3A_4015] : memref<64x1000000xf32, #tpu.memory_space<hbm>> -> memref<64x128xf32, #tpu.memory_space<hbm>>
        tpu.enqueue_dma source(%dma_start3A_4041 : memref<64x128xf32, #tpu.memory_space<hbm>>) target(%dma_start3A_4039 : memref<64x128xf32, #tpu.memory_space<vmem>>) target_semaphore(%arg19 : memref<!tpu.dma_semaphore, #tpu.memory_space<semaphore_mem>>)
      } else {
      }
      %slice3A_3575 = vector.extract_strided_slice %get3A_167 {offsets = [14], sizes = [1], strides = [1]} : vector<16xi32> to vector<1xi32>
      %squeeze3A_3576 = vector.extract %slice3A_3575[0] : i32 from vector<1xi32>
      %shift_right_arithmetic3A_3577 = arith.constant 7 : i32
      %shift_right_arithmetic3A_3578 = arith.shrsi %squeeze3A_3576, %shift_right_arithmetic3A_3577 : i32
      %min3A_3579 = arith.constant 7811 : i32
      %min3A_3580 = arith.minsi %shift_right_arithmetic3A_3578, %min3A_3579 : i32
      %mul3A_3581 = arith.constant 128 : i32
      %mul3A_3582 = arith.muli %min3A_3580, %mul3A_3581 : i32
      %multiple_of3A_3583 = tpu.assume_multiple %mul3A_3582, 128 : i32
      %slice3A_3584 = vector.extract_strided_slice %get3A_171 {offsets = [14], sizes = [1], strides = [1]} : vector<16xi32> to vector<1xi32>
      %squeeze3A_3585 = vector.extract %slice3A_3584[0] : i32 from vector<1xi32>
      %shift_right_arithmetic3A_3586 = arith.constant 7 : i32
      %shift_right_arithmetic3A_3587 = arith.shrsi %squeeze3A_3585, %shift_right_arithmetic3A_3586 : i32
      %min3A_3588 = arith.constant 7811 : i32
      %min3A_3589 = arith.minsi %shift_right_arithmetic3A_3587, %min3A_3588 : i32
      %mul3A_3590 = arith.constant 128 : i32
      %mul3A_3591 = arith.muli %min3A_3589, %mul3A_3590 : i32
      %multiple_of3A_3592 = tpu.assume_multiple %mul3A_3591, 128 : i32
      %dma_wait3A_3593 = arith.constant 2 : i32
      %dma_wait3A_3594 = arith.constant 0 : i32
      %dma_wait3A_3595 = arith.constant 0 : i32
      %dma_wait3A_3596 = tpu.memref_slice %arg14[%dma_wait3A_3593, %dma_wait3A_3594, %dma_wait3A_3595] : memref<4x64x128xf32, #tpu.memory_space<vmem>> -> memref<1x64x128xf32, #tpu.memory_space<vmem>>
      %dma_wait3A_3597 = tpu.memref_squeeze %dma_wait3A_3596 : memref<1x64x128xf32, #tpu.memory_space<vmem>> -> memref<64x128xf32, #tpu.memory_space<vmem>>
      %dma_wait3A_3598 = arith.constant 0 : i32
      %dma_wait3A_3599 = tpu.memref_slice %arg4[%dma_wait3A_3598, %multiple_of3A_3583] : memref<64x1000000xf32, #tpu.memory_space<hbm>> -> memref<64x128xf32, #tpu.memory_space<hbm>>
      %dma_wait3A_3600 = arith.constant 0 : i32
      %dma_wait3A_3601 = arith.constant 0 : i32
      %dma_wait3A_3602 = tpu.memref_slice %arg14[%dma_wait3A_3593, %dma_wait3A_3600, %dma_wait3A_3601] : memref<4x64x128xf32, #tpu.memory_space<vmem>> -> memref<1x64x128xf32, #tpu.memory_space<vmem>>
      %dma_wait3A_3603 = tpu.memref_squeeze %dma_wait3A_3602 : memref<1x64x128xf32, #tpu.memory_space<vmem>> -> memref<64x128xf32, #tpu.memory_space<vmem>>
      %dma_wait3A_3604 = arith.constant 0 : i32
      %dma_wait3A_3605 = tpu.memref_slice %arg4[%dma_wait3A_3604, %multiple_of3A_3583] : memref<64x1000000xf32, #tpu.memory_space<hbm>> -> memref<64x128xf32, #tpu.memory_space<hbm>>
      tpu.wait_dma2 semaphore(%arg20 : memref<!tpu.dma_semaphore, #tpu.memory_space<semaphore_mem>>) src(%dma_wait3A_3605 : memref<64x128xf32, #tpu.memory_space<hbm>>) dst(%dma_wait3A_3603 : memref<64x128xf32, #tpu.memory_space<vmem>>)
      %dma_wait3A_3606 = arith.constant 2 : i32
      %dma_wait3A_3607 = arith.constant 0 : i32
      %dma_wait3A_3608 = arith.constant 0 : i32
      %dma_wait3A_3609 = tpu.memref_slice %arg15[%dma_wait3A_3606, %dma_wait3A_3607, %dma_wait3A_3608] : memref<4x64x128xf32, #tpu.memory_space<vmem>> -> memref<1x64x128xf32, #tpu.memory_space<vmem>>
      %dma_wait3A_3610 = tpu.memref_squeeze %dma_wait3A_3609 : memref<1x64x128xf32, #tpu.memory_space<vmem>> -> memref<64x128xf32, #tpu.memory_space<vmem>>
      %dma_wait3A_3611 = arith.constant 0 : i32
      %dma_wait3A_3612 = tpu.memref_slice %arg5[%dma_wait3A_3611, %multiple_of3A_3592] : memref<64x1000000xf32, #tpu.memory_space<hbm>> -> memref<64x128xf32, #tpu.memory_space<hbm>>
      %dma_wait3A_3613 = arith.constant 0 : i32
      %dma_wait3A_3614 = arith.constant 0 : i32
      %dma_wait3A_3615 = tpu.memref_slice %arg15[%dma_wait3A_3606, %dma_wait3A_3613, %dma_wait3A_3614] : memref<4x64x128xf32, #tpu.memory_space<vmem>> -> memref<1x64x128xf32, #tpu.memory_space<vmem>>
      %dma_wait3A_3616 = tpu.memref_squeeze %dma_wait3A_3615 : memref<1x64x128xf32, #tpu.memory_space<vmem>> -> memref<64x128xf32, #tpu.memory_space<vmem>>
      %dma_wait3A_3617 = arith.constant 0 : i32
      %dma_wait3A_3618 = tpu.memref_slice %arg5[%dma_wait3A_3617, %multiple_of3A_3592] : memref<64x1000000xf32, #tpu.memory_space<hbm>> -> memref<64x128xf32, #tpu.memory_space<hbm>>
      tpu.wait_dma2 semaphore(%arg20 : memref<!tpu.dma_semaphore, #tpu.memory_space<semaphore_mem>>) src(%dma_wait3A_3618 : memref<64x128xf32, #tpu.memory_space<hbm>>) dst(%dma_wait3A_3616 : memref<64x128xf32, #tpu.memory_space<vmem>>)
      %mul3A_3619 = arith.constant 16 : i32
      %mul3A_3620 = arith.muli %add3A_163, %mul3A_3619 : i32
      %add3A_3621 = arith.constant 14 : i32
      %add3A_3622 = arith.addi %mul3A_3620, %add3A_3621 : i32
      %slice3A_3623 = vector.extract_strided_slice %get3A_167 {offsets = [14], sizes = [1], strides = [1]} : vector<16xi32> to vector<1xi32>
      %squeeze3A_3624 = vector.extract %slice3A_3623[0] : i32 from vector<1xi32>
      %broadcast_in_dim3A_3625 = vector.broadcast %squeeze3A_3624 : i32 to vector<16xi32>
      %and3A_3626 = arith.constant 127 : i32
      %and3A_3627 = vector.broadcast %and3A_3626 : i32 to vector<16xi32>
      %and3A_3628 = arith.andi %broadcast_in_dim3A_3625, %and3A_3627 : vector<16xi32>
      %sub3A_3629 = arith.constant 999936 : i32
      %sub3A_3630 = vector.broadcast %sub3A_3629 : i32 to vector<16xi32>
      %sub3A_3631 = arith.subi %broadcast_in_dim3A_3625, %sub3A_3630 : vector<16xi32>
      %max3A_3632 = arith.constant 0 : i32
      %max3A_3633 = vector.broadcast %max3A_3632 : i32 to vector<16xi32>
      %max3A_3634 = arith.maxsi %sub3A_3631, %max3A_3633 : vector<16xi32>
      %ge3A_3635 = arith.constant 999936 : i32
      %ge3A_3636 = vector.broadcast %ge3A_3635 : i32 to vector<16xi32>
      %ge3A_3637 = arith.cmpi sge, %broadcast_in_dim3A_3625, %ge3A_3636 : vector<16xi32>
      %slice3A_3638 = vector.extract_strided_slice %get3A_171 {offsets = [14], sizes = [1], strides = [1]} : vector<16xi32> to vector<1xi32>
      %squeeze3A_3639 = vector.extract %slice3A_3638[0] : i32 from vector<1xi32>
      %broadcast_in_dim3A_3640 = vector.broadcast %squeeze3A_3639 : i32 to vector<16xi32>
      %and3A_3641 = arith.constant 127 : i32
      %and3A_3642 = vector.broadcast %and3A_3641 : i32 to vector<16xi32>
      %and3A_3643 = arith.andi %broadcast_in_dim3A_3640, %and3A_3642 : vector<16xi32>
      %sub3A_3644 = arith.constant 999936 : i32
      %sub3A_3645 = vector.broadcast %sub3A_3644 : i32 to vector<16xi32>
      %sub3A_3646 = arith.subi %broadcast_in_dim3A_3640, %sub3A_3645 : vector<16xi32>
      %max3A_3647 = arith.constant 0 : i32
      %max3A_3648 = vector.broadcast %max3A_3647 : i32 to vector<16xi32>
      %max3A_3649 = arith.maxsi %sub3A_3646, %max3A_3648 : vector<16xi32>
      %ge3A_3650 = arith.constant 999936 : i32
      %ge3A_3651 = vector.broadcast %ge3A_3650 : i32 to vector<16xi32>
      %ge3A_3652 = arith.cmpi sge, %broadcast_in_dim3A_3640, %ge3A_3651 : vector<16xi32>
      %add3A_3653 = arith.constant 0 : i32
      %add3A_3654 = vector.broadcast %add3A_3653 : i32 to vector<16xi32>
      %add3A_3655 = arith.addi %iota3A_23, %add3A_3654 : vector<16xi32>
      %gather3A_3656 = arith.constant 2 : i32
      %gather3A_3657 = arith.constant 0 : i32
      %gather3A_3658 = arith.constant 0 : i32
      %gather3A_3659 = tpu.memref_slice %arg14[%gather3A_3656, %gather3A_3657, %gather3A_3658] : memref<4x64x128xf32, #tpu.memory_space<vmem>> -> memref<1x64x128xf32, #tpu.memory_space<vmem>>
      %gather3A_3660 = tpu.memref_squeeze %gather3A_3659 : memref<1x64x128xf32, #tpu.memory_space<vmem>> -> memref<64x128xf32, #tpu.memory_space<vmem>>
      %gather3A_3661 = tpu.vector_load_idx %gather3A_3660[%add3A_3655, %and3A_3628] : memref<64x128xf32, #tpu.memory_space<vmem>>[vector<16xi32>, vector<16xi32>], vector<16xf32>,
      %add3A_3662 = arith.constant 0 : i32
      %add3A_3663 = vector.broadcast %add3A_3662 : i32 to vector<16xi32>
      %add3A_3664 = arith.addi %iota3A_23, %add3A_3663 : vector<16xi32>
      %gather3A_3665 = tpu.vector_load_idx %arg12[%add3A_3664, %max3A_3634] : memref<64x128xf32, #tpu.memory_space<vmem>>[vector<16xi32>, vector<16xi32>], vector<16xf32>,
      %select_n3A_3666 = arith.select %ge3A_3637, %gather3A_3665, %gather3A_3661 : vector<16xi1>, vector<16xf32>
      %add3A_3667 = arith.constant 0 : i32
      %add3A_3668 = vector.broadcast %add3A_3667 : i32 to vector<16xi32>
      %add3A_3669 = arith.addi %iota3A_23, %add3A_3668 : vector<16xi32>
      %gather3A_3670 = arith.constant 2 : i32
      %gather3A_3671 = arith.constant 0 : i32
      %gather3A_3672 = arith.constant 0 : i32
      %gather3A_3673 = tpu.memref_slice %arg15[%gather3A_3670, %gather3A_3671, %gather3A_3672] : memref<4x64x128xf32, #tpu.memory_space<vmem>> -> memref<1x64x128xf32, #tpu.memory_space<vmem>>
      %gather3A_3674 = tpu.memref_squeeze %gather3A_3673 : memref<1x64x128xf32, #tpu.memory_space<vmem>> -> memref<64x128xf32, #tpu.memory_space<vmem>>
      %gather3A_3675 = tpu.vector_load_idx %gather3A_3674[%add3A_3669, %and3A_3643] : memref<64x128xf32, #tpu.memory_space<vmem>>[vector<16xi32>, vector<16xi32>], vector<16xf32>,
      %add3A_3676 = arith.constant 0 : i32
      %add3A_3677 = vector.broadcast %add3A_3676 : i32 to vector<16xi32>
      %add3A_3678 = arith.addi %iota3A_23, %add3A_3677 : vector<16xi32>
      %gather3A_3679 = tpu.vector_load_idx %arg13[%add3A_3678, %max3A_3649] : memref<64x128xf32, #tpu.memory_space<vmem>>[vector<16xi32>, vector<16xi32>], vector<16xf32>,
      %select_n3A_3680 = arith.select %ge3A_3652, %gather3A_3679, %gather3A_3675 : vector<16xi1>, vector<16xf32>
      %mul3A_3681 = arith.mulf %select_n3A_3666, %select_n3A_3680 : vector<16xf32>
      %add3A_3682 = arith.constant 16 : i32
      %add3A_3683 = vector.broadcast %add3A_3682 : i32 to vector<16xi32>
      %add3A_3684 = arith.addi %iota3A_23, %add3A_3683 : vector<16xi32>
      %gather3A_3685 = arith.constant 2 : i32
      %gather3A_3686 = arith.constant 0 : i32
      %gather3A_3687 = arith.constant 0 : i32
      %gather3A_3688 = tpu.memref_slice %arg14[%gather3A_3685, %gather3A_3686, %gather3A_3687] : memref<4x64x128xf32, #tpu.memory_space<vmem>> -> memref<1x64x128xf32, #tpu.memory_space<vmem>>
      %gather3A_3689 = tpu.memref_squeeze %gather3A_3688 : memref<1x64x128xf32, #tpu.memory_space<vmem>> -> memref<64x128xf32, #tpu.memory_space<vmem>>
      %gather3A_3690 = tpu.vector_load_idx %gather3A_3689[%add3A_3684, %and3A_3628] : memref<64x128xf32, #tpu.memory_space<vmem>>[vector<16xi32>, vector<16xi32>], vector<16xf32>,
      %add3A_3691 = arith.constant 16 : i32
      %add3A_3692 = vector.broadcast %add3A_3691 : i32 to vector<16xi32>
      %add3A_3693 = arith.addi %iota3A_23, %add3A_3692 : vector<16xi32>
      %gather3A_3694 = tpu.vector_load_idx %arg12[%add3A_3693, %max3A_3634] : memref<64x128xf32, #tpu.memory_space<vmem>>[vector<16xi32>, vector<16xi32>], vector<16xf32>,
      %select_n3A_3695 = arith.select %ge3A_3637, %gather3A_3694, %gather3A_3690 : vector<16xi1>, vector<16xf32>
      %add3A_3696 = arith.constant 16 : i32
      %add3A_3697 = vector.broadcast %add3A_3696 : i32 to vector<16xi32>
      %add3A_3698 = arith.addi %iota3A_23, %add3A_3697 : vector<16xi32>
      %gather3A_3699 = arith.constant 2 : i32
      %gather3A_3700 = arith.constant 0 : i32
      %gather3A_3701 = arith.constant 0 : i32
      %gather3A_3702 = tpu.memref_slice %arg15[%gather3A_3699, %gather3A_3700, %gather3A_3701] : memref<4x64x128xf32, #tpu.memory_space<vmem>> -> memref<1x64x128xf32, #tpu.memory_space<vmem>>
      %gather3A_3703 = tpu.memref_squeeze %gather3A_3702 : memref<1x64x128xf32, #tpu.memory_space<vmem>> -> memref<64x128xf32, #tpu.memory_space<vmem>>
      %gather3A_3704 = tpu.vector_load_idx %gather3A_3703[%add3A_3698, %and3A_3643] : memref<64x128xf32, #tpu.memory_space<vmem>>[vector<16xi32>, vector<16xi32>], vector<16xf32>,
      %add3A_3705 = arith.constant 16 : i32
      %add3A_3706 = vector.broadcast %add3A_3705 : i32 to vector<16xi32>
      %add3A_3707 = arith.addi %iota3A_23, %add3A_3706 : vector<16xi32>
      %gather3A_3708 = tpu.vector_load_idx %arg13[%add3A_3707, %max3A_3649] : memref<64x128xf32, #tpu.memory_space<vmem>>[vector<16xi32>, vector<16xi32>], vector<16xf32>,
      %select_n3A_3709 = arith.select %ge3A_3652, %gather3A_3708, %gather3A_3704 : vector<16xi1>, vector<16xf32>
      %mul3A_3710 = arith.mulf %select_n3A_3695, %select_n3A_3709 : vector<16xf32>
      %add3A_3711 = arith.addf %mul3A_3681, %mul3A_3710 : vector<16xf32>
      %add3A_3712 = arith.constant 32 : i32
      %add3A_3713 = vector.broadcast %add3A_3712 : i32 to vector<16xi32>
      %add3A_3714 = arith.addi %iota3A_23, %add3A_3713 : vector<16xi32>
      %gather3A_3715 = arith.constant 2 : i32
      %gather3A_3716 = arith.constant 0 : i32
      %gather3A_3717 = arith.constant 0 : i32
      %gather3A_3718 = tpu.memref_slice %arg14[%gather3A_3715, %gather3A_3716, %gather3A_3717] : memref<4x64x128xf32, #tpu.memory_space<vmem>> -> memref<1x64x128xf32, #tpu.memory_space<vmem>>
      %gather3A_3719 = tpu.memref_squeeze %gather3A_3718 : memref<1x64x128xf32, #tpu.memory_space<vmem>> -> memref<64x128xf32, #tpu.memory_space<vmem>>
      %gather3A_3720 = tpu.vector_load_idx %gather3A_3719[%add3A_3714, %and3A_3628] : memref<64x128xf32, #tpu.memory_space<vmem>>[vector<16xi32>, vector<16xi32>], vector<16xf32>,
      %add3A_3721 = arith.constant 32 : i32
      %add3A_3722 = vector.broadcast %add3A_3721 : i32 to vector<16xi32>
      %add3A_3723 = arith.addi %iota3A_23, %add3A_3722 : vector<16xi32>
      %gather3A_3724 = tpu.vector_load_idx %arg12[%add3A_3723, %max3A_3634] : memref<64x128xf32, #tpu.memory_space<vmem>>[vector<16xi32>, vector<16xi32>], vector<16xf32>,
      %select_n3A_3725 = arith.select %ge3A_3637, %gather3A_3724, %gather3A_3720 : vector<16xi1>, vector<16xf32>
      %add3A_3726 = arith.constant 32 : i32
      %add3A_3727 = vector.broadcast %add3A_3726 : i32 to vector<16xi32>
      %add3A_3728 = arith.addi %iota3A_23, %add3A_3727 : vector<16xi32>
      %gather3A_3729 = arith.constant 2 : i32
      %gather3A_3730 = arith.constant 0 : i32
      %gather3A_3731 = arith.constant 0 : i32
      %gather3A_3732 = tpu.memref_slice %arg15[%gather3A_3729, %gather3A_3730, %gather3A_3731] : memref<4x64x128xf32, #tpu.memory_space<vmem>> -> memref<1x64x128xf32, #tpu.memory_space<vmem>>
      %gather3A_3733 = tpu.memref_squeeze %gather3A_3732 : memref<1x64x128xf32, #tpu.memory_space<vmem>> -> memref<64x128xf32, #tpu.memory_space<vmem>>
      %gather3A_3734 = tpu.vector_load_idx %gather3A_3733[%add3A_3728, %and3A_3643] : memref<64x128xf32, #tpu.memory_space<vmem>>[vector<16xi32>, vector<16xi32>], vector<16xf32>,
      %add3A_3735 = arith.constant 32 : i32
      %add3A_3736 = vector.broadcast %add3A_3735 : i32 to vector<16xi32>
      %add3A_3737 = arith.addi %iota3A_23, %add3A_3736 : vector<16xi32>
      %gather3A_3738 = tpu.vector_load_idx %arg13[%add3A_3737, %max3A_3649] : memref<64x128xf32, #tpu.memory_space<vmem>>[vector<16xi32>, vector<16xi32>], vector<16xf32>,
      %select_n3A_3739 = arith.select %ge3A_3652, %gather3A_3738, %gather3A_3734 : vector<16xi1>, vector<16xf32>
      %mul3A_3740 = arith.mulf %select_n3A_3725, %select_n3A_3739 : vector<16xf32>
      %add3A_3741 = arith.addf %add3A_3711, %mul3A_3740 : vector<16xf32>
      %add3A_3742 = arith.constant 48 : i32
      %add3A_3743 = vector.broadcast %add3A_3742 : i32 to vector<16xi32>
      %add3A_3744 = arith.addi %iota3A_23, %add3A_3743 : vector<16xi32>
      %gather3A_3745 = arith.constant 2 : i32
      %gather3A_3746 = arith.constant 0 : i32
      %gather3A_3747 = arith.constant 0 : i32
      %gather3A_3748 = tpu.memref_slice %arg14[%gather3A_3745, %gather3A_3746, %gather3A_3747] : memref<4x64x128xf32, #tpu.memory_space<vmem>> -> memref<1x64x128xf32, #tpu.memory_space<vmem>>
      %gather3A_3749 = tpu.memref_squeeze %gather3A_3748 : memref<1x64x128xf32, #tpu.memory_space<vmem>> -> memref<64x128xf32, #tpu.memory_space<vmem>>
      %gather3A_3750 = tpu.vector_load_idx %gather3A_3749[%add3A_3744, %and3A_3628] : memref<64x128xf32, #tpu.memory_space<vmem>>[vector<16xi32>, vector<16xi32>], vector<16xf32>,
      %add3A_3751 = arith.constant 48 : i32
      %add3A_3752 = vector.broadcast %add3A_3751 : i32 to vector<16xi32>
      %add3A_3753 = arith.addi %iota3A_23, %add3A_3752 : vector<16xi32>
      %gather3A_3754 = tpu.vector_load_idx %arg12[%add3A_3753, %max3A_3634] : memref<64x128xf32, #tpu.memory_space<vmem>>[vector<16xi32>, vector<16xi32>], vector<16xf32>,
      %select_n3A_3755 = arith.select %ge3A_3637, %gather3A_3754, %gather3A_3750 : vector<16xi1>, vector<16xf32>
      %add3A_3756 = arith.constant 48 : i32
      %add3A_3757 = vector.broadcast %add3A_3756 : i32 to vector<16xi32>
      %add3A_3758 = arith.addi %iota3A_23, %add3A_3757 : vector<16xi32>
      %gather3A_3759 = arith.constant 2 : i32
      %gather3A_3760 = arith.constant 0 : i32
      %gather3A_3761 = arith.constant 0 : i32
      %gather3A_3762 = tpu.memref_slice %arg15[%gather3A_3759, %gather3A_3760, %gather3A_3761] : memref<4x64x128xf32, #tpu.memory_space<vmem>> -> memref<1x64x128xf32, #tpu.memory_space<vmem>>
      %gather3A_3763 = tpu.memref_squeeze %gather3A_3762 : memref<1x64x128xf32, #tpu.memory_space<vmem>> -> memref<64x128xf32, #tpu.memory_space<vmem>>
      %gather3A_3764 = tpu.vector_load_idx %gather3A_3763[%add3A_3758, %and3A_3643] : memref<64x128xf32, #tpu.memory_space<vmem>>[vector<16xi32>, vector<16xi32>], vector<16xf32>,
      %add3A_3765 = arith.constant 48 : i32
      %add3A_3766 = vector.broadcast %add3A_3765 : i32 to vector<16xi32>
      %add3A_3767 = arith.addi %iota3A_23, %add3A_3766 : vector<16xi32>
      %gather3A_3768 = tpu.vector_load_idx %arg13[%add3A_3767, %max3A_3649] : memref<64x128xf32, #tpu.memory_space<vmem>>[vector<16xi32>, vector<16xi32>], vector<16xf32>,
      %select_n3A_3769 = arith.select %ge3A_3652, %gather3A_3768, %gather3A_3764 : vector<16xi1>, vector<16xf32>
      %mul3A_3770 = arith.mulf %select_n3A_3755, %select_n3A_3769 : vector<16xf32>
      %add3A_3771 = arith.addf %add3A_3741, %mul3A_3770 : vector<16xf32>
      %mul3A_3772 = arith.constant 512 : i32
      %mul3A_3773 = vector.broadcast %mul3A_3772 : i32 to vector<16xi32>
      %mul3A_3774 = arith.muli %iota3A_23, %mul3A_3773 : vector<16xi32>
      %add3A_3775 = vector.broadcast %add3A_3622 : i32 to vector<16xi32>
      %add3A_3776 = arith.addi %mul3A_3774, %add3A_3775 : vector<16xi32>
      tpu.vector_store_idx %arg16[%add3A_3776], %add3A_3771 : memref<8192xf32, #tpu.memory_space<vmem>>[vector<16xi32>], vector<16xf32>,
      %add3A_3777 = arith.constant 1 : i32
      %add3A_3778 = arith.addi %add3A_163, %add3A_3777 : i32
      %lt3A_3779 = arith.constant 32 : i32
      %lt3A_3780 = arith.cmpi slt, %add3A_3778, %lt3A_3779 : i32
      %convert_element_type3A_3781 = arith.extui %lt3A_3780 : i1 to i32
      %cond3A_3782 = arith.constant 0 : i32
      %cond3A_3783 = arith.cmpi ne, %convert_element_type3A_3781, %cond3A_3782 : i32
      scf.if %cond3A_3783 {
        %add3A_3986 = arith.constant 1 : i32
        %add3A_3987 = arith.addi %add3A_163, %add3A_3986 : i32
        %mul3A_3988 = arith.constant 16 : i32
        %mul3A_3989 = arith.muli %add3A_3987, %mul3A_3988 : i32
        %get3A_3990 = arith.index_cast %mul3A_3989 : i32 to index
        %get3A_3991 = tpu.vector_load %arg9[%get3A_3990] {strides = array<i32>} : memref<512xi32, #tpu.memory_space<vmem>>, vector<16xi32>,
        %add3A_3992 = arith.constant 1 : i32
        %add3A_3993 = arith.addi %add3A_163, %add3A_3992 : i32
        %mul3A_3994 = arith.constant 16 : i32
        %mul3A_3995 = arith.muli %add3A_3993, %mul3A_3994 : i32
        %get3A_3996 = arith.index_cast %mul3A_3995 : i32 to index
        %get3A_3997 = tpu.vector_load %arg10[%get3A_3996] {strides = array<i32>} : memref<512xi32, #tpu.memory_space<vmem>>, vector<16xi32>,
        %slice3A_3998 = vector.extract_strided_slice %get3A_3991 {offsets = [2], sizes = [1], strides = [1]} : vector<16xi32> to vector<1xi32>
        %squeeze3A_3999 = vector.extract %slice3A_3998[0] : i32 from vector<1xi32>
        %shift_right_arithmetic3A_4000 = arith.constant 7 : i32
        %shift_right_arithmetic3A_4001 = arith.shrsi %squeeze3A_3999, %shift_right_arithmetic3A_4000 : i32
        %min3A_4002 = arith.constant 7811 : i32
        %min3A_4003 = arith.minsi %shift_right_arithmetic3A_4001, %min3A_4002 : i32
        %mul3A_4004 = arith.constant 128 : i32
        %mul3A_4005 = arith.muli %min3A_4003, %mul3A_4004 : i32
        %multiple_of3A_4006 = tpu.assume_multiple %mul3A_4005, 128 : i32
        %slice3A_4007 = vector.extract_strided_slice %get3A_3997 {offsets = [2], sizes = [1], strides = [1]} : vector<16xi32> to vector<1xi32>
        %squeeze3A_4008 = vector.extract %slice3A_4007[0] : i32 from vector<1xi32>
        %shift_right_arithmetic3A_4009 = arith.constant 7 : i32
        %shift_right_arithmetic3A_4010 = arith.shrsi %squeeze3A_4008, %shift_right_arithmetic3A_4009 : i32
        %min3A_4011 = arith.constant 7811 : i32
        %min3A_4012 = arith.minsi %shift_right_arithmetic3A_4010, %min3A_4011 : i32
        %mul3A_4013 = arith.constant 128 : i32
        %mul3A_4014 = arith.muli %min3A_4012, %mul3A_4013 : i32
        %multiple_of3A_4015 = tpu.assume_multiple %mul3A_4014, 128 : i32
        %dma_start3A_4016 = arith.constant 2 : i32
        %dma_start3A_4017 = arith.constant 0 : i32
        %dma_start3A_4018 = arith.constant 0 : i32
        %dma_start3A_4019 = tpu.memref_slice %arg14[%dma_start3A_4016, %dma_start3A_4017, %dma_start3A_4018] : memref<4x64x128xf32, #tpu.memory_space<vmem>> -> memref<1x64x128xf32, #tpu.memory_space<vmem>>
        %dma_start3A_4020 = tpu.memref_squeeze %dma_start3A_4019 : memref<1x64x128xf32, #tpu.memory_space<vmem>> -> memref<64x128xf32, #tpu.memory_space<vmem>>
        %dma_start3A_4021 = arith.constant 0 : i32
        %dma_start3A_4022 = tpu.memref_slice %arg4[%dma_start3A_4021, %multiple_of3A_4006] : memref<64x1000000xf32, #tpu.memory_space<hbm>> -> memref<64x128xf32, #tpu.memory_space<hbm>>
        %dma_start3A_4023 = arith.constant 0 : i32
        %dma_start3A_4024 = arith.constant 0 : i32
        %dma_start3A_4025 = tpu.memref_slice %arg14[%dma_start3A_4016, %dma_start3A_4023, %dma_start3A_4024] : memref<4x64x128xf32, #tpu.memory_space<vmem>> -> memref<1x64x128xf32, #tpu.memory_space<vmem>>
        %dma_start3A_4026 = tpu.memref_squeeze %dma_start3A_4025 : memref<1x64x128xf32, #tpu.memory_space<vmem>> -> memref<64x128xf32, #tpu.memory_space<vmem>>
        %dma_start3A_4027 = arith.constant 0 : i32
        %dma_start3A_4028 = tpu.memref_slice %arg4[%dma_start3A_4027, %multiple_of3A_4006] : memref<64x1000000xf32, #tpu.memory_space<hbm>> -> memref<64x128xf32, #tpu.memory_space<hbm>>
        tpu.enqueue_dma source(%dma_start3A_4028 : memref<64x128xf32, #tpu.memory_space<hbm>>) target(%dma_start3A_4026 : memref<64x128xf32, #tpu.memory_space<vmem>>) target_semaphore(%arg20 : memref<!tpu.dma_semaphore, #tpu.memory_space<semaphore_mem>>)
        %dma_start3A_4029 = arith.constant 2 : i32
        %dma_start3A_4030 = arith.constant 0 : i32
        %dma_start3A_4031 = arith.constant 0 : i32
        %dma_start3A_4032 = tpu.memref_slice %arg15[%dma_start3A_4029, %dma_start3A_4030, %dma_start3A_4031] : memref<4x64x128xf32, #tpu.memory_space<vmem>> -> memref<1x64x128xf32, #tpu.memory_space<vmem>>
        %dma_start3A_4033 = tpu.memref_squeeze %dma_start3A_4032 : memref<1x64x128xf32, #tpu.memory_space<vmem>> -> memref<64x128xf32, #tpu.memory_space<vmem>>
        %dma_start3A_4034 = arith.constant 0 : i32
        %dma_start3A_4035 = tpu.memref_slice %arg5[%dma_start3A_4034, %multiple_of3A_4015] : memref<64x1000000xf32, #tpu.memory_space<hbm>> -> memref<64x128xf32, #tpu.memory_space<hbm>>
        %dma_start3A_4036 = arith.constant 0 : i32
        %dma_start3A_4037 = arith.constant 0 : i32
        %dma_start3A_4038 = tpu.memref_slice %arg15[%dma_start3A_4029, %dma_start3A_4036, %dma_start3A_4037] : memref<4x64x128xf32, #tpu.memory_space<vmem>> -> memref<1x64x128xf32, #tpu.memory_space<vmem>>
        %dma_start3A_4039 = tpu.memref_squeeze %dma_start3A_4038 : memref<1x64x128xf32, #tpu.memory_space<vmem>> -> memref<64x128xf32, #tpu.memory_space<vmem>>
        %dma_start3A_4040 = arith.constant 0 : i32
        %dma_start3A_4041 = tpu.memref_slice %arg5[%dma_start3A_4040, %multiple_of3A_4015] : memref<64x1000000xf32, #tpu.memory_space<hbm>> -> memref<64x128xf32, #tpu.memory_space<hbm>>
        tpu.enqueue_dma source(%dma_start3A_4041 : memref<64x128xf32, #tpu.memory_space<hbm>>) target(%dma_start3A_4039 : memref<64x128xf32, #tpu.memory_space<vmem>>) target_semaphore(%arg20 : memref<!tpu.dma_semaphore, #tpu.memory_space<semaphore_mem>>)
      } else {
      }
      %slice3A_3784 = vector.extract_strided_slice %get3A_167 {offsets = [15], sizes = [1], strides = [1]} : vector<16xi32> to vector<1xi32>
      %squeeze3A_3785 = vector.extract %slice3A_3784[0] : i32 from vector<1xi32>
      %shift_right_arithmetic3A_3786 = arith.constant 7 : i32
      %shift_right_arithmetic3A_3787 = arith.shrsi %squeeze3A_3785, %shift_right_arithmetic3A_3786 : i32
      %min3A_3788 = arith.constant 7811 : i32
      %min3A_3789 = arith.minsi %shift_right_arithmetic3A_3787, %min3A_3788 : i32
      %mul3A_3790 = arith.constant 128 : i32
      %mul3A_3791 = arith.muli %min3A_3789, %mul3A_3790 : i32
      %multiple_of3A_3792 = tpu.assume_multiple %mul3A_3791, 128 : i32
      %slice3A_3793 = vector.extract_strided_slice %get3A_171 {offsets = [15], sizes = [1], strides = [1]} : vector<16xi32> to vector<1xi32>
      %squeeze3A_3794 = vector.extract %slice3A_3793[0] : i32 from vector<1xi32>
      %shift_right_arithmetic3A_3795 = arith.constant 7 : i32
      %shift_right_arithmetic3A_3796 = arith.shrsi %squeeze3A_3794, %shift_right_arithmetic3A_3795 : i32
      %min3A_3797 = arith.constant 7811 : i32
      %min3A_3798 = arith.minsi %shift_right_arithmetic3A_3796, %min3A_3797 : i32
      %mul3A_3799 = arith.constant 128 : i32
      %mul3A_3800 = arith.muli %min3A_3798, %mul3A_3799 : i32
      %multiple_of3A_3801 = tpu.assume_multiple %mul3A_3800, 128 : i32
      %dma_wait3A_3802 = arith.constant 3 : i32
      %dma_wait3A_3803 = arith.constant 0 : i32
      %dma_wait3A_3804 = arith.constant 0 : i32
      %dma_wait3A_3805 = tpu.memref_slice %arg14[%dma_wait3A_3802, %dma_wait3A_3803, %dma_wait3A_3804] : memref<4x64x128xf32, #tpu.memory_space<vmem>> -> memref<1x64x128xf32, #tpu.memory_space<vmem>>
      %dma_wait3A_3806 = tpu.memref_squeeze %dma_wait3A_3805 : memref<1x64x128xf32, #tpu.memory_space<vmem>> -> memref<64x128xf32, #tpu.memory_space<vmem>>
      %dma_wait3A_3807 = arith.constant 0 : i32
      %dma_wait3A_3808 = tpu.memref_slice %arg4[%dma_wait3A_3807, %multiple_of3A_3792] : memref<64x1000000xf32, #tpu.memory_space<hbm>> -> memref<64x128xf32, #tpu.memory_space<hbm>>
      %dma_wait3A_3809 = arith.constant 0 : i32
      %dma_wait3A_3810 = arith.constant 0 : i32
      %dma_wait3A_3811 = tpu.memref_slice %arg14[%dma_wait3A_3802, %dma_wait3A_3809, %dma_wait3A_3810] : memref<4x64x128xf32, #tpu.memory_space<vmem>> -> memref<1x64x128xf32, #tpu.memory_space<vmem>>
      %dma_wait3A_3812 = tpu.memref_squeeze %dma_wait3A_3811 : memref<1x64x128xf32, #tpu.memory_space<vmem>> -> memref<64x128xf32, #tpu.memory_space<vmem>>
      %dma_wait3A_3813 = arith.constant 0 : i32
      %dma_wait3A_3814 = tpu.memref_slice %arg4[%dma_wait3A_3813, %multiple_of3A_3792] : memref<64x1000000xf32, #tpu.memory_space<hbm>> -> memref<64x128xf32, #tpu.memory_space<hbm>>
      tpu.wait_dma2 semaphore(%arg21 : memref<!tpu.dma_semaphore, #tpu.memory_space<semaphore_mem>>) src(%dma_wait3A_3814 : memref<64x128xf32, #tpu.memory_space<hbm>>) dst(%dma_wait3A_3812 : memref<64x128xf32, #tpu.memory_space<vmem>>)
      %dma_wait3A_3815 = arith.constant 3 : i32
      %dma_wait3A_3816 = arith.constant 0 : i32
      %dma_wait3A_3817 = arith.constant 0 : i32
      %dma_wait3A_3818 = tpu.memref_slice %arg15[%dma_wait3A_3815, %dma_wait3A_3816, %dma_wait3A_3817] : memref<4x64x128xf32, #tpu.memory_space<vmem>> -> memref<1x64x128xf32, #tpu.memory_space<vmem>>
      %dma_wait3A_3819 = tpu.memref_squeeze %dma_wait3A_3818 : memref<1x64x128xf32, #tpu.memory_space<vmem>> -> memref<64x128xf32, #tpu.memory_space<vmem>>
      %dma_wait3A_3820 = arith.constant 0 : i32
      %dma_wait3A_3821 = tpu.memref_slice %arg5[%dma_wait3A_3820, %multiple_of3A_3801] : memref<64x1000000xf32, #tpu.memory_space<hbm>> -> memref<64x128xf32, #tpu.memory_space<hbm>>
      %dma_wait3A_3822 = arith.constant 0 : i32
      %dma_wait3A_3823 = arith.constant 0 : i32
      %dma_wait3A_3824 = tpu.memref_slice %arg15[%dma_wait3A_3815, %dma_wait3A_3822, %dma_wait3A_3823] : memref<4x64x128xf32, #tpu.memory_space<vmem>> -> memref<1x64x128xf32, #tpu.memory_space<vmem>>
      %dma_wait3A_3825 = tpu.memref_squeeze %dma_wait3A_3824 : memref<1x64x128xf32, #tpu.memory_space<vmem>> -> memref<64x128xf32, #tpu.memory_space<vmem>>
      %dma_wait3A_3826 = arith.constant 0 : i32
      %dma_wait3A_3827 = tpu.memref_slice %arg5[%dma_wait3A_3826, %multiple_of3A_3801] : memref<64x1000000xf32, #tpu.memory_space<hbm>> -> memref<64x128xf32, #tpu.memory_space<hbm>>
      tpu.wait_dma2 semaphore(%arg21 : memref<!tpu.dma_semaphore, #tpu.memory_space<semaphore_mem>>) src(%dma_wait3A_3827 : memref<64x128xf32, #tpu.memory_space<hbm>>) dst(%dma_wait3A_3825 : memref<64x128xf32, #tpu.memory_space<vmem>>)
      %mul3A_3828 = arith.constant 16 : i32
      %mul3A_3829 = arith.muli %add3A_163, %mul3A_3828 : i32
      %add3A_3830 = arith.constant 15 : i32
      %add3A_3831 = arith.addi %mul3A_3829, %add3A_3830 : i32
      %slice3A_3832 = vector.extract_strided_slice %get3A_167 {offsets = [15], sizes = [1], strides = [1]} : vector<16xi32> to vector<1xi32>
      %squeeze3A_3833 = vector.extract %slice3A_3832[0] : i32 from vector<1xi32>
      %broadcast_in_dim3A_3834 = vector.broadcast %squeeze3A_3833 : i32 to vector<16xi32>
      %and3A_3835 = arith.constant 127 : i32
      %and3A_3836 = vector.broadcast %and3A_3835 : i32 to vector<16xi32>
      %and3A_3837 = arith.andi %broadcast_in_dim3A_3834, %and3A_3836 : vector<16xi32>
      %sub3A_3838 = arith.constant 999936 : i32
      %sub3A_3839 = vector.broadcast %sub3A_3838 : i32 to vector<16xi32>
      %sub3A_3840 = arith.subi %broadcast_in_dim3A_3834, %sub3A_3839 : vector<16xi32>
      %max3A_3841 = arith.constant 0 : i32
      %max3A_3842 = vector.broadcast %max3A_3841 : i32 to vector<16xi32>
      %max3A_3843 = arith.maxsi %sub3A_3840, %max3A_3842 : vector<16xi32>
      %ge3A_3844 = arith.constant 999936 : i32
      %ge3A_3845 = vector.broadcast %ge3A_3844 : i32 to vector<16xi32>
      %ge3A_3846 = arith.cmpi sge, %broadcast_in_dim3A_3834, %ge3A_3845 : vector<16xi32>
      %slice3A_3847 = vector.extract_strided_slice %get3A_171 {offsets = [15], sizes = [1], strides = [1]} : vector<16xi32> to vector<1xi32>
      %squeeze3A_3848 = vector.extract %slice3A_3847[0] : i32 from vector<1xi32>
      %broadcast_in_dim3A_3849 = vector.broadcast %squeeze3A_3848 : i32 to vector<16xi32>
      %and3A_3850 = arith.constant 127 : i32
      %and3A_3851 = vector.broadcast %and3A_3850 : i32 to vector<16xi32>
      %and3A_3852 = arith.andi %broadcast_in_dim3A_3849, %and3A_3851 : vector<16xi32>
      %sub3A_3853 = arith.constant 999936 : i32
      %sub3A_3854 = vector.broadcast %sub3A_3853 : i32 to vector<16xi32>
      %sub3A_3855 = arith.subi %broadcast_in_dim3A_3849, %sub3A_3854 : vector<16xi32>
      %max3A_3856 = arith.constant 0 : i32
      %max3A_3857 = vector.broadcast %max3A_3856 : i32 to vector<16xi32>
      %max3A_3858 = arith.maxsi %sub3A_3855, %max3A_3857 : vector<16xi32>
      %ge3A_3859 = arith.constant 999936 : i32
      %ge3A_3860 = vector.broadcast %ge3A_3859 : i32 to vector<16xi32>
      %ge3A_3861 = arith.cmpi sge, %broadcast_in_dim3A_3849, %ge3A_3860 : vector<16xi32>
      %add3A_3862 = arith.constant 0 : i32
      %add3A_3863 = vector.broadcast %add3A_3862 : i32 to vector<16xi32>
      %add3A_3864 = arith.addi %iota3A_23, %add3A_3863 : vector<16xi32>
      %gather3A_3865 = arith.constant 3 : i32
      %gather3A_3866 = arith.constant 0 : i32
      %gather3A_3867 = arith.constant 0 : i32
      %gather3A_3868 = tpu.memref_slice %arg14[%gather3A_3865, %gather3A_3866, %gather3A_3867] : memref<4x64x128xf32, #tpu.memory_space<vmem>> -> memref<1x64x128xf32, #tpu.memory_space<vmem>>
      %gather3A_3869 = tpu.memref_squeeze %gather3A_3868 : memref<1x64x128xf32, #tpu.memory_space<vmem>> -> memref<64x128xf32, #tpu.memory_space<vmem>>
      %gather3A_3870 = tpu.vector_load_idx %gather3A_3869[%add3A_3864, %and3A_3837] : memref<64x128xf32, #tpu.memory_space<vmem>>[vector<16xi32>, vector<16xi32>], vector<16xf32>,
      %add3A_3871 = arith.constant 0 : i32
      %add3A_3872 = vector.broadcast %add3A_3871 : i32 to vector<16xi32>
      %add3A_3873 = arith.addi %iota3A_23, %add3A_3872 : vector<16xi32>
      %gather3A_3874 = tpu.vector_load_idx %arg12[%add3A_3873, %max3A_3843] : memref<64x128xf32, #tpu.memory_space<vmem>>[vector<16xi32>, vector<16xi32>], vector<16xf32>,
      %select_n3A_3875 = arith.select %ge3A_3846, %gather3A_3874, %gather3A_3870 : vector<16xi1>, vector<16xf32>
      %add3A_3876 = arith.constant 0 : i32
      %add3A_3877 = vector.broadcast %add3A_3876 : i32 to vector<16xi32>
      %add3A_3878 = arith.addi %iota3A_23, %add3A_3877 : vector<16xi32>
      %gather3A_3879 = arith.constant 3 : i32
      %gather3A_3880 = arith.constant 0 : i32
      %gather3A_3881 = arith.constant 0 : i32
      %gather3A_3882 = tpu.memref_slice %arg15[%gather3A_3879, %gather3A_3880, %gather3A_3881] : memref<4x64x128xf32, #tpu.memory_space<vmem>> -> memref<1x64x128xf32, #tpu.memory_space<vmem>>
      %gather3A_3883 = tpu.memref_squeeze %gather3A_3882 : memref<1x64x128xf32, #tpu.memory_space<vmem>> -> memref<64x128xf32, #tpu.memory_space<vmem>>
      %gather3A_3884 = tpu.vector_load_idx %gather3A_3883[%add3A_3878, %and3A_3852] : memref<64x128xf32, #tpu.memory_space<vmem>>[vector<16xi32>, vector<16xi32>], vector<16xf32>,
      %add3A_3885 = arith.constant 0 : i32
      %add3A_3886 = vector.broadcast %add3A_3885 : i32 to vector<16xi32>
      %add3A_3887 = arith.addi %iota3A_23, %add3A_3886 : vector<16xi32>
      %gather3A_3888 = tpu.vector_load_idx %arg13[%add3A_3887, %max3A_3858] : memref<64x128xf32, #tpu.memory_space<vmem>>[vector<16xi32>, vector<16xi32>], vector<16xf32>,
      %select_n3A_3889 = arith.select %ge3A_3861, %gather3A_3888, %gather3A_3884 : vector<16xi1>, vector<16xf32>
      %mul3A_3890 = arith.mulf %select_n3A_3875, %select_n3A_3889 : vector<16xf32>
      %add3A_3891 = arith.constant 16 : i32
      %add3A_3892 = vector.broadcast %add3A_3891 : i32 to vector<16xi32>
      %add3A_3893 = arith.addi %iota3A_23, %add3A_3892 : vector<16xi32>
      %gather3A_3894 = arith.constant 3 : i32
      %gather3A_3895 = arith.constant 0 : i32
      %gather3A_3896 = arith.constant 0 : i32
      %gather3A_3897 = tpu.memref_slice %arg14[%gather3A_3894, %gather3A_3895, %gather3A_3896] : memref<4x64x128xf32, #tpu.memory_space<vmem>> -> memref<1x64x128xf32, #tpu.memory_space<vmem>>
      %gather3A_3898 = tpu.memref_squeeze %gather3A_3897 : memref<1x64x128xf32, #tpu.memory_space<vmem>> -> memref<64x128xf32, #tpu.memory_space<vmem>>
      %gather3A_3899 = tpu.vector_load_idx %gather3A_3898[%add3A_3893, %and3A_3837] : memref<64x128xf32, #tpu.memory_space<vmem>>[vector<16xi32>, vector<16xi32>], vector<16xf32>,
      %add3A_3900 = arith.constant 16 : i32
      %add3A_3901 = vector.broadcast %add3A_3900 : i32 to vector<16xi32>
      %add3A_3902 = arith.addi %iota3A_23, %add3A_3901 : vector<16xi32>
      %gather3A_3903 = tpu.vector_load_idx %arg12[%add3A_3902, %max3A_3843] : memref<64x128xf32, #tpu.memory_space<vmem>>[vector<16xi32>, vector<16xi32>], vector<16xf32>,
      %select_n3A_3904 = arith.select %ge3A_3846, %gather3A_3903, %gather3A_3899 : vector<16xi1>, vector<16xf32>
      %add3A_3905 = arith.constant 16 : i32
      %add3A_3906 = vector.broadcast %add3A_3905 : i32 to vector<16xi32>
      %add3A_3907 = arith.addi %iota3A_23, %add3A_3906 : vector<16xi32>
      %gather3A_3908 = arith.constant 3 : i32
      %gather3A_3909 = arith.constant 0 : i32
      %gather3A_3910 = arith.constant 0 : i32
      %gather3A_3911 = tpu.memref_slice %arg15[%gather3A_3908, %gather3A_3909, %gather3A_3910] : memref<4x64x128xf32, #tpu.memory_space<vmem>> -> memref<1x64x128xf32, #tpu.memory_space<vmem>>
      %gather3A_3912 = tpu.memref_squeeze %gather3A_3911 : memref<1x64x128xf32, #tpu.memory_space<vmem>> -> memref<64x128xf32, #tpu.memory_space<vmem>>
      %gather3A_3913 = tpu.vector_load_idx %gather3A_3912[%add3A_3907, %and3A_3852] : memref<64x128xf32, #tpu.memory_space<vmem>>[vector<16xi32>, vector<16xi32>], vector<16xf32>,
      %add3A_3914 = arith.constant 16 : i32
      %add3A_3915 = vector.broadcast %add3A_3914 : i32 to vector<16xi32>
      %add3A_3916 = arith.addi %iota3A_23, %add3A_3915 : vector<16xi32>
      %gather3A_3917 = tpu.vector_load_idx %arg13[%add3A_3916, %max3A_3858] : memref<64x128xf32, #tpu.memory_space<vmem>>[vector<16xi32>, vector<16xi32>], vector<16xf32>,
      %select_n3A_3918 = arith.select %ge3A_3861, %gather3A_3917, %gather3A_3913 : vector<16xi1>, vector<16xf32>
      %mul3A_3919 = arith.mulf %select_n3A_3904, %select_n3A_3918 : vector<16xf32>
      %add3A_3920 = arith.addf %mul3A_3890, %mul3A_3919 : vector<16xf32>
      %add3A_3921 = arith.constant 32 : i32
      %add3A_3922 = vector.broadcast %add3A_3921 : i32 to vector<16xi32>
      %add3A_3923 = arith.addi %iota3A_23, %add3A_3922 : vector<16xi32>
      %gather3A_3924 = arith.constant 3 : i32
      %gather3A_3925 = arith.constant 0 : i32
      %gather3A_3926 = arith.constant 0 : i32
      %gather3A_3927 = tpu.memref_slice %arg14[%gather3A_3924, %gather3A_3925, %gather3A_3926] : memref<4x64x128xf32, #tpu.memory_space<vmem>> -> memref<1x64x128xf32, #tpu.memory_space<vmem>>
      %gather3A_3928 = tpu.memref_squeeze %gather3A_3927 : memref<1x64x128xf32, #tpu.memory_space<vmem>> -> memref<64x128xf32, #tpu.memory_space<vmem>>
      %gather3A_3929 = tpu.vector_load_idx %gather3A_3928[%add3A_3923, %and3A_3837] : memref<64x128xf32, #tpu.memory_space<vmem>>[vector<16xi32>, vector<16xi32>], vector<16xf32>,
      %add3A_3930 = arith.constant 32 : i32
      %add3A_3931 = vector.broadcast %add3A_3930 : i32 to vector<16xi32>
      %add3A_3932 = arith.addi %iota3A_23, %add3A_3931 : vector<16xi32>
      %gather3A_3933 = tpu.vector_load_idx %arg12[%add3A_3932, %max3A_3843] : memref<64x128xf32, #tpu.memory_space<vmem>>[vector<16xi32>, vector<16xi32>], vector<16xf32>,
      %select_n3A_3934 = arith.select %ge3A_3846, %gather3A_3933, %gather3A_3929 : vector<16xi1>, vector<16xf32>
      %add3A_3935 = arith.constant 32 : i32
      %add3A_3936 = vector.broadcast %add3A_3935 : i32 to vector<16xi32>
      %add3A_3937 = arith.addi %iota3A_23, %add3A_3936 : vector<16xi32>
      %gather3A_3938 = arith.constant 3 : i32
      %gather3A_3939 = arith.constant 0 : i32
      %gather3A_3940 = arith.constant 0 : i32
      %gather3A_3941 = tpu.memref_slice %arg15[%gather3A_3938, %gather3A_3939, %gather3A_3940] : memref<4x64x128xf32, #tpu.memory_space<vmem>> -> memref<1x64x128xf32, #tpu.memory_space<vmem>>
      %gather3A_3942 = tpu.memref_squeeze %gather3A_3941 : memref<1x64x128xf32, #tpu.memory_space<vmem>> -> memref<64x128xf32, #tpu.memory_space<vmem>>
      %gather3A_3943 = tpu.vector_load_idx %gather3A_3942[%add3A_3937, %and3A_3852] : memref<64x128xf32, #tpu.memory_space<vmem>>[vector<16xi32>, vector<16xi32>], vector<16xf32>,
      %add3A_3944 = arith.constant 32 : i32
      %add3A_3945 = vector.broadcast %add3A_3944 : i32 to vector<16xi32>
      %add3A_3946 = arith.addi %iota3A_23, %add3A_3945 : vector<16xi32>
      %gather3A_3947 = tpu.vector_load_idx %arg13[%add3A_3946, %max3A_3858] : memref<64x128xf32, #tpu.memory_space<vmem>>[vector<16xi32>, vector<16xi32>], vector<16xf32>,
      %select_n3A_3948 = arith.select %ge3A_3861, %gather3A_3947, %gather3A_3943 : vector<16xi1>, vector<16xf32>
      %mul3A_3949 = arith.mulf %select_n3A_3934, %select_n3A_3948 : vector<16xf32>
      %add3A_3950 = arith.addf %add3A_3920, %mul3A_3949 : vector<16xf32>
      %add3A_3951 = arith.constant 48 : i32
      %add3A_3952 = vector.broadcast %add3A_3951 : i32 to vector<16xi32>
      %add3A_3953 = arith.addi %iota3A_23, %add3A_3952 : vector<16xi32>
      %gather3A_3954 = arith.constant 3 : i32
      %gather3A_3955 = arith.constant 0 : i32
      %gather3A_3956 = arith.constant 0 : i32
      %gather3A_3957 = tpu.memref_slice %arg14[%gather3A_3954, %gather3A_3955, %gather3A_3956] : memref<4x64x128xf32, #tpu.memory_space<vmem>> -> memref<1x64x128xf32, #tpu.memory_space<vmem>>
      %gather3A_3958 = tpu.memref_squeeze %gather3A_3957 : memref<1x64x128xf32, #tpu.memory_space<vmem>> -> memref<64x128xf32, #tpu.memory_space<vmem>>
      %gather3A_3959 = tpu.vector_load_idx %gather3A_3958[%add3A_3953, %and3A_3837] : memref<64x128xf32, #tpu.memory_space<vmem>>[vector<16xi32>, vector<16xi32>], vector<16xf32>,
      %add3A_3960 = arith.constant 48 : i32
      %add3A_3961 = vector.broadcast %add3A_3960 : i32 to vector<16xi32>
      %add3A_3962 = arith.addi %iota3A_23, %add3A_3961 : vector<16xi32>
      %gather3A_3963 = tpu.vector_load_idx %arg12[%add3A_3962, %max3A_3843] : memref<64x128xf32, #tpu.memory_space<vmem>>[vector<16xi32>, vector<16xi32>], vector<16xf32>,
      %select_n3A_3964 = arith.select %ge3A_3846, %gather3A_3963, %gather3A_3959 : vector<16xi1>, vector<16xf32>
      %add3A_3965 = arith.constant 48 : i32
      %add3A_3966 = vector.broadcast %add3A_3965 : i32 to vector<16xi32>
      %add3A_3967 = arith.addi %iota3A_23, %add3A_3966 : vector<16xi32>
      %gather3A_3968 = arith.constant 3 : i32
      %gather3A_3969 = arith.constant 0 : i32
      %gather3A_3970 = arith.constant 0 : i32
      %gather3A_3971 = tpu.memref_slice %arg15[%gather3A_3968, %gather3A_3969, %gather3A_3970] : memref<4x64x128xf32, #tpu.memory_space<vmem>> -> memref<1x64x128xf32, #tpu.memory_space<vmem>>
      %gather3A_3972 = tpu.memref_squeeze %gather3A_3971 : memref<1x64x128xf32, #tpu.memory_space<vmem>> -> memref<64x128xf32, #tpu.memory_space<vmem>>
      %gather3A_3973 = tpu.vector_load_idx %gather3A_3972[%add3A_3967, %and3A_3852] : memref<64x128xf32, #tpu.memory_space<vmem>>[vector<16xi32>, vector<16xi32>], vector<16xf32>,
      %add3A_3974 = arith.constant 48 : i32
      %add3A_3975 = vector.broadcast %add3A_3974 : i32 to vector<16xi32>
      %add3A_3976 = arith.addi %iota3A_23, %add3A_3975 : vector<16xi32>
      %gather3A_3977 = tpu.vector_load_idx %arg13[%add3A_3976, %max3A_3858] : memref<64x128xf32, #tpu.memory_space<vmem>>[vector<16xi32>, vector<16xi32>], vector<16xf32>,
      %select_n3A_3978 = arith.select %ge3A_3861, %gather3A_3977, %gather3A_3973 : vector<16xi1>, vector<16xf32>
      %mul3A_3979 = arith.mulf %select_n3A_3964, %select_n3A_3978 : vector<16xf32>
      %add3A_3980 = arith.addf %add3A_3950, %mul3A_3979 : vector<16xf32>
      %mul3A_3981 = arith.constant 512 : i32
      %mul3A_3982 = vector.broadcast %mul3A_3981 : i32 to vector<16xi32>
      %mul3A_3983 = arith.muli %iota3A_23, %mul3A_3982 : vector<16xi32>
      %add3A_3984 = vector.broadcast %add3A_3831 : i32 to vector<16xi32>
      %add3A_3985 = arith.addi %mul3A_3983, %add3A_3984 : vector<16xi32>
      tpu.vector_store_idx %arg16[%add3A_3985], %add3A_3980 : memref<8192xf32, #tpu.memory_space<vmem>>[vector<16xi32>], vector<16xf32>,
    }
    %scan3A_156 = arith.constant 32 : i32
    %parallel_loop3A = arith.constant 0 : i32
    %parallel_loop3A_157 = arith.constant 32 : i32
    %parallel_loop3A_158 = arith.constant 1 : i32
    scf.for %parallel_loop3A_159 = %parallel_loop3A to %parallel_loop3A_157 step %parallel_loop3A_158  : i32 {
      %parallel_loop3A_160 = arith.constant 16 : i32
      %parallel_loop3A_161 = arith.muli %parallel_loop3A_159, %parallel_loop3A_160 : i32
      %parallel_loop3A_162 = arith.index_cast %parallel_loop3A_161 : i32 to index
      %parallel_loop3A_163 = tpu.vector_load %arg16[%parallel_loop3A_162] {strides = array<i32>} : memref<8192xf32, #tpu.memory_space<vmem>>, vector<16xf32>,
      %parallel_loop3A_164 = arith.constant 16 : i32
      %parallel_loop3A_165 = arith.muli %parallel_loop3A_159, %parallel_loop3A_164 : i32
      %parallel_loop3A_166 = arith.constant 512 : i32
      %parallel_loop3A_167 = arith.addi %parallel_loop3A_166, %parallel_loop3A_165 : i32
      %parallel_loop3A_168 = arith.index_cast %parallel_loop3A_167 : i32 to index
      %parallel_loop3A_169 = tpu.vector_load %arg16[%parallel_loop3A_168] {strides = array<i32>} : memref<8192xf32, #tpu.memory_space<vmem>>, vector<16xf32>,
      %parallel_loop3A_170 = arith.addf %parallel_loop3A_163, %parallel_loop3A_169 : vector<16xf32>
      %parallel_loop3A_171 = arith.constant 16 : i32
      %parallel_loop3A_172 = arith.muli %parallel_loop3A_159, %parallel_loop3A_171 : i32
      %parallel_loop3A_173 = arith.constant 1024 : i32
      %parallel_loop3A_174 = arith.addi %parallel_loop3A_173, %parallel_loop3A_172 : i32
      %parallel_loop3A_175 = arith.index_cast %parallel_loop3A_174 : i32 to index
      %parallel_loop3A_176 = tpu.vector_load %arg16[%parallel_loop3A_175] {strides = array<i32>} : memref<8192xf32, #tpu.memory_space<vmem>>, vector<16xf32>,
      %parallel_loop3A_177 = arith.addf %parallel_loop3A_170, %parallel_loop3A_176 : vector<16xf32>
      %parallel_loop3A_178 = arith.constant 16 : i32
      %parallel_loop3A_179 = arith.muli %parallel_loop3A_159, %parallel_loop3A_178 : i32
      %parallel_loop3A_180 = arith.constant 1536 : i32
      %parallel_loop3A_181 = arith.addi %parallel_loop3A_180, %parallel_loop3A_179 : i32
      %parallel_loop3A_182 = arith.index_cast %parallel_loop3A_181 : i32 to index
      %parallel_loop3A_183 = tpu.vector_load %arg16[%parallel_loop3A_182] {strides = array<i32>} : memref<8192xf32, #tpu.memory_space<vmem>>, vector<16xf32>,
      %parallel_loop3A_184 = arith.addf %parallel_loop3A_177, %parallel_loop3A_183 : vector<16xf32>
      %parallel_loop3A_185 = arith.constant 16 : i32
      %parallel_loop3A_186 = arith.muli %parallel_loop3A_159, %parallel_loop3A_185 : i32
      %parallel_loop3A_187 = arith.constant 2048 : i32
      %parallel_loop3A_188 = arith.addi %parallel_loop3A_187, %parallel_loop3A_186 : i32
      %parallel_loop3A_189 = arith.index_cast %parallel_loop3A_188 : i32 to index
      %parallel_loop3A_190 = tpu.vector_load %arg16[%parallel_loop3A_189] {strides = array<i32>} : memref<8192xf32, #tpu.memory_space<vmem>>, vector<16xf32>,
      %parallel_loop3A_191 = arith.addf %parallel_loop3A_184, %parallel_loop3A_190 : vector<16xf32>
      %parallel_loop3A_192 = arith.constant 16 : i32
      %parallel_loop3A_193 = arith.muli %parallel_loop3A_159, %parallel_loop3A_192 : i32
      %parallel_loop3A_194 = arith.constant 2560 : i32
      %parallel_loop3A_195 = arith.addi %parallel_loop3A_194, %parallel_loop3A_193 : i32
      %parallel_loop3A_196 = arith.index_cast %parallel_loop3A_195 : i32 to index
      %parallel_loop3A_197 = tpu.vector_load %arg16[%parallel_loop3A_196] {strides = array<i32>} : memref<8192xf32, #tpu.memory_space<vmem>>, vector<16xf32>,
      %parallel_loop3A_198 = arith.addf %parallel_loop3A_191, %parallel_loop3A_197 : vector<16xf32>
      %parallel_loop3A_199 = arith.constant 16 : i32
      %parallel_loop3A_200 = arith.muli %parallel_loop3A_159, %parallel_loop3A_199 : i32
      %parallel_loop3A_201 = arith.constant 3072 : i32
      %parallel_loop3A_202 = arith.addi %parallel_loop3A_201, %parallel_loop3A_200 : i32
      %parallel_loop3A_203 = arith.index_cast %parallel_loop3A_202 : i32 to index
      %parallel_loop3A_204 = tpu.vector_load %arg16[%parallel_loop3A_203] {strides = array<i32>} : memref<8192xf32, #tpu.memory_space<vmem>>, vector<16xf32>,
      %parallel_loop3A_205 = arith.addf %parallel_loop3A_198, %parallel_loop3A_204 : vector<16xf32>
      %parallel_loop3A_206 = arith.constant 16 : i32
      %parallel_loop3A_207 = arith.muli %parallel_loop3A_159, %parallel_loop3A_206 : i32
      %parallel_loop3A_208 = arith.constant 3584 : i32
      %parallel_loop3A_209 = arith.addi %parallel_loop3A_208, %parallel_loop3A_207 : i32
      %parallel_loop3A_210 = arith.index_cast %parallel_loop3A_209 : i32 to index
      %parallel_loop3A_211 = tpu.vector_load %arg16[%parallel_loop3A_210] {strides = array<i32>} : memref<8192xf32, #tpu.memory_space<vmem>>, vector<16xf32>,
      %parallel_loop3A_212 = arith.addf %parallel_loop3A_205, %parallel_loop3A_211 : vector<16xf32>
      %parallel_loop3A_213 = arith.constant 16 : i32
      %parallel_loop3A_214 = arith.muli %parallel_loop3A_159, %parallel_loop3A_213 : i32
      %parallel_loop3A_215 = arith.constant 4096 : i32
      %parallel_loop3A_216 = arith.addi %parallel_loop3A_215, %parallel_loop3A_214 : i32
      %parallel_loop3A_217 = arith.index_cast %parallel_loop3A_216 : i32 to index
      %parallel_loop3A_218 = tpu.vector_load %arg16[%parallel_loop3A_217] {strides = array<i32>} : memref<8192xf32, #tpu.memory_space<vmem>>, vector<16xf32>,
      %parallel_loop3A_219 = arith.addf %parallel_loop3A_212, %parallel_loop3A_218 : vector<16xf32>
      %parallel_loop3A_220 = arith.constant 16 : i32
      %parallel_loop3A_221 = arith.muli %parallel_loop3A_159, %parallel_loop3A_220 : i32
      %parallel_loop3A_222 = arith.constant 4608 : i32
      %parallel_loop3A_223 = arith.addi %parallel_loop3A_222, %parallel_loop3A_221 : i32
      %parallel_loop3A_224 = arith.index_cast %parallel_loop3A_223 : i32 to index
      %parallel_loop3A_225 = tpu.vector_load %arg16[%parallel_loop3A_224] {strides = array<i32>} : memref<8192xf32, #tpu.memory_space<vmem>>, vector<16xf32>,
      %parallel_loop3A_226 = arith.addf %parallel_loop3A_219, %parallel_loop3A_225 : vector<16xf32>
      %parallel_loop3A_227 = arith.constant 16 : i32
      %parallel_loop3A_228 = arith.muli %parallel_loop3A_159, %parallel_loop3A_227 : i32
      %parallel_loop3A_229 = arith.constant 5120 : i32
      %parallel_loop3A_230 = arith.addi %parallel_loop3A_229, %parallel_loop3A_228 : i32
      %parallel_loop3A_231 = arith.index_cast %parallel_loop3A_230 : i32 to index
      %parallel_loop3A_232 = tpu.vector_load %arg16[%parallel_loop3A_231] {strides = array<i32>} : memref<8192xf32, #tpu.memory_space<vmem>>, vector<16xf32>,
      %parallel_loop3A_233 = arith.addf %parallel_loop3A_226, %parallel_loop3A_232 : vector<16xf32>
      %parallel_loop3A_234 = arith.constant 16 : i32
      %parallel_loop3A_235 = arith.muli %parallel_loop3A_159, %parallel_loop3A_234 : i32
      %parallel_loop3A_236 = arith.constant 5632 : i32
      %parallel_loop3A_237 = arith.addi %parallel_loop3A_236, %parallel_loop3A_235 : i32
      %parallel_loop3A_238 = arith.index_cast %parallel_loop3A_237 : i32 to index
      %parallel_loop3A_239 = tpu.vector_load %arg16[%parallel_loop3A_238] {strides = array<i32>} : memref<8192xf32, #tpu.memory_space<vmem>>, vector<16xf32>,
      %parallel_loop3A_240 = arith.addf %parallel_loop3A_233, %parallel_loop3A_239 : vector<16xf32>
      %parallel_loop3A_241 = arith.constant 16 : i32
      %parallel_loop3A_242 = arith.muli %parallel_loop3A_159, %parallel_loop3A_241 : i32
      %parallel_loop3A_243 = arith.constant 6144 : i32
      %parallel_loop3A_244 = arith.addi %parallel_loop3A_243, %parallel_loop3A_242 : i32
      %parallel_loop3A_245 = arith.index_cast %parallel_loop3A_244 : i32 to index
      %parallel_loop3A_246 = tpu.vector_load %arg16[%parallel_loop3A_245] {strides = array<i32>} : memref<8192xf32, #tpu.memory_space<vmem>>, vector<16xf32>,
      %parallel_loop3A_247 = arith.addf %parallel_loop3A_240, %parallel_loop3A_246 : vector<16xf32>
      %parallel_loop3A_248 = arith.constant 16 : i32
      %parallel_loop3A_249 = arith.muli %parallel_loop3A_159, %parallel_loop3A_248 : i32
      %parallel_loop3A_250 = arith.constant 6656 : i32
      %parallel_loop3A_251 = arith.addi %parallel_loop3A_250, %parallel_loop3A_249 : i32
      %parallel_loop3A_252 = arith.index_cast %parallel_loop3A_251 : i32 to index
      %parallel_loop3A_253 = tpu.vector_load %arg16[%parallel_loop3A_252] {strides = array<i32>} : memref<8192xf32, #tpu.memory_space<vmem>>, vector<16xf32>,
      %parallel_loop3A_254 = arith.addf %parallel_loop3A_247, %parallel_loop3A_253 : vector<16xf32>
      %parallel_loop3A_255 = arith.constant 16 : i32
      %parallel_loop3A_256 = arith.muli %parallel_loop3A_159, %parallel_loop3A_255 : i32
      %parallel_loop3A_257 = arith.constant 7168 : i32
      %parallel_loop3A_258 = arith.addi %parallel_loop3A_257, %parallel_loop3A_256 : i32
      %parallel_loop3A_259 = arith.index_cast %parallel_loop3A_258 : i32 to index
      %parallel_loop3A_260 = tpu.vector_load %arg16[%parallel_loop3A_259] {strides = array<i32>} : memref<8192xf32, #tpu.memory_space<vmem>>, vector<16xf32>,
      %parallel_loop3A_261 = arith.addf %parallel_loop3A_254, %parallel_loop3A_260 : vector<16xf32>
      %parallel_loop3A_262 = arith.constant 16 : i32
      %parallel_loop3A_263 = arith.muli %parallel_loop3A_159, %parallel_loop3A_262 : i32
      %parallel_loop3A_264 = arith.constant 7680 : i32
      %parallel_loop3A_265 = arith.addi %parallel_loop3A_264, %parallel_loop3A_263 : i32
      %parallel_loop3A_266 = arith.index_cast %parallel_loop3A_265 : i32 to index
      %parallel_loop3A_267 = tpu.vector_load %arg16[%parallel_loop3A_266] {strides = array<i32>} : memref<8192xf32, #tpu.memory_space<vmem>>, vector<16xf32>,
      %parallel_loop3A_268 = arith.addf %parallel_loop3A_261, %parallel_loop3A_267 : vector<16xf32>
      %parallel_loop3A_269 = arith.constant 16 : i32
      %parallel_loop3A_270 = arith.muli %parallel_loop3A_159, %parallel_loop3A_269 : i32
      %parallel_loop3A_271 = arith.index_cast %parallel_loop3A_270 : i32 to index
      %parallel_loop3A_272 = tpu.vector_load %arg17[%parallel_loop3A_271] {strides = array<i32>} : memref<512xf32, #tpu.memory_space<vmem>>, vector<16xf32>,
      tpu.vector_store %arg17[%parallel_loop3A_271], %parallel_loop3A_268 {strides = array<i32>} : memref<512xf32, #tpu.memory_space<vmem>>, vector<16xf32>,
    } {sc.loop_unroll_factor = 2 : i64, sc.parallel_access}
    "tpu.region"() ({
      %run_scoped3A = tpu.sem_alloc : memref<!tpu.dma_semaphore, #tpu.memory_space<semaphore_mem>>
      %dma_start3A_159 = arith.constant 0 : i32
      %dma_start3A_160 = tpu.memref_slice %arg8[%add3A, %dma_start3A_159] : memref<32x512xf32, #tpu.memory_space<hbm>> -> memref<1x512xf32, #tpu.memory_space<hbm>>
      %dma_start3A_161 = tpu.memref_squeeze %dma_start3A_160 : memref<1x512xf32, #tpu.memory_space<hbm>> -> memref<512xf32, #tpu.memory_space<hbm>>
      %dma_start3A_162 = arith.constant 0 : i32
      %dma_start3A_163 = tpu.memref_slice %arg8[%add3A, %dma_start3A_162] : memref<32x512xf32, #tpu.memory_space<hbm>> -> memref<1x512xf32, #tpu.memory_space<hbm>>
      %dma_start3A_164 = tpu.memref_squeeze %dma_start3A_163 : memref<1x512xf32, #tpu.memory_space<hbm>> -> memref<512xf32, #tpu.memory_space<hbm>>
      tpu.enqueue_dma source(%arg17 : memref<512xf32, #tpu.memory_space<vmem>>) target(%dma_start3A_164 : memref<512xf32, #tpu.memory_space<hbm>>) target_semaphore(%run_scoped3A : memref<!tpu.dma_semaphore, #tpu.memory_space<semaphore_mem>>)
      %dma_wait3A = arith.constant 0 : i32
      %dma_wait3A_165 = tpu.memref_slice %arg8[%add3A, %dma_wait3A] : memref<32x512xf32, #tpu.memory_space<hbm>> -> memref<1x512xf32, #tpu.memory_space<hbm>>
      %dma_wait3A_166 = tpu.memref_squeeze %dma_wait3A_165 : memref<1x512xf32, #tpu.memory_space<hbm>> -> memref<512xf32, #tpu.memory_space<hbm>>
      %dma_wait3A_167 = arith.constant 0 : i32
      %dma_wait3A_168 = tpu.memref_slice %arg8[%add3A, %dma_wait3A_167] : memref<32x512xf32, #tpu.memory_space<hbm>> -> memref<1x512xf32, #tpu.memory_space<hbm>>
      %dma_wait3A_169 = tpu.memref_squeeze %dma_wait3A_168 : memref<1x512xf32, #tpu.memory_space<hbm>> -> memref<512xf32, #tpu.memory_space<hbm>>
      tpu.wait_dma2 semaphore(%run_scoped3A : memref<!tpu.dma_semaphore, #tpu.memory_space<semaphore_mem>>) src(%arg17 : memref<512xf32, #tpu.memory_space<vmem>>) dst(%dma_wait3A_169 : memref<512xf32, #tpu.memory_space<hbm>>)
      tpu.yield
    }) : () -> ()
    return
  }
}

</mosaic_0001>

<sc_bundles>
// kernel: kernel.3.cloned.1.call-start
scs
__scs_entry_jumppad:
0x0: {  	(pc) =	sbr.rel $0x88, $3  }
0x1: {  	(tag) =	ssettag $0x0;
	lr =	simm.s32 $0x1  }
0x2: {  	[smem:$0x3F9D] =	sst lr;
	_ =	strace $0xD0000000  }
0x3: {  	_ = 	snop  }
0x4: {  	_ = 	snop  }
0x5: {  	_ = 	snop  }
0x6: {  	_ = 	snop  }
0x7: {  	_ = 	snop  }
__scs_overlays_trampoline_lowered:
0x8: {  	[smem:$0x3FAC] =	sst s0  }
0x9: {  	[smem:$0x3FAD] =	sst s1  }
0xa: {  	[smem:$0x3FAE] =	sst s2  }
0xb: {  	[smem:$0x3FAF] =	sst s3  }
0xc: {  	[smem:$0x3FB0] =	sst s4  }
0xd: {  	[smem:$0x3FB1] =	sst s5  }
0xe: {  	[smem:$0x3FB2] =	sst s6  }
0xf: {  	[smem:$0x3FB3] =	sst s7  }
0x10: {  	[smem:$0x3FB4] =	sst s8  }
0x11: {  	[smem:$0x3FB5] =	sst s9;
	s0 =	simm.s32 @!p0 $0x0  }
0x12: {  	s1 =	sld [smem:$0x3F9B];
	s0 =	simm.s32 @p0 $0x1  }
0x13: {  	[smem:$0x3FB6] =	sst s0;
	s0 =	simm.s32 @!p1 $0x0  }
0x14: {  	s2 =	sld [smem:$0x3F9A];
	s0 =	simm.s32 @p1 $0x1  }
0x15: {  	[smem:$0x3FB7] =	sst s0;
	s0 =	simm.s32 @!p2 $0x0  }
0x16: {  	s3 =	sld [smem:$0x3FDB];
	s0 =	simm.s32 @p2 $0x1  }
0x17: {  	s4 =	simm.s32 $0x1BF5;
	[smem:$0x3FB9] =	sst s0  }
0x18: {  	s0 =	sld [smem:$0x3F9C];
	_ =	swait.ge [sflag:s4], $0x0  }
0x19: {  	s7 =	sld [smem:$0x3F9D]  }
0x1a: {  	s8 =	sadd.s32 $0xFFFFE003, lr  }
0x1b: {  	s9 =	sadd.s32 $0xFFFFFEF7, lr;
	s5 =	simm.s32 $0xFFFFFFFF;
	p2 =	slt.u32 s8, $0xFFFFF086  }
0x1c: {  	p1 =	slt.u32 s9, $0xF7A;
	s5 =	simm.s32 @!p2 $0x0  }
0x1d: {  	s5 =	simm.s32 @p1 $0x1;
	p0 =	seq.s32 s7, s2  }
0x1e: {  	s7 =	smul.u32 @!p0 $0xF7A, s2;
	p2 =	seq.s32 @!p0 s5, $0x0  }
0x1f: {  	s9 =	smul.u32 $0xF7A, s1;
	s8 =	simm.s32 @!p0 $0x1BF5;
	p2 =	por !p2, p0  }
0x20: {  	[sflag:s8] =	ssyncset.s32 @!p0 $0xFFFFF086;
	s6 =	sadd.s32 @!p0 s3, s7;
	s7 =	simm.s32 @!p0 $0x108  }
0x21: {  	s3 =	sadd.s32 s3, s9;
	s6 =	sadd.s32 @!p0 $0x88, s6;
	s7 =	simm.s32 @p2 $0x1082  }
0x22: {  	[simem:s7], [sflag:s8] =	dma.local @!p0 [hbm:s6], $0xF7A  }
0x23: {  	s9 =	sor.u32 $0xD0000000, s2;
	s6 =	simm.s32 $0x108;
	_ =	swait.ge @!p0 [sflag:s8], $0x0  }
0x24: {  	s3 =	sadd.s32 $0x88, s3;
	s6 =	simm.s32 @!p1 $0x1082;
	[sflag:s4] =	ssyncset.s32 $0xFFFFF086  }
0x25: {  	[simem:s6], [sflag:s4] =	dma.local [hbm:s3], $0xF7A  }
0x26: {  	[smem:$0x3F9D] =	sst s1;
	(tag) =	ssettag s2;
	_ =	strace s9  }
0x27: {  	s1 =	sld [smem:$0x3FAD]  }
0x28: {  	s2 =	sld [smem:$0x3FAE]  }
0x29: {  	s4 =	sld [smem:$0x3FB0]  }
0x2a: {  	p0 =	seq.s32 s5, $0x0;
	s5 =	sld [smem:$0x3FB1]  }
0x2b: {  	s6 =	sld [smem:$0x3FB2]  }
0x2c: {  	s7 =	sld [smem:$0x3FB3]  }
0x2d: {  	s3 =	simm.s32 $0x108;
	s8 =	sld [smem:$0x3FB4]  }
0x2e: {  	s3 =	simm.s32 @!p0 $0x1082;
	s9 =	sld [smem:$0x3FB5]  }
0x2f: {  	lr =	sadd.s32 s0, s3;
	s0 =	sld [smem:$0x3FAC]  }
0x30: {  	s3 =	sld [smem:$0x3FAF]  }
0x31: {  	[smem:$0x3FB8] =	sst s10  }
0x32: {  	s10 =	sld [smem:$0x3FB6];
	_ =	sdelay $0x3  }
0x33: {  	p0 =	seq.s32 s10, $0x1;
	s10 =	sld [smem:$0x3FB8];
	_ =	sdelay $0x3  }
0x34: {  	[smem:$0x3FB8] =	sst s10  }
0x35: {  	s10 =	sld [smem:$0x3FB7];
	_ =	sdelay $0x3  }
0x36: {  	p1 =	seq.s32 s10, $0x1;
	s10 =	sld [smem:$0x3FB8];
	_ =	sdelay $0x3  }
0x37: {  	[smem:$0x3FB8] =	sst s10  }
0x38: {  	s10 =	sld [smem:$0x3FB9]  }
0x39: {  	_ = 	snop;
	(pc) =	sbr.ind lr, $3  }
0x3a: {  	_ = 	snop  }
0x3b: {  	_ = 	snop  }
0x3c: {  	p2 =	seq.s32 s10, $0x1;
	s10 =	sld [smem:$0x3FB8]  }
0x3d: {  	_ =	shalt  }
0x3e: {  	_ =	shalt  }
0x3f: {  	_ =	shalt  }
0x40: {  	_ =	shalt  }
0x41: {  	_ =	shalt  }
0x42: {  	_ =	shalt  }
0x43: {  	_ =	shalt  }
0x44: {  	_ =	shalt  }
0x45: {  	_ =	shalt  }
0x46: {  	_ =	shalt  }
0x47: {  	_ =	shalt  }
0x48: {  	_ =	shalt  }
0x49: {  	_ =	shalt  }
0x4a: {  	_ =	shalt  }
0x4b: {  	_ =	shalt  }
0x4c: {  	_ =	shalt  }
0x4d: {  	_ =	shalt  }
0x4e: {  	_ =	shalt  }
0x4f: {  	_ =	shalt  }
0x50: {  	_ =	shalt  }
0x51: {  	_ =	shalt  }
0x52: {  	_ =	shalt  }
0x53: {  	_ =	shalt  }
0x54: {  	_ =	shalt  }
0x55: {  	_ =	shalt  }
0x56: {  	_ =	shalt  }
0x57: {  	_ =	shalt  }
0x58: {  	_ =	shalt  }
0x59: {  	_ =	shalt  }
0x5a: {  	_ =	shalt  }
0x5b: {  	_ =	shalt  }
0x5c: {  	_ =	shalt  }
0x5d: {  	_ =	shalt  }
0x5e: {  	_ =	shalt  }
0x5f: {  	_ =	shalt  }
0x60: {  	_ =	shalt  }
0x61: {  	_ =	shalt  }
0x62: {  	_ =	shalt  }
0x63: {  	_ =	shalt  }
0x64: {  	_ =	shalt  }
0x65: {  	_ =	shalt  }
0x66: {  	_ =	shalt  }
0x67: {  	_ =	shalt  }
0x68: {  	_ =	shalt  }
0x69: {  	_ =	shalt  }
0x6a: {  	_ =	shalt  }
0x6b: {  	_ =	shalt  }
0x6c: {  	_ =	shalt  }
0x6d: {  	_ =	shalt  }
0x6e: {  	_ =	shalt  }
0x6f: {  	_ =	shalt  }
0x70: {  	_ =	shalt  }
0x71: {  	_ =	shalt  }
0x72: {  	_ =	shalt  }
0x73: {  	_ =	shalt  }
0x74: {  	_ =	shalt  }
0x75: {  	_ =	shalt  }
0x76: {  	_ =	shalt  }
0x77: {  	_ =	shalt  }
0x78: {  	_ =	shalt  }
0x79: {  	_ =	shalt  }
0x7a: {  	_ =	shalt  }
0x7b: {  	_ =	shalt  }
0x7c: {  	_ =	shalt  }
0x7d: {  	_ =	shalt  }
0x7e: {  	_ =	shalt  }
0x7f: {  	_ =	shalt  }
0x80: {  	_ =	shalt  }
0x81: {  	_ =	shalt  }
0x82: {  	_ =	shalt  }
0x83: {  	_ =	shalt  }
0x84: {  	_ =	shalt  }
0x85: {  	_ =	shalt  }
0x86: {  	_ =	shalt  }
0x87: {  	_ =	shalt  }
.Lfunc_end0:
.L_simem_size_0:
called_computation_lowered:
.L_overlay_start_0:
0x88: {  	s2 =	sld [smem:$0x3FD9]  }
0x89: {  	s3 =	sld [smem:$0x3FFE];
	_ =	sdelay $0x1  }
0x8a: {  	s1 =	srdreg.scid  }
0x8b: {  	s0 =	sand.u32 $0x1, s1  }
0x8c: {  	s17 =	sshll.u32 s0, $0xA;
	s2 =	sadd.s32 s3, s2  }
0x8d: {  	s2 =	sadd.s32 s2, s17  }
0x8e: {  	[smem:$0x3FC4] =	sst s2  }
0x8f: {  	_ = 	snop  }
0x90: {  	s2 =	sld [smem:$0x3FC7]  }
0x91: {  	s18 =	sld [smem:$0x3FC6]  }
0x92: {  	s4 =	sld [smem:$0x3FD0];
	(tm) =	ssettm $0x1  }
0x93: {  	s5 =	sld [smem:$0x3FFB];
	_ =	sdelay $0x3  }
0x94: {  	_ =	strace s5  }
0x95: {  	s5 =	sld [smem:$0x3FFC];
	_ =	sdelay $0x3  }
0x96: {  	_ =	strace s5  }
0x97: {  	s5 =	sld [smem:$0x3FFD];
	_ =	sdelay $0x3  }
0x98: {  	_ =	strace s5  }
0x99: {  	_ =	strace $0x8FFFFFFF  }
0x9a: {  	s19 =	sld [smem:$0x3FDB];
	_ =	sdelay $0x1  }
0x9b: {  	s6 =	simm.s32 $_scs_section_size  }
0x9c: {  	s7 =	simm.s32 $_size__tile_overlayer_lowered;
	s8 =	simm.s32 $_tile_overlayer_lowered  }
0x9d: {  	s22 =	simm.s32 $0x1BFF;
	s21 =	sshll.u32 s8, $0x1;
	s5 =	sadd.s32 s6, s19  }
0x9e: {  	s9 =	simm.s32 $0x0;
	s20 =	sshll.u32 s7, $0x1;
	s7 =	sadd.s32 s21, s5  }
0x9f: {  	[timem:s9], [sflag:s22] =	dma.local [hbm:s7], s20  }
0xa0: {  	_ =	swait.ge [sflag:s22], s20  }
0xa1: {  	s6 =	ssub.s32 $0x0, s20;
	[sflag:s22] =	ssyncset.done $0x0  }
0xa2: {  	[sflag:s22] =	ssyncadd.s32 s6;
	_ =	sdelay $0x1  }
0xa3: {  	s23 =	simm.s32 $0x1B8B  }
0xa4: {  	_ =	swait.ge [sflag:s23], $0x1  }
0xa5: {  	[sflag:s23] =	ssyncset.done $0x0  }
0xa6: {  	s25 =	simm.s32 $0x1B8E;
	s24 =	sld [smem:$0x3FFE];
	[sflag:s23] =	ssyncadd.s32 $0xFFFFFFFF  }
0xa7: {  	s26 =	simm.s32 $execute0_lowered;
	[smem:$0x3FD2] =	sst s25  }
0xa8: {  	s7 =	sshll.u32 s26, $0x1;
	_ =	strace $0x80000046;
	[dreg:$0x1] =	wrdreg $0xFFFFFFFF  }
0xa9: {  	s28 =	simm.s32 $_size_execute0_lowered;
	s5 =	sadd.s32 s5, s7;
	[dreg:$0x0] =	wrdreg $0x0  }
0xaa: {  	s7 =	sshll.u32 s28, $0x1;
	[dreg:$0x2] =	wrdreg s5  }
0xab: {  	[dreg:$0x3] =	wrdreg s7  }
0xac: {  	[dreg:$0x4] =	wrdreg $0xC0  }
0xad: {  	_ =	task [dreg:s9], $0x5FFFF  }
0xae: {  	[dreg:$0x1] =	wrdreg $0xFFFFFFFF  }
0xaf: {  	[dreg:$0x0] =	wrdreg $0x60  }
0xb0: {  	[dreg:$0x2] =	wrdreg s4  }
0xb1: {  	[dreg:$0x3] =	wrdreg s24  }
0xb2: {  	[dreg:$0x4] =	wrdreg s2  }
0xb3: {  	[dreg:$0x5] =	wrdreg s18  }
0xb4: {  	[dreg:$0x6] =	wrdreg $0x9  }
0xb5: {  	_ =	task.clear_ibuf [dreg:s9], $0x7FFFF;
	_ =	strace $0x90000046  }
0xb6: {  	s29 =	simm.s32 $0x9;
	_ =	strace $0x80000048  }
0xb7: {  	_ =	swait.ge [sflag:s29], $0x1  }
0xb8: {  	[sflag:s29] =	ssyncadd.s32 $0xFFFFFFFF  }
0xb9: {  	_ =	strace $0x90000048  }
0xba: {  	_ =	sfence  }
0xbb: {  	s30 =	sld [smem:$0x0];
	_ =	sdelay $0x2  }
0xbc: {  	s31 =	sshll.u32 s1, $0xD;
	s1 =	sshrl.u32 s1, $0x2  }
0xbd: {  	s3 =	sand.u32 $0x4000, s31;
	s1 =	sadd.s32 s1, s30  }
0xbe: {  	s0 =	sor.u32 s3, s0;
	s1 =	sshll.u32 s1, $0x11  }
0xbf: {  	s0 =	sor.u32 s1, s0  }
0xc0: {  	s0 =	sadd.s32 $0x8F2B, s0  }
0xc1: {  	[sflag:s0] =	ssyncadd.remote.s32 $0x1  }
0xc2: {  	_ =	sfence.sel $0xFFFF  }
0xc3: {  	[dreg:$0x0] =	wrdreg $0xFFFFFFFF;
	(pc) =	sbr.abs _section_cstart, $3  }
0xc4: {  	[dreg:$0x1] =	wrdreg $0xFFFFFFFF  }
0xc5: {  	_ =	task.clear_ibuf [dreg:s9], $0x2FFFF;
	_ =	strace $0x9FFFFFFF  }
0xc6: {  	(tm) =	ssettm $0x7FFFFFFF  }
0xc7: {  	_ =	shalt  }
tec
execute0_lowered:
.L_overlay_start_1:
0x0: {  	(tag) =	ssettag $0x1  }
0x1: {  	s0 =	rddreg [dreg:$0x0]  }
0x2: {  	s2 =	rddreg [dreg:$0x1]  }
0x3: {  	s1 =	rddreg [dreg:$0x2]  }
0x4: {  	s3 =	rddreg [dreg:$0x3];
	s4 =	simm.s32 $0x0  }
0x5: {  	s5 =	srdreg.scid;
	s7 =	stileid.u32;
	s11 =	simm.s32 $0x80  }
0x6: {  	s12 =	simm.s32 $0x400;
	s13 =	simm.s32 $0x5;
	s15 =	simm.s32 $0x480  }
0x7: {  	s16 =	simm.s32 $0x2480;
	s17 =	simm.s32 $0x7A1400;
	s18 =	simm.s32 $0x4480  }
0x8: {  	s19 =	simm.s32 $0xC480;
	s20 =	simm.s32 $0x6480;
	s28 =	simm.s32 $0x14480  }
0x9: {  	s29 =	simm.s32 $0x2;
	s30 =	simm.s32 $0x3;
	s31 =	simm.s32 $0x4  }
0xa: {  	[smem:$0x7FF] =	sst s4;
	s5 =	sand.u32 $0x1, s5;
	s6 =	sshll.u32 s7, $0x5  }
0xb: {  	s7 =	sshll.u32 s7, $0x7;
	s21 =	sadd.s32 $0x400, s2;
	s22 =	sadd.s32 $0x800, s2  }
0xc: {  	s8 =	sshll.u32 s5, $0x4;
	s6 =	sand.u32 $0x60, s6;
	_ =	strace $0x80000047  }
0xd: {  	s7 =	sand.u32 $0x600, s7;
	[dreg:$0x5] =	wrdreg s21;
	s5 =	ssub.s32 $0x2, s5  }
0xe: {  	[dreg:$0x6] =	wrdreg s22;
	s21 =	simm.s32 $0xE480;
	s6 =	sor.u32 s8, s6  }
0xf: {  	s22 =	simm.s32 $0x8480;
	s23 =	sshrl.u32 s5, $0x1;
	s6 =	sor.u32 s7, s6  }
0x10: {  	s5 =	ssub.s32 s5, s23;
	s23 =	simm.s32 $0x10480;
	s0 =	sadd.s32 s0, s6  }
0x11: {  	v0 =	vlaneseq.u32;
	s2 =	sadd.s32 s6, s2;
	s26 =	smax.u32 s5, $0x1;
	[dreg:$0x7] =	wrdreg s0  }
0x12: {  	v1 =	vmul.u32 $0x80, v0;
	v2 =	vor.u32 $0x10, v0;
	s24 =	sadd.s32 $0xC00, s2;
	s25 =	sadd.s32 $0x1400, s2;
	[dreg:$0xa] =	wrdreg s26  }
0x13: {  	v3 =	vor.u32 $0x20, v0;
	v4 =	vor.u32 $0x30, v0;
	v8 =	vmul.u32 $0x200, v0;
	s26 =	simm.s32 $0x1;
	s2 =	simm.s32 $0x0;
	[dreg:$0x8] =	wrdreg s24  }
0x14: {  	v5 =	vor.u32 $0x800, v1;
	v6 =	vor.u32 $0x1000, v1;
	v7 =	vor.u32 $0x1800, v1;
	[dreg:$0x9] =	wrdreg s25;
	s24 =	simm.s32 $0xA480;
	s25 =	simm.s32 $0x12480  }
.LBB2_1:
0x15: {  	s0 =	rddreg [dreg:$0x7]  }
0x16: {  	[tilespmem:s4], [sflag:$0x5] =	stream.strided.gather [hbm4b:s0+s11], $0x200, s12, s11, $0x38;
	[tilespmem:$0x16680] =	vst v63  }
0x17: {  	_ =	swait.ge [sflag:s13], $0x200  }
0x18: {  	[sflag:s13] =	ssyncset.done $0x0  }
0x19: {  	s5 =	simm.s32 $0x200;
	s6 =	rddreg [dreg:$0x8];
	[sflag:s13] =	ssyncadd.s32 $0xFFFFFE00  }
0x1a: {  	[tilespmem:s5], [sflag:$0x5] =	stream.strided.gather [hbm4b:s6+s11], $0x200, s12, s11, $0x38;
	[tilespmem:$0x16680] =	vst v63  }
0x1b: {  	_ =	swait.ge [sflag:s13], $0x200  }
0x1c: {  	[sflag:s13] =	ssyncset.done $0x0  }
0x1d: {  	s7 =	rddreg [dreg:$0x5];
	[sflag:s13] =	ssyncadd.s32 $0xFFFFFE00  }
0x1e: {  	[tilespmem:s15], [sflag:$0x5] =	stream.linear.gather [hbm4b:s7+s4], $0x2000, $0x38;
	[tilespmem:$0x16680] =	vst v63  }
0x1f: {  	_ =	swait.ge [sflag:s13], $0x2000  }
0x20: {  	[sflag:s13] =	ssyncset.done $0x0  }
0x21: {  	s8 =	rddreg [dreg:$0x6];
	[sflag:s13] =	ssyncadd.s32 $0xFFFFE000  }
0x22: {  	[tilespmem:s16], [sflag:$0x5] =	stream.linear.gather [hbm4b:s8+s4], $0x2000, $0x38;
	[tilespmem:$0x16680] =	vst v63  }
0x23: {  	_ =	swait.ge [sflag:s13], $0x2000  }
0x24: {  	[sflag:s13] =	ssyncset.done $0x0  }
0x25: {  	[sflag:s13] =	ssyncadd.s32 $0xFFFFE000  }
0x26: {  	v9 =	vld [tilespmem:$0x200]  }
0x27: {  	v10 =	vld [tilespmem:$0x0];
	_ =	sdelay $0x3  }
0x28: {  	v9 =	vshra.s32 v9, $0x7  }
0x29: {  	v10 =	vshra.s32 v10, $0x7;
	(v2sf) =	vpush v9, $0x0  }
0x2a: {  	(v2sf) =	vpush v10, $0x0;
	_ =	sdelay $0x6  }
0x2b: {  	(v2sf) =	vpush v9, $0x1  }
0x2c: {  	(v2sf) =	vpush v10, $0x1;
	_ =	sdelay $0x5  }
0x2d: {  	s0 =	spop (v2sf)  }
0x2e: {  	s5 =	spop (v2sf)  }
0x2f: {  	p0 =	slt.s32 s5, $0x1E83  }
0x30: {  	[tilespmem:$0x400] =	vst v0;
	(v2sf) =	vpush v9, $0x2;
	s5 =	simm.s32 @!p0 $0x1E83  }
0x31: {  	[tilespmem:$0x410] =	vst v2;
	p0 =	slt.s32 s0, $0x1E83;
	s5 =	sshll.u32 s5, $0x7  }
0x32: {  	[tilespmem:$0x420] =	vst v3;
	(v2sf) =	vpush v10, $0x2;
	s0 =	simm.s32 @!p0 $0x1E83;
	s5 =	sand.u32 $0x1FFFFF80, s5  }
0x33: {  	[tilespmem:$0x430] =	vst v4;
	s0 =	sshll.u32 s0, $0x7;
	s5 =	sadd.s32 s1, s5  }
0x34: {  	[tilespmem:s18], [sflag:$0x1] =	stream.strided.gather [hbm4b:s5+s12], $0x2000, s17, s12, $0x38;
	[tilespmem:$0x16680] =	vst v63  }
0x35: {  	s0 =	sand.u32 $0x1FFFFF80, s0;
	s5 =	spop (v2sf)  }
0x36: {  	s0 =	sadd.s32 s3, s0;
	s6 =	spop (v2sf)  }
0x37: {  	[tilespmem:s19], [sflag:$0x1] =	stream.strided.gather [hbm4b:s0+s12], $0x2000, s17, s12, $0x38;
	[tilespmem:$0x16680] =	vst v63  }
0x38: {  	p0 =	slt.s32 s6, $0x1E83  }
0x39: {  	s6 =	simm.s32 @!p0 $0x1E83  }
0x3a: {  	p0 =	slt.s32 s5, $0x1E83;
	s9 =	sshll.u32 s6, $0x7  }
0x3b: {  	s5 =	simm.s32 @!p0 $0x1E83;
	s0 =	sand.u32 $0x1FFFFF80, s9  }
0x3c: {  	s10 =	sshll.u32 s5, $0x7;
	s0 =	sadd.s32 s1, s0  }
0x3d: {  	[tilespmem:s20], [sflag:$0x2] =	stream.strided.gather [hbm4b:s0+s12], $0x2000, s17, s12, $0x38;
	[tilespmem:$0x16680] =	vst v63  }
0x3e: {  	s0 =	sand.u32 $0x1FFFFF80, s10  }
0x3f: {  	s5 =	spop (v2sf);
	s0 =	sadd.s32 s3, s0  }
0x40: {  	[tilespmem:s21], [sflag:$0x2] =	stream.strided.gather [hbm4b:s0+s12], $0x2000, s17, s12, $0x38;
	[tilespmem:$0x16680] =	vst v63  }
0x41: {  	s0 =	spop (v2sf)  }
0x42: {  	p0 =	slt.s32 s0, $0x1E83  }
0x43: {  	s0 =	simm.s32 @!p0 $0x1E83  }
0x44: {  	p0 =	slt.s32 s5, $0x1E83;
	s0 =	sshll.u32 s0, $0x7  }
0x45: {  	s5 =	simm.s32 @!p0 $0x1E83;
	s0 =	sand.u32 $0x1FFFFF80, s0  }
0x46: {  	s14 =	sshll.u32 s5, $0x7;
	s0 =	sadd.s32 s1, s0  }
0x47: {  	[tilespmem:s22], [sflag:$0x3] =	stream.strided.gather [hbm4b:s0+s12], $0x2000, s17, s12, $0x38;
	[tilespmem:$0x16680] =	vst v63  }
0x48: {  	s0 =	sand.u32 $0x1FFFFF80, s14  }
0x49: {  	s0 =	sadd.s32 s3, s0  }
0x4a: {  	[tilespmem:s23], [sflag:$0x3] =	stream.strided.gather [hbm4b:s0+s12], $0x2000, s17, s12, $0x38;
	[tilespmem:$0x16680] =	vst v63  }
0x4b: {  	s5 =	simm.s32 $0x210;
	s14 =	simm.s32 $0xF;
	s0 =	simm.s32 $0x10  }
.LBB2_2:
0x4c: {  	v9 =	vld [tilespmem:s5+$0xFFFFFFF0]  }
0x4d: {  	v10 =	vld [tilespmem:s0+$0xFFFFFFF0];
	_ =	sdelay $0x3  }
0x4e: {  	v12 =	vshra.s32 v9, $0x7  }
0x4f: {  	v11 =	vshra.s32 v10, $0x7;
	(v2sf) =	vpush v12, $0x3  }
0x50: {  	(v2sf) =	vpush v11, $0x3;
	_ =	sdelay $0xd  }
0x51: {  	s6 =	spop (v2sf)  }
0x52: {  	s7 =	spop (v2sf)  }
0x53: {  	p0 =	slt.s32 s7, $0x1E83  }
0x54: {  	s7 =	simm.s32 @!p0 $0x1E83;
	p0 =	slt.s32 s6, $0x1E83  }
0x55: {  	s7 =	sshll.u32 s7, $0x7;
	s6 =	simm.s32 @!p0 $0x1E83  }
0x56: {  	s7 =	sand.u32 $0x1FFFFF80, s7;
	s6 =	sshll.u32 s6, $0x7  }
0x57: {  	s7 =	sadd.s32 s1, s7;
	s6 =	sand.u32 $0x1FFFFF80, s6  }
0x58: {  	v13 =	vbroadcast v10, $0x0;
	[tilespmem:s24], [sflag:$0x4] =	stream.strided.gather [hbm4b:s7+s12], $0x2000, s17, s12, $0x38;
	[tilespmem:$0x16680] =	vst v63  }
0x59: {  	s6 =	sadd.s32 s3, s6  }
0x5a: {  	v15 =	vbroadcast v9, $0x0;
	v14 =	vadd.s32 $0xFFF0BE00, v13;
	[tilespmem:s25], [sflag:$0x4] =	stream.strided.gather [hbm4b:s6+s12], $0x2000, s17, s12, $0x38;
	[tilespmem:$0x16680] =	vst v63  }
0x5b: {  	v16 =	vand.u32 $0x7F, v13;
	vm0 =	vgt.s32 v14, $0x0;
	_ =	swait.ge [sflag:s26], $0x2000  }
0x5c: {  	v17 =	vadd.s32 $0xFFF0BE00, v15;
	v18 =	vor.u32 v1, v16;
	v14 =	vnsel vm0, $0x0, v14;
	[sflag:s26] =	ssyncset.done $0x0  }
0x5d: {  	v19 =	vand.u32 $0x7F, v15;
	vm14 =	vgt.s32 v17, $0x0;
	v20 =	vadd.s32 v1, v14;
	[sflag:s26] =	ssyncadd.s32 $0xFFFFE000  }
0x5e: {  	v21 =	vor.u32 v1, v19;
	v17 =	vnsel vm14, $0x0, v17;
	_ =	swait.ge [sflag:s26], $0x2000  }
0x5f: {  	v22 =	vadd.s32 v1, v17;
	[sflag:s26] =	ssyncset.done $0x0  }
0x60: {  	v23 =	vor.u32 v5, v16;
	[sflag:s26] =	ssyncadd.s32 $0xFFFFE000  }
0x61: {  	v24 =	vadd.s32 v5, v14;
	v18 =	vld.idx.msk [tilespmem:v18+s18+$0x0], $0xffff  }
0x62: {  	v25 =	vor.u32 v5, v19;
	v20 =	vld.idx.msk [tilespmem:v20+s15+$0x0], $0xffff  }
0x63: {  	v26 =	vadd.s32 v5, v17;
	v21 =	vld.idx.msk [tilespmem:v21+s19+$0x0], $0xffff  }
0x64: {  	v27 =	vor.u32 v6, v16;
	v22 =	vld.idx.msk [tilespmem:v22+s16+$0x0], $0xffff  }
0x65: {  	v28 =	vadd.s32 v6, v14;
	(v2sf) =	vpush v12, $0x4;
	v23 =	vld.idx.msk [tilespmem:v23+s18+$0x0], $0xffff  }
0x66: {  	v29 =	vor.u32 v6, v19;
	(v2sf) =	vpush v11, $0x4;
	v24 =	vld.idx.msk [tilespmem:v24+s15+$0x0], $0xffff  }
0x67: {  	v30 =	vadd.s32 v6, v17;
	v25 =	vld.idx.msk [tilespmem:v25+s19+$0x0], $0xffff  }
0x68: {  	v16 =	vor.u32 v7, v16;
	v26 =	vld.idx.msk [tilespmem:v26+s16+$0x0], $0xffff  }
0x69: {  	v14 =	vadd.s32 v7, v14;
	v27 =	vld.idx.msk [tilespmem:v27+s18+$0x0], $0xffff  }
0x6a: {  	v19 =	vor.u32 v7, v19;
	v28 =	vld.idx.msk [tilespmem:v28+s15+$0x0], $0xffff  }
0x6b: {  	v17 =	vadd.s32 v7, v17;
	v29 =	vld.idx.msk [tilespmem:v29+s19+$0x0], $0xffff  }
0x6c: {  	v30 =	vld.idx.msk [tilespmem:v30+s16+$0x0], $0xffff  }
0x6d: {  	v16 =	vld.idx.msk [tilespmem:v16+s18+$0x0], $0xffff  }
0x6e: {  	v14 =	vld.idx.msk [tilespmem:v14+s15+$0x0], $0xffff  }
0x6f: {  	vm15 =	vgt.s32 v13, $0xF41FF;
	v47 =	vld.idx.msk [tilespmem:v19+s19+$0x0], $0xffff  }
0x70: {  	vm1 =	vgt.s32 v15, $0xF41FF;
	v17 =	vld.idx.msk [tilespmem:v17+s16+$0x0], $0xffff;
	v48 =	vsel vm15, v20, v18  }
0x71: {  	v49 =	vsel vm1, v22, v21;
	v50 =	vsel vm15, v24, v23;
	v51 =	vsel vm1, v26, v25  }
0x72: {  	v15 =	vmul.f32 v49, v48;
	v52 =	vmul.f32 v51, v50  }
0x73: {  	v53 =	vsel vm15, v28, v27;
	v54 =	vsel vm1, v30, v29  }
0x74: {  	s8 =	sadd.s32 $0xFFFFFFF1, s14;
	v55 =	vmul.f32 v54, v53;
	v15 =	vadd.f32 v52, v15;
	s7 =	spop (v2sf)  }
0x75: {  	v56 =	vor.u32 s8, v8;
	v14 =	vsel vm15, v14, v16;
	v13 =	vsel vm1, v17, v47;
	s6 =	spop (v2sf)  }
0x76: {  	v13 =	vmul.f32 v13, v14;
	v15 =	vadd.f32 v55, v15;
	p0 =	slt.s32 s6, $0x1E83  }
0x77: {  	s6 =	simm.s32 @!p0 $0x1E83  }
0x78: {  	v13 =	vadd.f32 v13, v15;
	p0 =	slt.s32 s7, $0x1E83;
	s6 =	sshll.u32 s6, $0x7  }
0x79: {  	s7 =	simm.s32 @!p0 $0x1E83;
	s6 =	sand.u32 $0x1FFFFF80, s6  }
0x7a: {  	[tilespmem:v56+s28+$0x0] =	vst.idx.msk $0xffff, v13;
	s9 =	sshll.u32 s7, $0x7;
	s6 =	sadd.s32 s1, s6  }
0x7b: {  	[tilespmem:s18], [sflag:$0x1] =	stream.strided.gather [hbm4b:s6+s12], $0x2000, s17, s12, $0x38;
	[tilespmem:$0x16680] =	vst v63  }
0x7c: {  	v57 =	vbroadcast v10, $0x1;
	s6 =	sand.u32 $0x1FFFFF80, s9  }
0x7d: {  	s6 =	sadd.s32 s3, s6  }
0x7e: {  	v59 =	vbroadcast v9, $0x1;
	v58 =	vadd.s32 $0xFFF0BE00, v57;
	[tilespmem:s19], [sflag:$0x1] =	stream.strided.gather [hbm4b:s6+s12], $0x2000, s17, s12, $0x38;
	[tilespmem:$0x16680] =	vst v63  }
0x7f: {  	v60 =	vand.u32 $0x7F, v57;
	vm4 =	vgt.s32 v58, $0x0;
	_ =	swait.ge [sflag:s29], $0x2000  }
0x80: {  	v61 =	vadd.s32 $0xFFF0BE00, v59;
	v62 =	vor.u32 v1, v60;
	v14 =	vnsel vm4, $0x0, v58;
	[sflag:s29] =	ssyncset.done $0x0  }
0x81: {  	v63 =	vand.u32 $0x7F, v59;
	vm5 =	vgt.s32 v61, $0x0;
	v28 =	vadd.s32 v1, v14;
	[sflag:s29] =	ssyncadd.s32 $0xFFFFE000  }
0x82: {  	v17 =	vnsel vm5, $0x0, v61;
	v29 =	vor.u32 v1, v63;
	_ =	swait.ge [sflag:s29], $0x2000  }
0x83: {  	v30 =	vadd.s32 v1, v17;
	[sflag:s29] =	ssyncset.done $0x0  }
0x84: {  	v31 =	vor.u32 v5, v60;
	[sflag:s29] =	ssyncadd.s32 $0xFFFFE000  }
0x85: {  	v32 =	vadd.s32 v5, v14;
	v18 =	vld.idx.msk [tilespmem:v62+s20+$0x0], $0xffff  }
0x86: {  	v33 =	vor.u32 v5, v63;
	v20 =	vld.idx.msk [tilespmem:v28+s15+$0x0], $0xffff  }
0x87: {  	v34 =	vadd.s32 v5, v17;
	v21 =	vld.idx.msk [tilespmem:v29+s21+$0x0], $0xffff  }
0x88: {  	v35 =	vor.u32 v6, v60;
	v22 =	vld.idx.msk [tilespmem:v30+s16+$0x0], $0xffff  }
0x89: {  	v36 =	vadd.s32 v6, v14;
	(v2sf) =	vpush v12, $0x5;
	v23 =	vld.idx.msk [tilespmem:v31+s20+$0x0], $0xffff  }
0x8a: {  	v37 =	vor.u32 v6, v63;
	(v2sf) =	vpush v11, $0x5;
	v24 =	vld.idx.msk [tilespmem:v32+s15+$0x0], $0xffff  }
0x8b: {  	v38 =	vadd.s32 v6, v17;
	v25 =	vld.idx.msk [tilespmem:v33+s21+$0x0], $0xffff  }
0x8c: {  	v16 =	vor.u32 v7, v60;
	v26 =	vld.idx.msk [tilespmem:v34+s16+$0x0], $0xffff  }
0x8d: {  	v14 =	vadd.s32 v7, v14;
	v27 =	vld.idx.msk [tilespmem:v35+s20+$0x0], $0xffff  }
0x8e: {  	v19 =	vor.u32 v7, v63;
	v28 =	vld.idx.msk [tilespmem:v36+s15+$0x0], $0xffff  }
0x8f: {  	v17 =	vadd.s32 v7, v17;
	v29 =	vld.idx.msk [tilespmem:v37+s21+$0x0], $0xffff  }
0x90: {  	v30 =	vld.idx.msk [tilespmem:v38+s16+$0x0], $0xffff  }
0x91: {  	v16 =	vld.idx.msk [tilespmem:v16+s20+$0x0], $0xffff  }
0x92: {  	v14 =	vld.idx.msk [tilespmem:v14+s15+$0x0], $0xffff  }
0x93: {  	vm6 =	vgt.s32 v57, $0xF41FF;
	v39 =	vld.idx.msk [tilespmem:v19+s21+$0x0], $0xffff  }
0x94: {  	vm7 =	vgt.s32 v59, $0xF41FF;
	v17 =	vld.idx.msk [tilespmem:v17+s16+$0x0], $0xffff;
	v40 =	vsel vm6, v20, v18  }
0x95: {  	v41 =	vsel vm7, v22, v21;
	v42 =	vsel vm6, v24, v23;
	v43 =	vsel vm7, v26, v25  }
0x96: {  	v15 =	vmul.f32 v41, v40;
	v44 =	vmul.f32 v43, v42  }
0x97: {  	v45 =	vsel vm6, v28, v27;
	v46 =	vsel vm7, v30, v29  }
0x98: {  	s10 =	sadd.s32 $0xFFFFFFF2, s14;
	v47 =	vmul.f32 v46, v45;
	v15 =	vadd.f32 v44, v15;
	s7 =	spop (v2sf)  }
0x99: {  	v48 =	vor.u32 s10, v8;
	v14 =	vsel vm6, v14, v16;
	v13 =	vsel vm7, v17, v39;
	s6 =	spop (v2sf)  }
0x9a: {  	v13 =	vmul.f32 v13, v14;
	v15 =	vadd.f32 v47, v15;
	p0 =	slt.s32 s6, $0x1E83  }
0x9b: {  	s6 =	simm.s32 @!p0 $0x1E83  }
0x9c: {  	v13 =	vadd.f32 v13, v15;
	p0 =	slt.s32 s7, $0x1E83;
	s6 =	sshll.u32 s6, $0x7  }
0x9d: {  	s7 =	simm.s32 @!p0 $0x1E83;
	s6 =	sand.u32 $0x1FFFFF80, s6  }
0x9e: {  	[tilespmem:v48+s28+$0x0] =	vst.idx.msk $0xffff, v13;
	s7 =	sshll.u32 s7, $0x7;
	s6 =	sadd.s32 s1, s6  }
0x9f: {  	[tilespmem:s20], [sflag:$0x2] =	stream.strided.gather [hbm4b:s6+s12], $0x2000, s17, s12, $0x38;
	[tilespmem:$0x16680] =	vst v63  }
0xa0: {  	v49 =	vbroadcast v10, $0x2;
	s6 =	sand.u32 $0x1FFFFF80, s7  }
0xa1: {  	s6 =	sadd.s32 s3, s6  }
0xa2: {  	v51 =	vbroadcast v9, $0x2;
	v50 =	vadd.s32 $0xFFF0BE00, v49;
	[tilespmem:s21], [sflag:$0x2] =	stream.strided.gather [hbm4b:s6+s12], $0x2000, s17, s12, $0x38;
	[tilespmem:$0x16680] =	vst v63  }
0xa3: {  	v52 =	vand.u32 $0x7F, v49;
	vm8 =	vgt.s32 v50, $0x0;
	_ =	swait.ge [sflag:s30], $0x2000  }
0xa4: {  	v53 =	vadd.s32 $0xFFF0BE00, v51;
	v54 =	vor.u32 v1, v52;
	v14 =	vnsel vm8, $0x0, v50;
	[sflag:s30] =	ssyncset.done $0x0  }
0xa5: {  	vm9 =	vgt.s32 v53, $0x0;
	v55 =	vand.u32 $0x7F, v51;
	v56 =	vadd.s32 v1, v14;
	[sflag:s30] =	ssyncadd.s32 $0xFFFFE000  }
0xa6: {  	v57 =	vor.u32 v1, v55;
	v17 =	vnsel vm9, $0x0, v53;
	_ =	swait.ge [sflag:s30], $0x2000  }
0xa7: {  	v58 =	vadd.s32 v1, v17;
	[sflag:s30] =	ssyncset.done $0x0  }
0xa8: {  	v59 =	vor.u32 v5, v52;
	[sflag:s30] =	ssyncadd.s32 $0xFFFFE000  }
0xa9: {  	v60 =	vadd.s32 v5, v14;
	v18 =	vld.idx.msk [tilespmem:v54+s22+$0x0], $0xffff  }
0xaa: {  	v61 =	vor.u32 v5, v55;
	v20 =	vld.idx.msk [tilespmem:v56+s15+$0x0], $0xffff  }
0xab: {  	v62 =	vadd.s32 v5, v17;
	v21 =	vld.idx.msk [tilespmem:v57+s23+$0x0], $0xffff  }
0xac: {  	v63 =	vor.u32 v6, v52;
	v22 =	vld.idx.msk [tilespmem:v58+s16+$0x0], $0xffff  }
0xad: {  	v33 =	vadd.s32 v6, v14;
	(v2sf) =	vpush v12, $0x6;
	v23 =	vld.idx.msk [tilespmem:v59+s22+$0x0], $0xffff  }
0xae: {  	v34 =	vor.u32 v6, v55;
	(v2sf) =	vpush v11, $0x6;
	v24 =	vld.idx.msk [tilespmem:v60+s15+$0x0], $0xffff  }
0xaf: {  	v35 =	vadd.s32 v6, v17;
	v25 =	vld.idx.msk [tilespmem:v61+s23+$0x0], $0xffff  }
0xb0: {  	v16 =	vor.u32 v7, v52;
	v26 =	vld.idx.msk [tilespmem:v62+s16+$0x0], $0xffff  }
0xb1: {  	v14 =	vadd.s32 v7, v14;
	v27 =	vld.idx.msk [tilespmem:v63+s22+$0x0], $0xffff  }
0xb2: {  	v19 =	vor.u32 v7, v55;
	v28 =	vld.idx.msk [tilespmem:v33+s15+$0x0], $0xffff  }
0xb3: {  	v17 =	vadd.s32 v7, v17;
	v29 =	vld.idx.msk [tilespmem:v34+s23+$0x0], $0xffff  }
0xb4: {  	v30 =	vld.idx.msk [tilespmem:v35+s16+$0x0], $0xffff  }
0xb5: {  	v16 =	vld.idx.msk [tilespmem:v16+s22+$0x0], $0xffff  }
0xb6: {  	v14 =	vld.idx.msk [tilespmem:v14+s15+$0x0], $0xffff  }
0xb7: {  	vm10 =	vgt.s32 v49, $0xF41FF;
	v36 =	vld.idx.msk [tilespmem:v19+s23+$0x0], $0xffff  }
0xb8: {  	vm11 =	vgt.s32 v51, $0xF41FF;
	v17 =	vld.idx.msk [tilespmem:v17+s16+$0x0], $0xffff;
	v37 =	vsel vm10, v20, v18  }
0xb9: {  	v38 =	vsel vm11, v22, v21;
	v39 =	vsel vm10, v24, v23;
	v40 =	vsel vm11, v26, v25  }
0xba: {  	v15 =	vmul.f32 v38, v37;
	v41 =	vmul.f32 v40, v39  }
0xbb: {  	v42 =	vsel vm10, v28, v27;
	v43 =	vsel vm11, v30, v29  }
0xbc: {  	s8 =	sadd.s32 $0xFFFFFFF3, s14;
	v44 =	vmul.f32 v43, v42;
	v15 =	vadd.f32 v41, v15;
	s7 =	spop (v2sf)  }
0xbd: {  	v45 =	vor.u32 s8, v8;
	v14 =	vsel vm10, v14, v16;
	v13 =	vsel vm11, v17, v36;
	s6 =	spop (v2sf)  }
0xbe: {  	v13 =	vmul.f32 v13, v14;
	v15 =	vadd.f32 v44, v15;
	p0 =	slt.s32 s6, $0x1E83  }
0xbf: {  	s6 =	simm.s32 @!p0 $0x1E83  }
0xc0: {  	v13 =	vadd.f32 v13, v15;
	p0 =	slt.s32 s7, $0x1E83;
	s6 =	sshll.u32 s6, $0x7  }
0xc1: {  	s7 =	simm.s32 @!p0 $0x1E83;
	s6 =	sand.u32 $0x1FFFFF80, s6  }
0xc2: {  	[tilespmem:v45+s28+$0x0] =	vst.idx.msk $0xffff, v13;
	s9 =	sshll.u32 s7, $0x7;
	s6 =	sadd.s32 s1, s6  }
0xc3: {  	[tilespmem:s22], [sflag:$0x3] =	stream.strided.gather [hbm4b:s6+s12], $0x2000, s17, s12, $0x38;
	[tilespmem:$0x16680] =	vst v63  }
0xc4: {  	v46 =	vbroadcast v10, $0x3;
	s6 =	sand.u32 $0x1FFFFF80, s9  }
0xc5: {  	s6 =	sadd.s32 s3, s6  }
0xc6: {  	v47 =	vadd.s32 $0xFFF0BE00, v46;
	v48 =	vbroadcast v9, $0x3;
	[tilespmem:s23], [sflag:$0x3] =	stream.strided.gather [hbm4b:s6+s12], $0x2000, s17, s12, $0x38;
	[tilespmem:$0x16680] =	vst v63  }
0xc7: {  	v49 =	vand.u32 $0x7F, v46;
	vm12 =	vgt.s32 v47, $0x0;
	_ =	swait.ge [sflag:s31], $0x2000  }
0xc8: {  	v51 =	vor.u32 v1, v49;
	v50 =	vadd.s32 $0xFFF0BE00, v48;
	v14 =	vnsel vm12, $0x0, v47;
	[sflag:s31] =	ssyncset.done $0x0  }
0xc9: {  	v52 =	vand.u32 $0x7F, v48;
	vm13 =	vgt.s32 v50, $0x0;
	v53 =	vadd.s32 v1, v14;
	[sflag:s31] =	ssyncadd.s32 $0xFFFFE000  }
0xca: {  	v54 =	vor.u32 v1, v52;
	v17 =	vnsel vm13, $0x0, v50;
	_ =	swait.ge [sflag:s31], $0x2000  }
0xcb: {  	v55 =	vadd.s32 v1, v17;
	[sflag:s31] =	ssyncset.done $0x0  }
0xcc: {  	v56 =	vor.u32 v5, v49;
	[sflag:s31] =	ssyncadd.s32 $0xFFFFE000  }
0xcd: {  	v57 =	vadd.s32 v5, v14;
	v18 =	vld.idx.msk [tilespmem:v51+s24+$0x0], $0xffff  }
0xce: {  	v58 =	vor.u32 v5, v52;
	v20 =	vld.idx.msk [tilespmem:v53+s15+$0x0], $0xffff  }
0xcf: {  	v59 =	vadd.s32 v5, v17;
	v21 =	vld.idx.msk [tilespmem:v54+s25+$0x0], $0xffff  }
0xd0: {  	v60 =	vor.u32 v6, v49;
	v22 =	vld.idx.msk [tilespmem:v55+s16+$0x0], $0xffff  }
0xd1: {  	v61 =	vadd.s32 v6, v14;
	(v2sf) =	vpush v12, $0x7;
	v23 =	vld.idx.msk [tilespmem:v56+s24+$0x0], $0xffff  }
0xd2: {  	v62 =	vor.u32 v6, v52;
	(v2sf) =	vpush v11, $0x7;
	v24 =	vld.idx.msk [tilespmem:v57+s15+$0x0], $0xffff  }
0xd3: {  	v63 =	vadd.s32 v6, v17;
	v25 =	vld.idx.msk [tilespmem:v58+s25+$0x0], $0xffff  }
0xd4: {  	v16 =	vor.u32 v7, v49;
	v26 =	vld.idx.msk [tilespmem:v59+s16+$0x0], $0xffff  }
0xd5: {  	v14 =	vadd.s32 v7, v14;
	v27 =	vld.idx.msk [tilespmem:v60+s24+$0x0], $0xffff  }
0xd6: {  	v19 =	vor.u32 v7, v52;
	v28 =	vld.idx.msk [tilespmem:v61+s15+$0x0], $0xffff  }
0xd7: {  	v17 =	vadd.s32 v7, v17;
	v29 =	vld.idx.msk [tilespmem:v62+s25+$0x0], $0xffff  }
0xd8: {  	v30 =	vld.idx.msk [tilespmem:v63+s16+$0x0], $0xffff  }
0xd9: {  	v16 =	vld.idx.msk [tilespmem:v16+s24+$0x0], $0xffff  }
0xda: {  	v14 =	vld.idx.msk [tilespmem:v14+s15+$0x0], $0xffff  }
0xdb: {  	vm14 =	vgt.s32 v46, $0xF41FF;
	v33 =	vld.idx.msk [tilespmem:v19+s25+$0x0], $0xffff  }
0xdc: {  	vm15 =	vgt.s32 v48, $0xF41FF;
	v17 =	vld.idx.msk [tilespmem:v17+s16+$0x0], $0xffff;
	v34 =	vsel vm14, v20, v18  }
0xdd: {  	v35 =	vsel vm15, v22, v21;
	v36 =	vsel vm14, v24, v23;
	v37 =	vsel vm15, v26, v25  }
0xde: {  	v15 =	vmul.f32 v35, v34;
	v38 =	vmul.f32 v37, v36  }
0xdf: {  	v39 =	vsel vm14, v28, v27;
	v40 =	vsel vm15, v30, v29  }
0xe0: {  	s10 =	sadd.s32 $0xFFFFFFF4, s14;
	v41 =	vmul.f32 v40, v39;
	v15 =	vadd.f32 v38, v15;
	s7 =	spop (v2sf)  }
0xe1: {  	v42 =	vor.u32 s10, v8;
	v14 =	vsel vm14, v14, v16;
	v13 =	vsel vm15, v17, v33;
	s6 =	spop (v2sf)  }
0xe2: {  	v13 =	vmul.f32 v13, v14;
	v15 =	vadd.f32 v41, v15;
	p0 =	slt.s32 s6, $0x1E83  }
0xe3: {  	s6 =	simm.s32 @!p0 $0x1E83  }
0xe4: {  	v13 =	vadd.f32 v13, v15;
	p0 =	slt.s32 s7, $0x1E83;
	s6 =	sshll.u32 s6, $0x7  }
0xe5: {  	s7 =	simm.s32 @!p0 $0x1E83;
	s6 =	sand.u32 $0x1FFFFF80, s6  }
0xe6: {  	[tilespmem:v42+s28+$0x0] =	vst.idx.msk $0xffff, v13;
	s7 =	sshll.u32 s7, $0x7;
	s6 =	sadd.s32 s1, s6  }
0xe7: {  	[tilespmem:s24], [sflag:$0x4] =	stream.strided.gather [hbm4b:s6+s12], $0x2000, s17, s12, $0x38;
	[tilespmem:$0x16680] =	vst v63  }
0xe8: {  	v43 =	vbroadcast v10, $0x4;
	s6 =	sand.u32 $0x1FFFFF80, s7  }
0xe9: {  	s6 =	sadd.s32 s3, s6  }
0xea: {  	v44 =	vadd.s32 $0xFFF0BE00, v43;
	v45 =	vbroadcast v9, $0x4;
	[tilespmem:s25], [sflag:$0x4] =	stream.strided.gather [hbm4b:s6+s12], $0x2000, s17, s12, $0x38;
	[tilespmem:$0x16680] =	vst v63  }
0xeb: {  	v46 =	vand.u32 $0x7F, v43;
	vm4 =	vgt.s32 v44, $0x0;
	_ =	swait.ge [sflag:s26], $0x2000  }
0xec: {  	v48 =	vor.u32 v1, v46;
	v47 =	vadd.s32 $0xFFF0BE00, v45;
	v14 =	vnsel vm4, $0x0, v44;
	[sflag:s26] =	ssyncset.done $0x0  }
0xed: {  	v49 =	vand.u32 $0x7F, v45;
	vm5 =	vgt.s32 v47, $0x0;
	v50 =	vadd.s32 v1, v14;
	[sflag:s26] =	ssyncadd.s32 $0xFFFFE000  }
0xee: {  	v51 =	vor.u32 v1, v49;
	v17 =	vnsel vm5, $0x0, v47;
	_ =	swait.ge [sflag:s26], $0x2000  }
0xef: {  	v52 =	vadd.s32 v1, v17;
	[sflag:s26] =	ssyncset.done $0x0  }
0xf0: {  	v53 =	vor.u32 v5, v46;
	[sflag:s26] =	ssyncadd.s32 $0xFFFFE000  }
0xf1: {  	v54 =	vadd.s32 v5, v14;
	v18 =	vld.idx.msk [tilespmem:v48+s18+$0x0], $0xffff  }
0xf2: {  	v55 =	vor.u32 v5, v49;
	v20 =	vld.idx.msk [tilespmem:v50+s15+$0x0], $0xffff  }
0xf3: {  	v56 =	vadd.s32 v5, v17;
	v21 =	vld.idx.msk [tilespmem:v51+s19+$0x0], $0xffff  }
0xf4: {  	v57 =	vor.u32 v6, v46;
	v22 =	vld.idx.msk [tilespmem:v52+s16+$0x0], $0xffff  }
0xf5: {  	v58 =	vadd.s32 v6, v14;
	(v2sf) =	vpush v12, $0x8;
	v23 =	vld.idx.msk [tilespmem:v53+s18+$0x0], $0xffff  }
0xf6: {  	v59 =	vor.u32 v6, v49;
	(v2sf) =	vpush v11, $0x8;
	v24 =	vld.idx.msk [tilespmem:v54+s15+$0x0], $0xffff  }
0xf7: {  	v60 =	vadd.s32 v6, v17;
	v25 =	vld.idx.msk [tilespmem:v55+s19+$0x0], $0xffff  }
0xf8: {  	v16 =	vor.u32 v7, v46;
	v26 =	vld.idx.msk [tilespmem:v56+s16+$0x0], $0xffff  }
0xf9: {  	v14 =	vadd.s32 v7, v14;
	v27 =	vld.idx.msk [tilespmem:v57+s18+$0x0], $0xffff  }
0xfa: {  	v19 =	vor.u32 v7, v49;
	v28 =	vld.idx.msk [tilespmem:v58+s15+$0x0], $0xffff  }
0xfb: {  	v17 =	vadd.s32 v7, v17;
	v29 =	vld.idx.msk [tilespmem:v59+s19+$0x0], $0xffff  }
0xfc: {  	v30 =	vld.idx.msk [tilespmem:v60+s16+$0x0], $0xffff  }
0xfd: {  	v16 =	vld.idx.msk [tilespmem:v16+s18+$0x0], $0xffff  }
0xfe: {  	v14 =	vld.idx.msk [tilespmem:v14+s15+$0x0], $0xffff  }
0xff: {  	vm6 =	vgt.s32 v43, $0xF41FF;
	v61 =	vld.idx.msk [tilespmem:v19+s19+$0x0], $0xffff  }
0x100: {  	vm7 =	vgt.s32 v45, $0xF41FF;
	v17 =	vld.idx.msk [tilespmem:v17+s16+$0x0], $0xffff;
	v62 =	vsel vm6, v20, v18  }
0x101: {  	v63 =	vsel vm7, v22, v21;
	v24 =	vsel vm6, v24, v23;
	v25 =	vsel vm7, v26, v25  }
0x102: {  	v15 =	vmul.f32 v63, v62;
	v26 =	vmul.f32 v25, v24  }
0x103: {  	v31 =	vsel vm6, v28, v27;
	v32 =	vsel vm7, v30, v29  }
0x104: {  	s8 =	sadd.s32 $0xFFFFFFF5, s14;
	v33 =	vmul.f32 v32, v31;
	v15 =	vadd.f32 v26, v15;
	s7 =	spop (v2sf)  }
0x105: {  	v34 =	vor.u32 s8, v8;
	v14 =	vsel vm6, v14, v16;
	v13 =	vsel vm7, v17, v61;
	s6 =	spop (v2sf)  }
0x106: {  	v13 =	vmul.f32 v13, v14;
	v15 =	vadd.f32 v33, v15;
	p0 =	slt.s32 s6, $0x1E83  }
0x107: {  	s6 =	simm.s32 @!p0 $0x1E83  }
0x108: {  	v13 =	vadd.f32 v13, v15;
	p0 =	slt.s32 s7, $0x1E83;
	s6 =	sshll.u32 s6, $0x7  }
0x109: {  	s7 =	simm.s32 @!p0 $0x1E83;
	s6 =	sand.u32 $0x1FFFFF80, s6  }
0x10a: {  	[tilespmem:v34+s28+$0x0] =	vst.idx.msk $0xffff, v13;
	s9 =	sshll.u32 s7, $0x7;
	s6 =	sadd.s32 s1, s6  }
0x10b: {  	[tilespmem:s18], [sflag:$0x1] =	stream.strided.gather [hbm4b:s6+s12], $0x2000, s17, s12, $0x38;
	[tilespmem:$0x16680] =	vst v63  }
0x10c: {  	v35 =	vbroadcast v10, $0x5;
	s6 =	sand.u32 $0x1FFFFF80, s9  }
0x10d: {  	s6 =	sadd.s32 s3, s6  }
0x10e: {  	v37 =	vbroadcast v9, $0x5;
	v36 =	vadd.s32 $0xFFF0BE00, v35;
	[tilespmem:s19], [sflag:$0x1] =	stream.strided.gather [hbm4b:s6+s12], $0x2000, s17, s12, $0x38;
	[tilespmem:$0x16680] =	vst v63  }
0x10f: {  	v38 =	vand.u32 $0x7F, v35;
	vm8 =	vgt.s32 v36, $0x0;
	_ =	swait.ge [sflag:s29], $0x2000  }
0x110: {  	v39 =	vadd.s32 $0xFFF0BE00, v37;
	v40 =	vor.u32 v1, v38;
	v14 =	vnsel vm8, $0x0, v36;
	[sflag:s29] =	ssyncset.done $0x0  }
0x111: {  	vm9 =	vgt.s32 v39, $0x0;
	v41 =	vand.u32 $0x7F, v37;
	v42 =	vadd.s32 v1, v14;
	[sflag:s29] =	ssyncadd.s32 $0xFFFFE000  }
0x112: {  	v43 =	vor.u32 v1, v41;
	v17 =	vnsel vm9, $0x0, v39;
	_ =	swait.ge [sflag:s29], $0x2000  }
0x113: {  	v44 =	vadd.s32 v1, v17;
	[sflag:s29] =	ssyncset.done $0x0  }
0x114: {  	v45 =	vor.u32 v5, v38;
	[sflag:s29] =	ssyncadd.s32 $0xFFFFE000  }
0x115: {  	v46 =	vadd.s32 v5, v14;
	v18 =	vld.idx.msk [tilespmem:v40+s20+$0x0], $0xffff  }
0x116: {  	v47 =	vor.u32 v5, v41;
	v20 =	vld.idx.msk [tilespmem:v42+s15+$0x0], $0xffff  }
0x117: {  	v48 =	vadd.s32 v5, v17;
	v21 =	vld.idx.msk [tilespmem:v43+s21+$0x0], $0xffff  }
0x118: {  	v49 =	vor.u32 v6, v38;
	v22 =	vld.idx.msk [tilespmem:v44+s16+$0x0], $0xffff  }
0x119: {  	v50 =	vadd.s32 v6, v14;
	(v2sf) =	vpush v12, $0x9;
	v23 =	vld.idx.msk [tilespmem:v45+s20+$0x0], $0xffff  }
0x11a: {  	v51 =	vor.u32 v6, v41;
	(v2sf) =	vpush v11, $0x9;
	v24 =	vld.idx.msk [tilespmem:v46+s15+$0x0], $0xffff  }
0x11b: {  	v52 =	vadd.s32 v6, v17;
	v25 =	vld.idx.msk [tilespmem:v47+s21+$0x0], $0xffff  }
0x11c: {  	v16 =	vor.u32 v7, v38;
	v26 =	vld.idx.msk [tilespmem:v48+s16+$0x0], $0xffff  }
0x11d: {  	v14 =	vadd.s32 v7, v14;
	v27 =	vld.idx.msk [tilespmem:v49+s20+$0x0], $0xffff  }
0x11e: {  	v19 =	vor.u32 v7, v41;
	v28 =	vld.idx.msk [tilespmem:v50+s15+$0x0], $0xffff  }
0x11f: {  	v17 =	vadd.s32 v7, v17;
	v29 =	vld.idx.msk [tilespmem:v51+s21+$0x0], $0xffff  }
0x120: {  	v30 =	vld.idx.msk [tilespmem:v52+s16+$0x0], $0xffff  }
0x121: {  	v16 =	vld.idx.msk [tilespmem:v16+s20+$0x0], $0xffff  }
0x122: {  	v14 =	vld.idx.msk [tilespmem:v14+s15+$0x0], $0xffff  }
0x123: {  	vm10 =	vgt.s32 v35, $0xF41FF;
	v53 =	vld.idx.msk [tilespmem:v19+s21+$0x0], $0xffff  }
0x124: {  	vm11 =	vgt.s32 v37, $0xF41FF;
	v17 =	vld.idx.msk [tilespmem:v17+s16+$0x0], $0xffff;
	v54 =	vsel vm10, v20, v18  }
0x125: {  	v55 =	vsel vm11, v22, v21;
	v56 =	vsel vm10, v24, v23;
	v57 =	vsel vm11, v26, v25  }
0x126: {  	v15 =	vmul.f32 v55, v54;
	v58 =	vmul.f32 v57, v56  }
0x127: {  	v59 =	vsel vm10, v28, v27;
	v60 =	vsel vm11, v30, v29  }
0x128: {  	s10 =	sadd.s32 $0xFFFFFFF6, s14;
	v61 =	vmul.f32 v60, v59;
	v15 =	vadd.f32 v58, v15;
	s7 =	spop (v2sf)  }
0x129: {  	v62 =	vor.u32 s10, v8;
	v14 =	vsel vm10, v14, v16;
	v13 =	vsel vm11, v17, v53;
	s6 =	spop (v2sf)  }
0x12a: {  	v13 =	vmul.f32 v13, v14;
	v15 =	vadd.f32 v61, v15;
	p0 =	slt.s32 s6, $0x1E83  }
0x12b: {  	s6 =	simm.s32 @!p0 $0x1E83  }
0x12c: {  	v13 =	vadd.f32 v13, v15;
	p0 =	slt.s32 s7, $0x1E83;
	s6 =	sshll.u32 s6, $0x7  }
0x12d: {  	s7 =	simm.s32 @!p0 $0x1E83;
	s6 =	sand.u32 $0x1FFFFF80, s6  }
0x12e: {  	[tilespmem:v62+s28+$0x0] =	vst.idx.msk $0xffff, v13;
	s7 =	sshll.u32 s7, $0x7;
	s6 =	sadd.s32 s1, s6  }
0x12f: {  	[tilespmem:s20], [sflag:$0x2] =	stream.strided.gather [hbm4b:s6+s12], $0x2000, s17, s12, $0x38;
	[tilespmem:$0x16680] =	vst v63  }
0x130: {  	v63 =	vbroadcast v10, $0x6;
	s6 =	sand.u32 $0x1FFFFF80, s7  }
0x131: {  	s6 =	sadd.s32 s3, s6  }
0x132: {  	v33 =	vadd.s32 $0xFFF0BE00, v63;
	v34 =	vbroadcast v9, $0x6;
	[tilespmem:s21], [sflag:$0x2] =	stream.strided.gather [hbm4b:s6+s12], $0x2000, s17, s12, $0x38;
	[tilespmem:$0x16680] =	vst v63  }
0x133: {  	v35 =	vand.u32 $0x7F, v63;
	vm12 =	vgt.s32 v33, $0x0;
	_ =	swait.ge [sflag:s30], $0x2000  }
0x134: {  	v37 =	vor.u32 v1, v35;
	v36 =	vadd.s32 $0xFFF0BE00, v34;
	v14 =	vnsel vm12, $0x0, v33;
	[sflag:s30] =	ssyncset.done $0x0  }
0x135: {  	v38 =	vand.u32 $0x7F, v34;
	vm13 =	vgt.s32 v36, $0x0;
	v39 =	vadd.s32 v1, v14;
	[sflag:s30] =	ssyncadd.s32 $0xFFFFE000  }
0x136: {  	v40 =	vor.u32 v1, v38;
	v17 =	vnsel vm13, $0x0, v36;
	_ =	swait.ge [sflag:s30], $0x2000  }
0x137: {  	v41 =	vadd.s32 v1, v17;
	[sflag:s30] =	ssyncset.done $0x0  }
0x138: {  	v42 =	vor.u32 v5, v35;
	[sflag:s30] =	ssyncadd.s32 $0xFFFFE000  }
0x139: {  	v43 =	vadd.s32 v5, v14;
	v18 =	vld.idx.msk [tilespmem:v37+s22+$0x0], $0xffff  }
0x13a: {  	v44 =	vor.u32 v5, v38;
	v20 =	vld.idx.msk [tilespmem:v39+s15+$0x0], $0xffff  }
0x13b: {  	v45 =	vadd.s32 v5, v17;
	v21 =	vld.idx.msk [tilespmem:v40+s23+$0x0], $0xffff  }
0x13c: {  	v46 =	vor.u32 v6, v35;
	v22 =	vld.idx.msk [tilespmem:v41+s16+$0x0], $0xffff  }
0x13d: {  	v47 =	vadd.s32 v6, v14;
	(v2sf) =	vpush v12, $0xA;
	v23 =	vld.idx.msk [tilespmem:v42+s22+$0x0], $0xffff  }
0x13e: {  	v48 =	vor.u32 v6, v38;
	(v2sf) =	vpush v11, $0xA;
	v24 =	vld.idx.msk [tilespmem:v43+s15+$0x0], $0xffff  }
0x13f: {  	v49 =	vadd.s32 v6, v17;
	v25 =	vld.idx.msk [tilespmem:v44+s23+$0x0], $0xffff  }
0x140: {  	v16 =	vor.u32 v7, v35;
	v26 =	vld.idx.msk [tilespmem:v45+s16+$0x0], $0xffff  }
0x141: {  	v14 =	vadd.s32 v7, v14;
	v27 =	vld.idx.msk [tilespmem:v46+s22+$0x0], $0xffff  }
0x142: {  	v19 =	vor.u32 v7, v38;
	v28 =	vld.idx.msk [tilespmem:v47+s15+$0x0], $0xffff  }
0x143: {  	v17 =	vadd.s32 v7, v17;
	v29 =	vld.idx.msk [tilespmem:v48+s23+$0x0], $0xffff  }
0x144: {  	v30 =	vld.idx.msk [tilespmem:v49+s16+$0x0], $0xffff  }
0x145: {  	v16 =	vld.idx.msk [tilespmem:v16+s22+$0x0], $0xffff  }
0x146: {  	v14 =	vld.idx.msk [tilespmem:v14+s15+$0x0], $0xffff  }
0x147: {  	vm14 =	vgt.s32 v63, $0xF41FF;
	v50 =	vld.idx.msk [tilespmem:v19+s23+$0x0], $0xffff  }
0x148: {  	vm15 =	vgt.s32 v34, $0xF41FF;
	v17 =	vld.idx.msk [tilespmem:v17+s16+$0x0], $0xffff;
	v51 =	vsel vm14, v20, v18  }
0x149: {  	v52 =	vsel vm15, v22, v21;
	v53 =	vsel vm14, v24, v23;
	v54 =	vsel vm15, v26, v25  }
0x14a: {  	v15 =	vmul.f32 v52, v51;
	v55 =	vmul.f32 v54, v53  }
0x14b: {  	v56 =	vsel vm14, v28, v27;
	v57 =	vsel vm15, v30, v29  }
0x14c: {  	s8 =	sadd.s32 $0xFFFFFFF7, s14;
	v58 =	vmul.f32 v57, v56;
	v15 =	vadd.f32 v55, v15;
	s7 =	spop (v2sf)  }
0x14d: {  	v59 =	vor.u32 s8, v8;
	v14 =	vsel vm14, v14, v16;
	v13 =	vsel vm15, v17, v50;
	s6 =	spop (v2sf)  }
0x14e: {  	v13 =	vmul.f32 v13, v14;
	v15 =	vadd.f32 v58, v15;
	p0 =	slt.s32 s6, $0x1E83  }
0x14f: {  	s6 =	simm.s32 @!p0 $0x1E83  }
0x150: {  	v13 =	vadd.f32 v13, v15;
	p0 =	slt.s32 s7, $0x1E83;
	s6 =	sshll.u32 s6, $0x7  }
0x151: {  	s7 =	simm.s32 @!p0 $0x1E83;
	s6 =	sand.u32 $0x1FFFFF80, s6  }
0x152: {  	[tilespmem:v59+s28+$0x0] =	vst.idx.msk $0xffff, v13;
	s9 =	sshll.u32 s7, $0x7;
	s6 =	sadd.s32 s1, s6  }
0x153: {  	[tilespmem:s22], [sflag:$0x3] =	stream.strided.gather [hbm4b:s6+s12], $0x2000, s17, s12, $0x38;
	[tilespmem:$0x16680] =	vst v63  }
0x154: {  	v60 =	vbroadcast v10, $0x7;
	s6 =	sand.u32 $0x1FFFFF80, s9  }
0x155: {  	s6 =	sadd.s32 s3, s6  }
0x156: {  	v61 =	vadd.s32 $0xFFF0BE00, v60;
	v62 =	vbroadcast v9, $0x7;
	[tilespmem:s23], [sflag:$0x3] =	stream.strided.gather [hbm4b:s6+s12], $0x2000, s17, s12, $0x38;
	[tilespmem:$0x16680] =	vst v63  }
0x157: {  	v63 =	vand.u32 $0x7F, v60;
	vm4 =	vgt.s32 v61, $0x0;
	_ =	swait.ge [sflag:s31], $0x2000  }
0x158: {  	v34 =	vor.u32 v1, v63;
	v33 =	vadd.s32 $0xFFF0BE00, v62;
	v14 =	vnsel vm4, $0x0, v61;
	[sflag:s31] =	ssyncset.done $0x0  }
0x159: {  	v35 =	vand.u32 $0x7F, v62;
	vm5 =	vgt.s32 v33, $0x0;
	v36 =	vadd.s32 v1, v14;
	[sflag:s31] =	ssyncadd.s32 $0xFFFFE000  }
0x15a: {  	v37 =	vor.u32 v1, v35;
	v17 =	vnsel vm5, $0x0, v33;
	_ =	swait.ge [sflag:s31], $0x2000  }
0x15b: {  	v38 =	vadd.s32 v1, v17;
	[sflag:s31] =	ssyncset.done $0x0  }
0x15c: {  	v39 =	vor.u32 v5, v63;
	[sflag:s31] =	ssyncadd.s32 $0xFFFFE000  }
0x15d: {  	v40 =	vadd.s32 v5, v14;
	v18 =	vld.idx.msk [tilespmem:v34+s24+$0x0], $0xffff  }
0x15e: {  	v41 =	vor.u32 v5, v35;
	v20 =	vld.idx.msk [tilespmem:v36+s15+$0x0], $0xffff  }
0x15f: {  	v42 =	vadd.s32 v5, v17;
	v21 =	vld.idx.msk [tilespmem:v37+s25+$0x0], $0xffff  }
0x160: {  	v43 =	vor.u32 v6, v63;
	v22 =	vld.idx.msk [tilespmem:v38+s16+$0x0], $0xffff  }
0x161: {  	v44 =	vadd.s32 v6, v14;
	(v2sf) =	vpush v12, $0xB;
	v23 =	vld.idx.msk [tilespmem:v39+s24+$0x0], $0xffff  }
0x162: {  	v45 =	vor.u32 v6, v35;
	(v2sf) =	vpush v11, $0xB;
	v24 =	vld.idx.msk [tilespmem:v40+s15+$0x0], $0xffff  }
0x163: {  	v46 =	vadd.s32 v6, v17;
	v25 =	vld.idx.msk [tilespmem:v41+s25+$0x0], $0xffff  }
0x164: {  	v16 =	vor.u32 v7, v63;
	v26 =	vld.idx.msk [tilespmem:v42+s16+$0x0], $0xffff  }
0x165: {  	v14 =	vadd.s32 v7, v14;
	v27 =	vld.idx.msk [tilespmem:v43+s24+$0x0], $0xffff  }
0x166: {  	v19 =	vor.u32 v7, v35;
	v28 =	vld.idx.msk [tilespmem:v44+s15+$0x0], $0xffff  }
0x167: {  	v17 =	vadd.s32 v7, v17;
	v29 =	vld.idx.msk [tilespmem:v45+s25+$0x0], $0xffff  }
0x168: {  	v30 =	vld.idx.msk [tilespmem:v46+s16+$0x0], $0xffff  }
0x169: {  	v16 =	vld.idx.msk [tilespmem:v16+s24+$0x0], $0xffff  }
0x16a: {  	v14 =	vld.idx.msk [tilespmem:v14+s15+$0x0], $0xffff  }
0x16b: {  	vm6 =	vgt.s32 v60, $0xF41FF;
	v47 =	vld.idx.msk [tilespmem:v19+s25+$0x0], $0xffff  }
0x16c: {  	vm7 =	vgt.s32 v62, $0xF41FF;
	v17 =	vld.idx.msk [tilespmem:v17+s16+$0x0], $0xffff;
	v48 =	vsel vm6, v20, v18  }
0x16d: {  	v49 =	vsel vm7, v22, v21;
	v50 =	vsel vm6, v24, v23;
	v51 =	vsel vm7, v26, v25  }
0x16e: {  	v15 =	vmul.f32 v49, v48;
	v52 =	vmul.f32 v51, v50  }
0x16f: {  	v53 =	vsel vm6, v28, v27;
	v54 =	vsel vm7, v30, v29  }
0x170: {  	s10 =	sadd.s32 $0xFFFFFFF8, s14;
	v55 =	vmul.f32 v54, v53;
	v15 =	vadd.f32 v52, v15;
	s7 =	spop (v2sf)  }
0x171: {  	v56 =	vor.u32 s10, v8;
	v14 =	vsel vm6, v14, v16;
	v13 =	vsel vm7, v17, v47;
	s6 =	spop (v2sf)  }
0x172: {  	v13 =	vmul.f32 v13, v14;
	v15 =	vadd.f32 v55, v15;
	p0 =	slt.s32 s6, $0x1E83  }
0x173: {  	s6 =	simm.s32 @!p0 $0x1E83  }
0x174: {  	v13 =	vadd.f32 v13, v15;
	p0 =	slt.s32 s7, $0x1E83;
	s6 =	sshll.u32 s6, $0x7  }
0x175: {  	s7 =	simm.s32 @!p0 $0x1E83;
	s6 =	sand.u32 $0x1FFFFF80, s6  }
0x176: {  	[tilespmem:v56+s28+$0x0] =	vst.idx.msk $0xffff, v13;
	s7 =	sshll.u32 s7, $0x7;
	s6 =	sadd.s32 s1, s6  }
0x177: {  	[tilespmem:s24], [sflag:$0x4] =	stream.strided.gather [hbm4b:s6+s12], $0x2000, s17, s12, $0x38;
	[tilespmem:$0x16680] =	vst v63  }
0x178: {  	v57 =	vbroadcast v10, $0x8;
	s6 =	sand.u32 $0x1FFFFF80, s7  }
0x179: {  	s6 =	sadd.s32 s3, s6  }
0x17a: {  	v58 =	vadd.s32 $0xFFF0BE00, v57;
	v59 =	vbroadcast v9, $0x8;
	[tilespmem:s25], [sflag:$0x4] =	stream.strided.gather [hbm4b:s6+s12], $0x2000, s17, s12, $0x38;
	[tilespmem:$0x16680] =	vst v63  }
0x17b: {  	v60 =	vand.u32 $0x7F, v57;
	vm8 =	vgt.s32 v58, $0x0;
	_ =	swait.ge [sflag:s26], $0x2000  }
0x17c: {  	v62 =	vor.u32 v1, v60;
	v61 =	vadd.s32 $0xFFF0BE00, v59;
	v14 =	vnsel vm8, $0x0, v58;
	[sflag:s26] =	ssyncset.done $0x0  }
0x17d: {  	v63 =	vand.u32 $0x7F, v59;
	vm9 =	vgt.s32 v61, $0x0;
	v28 =	vadd.s32 v1, v14;
	[sflag:s26] =	ssyncadd.s32 $0xFFFFE000  }
0x17e: {  	v17 =	vnsel vm9, $0x0, v61;
	v29 =	vor.u32 v1, v63;
	_ =	swait.ge [sflag:s26], $0x2000  }
0x17f: {  	v30 =	vadd.s32 v1, v17;
	[sflag:s26] =	ssyncset.done $0x0  }
0x180: {  	v31 =	vor.u32 v5, v60;
	[sflag:s26] =	ssyncadd.s32 $0xFFFFE000  }
0x181: {  	v32 =	vadd.s32 v5, v14;
	v18 =	vld.idx.msk [tilespmem:v62+s18+$0x0], $0xffff  }
0x182: {  	v33 =	vor.u32 v5, v63;
	v20 =	vld.idx.msk [tilespmem:v28+s15+$0x0], $0xffff  }
0x183: {  	v34 =	vadd.s32 v5, v17;
	v21 =	vld.idx.msk [tilespmem:v29+s19+$0x0], $0xffff  }
0x184: {  	v35 =	vor.u32 v6, v60;
	v22 =	vld.idx.msk [tilespmem:v30+s16+$0x0], $0xffff  }
0x185: {  	v36 =	vadd.s32 v6, v14;
	(v2sf) =	vpush v12, $0xC;
	v23 =	vld.idx.msk [tilespmem:v31+s18+$0x0], $0xffff  }
0x186: {  	v37 =	vor.u32 v6, v63;
	(v2sf) =	vpush v11, $0xC;
	v24 =	vld.idx.msk [tilespmem:v32+s15+$0x0], $0xffff  }
0x187: {  	v38 =	vadd.s32 v6, v17;
	v25 =	vld.idx.msk [tilespmem:v33+s19+$0x0], $0xffff  }
0x188: {  	v16 =	vor.u32 v7, v60;
	v26 =	vld.idx.msk [tilespmem:v34+s16+$0x0], $0xffff  }
0x189: {  	v14 =	vadd.s32 v7, v14;
	v27 =	vld.idx.msk [tilespmem:v35+s18+$0x0], $0xffff  }
0x18a: {  	v19 =	vor.u32 v7, v63;
	v28 =	vld.idx.msk [tilespmem:v36+s15+$0x0], $0xffff  }
0x18b: {  	v17 =	vadd.s32 v7, v17;
	v29 =	vld.idx.msk [tilespmem:v37+s19+$0x0], $0xffff  }
0x18c: {  	v30 =	vld.idx.msk [tilespmem:v38+s16+$0x0], $0xffff  }
0x18d: {  	v16 =	vld.idx.msk [tilespmem:v16+s18+$0x0], $0xffff  }
0x18e: {  	v14 =	vld.idx.msk [tilespmem:v14+s15+$0x0], $0xffff  }
0x18f: {  	vm10 =	vgt.s32 v57, $0xF41FF;
	v39 =	vld.idx.msk [tilespmem:v19+s19+$0x0], $0xffff  }
0x190: {  	vm11 =	vgt.s32 v59, $0xF41FF;
	v17 =	vld.idx.msk [tilespmem:v17+s16+$0x0], $0xffff;
	v40 =	vsel vm10, v20, v18  }
0x191: {  	v41 =	vsel vm11, v22, v21;
	v42 =	vsel vm10, v24, v23;
	v43 =	vsel vm11, v26, v25  }
0x192: {  	v15 =	vmul.f32 v41, v40;
	v44 =	vmul.f32 v43, v42  }
0x193: {  	v45 =	vsel vm10, v28, v27;
	v46 =	vsel vm11, v30, v29  }
0x194: {  	s8 =	sadd.s32 $0xFFFFFFF9, s14;
	v47 =	vmul.f32 v46, v45;
	v15 =	vadd.f32 v44, v15;
	s7 =	spop (v2sf)  }
0x195: {  	v48 =	vor.u32 s8, v8;
	v14 =	vsel vm10, v14, v16;
	v13 =	vsel vm11, v17, v39;
	s6 =	spop (v2sf)  }
0x196: {  	v13 =	vmul.f32 v13, v14;
	v15 =	vadd.f32 v47, v15;
	p0 =	slt.s32 s6, $0x1E83  }
0x197: {  	s6 =	simm.s32 @!p0 $0x1E83  }
0x198: {  	v13 =	vadd.f32 v13, v15;
	p0 =	slt.s32 s7, $0x1E83;
	s6 =	sshll.u32 s6, $0x7  }
0x199: {  	s7 =	simm.s32 @!p0 $0x1E83;
	s6 =	sand.u32 $0x1FFFFF80, s6  }
0x19a: {  	[tilespmem:v48+s28+$0x0] =	vst.idx.msk $0xffff, v13;
	s9 =	sshll.u32 s7, $0x7;
	s6 =	sadd.s32 s1, s6  }
0x19b: {  	[tilespmem:s18], [sflag:$0x1] =	stream.strided.gather [hbm4b:s6+s12], $0x2000, s17, s12, $0x38;
	[tilespmem:$0x16680] =	vst v63  }
0x19c: {  	v49 =	vbroadcast v10, $0x9;
	s6 =	sand.u32 $0x1FFFFF80, s9  }
0x19d: {  	s6 =	sadd.s32 s3, s6  }
0x19e: {  	v51 =	vbroadcast v9, $0x9;
	v50 =	vadd.s32 $0xFFF0BE00, v49;
	[tilespmem:s19], [sflag:$0x1] =	stream.strided.gather [hbm4b:s6+s12], $0x2000, s17, s12, $0x38;
	[tilespmem:$0x16680] =	vst v63  }
0x19f: {  	v52 =	vand.u32 $0x7F, v49;
	vm12 =	vgt.s32 v50, $0x0;
	_ =	swait.ge [sflag:s29], $0x2000  }
0x1a0: {  	v53 =	vadd.s32 $0xFFF0BE00, v51;
	v54 =	vor.u32 v1, v52;
	v14 =	vnsel vm12, $0x0, v50;
	[sflag:s29] =	ssyncset.done $0x0  }
0x1a1: {  	vm13 =	vgt.s32 v53, $0x0;
	v55 =	vand.u32 $0x7F, v51;
	v56 =	vadd.s32 v1, v14;
	[sflag:s29] =	ssyncadd.s32 $0xFFFFE000  }
0x1a2: {  	v57 =	vor.u32 v1, v55;
	v17 =	vnsel vm13, $0x0, v53;
	_ =	swait.ge [sflag:s29], $0x2000  }
0x1a3: {  	v58 =	vadd.s32 v1, v17;
	[sflag:s29] =	ssyncset.done $0x0  }
0x1a4: {  	v59 =	vor.u32 v5, v52;
	[sflag:s29] =	ssyncadd.s32 $0xFFFFE000  }
0x1a5: {  	v60 =	vadd.s32 v5, v14;
	v18 =	vld.idx.msk [tilespmem:v54+s20+$0x0], $0xffff  }
0x1a6: {  	v61 =	vor.u32 v5, v55;
	v20 =	vld.idx.msk [tilespmem:v56+s15+$0x0], $0xffff  }
0x1a7: {  	v62 =	vadd.s32 v5, v17;
	v21 =	vld.idx.msk [tilespmem:v57+s21+$0x0], $0xffff  }
0x1a8: {  	v63 =	vor.u32 v6, v52;
	v22 =	vld.idx.msk [tilespmem:v58+s16+$0x0], $0xffff  }
0x1a9: {  	v33 =	vadd.s32 v6, v14;
	(v2sf) =	vpush v12, $0xD;
	v23 =	vld.idx.msk [tilespmem:v59+s20+$0x0], $0xffff  }
0x1aa: {  	v34 =	vor.u32 v6, v55;
	(v2sf) =	vpush v11, $0xD;
	v24 =	vld.idx.msk [tilespmem:v60+s15+$0x0], $0xffff  }
0x1ab: {  	v35 =	vadd.s32 v6, v17;
	v25 =	vld.idx.msk [tilespmem:v61+s21+$0x0], $0xffff  }
0x1ac: {  	v16 =	vor.u32 v7, v52;
	v26 =	vld.idx.msk [tilespmem:v62+s16+$0x0], $0xffff  }
0x1ad: {  	v14 =	vadd.s32 v7, v14;
	v27 =	vld.idx.msk [tilespmem:v63+s20+$0x0], $0xffff  }
0x1ae: {  	v19 =	vor.u32 v7, v55;
	v28 =	vld.idx.msk [tilespmem:v33+s15+$0x0], $0xffff  }
0x1af: {  	v17 =	vadd.s32 v7, v17;
	v29 =	vld.idx.msk [tilespmem:v34+s21+$0x0], $0xffff  }
0x1b0: {  	v30 =	vld.idx.msk [tilespmem:v35+s16+$0x0], $0xffff  }
0x1b1: {  	v16 =	vld.idx.msk [tilespmem:v16+s20+$0x0], $0xffff  }
0x1b2: {  	v14 =	vld.idx.msk [tilespmem:v14+s15+$0x0], $0xffff  }
0x1b3: {  	vm14 =	vgt.s32 v49, $0xF41FF;
	v36 =	vld.idx.msk [tilespmem:v19+s21+$0x0], $0xffff  }
0x1b4: {  	vm15 =	vgt.s32 v51, $0xF41FF;
	v17 =	vld.idx.msk [tilespmem:v17+s16+$0x0], $0xffff;
	v37 =	vsel vm14, v20, v18  }
0x1b5: {  	v38 =	vsel vm15, v22, v21;
	v39 =	vsel vm14, v24, v23;
	v40 =	vsel vm15, v26, v25  }
0x1b6: {  	v15 =	vmul.f32 v38, v37;
	v41 =	vmul.f32 v40, v39  }
0x1b7: {  	v42 =	vsel vm14, v28, v27;
	v43 =	vsel vm15, v30, v29  }
0x1b8: {  	s10 =	sadd.s32 $0xFFFFFFFA, s14;
	v44 =	vmul.f32 v43, v42;
	v15 =	vadd.f32 v41, v15;
	s7 =	spop (v2sf)  }
0x1b9: {  	v45 =	vor.u32 s10, v8;
	v14 =	vsel vm14, v14, v16;
	v13 =	vsel vm15, v17, v36;
	s6 =	spop (v2sf)  }
0x1ba: {  	v13 =	vmul.f32 v13, v14;
	v15 =	vadd.f32 v44, v15;
	p0 =	slt.s32 s6, $0x1E83  }
0x1bb: {  	s6 =	simm.s32 @!p0 $0x1E83  }
0x1bc: {  	v13 =	vadd.f32 v13, v15;
	p0 =	slt.s32 s7, $0x1E83;
	s6 =	sshll.u32 s6, $0x7  }
0x1bd: {  	s7 =	simm.s32 @!p0 $0x1E83;
	s6 =	sand.u32 $0x1FFFFF80, s6  }
0x1be: {  	[tilespmem:v45+s28+$0x0] =	vst.idx.msk $0xffff, v13;
	s7 =	sshll.u32 s7, $0x7;
	s6 =	sadd.s32 s1, s6  }
0x1bf: {  	[tilespmem:s20], [sflag:$0x2] =	stream.strided.gather [hbm4b:s6+s12], $0x2000, s17, s12, $0x38;
	[tilespmem:$0x16680] =	vst v63  }
0x1c0: {  	v46 =	vbroadcast v10, $0xA;
	s6 =	sand.u32 $0x1FFFFF80, s7  }
0x1c1: {  	s6 =	sadd.s32 s3, s6  }
0x1c2: {  	v47 =	vadd.s32 $0xFFF0BE00, v46;
	v48 =	vbroadcast v9, $0xA;
	[tilespmem:s21], [sflag:$0x2] =	stream.strided.gather [hbm4b:s6+s12], $0x2000, s17, s12, $0x38;
	[tilespmem:$0x16680] =	vst v63  }
0x1c3: {  	v49 =	vand.u32 $0x7F, v46;
	vm4 =	vgt.s32 v47, $0x0;
	_ =	swait.ge [sflag:s30], $0x2000  }
0x1c4: {  	v51 =	vor.u32 v1, v49;
	v50 =	vadd.s32 $0xFFF0BE00, v48;
	v14 =	vnsel vm4, $0x0, v47;
	[sflag:s30] =	ssyncset.done $0x0  }
0x1c5: {  	v52 =	vand.u32 $0x7F, v48;
	vm5 =	vgt.s32 v50, $0x0;
	v53 =	vadd.s32 v1, v14;
	[sflag:s30] =	ssyncadd.s32 $0xFFFFE000  }
0x1c6: {  	v54 =	vor.u32 v1, v52;
	v17 =	vnsel vm5, $0x0, v50;
	_ =	swait.ge [sflag:s30], $0x2000  }
0x1c7: {  	v55 =	vadd.s32 v1, v17;
	[sflag:s30] =	ssyncset.done $0x0  }
0x1c8: {  	v56 =	vor.u32 v5, v49;
	[sflag:s30] =	ssyncadd.s32 $0xFFFFE000  }
0x1c9: {  	v57 =	vadd.s32 v5, v14;
	v18 =	vld.idx.msk [tilespmem:v51+s22+$0x0], $0xffff  }
0x1ca: {  	v58 =	vor.u32 v5, v52;
	v20 =	vld.idx.msk [tilespmem:v53+s15+$0x0], $0xffff  }
0x1cb: {  	v59 =	vadd.s32 v5, v17;
	v21 =	vld.idx.msk [tilespmem:v54+s23+$0x0], $0xffff  }
0x1cc: {  	v60 =	vor.u32 v6, v49;
	v22 =	vld.idx.msk [tilespmem:v55+s16+$0x0], $0xffff  }
0x1cd: {  	v61 =	vadd.s32 v6, v14;
	(v2sf) =	vpush v12, $0xE;
	v23 =	vld.idx.msk [tilespmem:v56+s22+$0x0], $0xffff  }
0x1ce: {  	v62 =	vor.u32 v6, v52;
	(v2sf) =	vpush v11, $0xE;
	v24 =	vld.idx.msk [tilespmem:v57+s15+$0x0], $0xffff  }
0x1cf: {  	v63 =	vadd.s32 v6, v17;
	v25 =	vld.idx.msk [tilespmem:v58+s23+$0x0], $0xffff  }
0x1d0: {  	v16 =	vor.u32 v7, v49;
	v26 =	vld.idx.msk [tilespmem:v59+s16+$0x0], $0xffff  }
0x1d1: {  	v14 =	vadd.s32 v7, v14;
	v27 =	vld.idx.msk [tilespmem:v60+s22+$0x0], $0xffff  }
0x1d2: {  	v19 =	vor.u32 v7, v52;
	v28 =	vld.idx.msk [tilespmem:v61+s15+$0x0], $0xffff  }
0x1d3: {  	v17 =	vadd.s32 v7, v17;
	v29 =	vld.idx.msk [tilespmem:v62+s23+$0x0], $0xffff  }
0x1d4: {  	v30 =	vld.idx.msk [tilespmem:v63+s16+$0x0], $0xffff  }
0x1d5: {  	v16 =	vld.idx.msk [tilespmem:v16+s22+$0x0], $0xffff  }
0x1d6: {  	v14 =	vld.idx.msk [tilespmem:v14+s15+$0x0], $0xffff  }
0x1d7: {  	vm6 =	vgt.s32 v46, $0xF41FF;
	v32 =	vld.idx.msk [tilespmem:v19+s23+$0x0], $0xffff  }
0x1d8: {  	vm7 =	vgt.s32 v48, $0xF41FF;
	v33 =	vld.idx.msk [tilespmem:v17+s16+$0x0], $0xffff;
	v18 =	vsel vm6, v20, v18  }
0x1d9: {  	v34 =	vsel vm7, v22, v21;
	v35 =	vsel vm6, v24, v23;
	v36 =	vsel vm7, v26, v25  }
0x1da: {  	v17 =	vmul.f32 v34, v18;
	v37 =	vmul.f32 v36, v35  }
0x1db: {  	v38 =	vsel vm6, v28, v27;
	v39 =	vsel vm7, v30, v29  }
0x1dc: {  	s8 =	sadd.s32 $0xFFFFFFFB, s14;
	v40 =	vmul.f32 v39, v38;
	v17 =	vadd.f32 v37, v17;
	s7 =	spop (v2sf)  }
0x1dd: {  	v41 =	vor.u32 s8, v8;
	v14 =	vsel vm6, v14, v16;
	v13 =	vsel vm7, v33, v32;
	s6 =	spop (v2sf)  }
0x1de: {  	v13 =	vmul.f32 v13, v14;
	v42 =	vadd.f32 v40, v17;
	p0 =	slt.s32 s6, $0x1E83  }
0x1df: {  	s6 =	simm.s32 @!p0 $0x1E83  }
0x1e0: {  	v13 =	vadd.f32 v13, v42;
	p0 =	slt.s32 s7, $0x1E83;
	s6 =	sshll.u32 s6, $0x7  }
0x1e1: {  	s7 =	simm.s32 @!p0 $0x1E83;
	s6 =	sand.u32 $0x1FFFFF80, s6  }
0x1e2: {  	[tilespmem:v41+s28+$0x0] =	vst.idx.msk $0xffff, v13;
	s9 =	sshll.u32 s7, $0x7;
	s6 =	sadd.s32 s1, s6  }
0x1e3: {  	[tilespmem:s22], [sflag:$0x3] =	stream.strided.gather [hbm4b:s6+s12], $0x2000, s17, s12, $0x38;
	[tilespmem:$0x16680] =	vst v63  }
0x1e4: {  	v43 =	vbroadcast v10, $0xB;
	s6 =	sand.u32 $0x1FFFFF80, s9  }
0x1e5: {  	s6 =	sadd.s32 s3, s6  }
0x1e6: {  	v44 =	vadd.s32 $0xFFF0BE00, v43;
	v45 =	vbroadcast v9, $0xB;
	[tilespmem:s23], [sflag:$0x3] =	stream.strided.gather [hbm4b:s6+s12], $0x2000, s17, s12, $0x38;
	[tilespmem:$0x16680] =	vst v63  }
0x1e7: {  	v46 =	vand.u32 $0x7F, v43;
	vm8 =	vgt.s32 v44, $0x0;
	_ =	swait.ge [sflag:s31], $0x2000  }
0x1e8: {  	v48 =	vor.u32 v1, v46;
	v47 =	vadd.s32 $0xFFF0BE00, v45;
	v14 =	vnsel vm8, $0x0, v44;
	[sflag:s31] =	ssyncset.done $0x0  }
0x1e9: {  	v49 =	vand.u32 $0x7F, v45;
	vm9 =	vgt.s32 v47, $0x0;
	v50 =	vadd.s32 v1, v14;
	[sflag:s31] =	ssyncadd.s32 $0xFFFFE000  }
0x1ea: {  	v51 =	vor.u32 v1, v49;
	v17 =	vnsel vm9, $0x0, v47;
	_ =	swait.ge [sflag:s31], $0x2000  }
0x1eb: {  	v52 =	vadd.s32 v1, v17;
	[sflag:s31] =	ssyncset.done $0x0  }
0x1ec: {  	v53 =	vor.u32 v5, v46;
	[sflag:s31] =	ssyncadd.s32 $0xFFFFE000  }
0x1ed: {  	v54 =	vadd.s32 v5, v14;
	v18 =	vld.idx.msk [tilespmem:v48+s24+$0x0], $0xffff  }
0x1ee: {  	v55 =	vor.u32 v5, v49;
	v20 =	vld.idx.msk [tilespmem:v50+s15+$0x0], $0xffff  }
0x1ef: {  	v56 =	vadd.s32 v5, v17;
	v21 =	vld.idx.msk [tilespmem:v51+s25+$0x0], $0xffff  }
0x1f0: {  	v57 =	vor.u32 v6, v46;
	v22 =	vld.idx.msk [tilespmem:v52+s16+$0x0], $0xffff  }
0x1f1: {  	v58 =	vadd.s32 v6, v14;
	(v2sf) =	vpush v12, $0xF;
	v23 =	vld.idx.msk [tilespmem:v53+s24+$0x0], $0xffff  }
0x1f2: {  	v60 =	vor.u32 v6, v49;
	(v2sf) =	vpush v11, $0xF;
	v59 =	vld.idx.msk [tilespmem:v54+s15+$0x0], $0xffff  }
0x1f3: {  	v61 =	vadd.s32 v6, v17;
	v11 =	vld.idx.msk [tilespmem:v55+s25+$0x0], $0xffff  }
0x1f4: {  	v16 =	vor.u32 v7, v46;
	v26 =	vld.idx.msk [tilespmem:v56+s16+$0x0], $0xffff  }
0x1f5: {  	v14 =	vadd.s32 v7, v14;
	v27 =	vld.idx.msk [tilespmem:v57+s24+$0x0], $0xffff  }
0x1f6: {  	v19 =	vor.u32 v7, v49;
	v28 =	vld.idx.msk [tilespmem:v58+s15+$0x0], $0xffff  }
0x1f7: {  	v17 =	vadd.s32 v7, v17;
	v24 =	vld.idx.msk [tilespmem:v60+s25+$0x0], $0xffff  }
0x1f8: {  	v25 =	vld.idx.msk [tilespmem:v61+s16+$0x0], $0xffff  }
0x1f9: {  	v16 =	vld.idx.msk [tilespmem:v16+s24+$0x0], $0xffff  }
0x1fa: {  	v14 =	vld.idx.msk [tilespmem:v14+s15+$0x0], $0xffff  }
0x1fb: {  	vm10 =	vgt.s32 v43, $0xF41FF;
	v62 =	vld.idx.msk [tilespmem:v19+s25+$0x0], $0xffff  }
0x1fc: {  	vm11 =	vgt.s32 v45, $0xF41FF;
	v17 =	vld.idx.msk [tilespmem:v17+s16+$0x0], $0xffff;
	v63 =	vsel vm10, v20, v18  }
0x1fd: {  	v22 =	vsel vm11, v22, v21;
	v12 =	vsel vm10, v59, v23;
	v11 =	vsel vm11, v26, v11  }
0x1fe: {  	v15 =	vmul.f32 v22, v63;
	v11 =	vmul.f32 v11, v12  }
0x1ff: {  	v28 =	vsel vm10, v28, v27;
	v29 =	vsel vm11, v25, v24  }
0x200: {  	s10 =	sadd.s32 $0xFFFFFFFC, s14;
	v12 =	vmul.f32 v29, v28;
	v11 =	vadd.f32 v11, v15;
	s7 =	spop (v2sf)  }
0x201: {  	v30 =	vor.u32 s10, v8;
	v14 =	vsel vm10, v14, v16;
	v13 =	vsel vm11, v17, v62;
	s6 =	spop (v2sf)  }
0x202: {  	v31 =	vmul.f32 v13, v14;
	v11 =	vadd.f32 v12, v11;
	p0 =	slt.s32 s6, $0x1E83  }
0x203: {  	s6 =	simm.s32 @!p0 $0x1E83  }
0x204: {  	v11 =	vadd.f32 v31, v11;
	p0 =	slt.s32 s7, $0x1E83;
	s6 =	sshll.u32 s6, $0x7  }
0x205: {  	s7 =	simm.s32 @!p0 $0x1E83;
	s6 =	sand.u32 $0x1FFFFF80, s6  }
0x206: {  	[tilespmem:v30+s28+$0x0] =	vst.idx.msk $0xffff, v11;
	s7 =	sshll.u32 s7, $0x7;
	s6 =	sadd.s32 s1, s6  }
0x207: {  	[tilespmem:s24], [sflag:$0x4] =	stream.strided.gather [hbm4b:s6+s12], $0x2000, s17, s12, $0x38;
	[tilespmem:$0x16680] =	vst v63  }
0x208: {  	v11 =	vbroadcast v10, $0xC;
	s6 =	sand.u32 $0x1FFFFF80, s7  }
0x209: {  	s6 =	sadd.s32 s3, s6  }
0x20a: {  	v33 =	vbroadcast v9, $0xC;
	v32 =	vadd.s32 $0xFFF0BE00, v11;
	[tilespmem:s25], [sflag:$0x4] =	stream.strided.gather [hbm4b:s6+s12], $0x2000, s17, s12, $0x38;
	[tilespmem:$0x16680] =	vst v63  }
0x20b: {  	v34 =	vand.u32 $0x7F, v11;
	vm12 =	vgt.s32 v32, $0x0;
	_ =	swait.ge [sflag:s26], $0x2000  }
0x20c: {  	v35 =	vadd.s32 $0xFFF0BE00, v33;
	v36 =	vor.u32 v1, v34;
	v12 =	vnsel vm12, $0x0, v32;
	[sflag:s26] =	ssyncset.done $0x0  }
0x20d: {  	v37 =	vand.u32 $0x7F, v33;
	vm13 =	vgt.s32 v35, $0x0;
	v38 =	vadd.s32 v1, v12;
	[sflag:s26] =	ssyncadd.s32 $0xFFFFE000  }
0x20e: {  	v39 =	vor.u32 v1, v37;
	v15 =	vnsel vm13, $0x0, v35;
	_ =	swait.ge [sflag:s26], $0x2000  }
0x20f: {  	v40 =	vadd.s32 v1, v15;
	[sflag:s26] =	ssyncset.done $0x0  }
0x210: {  	v41 =	vor.u32 v5, v34;
	[sflag:s26] =	ssyncadd.s32 $0xFFFFE000  }
0x211: {  	v42 =	vadd.s32 v5, v12;
	v16 =	vld.idx.msk [tilespmem:v36+s18+$0x0], $0xffff  }
0x212: {  	v43 =	vor.u32 v5, v37;
	v18 =	vld.idx.msk [tilespmem:v38+s15+$0x0], $0xffff  }
0x213: {  	v44 =	vadd.s32 v5, v15;
	v19 =	vld.idx.msk [tilespmem:v39+s19+$0x0], $0xffff  }
0x214: {  	v45 =	vor.u32 v6, v34;
	v20 =	vld.idx.msk [tilespmem:v40+s16+$0x0], $0xffff  }
0x215: {  	v46 =	vadd.s32 v6, v12;
	v21 =	vld.idx.msk [tilespmem:v41+s18+$0x0], $0xffff  }
0x216: {  	v47 =	vor.u32 v6, v37;
	v22 =	vld.idx.msk [tilespmem:v42+s15+$0x0], $0xffff  }
0x217: {  	v48 =	vadd.s32 v6, v15;
	v23 =	vld.idx.msk [tilespmem:v43+s19+$0x0], $0xffff  }
0x218: {  	v14 =	vor.u32 v7, v34;
	v24 =	vld.idx.msk [tilespmem:v44+s16+$0x0], $0xffff  }
0x219: {  	v12 =	vadd.s32 v7, v12;
	v25 =	vld.idx.msk [tilespmem:v45+s18+$0x0], $0xffff  }
0x21a: {  	v17 =	vor.u32 v7, v37;
	v26 =	vld.idx.msk [tilespmem:v46+s15+$0x0], $0xffff  }
0x21b: {  	v15 =	vadd.s32 v7, v15;
	v27 =	vld.idx.msk [tilespmem:v47+s19+$0x0], $0xffff  }
0x21c: {  	v28 =	vld.idx.msk [tilespmem:v48+s16+$0x0], $0xffff  }
0x21d: {  	v14 =	vld.idx.msk [tilespmem:v14+s18+$0x0], $0xffff  }
0x21e: {  	v12 =	vld.idx.msk [tilespmem:v12+s15+$0x0], $0xffff  }
0x21f: {  	vm14 =	vgt.s32 v11, $0xF41FF;
	v11 =	vld.idx.msk [tilespmem:v17+s19+$0x0], $0xffff  }
0x220: {  	vm15 =	vgt.s32 v33, $0xF41FF;
	v15 =	vld.idx.msk [tilespmem:v15+s16+$0x0], $0xffff;
	v49 =	vsel vm14, v18, v16  }
0x221: {  	v50 =	vsel vm15, v20, v19;
	v51 =	vsel vm14, v22, v21;
	v52 =	vsel vm15, v24, v23  }
0x222: {  	v13 =	vmul.f32 v50, v49;
	v53 =	vmul.f32 v52, v51  }
0x223: {  	v54 =	vsel vm14, v26, v25;
	v55 =	vsel vm15, v28, v27  }
0x224: {  	s8 =	sadd.s32 $0xFFFFFFFD, s14;
	v56 =	vmul.f32 v55, v54;
	v13 =	vadd.f32 v53, v13  }
0x225: {  	v57 =	vor.u32 s8, v8;
	v12 =	vsel vm14, v12, v14;
	v11 =	vsel vm15, v15, v11  }
0x226: {  	v11 =	vmul.f32 v11, v12;
	v13 =	vadd.f32 v56, v13;
	_ =	sdelay $0x1  }
0x227: {  	v11 =	vadd.f32 v11, v13;
	_ =	sdelay $0x1  }
0x228: {  	p0 =	seq.s32 s14, $0x1FF;
	[tilespmem:v57+s28+$0x0] =	vst.idx.msk $0xffff, v11  }
0x229: {  	v11 =	vld @!p0 [tilespmem:s5+$0x0]  }
0x22a: {  	v12 =	vld @!p0 [tilespmem:s0+$0x0];
	_ =	sdelay $0x3  }
0x22b: {  	(v2sf) =	vpush @!p0 v11, $0x0  }
0x22c: {  	(v2sf) =	vpush @!p0 v12, $0x0;
	_ =	sdelay $0xd  }
0x22d: {  	s6 =	spop @!p0 (v2sf)  }
0x22e: {  	s7 =	spop @!p0 (v2sf)  }
0x22f: {  	s7 =	sshra.s32 @!p0 s7, $0x7  }
0x230: {  	p1 =	slt.s32 @!p0 s7, $0x1E83  }
0x231: {  	s8 =	sshra.s32 @!p0 s6, $0x7;
	p1 =	por !p1, p0  }
0x232: {  	s7 =	simm.s32 @p1 $0x1E83;
	p1 =	slt.s32 @!p0 s8, $0x1E83  }
0x233: {  	s6 =	sshll.u32 @!p0 s7, $0x7;
	p1 =	por !p1, p0;
	s7 =	simm.s32 @!p0 $0x7A1400  }
0x234: {  	s10 =	simm.s32 @!p0 $0x4480;
	s6 =	sand.u32 @!p0 $0x1FFFFF80, s6;
	s8 =	simm.s32 @p1 $0x1E83  }
0x235: {  	s9 =	sadd.s32 @!p0 s1, s6;
	s6 =	simm.s32 @!p0 $0x400;
	s8 =	sshll.u32 @!p0 s8, $0x7  }
0x236: {  	[tilespmem:s10], [sflag:$0x1] =	stream.strided.gather @!p0 [hbm4b:s9+s6], $0x2000, s7, s6, $0x38;
	[tilespmem:$0x16680] =	vst v63  }
0x237: {  	v11 =	vbroadcast v10, $0xD;
	s8 =	sand.u32 @!p0 $0x1FFFFF80, s8  }
0x238: {  	s9 =	simm.s32 @!p0 $0xC480;
	s8 =	sadd.s32 @!p0 s3, s8  }
0x239: {  	v59 =	vbroadcast v9, $0xD;
	v58 =	vadd.s32 $0xFFF0BE00, v11;
	[tilespmem:s9], [sflag:$0x1] =	stream.strided.gather @!p0 [hbm4b:s8+s6], $0x2000, s7, s6, $0x38;
	[tilespmem:$0x16680] =	vst v63  }
0x23a: {  	v60 =	vand.u32 $0x7F, v11;
	vm4 =	vgt.s32 v58, $0x0;
	_ =	swait.ge [sflag:s29], $0x2000  }
0x23b: {  	v61 =	vadd.s32 $0xFFF0BE00, v59;
	v62 =	vor.u32 v1, v60;
	v12 =	vnsel vm4, $0x0, v58;
	[sflag:s29] =	ssyncset.done $0x0  }
0x23c: {  	v63 =	vand.u32 $0x7F, v59;
	vm5 =	vgt.s32 v61, $0x0;
	v27 =	vadd.s32 v1, v12;
	[sflag:s29] =	ssyncadd.s32 $0xFFFFE000  }
0x23d: {  	v15 =	vnsel vm5, $0x0, v61;
	v28 =	vor.u32 v1, v63;
	_ =	swait.ge [sflag:s29], $0x2000  }
0x23e: {  	v29 =	vadd.s32 v1, v15;
	[sflag:s29] =	ssyncset.done $0x0  }
0x23f: {  	v30 =	vor.u32 v5, v60;
	[sflag:s29] =	ssyncadd.s32 $0xFFFFE000  }
0x240: {  	v31 =	vadd.s32 v5, v12;
	v16 =	vld.idx.msk [tilespmem:v62+s20+$0x0], $0xffff  }
0x241: {  	v32 =	vor.u32 v5, v63;
	v18 =	vld.idx.msk [tilespmem:v27+s15+$0x0], $0xffff  }
0x242: {  	v33 =	vadd.s32 v5, v15;
	v19 =	vld.idx.msk [tilespmem:v28+s21+$0x0], $0xffff  }
0x243: {  	v34 =	vor.u32 v6, v60;
	v20 =	vld.idx.msk [tilespmem:v29+s16+$0x0], $0xffff  }
0x244: {  	v35 =	vadd.s32 v6, v12;
	v21 =	vld.idx.msk [tilespmem:v30+s20+$0x0], $0xffff  }
0x245: {  	v36 =	vor.u32 v6, v63;
	v22 =	vld.idx.msk [tilespmem:v31+s15+$0x0], $0xffff  }
0x246: {  	v37 =	vadd.s32 v6, v15;
	v23 =	vld.idx.msk [tilespmem:v32+s21+$0x0], $0xffff  }
0x247: {  	v14 =	vor.u32 v7, v60;
	v24 =	vld.idx.msk [tilespmem:v33+s16+$0x0], $0xffff  }
0x248: {  	v12 =	vadd.s32 v7, v12;
	v25 =	vld.idx.msk [tilespmem:v34+s20+$0x0], $0xffff  }
0x249: {  	v17 =	vor.u32 v7, v63;
	v26 =	vld.idx.msk [tilespmem:v35+s15+$0x0], $0xffff  }
0x24a: {  	v15 =	vadd.s32 v7, v15;
	v27 =	vld.idx.msk [tilespmem:v36+s21+$0x0], $0xffff  }
0x24b: {  	v28 =	vld.idx.msk [tilespmem:v37+s16+$0x0], $0xffff  }
0x24c: {  	v14 =	vld.idx.msk [tilespmem:v14+s20+$0x0], $0xffff  }
0x24d: {  	v12 =	vld.idx.msk [tilespmem:v12+s15+$0x0], $0xffff  }
0x24e: {  	vm6 =	vgt.s32 v11, $0xF41FF;
	v11 =	vld.idx.msk [tilespmem:v17+s21+$0x0], $0xffff  }
0x24f: {  	vm7 =	vgt.s32 v59, $0xF41FF;
	v15 =	vld.idx.msk [tilespmem:v15+s16+$0x0], $0xffff;
	v38 =	vsel vm6, v18, v16  }
0x250: {  	v39 =	vsel vm7, v20, v19;
	v40 =	vsel vm6, v22, v21;
	v41 =	vsel vm7, v24, v23  }
0x251: {  	v13 =	vmul.f32 v39, v38;
	v42 =	vmul.f32 v41, v40  }
0x252: {  	v43 =	vsel vm6, v26, v25;
	v44 =	vsel vm7, v28, v27  }
0x253: {  	s9 =	sadd.s32 $0xFFFFFFFE, s14;
	v45 =	vmul.f32 v44, v43;
	v13 =	vadd.f32 v42, v13  }
0x254: {  	v46 =	vor.u32 s9, v8;
	v12 =	vsel vm6, v12, v14;
	v11 =	vsel vm7, v15, v11  }
0x255: {  	v11 =	vmul.f32 v11, v12;
	v13 =	vadd.f32 v45, v13;
	_ =	sdelay $0x1  }
0x256: {  	v11 =	vadd.f32 v11, v13;
	_ =	sdelay $0x1  }
0x257: {  	[tilespmem:v46+s28+$0x0] =	vst.idx.msk $0xffff, v11  }
0x258: {  	v11 =	vld @!p0 [tilespmem:s5+$0x0]  }
0x259: {  	v12 =	vld @!p0 [tilespmem:s0+$0x0];
	_ =	sdelay $0x3  }
0x25a: {  	(v2sf) =	vpush @!p0 v11, $0x1  }
0x25b: {  	(v2sf) =	vpush @!p0 v12, $0x1;
	_ =	sdelay $0xd  }
0x25c: {  	s8 =	spop @!p0 (v2sf)  }
0x25d: {  	s9 =	spop @!p0 (v2sf)  }
0x25e: {  	s9 =	sshra.s32 @!p0 s9, $0x7  }
0x25f: {  	p1 =	slt.s32 @!p0 s9, $0x1E83  }
0x260: {  	s8 =	sshra.s32 @!p0 s8, $0x7;
	p1 =	por !p1, p0  }
0x261: {  	s9 =	simm.s32 @p1 $0x1E83;
	p1 =	slt.s32 @!p0 s8, $0x1E83  }
0x262: {  	s9 =	sshll.u32 @!p0 s9, $0x7;
	p1 =	por !p1, p0  }
0x263: {  	s9 =	sand.u32 @!p0 $0x1FFFFF80, s9;
	s8 =	simm.s32 @p1 $0x1E83  }
0x264: {  	s10 =	simm.s32 @!p0 $0x6480;
	s9 =	sadd.s32 @!p0 s1, s9;
	s8 =	sshll.u32 @!p0 s8, $0x7  }
0x265: {  	[tilespmem:s10], [sflag:$0x2] =	stream.strided.gather @!p0 [hbm4b:s9+s6], $0x2000, s7, s6, $0x38;
	[tilespmem:$0x16680] =	vst v63  }
0x266: {  	v11 =	vbroadcast v10, $0xE;
	s8 =	sand.u32 @!p0 $0x1FFFFF80, s8  }
0x267: {  	s9 =	simm.s32 @!p0 $0xE480;
	s8 =	sadd.s32 @!p0 s3, s8  }
0x268: {  	v48 =	vbroadcast v9, $0xE;
	v47 =	vadd.s32 $0xFFF0BE00, v11;
	[tilespmem:s9], [sflag:$0x2] =	stream.strided.gather @!p0 [hbm4b:s8+s6], $0x2000, s7, s6, $0x38;
	[tilespmem:$0x16680] =	vst v63  }
0x269: {  	v49 =	vand.u32 $0x7F, v11;
	vm8 =	vgt.s32 v47, $0x0;
	_ =	swait.ge [sflag:s30], $0x2000  }
0x26a: {  	v50 =	vadd.s32 $0xFFF0BE00, v48;
	v51 =	vor.u32 v1, v49;
	v12 =	vnsel vm8, $0x0, v47;
	[sflag:s30] =	ssyncset.done $0x0  }
0x26b: {  	v52 =	vand.u32 $0x7F, v48;
	vm9 =	vgt.s32 v50, $0x0;
	v53 =	vadd.s32 v1, v12;
	[sflag:s30] =	ssyncadd.s32 $0xFFFFE000  }
0x26c: {  	v54 =	vor.u32 v1, v52;
	v15 =	vnsel vm9, $0x0, v50;
	_ =	swait.ge [sflag:s30], $0x2000  }
0x26d: {  	v55 =	vadd.s32 v1, v15;
	[sflag:s30] =	ssyncset.done $0x0  }
0x26e: {  	v56 =	vor.u32 v5, v49;
	[sflag:s30] =	ssyncadd.s32 $0xFFFFE000  }
0x26f: {  	v57 =	vadd.s32 v5, v12;
	v16 =	vld.idx.msk [tilespmem:v51+s22+$0x0], $0xffff  }
0x270: {  	v58 =	vor.u32 v5, v52;
	v18 =	vld.idx.msk [tilespmem:v53+s15+$0x0], $0xffff  }
0x271: {  	v59 =	vadd.s32 v5, v15;
	v19 =	vld.idx.msk [tilespmem:v54+s23+$0x0], $0xffff  }
0x272: {  	v60 =	vor.u32 v6, v49;
	v20 =	vld.idx.msk [tilespmem:v55+s16+$0x0], $0xffff  }
0x273: {  	v61 =	vadd.s32 v6, v12;
	v21 =	vld.idx.msk [tilespmem:v56+s22+$0x0], $0xffff  }
0x274: {  	v62 =	vor.u32 v6, v52;
	v22 =	vld.idx.msk [tilespmem:v57+s15+$0x0], $0xffff  }
0x275: {  	v63 =	vadd.s32 v6, v15;
	v23 =	vld.idx.msk [tilespmem:v58+s23+$0x0], $0xffff  }
0x276: {  	v14 =	vor.u32 v7, v49;
	v24 =	vld.idx.msk [tilespmem:v59+s16+$0x0], $0xffff  }
0x277: {  	v12 =	vadd.s32 v7, v12;
	v25 =	vld.idx.msk [tilespmem:v60+s22+$0x0], $0xffff  }
0x278: {  	v17 =	vor.u32 v7, v52;
	v26 =	vld.idx.msk [tilespmem:v61+s15+$0x0], $0xffff  }
0x279: {  	v15 =	vadd.s32 v7, v15;
	v27 =	vld.idx.msk [tilespmem:v62+s23+$0x0], $0xffff  }
0x27a: {  	v28 =	vld.idx.msk [tilespmem:v63+s16+$0x0], $0xffff  }
0x27b: {  	v14 =	vld.idx.msk [tilespmem:v14+s22+$0x0], $0xffff  }
0x27c: {  	v12 =	vld.idx.msk [tilespmem:v12+s15+$0x0], $0xffff  }
0x27d: {  	vm10 =	vgt.s32 v11, $0xF41FF;
	v11 =	vld.idx.msk [tilespmem:v17+s23+$0x0], $0xffff  }
0x27e: {  	vm11 =	vgt.s32 v48, $0xF41FF;
	v31 =	vld.idx.msk [tilespmem:v15+s16+$0x0], $0xffff;
	v16 =	vsel vm10, v18, v16  }
0x27f: {  	v32 =	vsel vm11, v20, v19;
	v33 =	vsel vm10, v22, v21;
	v34 =	vsel vm11, v24, v23  }
0x280: {  	v15 =	vmul.f32 v32, v16;
	v35 =	vmul.f32 v34, v33  }
0x281: {  	v36 =	vsel vm10, v26, v25;
	v37 =	vsel vm11, v28, v27  }
0x282: {  	s10 =	sadd.s32 $0xFFFFFFFF, s14;
	v38 =	vmul.f32 v37, v36;
	v15 =	vadd.f32 v35, v15  }
0x283: {  	v39 =	vor.u32 s10, v8;
	v12 =	vsel vm10, v12, v14;
	v11 =	vsel vm11, v31, v11  }
0x284: {  	v11 =	vmul.f32 v11, v12;
	v40 =	vadd.f32 v38, v15;
	_ =	sdelay $0x1  }
0x285: {  	v11 =	vadd.f32 v11, v40;
	_ =	sdelay $0x1  }
0x286: {  	[tilespmem:v39+s28+$0x0] =	vst.idx.msk $0xffff, v11  }
0x287: {  	v11 =	vld @!p0 [tilespmem:s5+$0x0]  }
0x288: {  	v12 =	vld @!p0 [tilespmem:s0+$0x0];
	_ =	sdelay $0x3  }
0x289: {  	(v2sf) =	vpush @!p0 v11, $0x2  }
0x28a: {  	(v2sf) =	vpush @!p0 v12, $0x2;
	_ =	sdelay $0xd  }
0x28b: {  	s8 =	spop @!p0 (v2sf)  }
0x28c: {  	s9 =	spop @!p0 (v2sf)  }
0x28d: {  	s9 =	sshra.s32 @!p0 s9, $0x7  }
0x28e: {  	p1 =	slt.s32 @!p0 s9, $0x1E83  }
0x28f: {  	s8 =	sshra.s32 @!p0 s8, $0x7;
	p1 =	por !p1, p0  }
0x290: {  	s9 =	simm.s32 @p1 $0x1E83;
	p1 =	slt.s32 @!p0 s8, $0x1E83  }
0x291: {  	s9 =	sshll.u32 @!p0 s9, $0x7;
	p1 =	por !p1, p0  }
0x292: {  	s9 =	sand.u32 @!p0 $0x1FFFFF80, s9;
	s8 =	simm.s32 @p1 $0x1E83  }
0x293: {  	s10 =	simm.s32 @!p0 $0x8480;
	s9 =	sadd.s32 @!p0 s1, s9;
	s8 =	sshll.u32 @!p0 s8, $0x7  }
0x294: {  	[tilespmem:s10], [sflag:$0x3] =	stream.strided.gather @!p0 [hbm4b:s9+s6], $0x2000, s7, s6, $0x38;
	[tilespmem:$0x16680] =	vst v63  }
0x295: {  	v10 =	vbroadcast v10, $0xF;
	s8 =	sand.u32 @!p0 $0x1FFFFF80, s8  }
0x296: {  	s9 =	simm.s32 @!p0 $0x10480;
	s8 =	sadd.s32 @!p0 s3, s8  }
0x297: {  	v9 =	vbroadcast v9, $0xF;
	v11 =	vadd.s32 $0xFFF0BE00, v10;
	[tilespmem:s9], [sflag:$0x3] =	stream.strided.gather @!p0 [hbm4b:s8+s6], $0x2000, s7, s6, $0x38;
	[tilespmem:$0x16680] =	vst v63  }
0x298: {  	v41 =	vand.u32 $0x7F, v10;
	vm12 =	vgt.s32 v11, $0x0;
	_ =	swait.ge [sflag:s31], $0x2000  }
0x299: {  	v42 =	vadd.s32 $0xFFF0BE00, v9;
	v43 =	vor.u32 v1, v41;
	v11 =	vnsel vm12, $0x0, v11;
	[sflag:s31] =	ssyncset.done $0x0  }
0x29a: {  	v44 =	vand.u32 $0x7F, v9;
	vm13 =	vgt.s32 v42, $0x0;
	v45 =	vadd.s32 v1, v11;
	[sflag:s31] =	ssyncadd.s32 $0xFFFFE000  }
0x29b: {  	v13 =	vnsel vm13, $0x0, v42;
	v46 =	vor.u32 v1, v44;
	_ =	swait.ge [sflag:s31], $0x2000  }
0x29c: {  	v47 =	vadd.s32 v1, v13;
	[sflag:s31] =	ssyncset.done $0x0  }
0x29d: {  	v48 =	vor.u32 v5, v41;
	[sflag:s31] =	ssyncadd.s32 $0xFFFFE000  }
0x29e: {  	v49 =	vadd.s32 v5, v11;
	v14 =	vld.idx.msk [tilespmem:v43+s24+$0x0], $0xffff  }
0x29f: {  	v50 =	vor.u32 v5, v44;
	v16 =	vld.idx.msk [tilespmem:v45+s15+$0x0], $0xffff  }
0x2a0: {  	v51 =	vadd.s32 v5, v13;
	v17 =	vld.idx.msk [tilespmem:v46+s25+$0x0], $0xffff  }
0x2a1: {  	v52 =	vor.u32 v6, v41;
	v18 =	vld.idx.msk [tilespmem:v47+s16+$0x0], $0xffff  }
0x2a2: {  	v53 =	vadd.s32 v6, v11;
	v19 =	vld.idx.msk [tilespmem:v48+s24+$0x0], $0xffff  }
0x2a3: {  	v54 =	vor.u32 v6, v44;
	v20 =	vld.idx.msk [tilespmem:v49+s15+$0x0], $0xffff  }
0x2a4: {  	v55 =	vadd.s32 v6, v13;
	v21 =	vld.idx.msk [tilespmem:v50+s25+$0x0], $0xffff  }
0x2a5: {  	v12 =	vor.u32 v7, v41;
	v22 =	vld.idx.msk [tilespmem:v51+s16+$0x0], $0xffff  }
0x2a6: {  	v11 =	vadd.s32 v7, v11;
	v23 =	vld.idx.msk [tilespmem:v52+s24+$0x0], $0xffff  }
0x2a7: {  	v15 =	vor.u32 v7, v44;
	v24 =	vld.idx.msk [tilespmem:v53+s15+$0x0], $0xffff  }
0x2a8: {  	v13 =	vadd.s32 v7, v13;
	v25 =	vld.idx.msk [tilespmem:v54+s25+$0x0], $0xffff  }
0x2a9: {  	v26 =	vld.idx.msk [tilespmem:v55+s16+$0x0], $0xffff  }
0x2aa: {  	v12 =	vld.idx.msk [tilespmem:v12+s24+$0x0], $0xffff  }
0x2ab: {  	v11 =	vld.idx.msk [tilespmem:v11+s15+$0x0], $0xffff  }
0x2ac: {  	vm14 =	vgt.s32 v10, $0xF41FF;
	v10 =	vld.idx.msk [tilespmem:v15+s25+$0x0], $0xffff  }
0x2ad: {  	vm15 =	vgt.s32 v9, $0xF41FF;
	v13 =	vld.idx.msk [tilespmem:v13+s16+$0x0], $0xffff;
	v9 =	vsel vm14, v16, v14  }
0x2ae: {  	v56 =	vsel vm15, v18, v17;
	v57 =	vsel vm14, v20, v19;
	v58 =	vsel vm15, v22, v21  }
0x2af: {  	v9 =	vmul.f32 v56, v9;
	v59 =	vmul.f32 v58, v57  }
0x2b0: {  	v60 =	vsel vm14, v24, v23;
	v61 =	vsel vm15, v26, v25  }
0x2b1: {  	v63 =	vor.u32 s14, v8;
	s14 =	sadd.s32 $0x10, s14;
	v62 =	vmul.f32 v61, v60;
	v9 =	vadd.f32 v59, v9  }
0x2b2: {  	p0 =	sne.s32 s14, $0x20F;
	v11 =	vsel vm14, v11, v12;
	v10 =	vsel vm15, v13, v10  }
.Ltmp0:
0x2b3: {  	v10 =	vmul.f32 v10, v11;
	v9 =	vadd.f32 v62, v9;
	(pc) =	sbr.rel @p0 .LBB2_2-.Ltmp0, $3  }
0x2b4: {  	_ = 	snop  }
0x2b5: {  	v9 =	vadd.f32 v10, v9;
	_ =	sdelay $0x1  }
0x2b6: {  	s0 =	sadd.s32 $0x10, s0;
	s5 =	sadd.s32 $0x10, s5;
	[tilespmem:v63+s28+$0x0] =	vst.idx.msk $0xffff, v9  }
0x2b7: {  	s0 =	simm.s32 $0x15490  }
0x2b8: {  	v9 =	vld [tilespmem:s0+$0xFFFFEFF0]  }
0x2b9: {  	v11 =	vld [tilespmem:s0+$0xFFFFF000]  }
0x2ba: {  	v13 =	vld [tilespmem:s0+$0xFFFFF200]  }
0x2bb: {  	v15 =	vld [tilespmem:s0+$0xFFFFF400]  }
0x2bc: {  	v17 =	vld [tilespmem:s0+$0xFFFFF600]  }
0x2bd: {  	v19 =	vld [tilespmem:s0+$0xFFFFF800]  }
0x2be: {  	v21 =	vld [tilespmem:s0+$0xFFFFFA00]  }
0x2bf: {  	v23 =	vld [tilespmem:s0+$0xFFFFFC00]  }
0x2c0: {  	v25 =	vld [tilespmem:s0+$0xFFFFFE00]  }
0x2c1: {  	v27 =	vld [tilespmem:s0+$0x0]  }
0x2c2: {  	v29 =	vld [tilespmem:s0+$0x200]  }
0x2c3: {  	v31 =	vld [tilespmem:s0+$0x400]  }
0x2c4: {  	v33 =	vld [tilespmem:s0+$0x600]  }
0x2c5: {  	v35 =	vld [tilespmem:s0+$0x800]  }
0x2c6: {  	v37 =	vld [tilespmem:s0+$0xA00]  }
0x2c7: {  	v39 =	vld [tilespmem:s0+$0xC00]  }
0x2c8: {  	s6 =	simm.s32 $0x154B0;
	v40 =	vld [tilespmem:s0+$0xE00]  }
0x2c9: {  	v59 =	vld [tilespmem:s6+$0xFFFFF600]  }
0x2ca: {  	s5 =	simm.s32 $0x0;
	v60 =	vld [tilespmem:s6+$0xFFFFFC00]  }
0x2cb: {  	s5 =	sand.u32 $0x1E0, s5;
	v61 =	vld [tilespmem:s6+$0x200]  }
0x2cc: {  	v10 =	vld [tilespmem:s5+$0x14680]  }
0x2cd: {  	v12 =	vld [tilespmem:s5+$0x14880]  }
0x2ce: {  	v14 =	vld [tilespmem:s5+$0x14A80]  }
0x2cf: {  	v16 =	vld [tilespmem:s5+$0x14C80]  }
0x2d0: {  	v18 =	vld [tilespmem:s5+$0x14E80]  }
0x2d1: {  	v20 =	vld [tilespmem:s5+$0x15080]  }
0x2d2: {  	v22 =	vld [tilespmem:s5+$0x15280]  }
0x2d3: {  	v24 =	vld [tilespmem:s5+$0x15480]  }
0x2d4: {  	v26 =	vld [tilespmem:s5+$0x15680]  }
0x2d5: {  	v28 =	vld [tilespmem:s5+$0x15880]  }
0x2d6: {  	v30 =	vld [tilespmem:s5+$0x15A80]  }
0x2d7: {  	s10 =	simm.s32 $0x20;
	v32 =	vld [tilespmem:s5+$0x15C80];
	v9 =	vadd.f32 v10, v9  }
0x2d8: {  	s14 =	sand.u32 $0x1E0, s10;
	v10 =	vadd.f32 v13, v11;
	v11 =	vld [tilespmem:s6+$0xFFFFEFF0]  }
0x2d9: {  	v13 =	vld [tilespmem:s14+$0x14680];
	v9 =	vadd.f32 v12, v9  }
0x2da: {  	v10 =	vadd.f32 v15, v10;
	v12 =	vld [tilespmem:s6+$0xFFFFF000]  }
0x2db: {  	v15 =	vld [tilespmem:s14+$0x14880];
	v9 =	vadd.f32 v14, v9  }
0x2dc: {  	v10 =	vadd.f32 v17, v10;
	v14 =	vld [tilespmem:s6+$0xFFFFF200]  }
0x2dd: {  	v17 =	vld [tilespmem:s14+$0x14A80];
	v9 =	vadd.f32 v16, v9  }
0x2de: {  	v11 =	vadd.f32 v13, v11;
	v10 =	vadd.f32 v19, v10;
	v16 =	vld [tilespmem:s6+$0xFFFFF400]  }
0x2df: {  	v13 =	vld [tilespmem:s14+$0x14C80];
	v9 =	vadd.f32 v18, v9  }
0x2e0: {  	v34 =	vld [tilespmem:s5+$0x15E80];
	v11 =	vadd.f32 v15, v11;
	v10 =	vadd.f32 v21, v10  }
0x2e1: {  	v12 =	vadd.f32 v14, v12;
	v14 =	vld [tilespmem:s14+$0x14E80];
	v9 =	vadd.f32 v20, v9  }
0x2e2: {  	v15 =	vld [tilespmem:s6+$0xFFFFF800];
	v11 =	vadd.f32 v17, v11;
	v10 =	vadd.f32 v23, v10  }
0x2e3: {  	v12 =	vadd.f32 v16, v12;
	v16 =	vld [tilespmem:s14+$0x15080];
	v9 =	vadd.f32 v22, v9  }
0x2e4: {  	v17 =	vld [tilespmem:s6+$0xFFFFFA00];
	v11 =	vadd.f32 v13, v11;
	v10 =	vadd.f32 v25, v10  }
0x2e5: {  	v13 =	vld [tilespmem:s14+$0x15280];
	v12 =	vadd.f32 v59, v12;
	v9 =	vadd.f32 v24, v9  }
0x2e6: {  	v36 =	vld [tilespmem:s5+$0x16080];
	v10 =	vadd.f32 v27, v10;
	v11 =	vadd.f32 v14, v11  }
0x2e7: {  	v14 =	vld [tilespmem:s14+$0x15480];
	v12 =	vadd.f32 v15, v12;
	v9 =	vadd.f32 v26, v9  }
0x2e8: {  	v15 =	vld [tilespmem:s6+$0xFFFFFE00];
	v10 =	vadd.f32 v29, v10;
	v11 =	vadd.f32 v16, v11  }
0x2e9: {  	v16 =	vld [tilespmem:s14+$0x15680];
	v12 =	vadd.f32 v17, v12;
	v9 =	vadd.f32 v28, v9  }
0x2ea: {  	v17 =	vld [tilespmem:s6+$0x0];
	v10 =	vadd.f32 v31, v10;
	v11 =	vadd.f32 v13, v11  }
0x2eb: {  	v13 =	vld [tilespmem:s14+$0x15880];
	v12 =	vadd.f32 v60, v12;
	v9 =	vadd.f32 v30, v9  }
0x2ec: {  	v38 =	vld [tilespmem:s5+$0x16280];
	v10 =	vadd.f32 v33, v10;
	v11 =	vadd.f32 v14, v11  }
0x2ed: {  	v14 =	vld [tilespmem:s14+$0x15A80];
	v12 =	vadd.f32 v15, v12;
	v9 =	vadd.f32 v32, v9  }
0x2ee: {  	v15 =	vld [tilespmem:s6+$0x400];
	v10 =	vadd.f32 v35, v10;
	v11 =	vadd.f32 v16, v11  }
0x2ef: {  	v16 =	vld [tilespmem:s14+$0x15C80];
	v12 =	vadd.f32 v17, v12;
	v9 =	vadd.f32 v34, v9  }
0x2f0: {  	v17 =	vld [tilespmem:s6+$0x600];
	v10 =	vadd.f32 v37, v10;
	v11 =	vadd.f32 v13, v11  }
0x2f1: {  	v62 =	vld [tilespmem:s14+$0x15E80];
	v12 =	vadd.f32 v61, v12;
	v13 =	vadd.f32 v36, v9  }
0x2f2: {  	v63 =	vld [tilespmem:s6+$0x800];
	v10 =	vadd.f32 v39, v10;
	v11 =	vadd.f32 v14, v11  }
0x2f3: {  	v9 =	vld [tilespmem:s14+$0x16080];
	v12 =	vadd.f32 v15, v12;
	v13 =	vadd.f32 v38, v13  }
0x2f4: {  	s0 =	simm.s32 $0x16490;
	v14 =	vadd.f32 v40, v10;
	v10 =	vld [tilespmem:s6+$0xA00];
	v15 =	vadd.f32 v16, v11  }
0x2f5: {  	v11 =	vld [tilespmem:s14+$0x16280];
	v12 =	vadd.f32 v17, v12;
	[tilespmem:s0+$0xFFFFFFF0] =	vst v13  }
0x2f6: {  	v13 =	vld [tilespmem:s6+$0xC00];
	[tilespmem:s0+$0x0] =	vst v14;
	v14 =	vadd.f32 v62, v15  }
0x2f7: {  	s7 =	simm.s32 $0x40;
	s5 =	simm.s32 $0x2;
	v15 =	vadd.f32 v63, v12;
	v12 =	vld [tilespmem:s6+$0xE00];
	s6 =	simm.s32 $0x154D0  }
.LBB2_4:
0x2f8: {  	v16 =	vld [tilespmem:s6+$0xFFFFEFF0];
	s14 =	sand.u32 $0x1E0, s7;
	s5 =	sadd.s32 $0x2, s5;
	v9 =	vadd.f32 v9, v14  }
0x2f9: {  	v14 =	vld [tilespmem:s14+$0x14680];
	p0 =	slt.u32 s5, $0x1E;
	v10 =	vadd.f32 v10, v15  }
0x2fa: {  	v15 =	vld [tilespmem:s6+$0xFFFFF000];
	v9 =	vadd.f32 v11, v9  }
0x2fb: {  	s0 =	sadd.s32 $0x20, s0;
	v11 =	vld [tilespmem:s14+$0x14880];
	v10 =	vadd.f32 v13, v10  }
0x2fc: {  	v13 =	vld [tilespmem:s6+$0xFFFFF200];
	[tilespmem:s0+$0xFFFFFFF0] =	vst v9  }
0x2fd: {  	v9 =	vld [tilespmem:s14+$0x14A80];
	v10 =	vadd.f32 v12, v10  }
0x2fe: {  	v12 =	vadd.f32 v14, v16;
	v14 =	vld [tilespmem:s6+$0xFFFFF400]  }
0x2ff: {  	v16 =	vld [tilespmem:s14+$0x14C80];
	[tilespmem:s0+$0x0] =	vst v10  }
0x300: {  	v10 =	vadd.f32 v11, v12;
	v11 =	vld [tilespmem:s6+$0xFFFFF600]  }
0x301: {  	v12 =	vld [tilespmem:s14+$0x14E80];
	v13 =	vadd.f32 v13, v15  }
0x302: {  	v9 =	vadd.f32 v9, v10;
	v10 =	vld [tilespmem:s6+$0xFFFFF800]  }
0x303: {  	v15 =	vld [tilespmem:s14+$0x15080];
	v13 =	vadd.f32 v14, v13  }
0x304: {  	v9 =	vadd.f32 v16, v9;
	v14 =	vld [tilespmem:s6+$0xFFFFFA00]  }
0x305: {  	v16 =	vld [tilespmem:s14+$0x15280];
	v11 =	vadd.f32 v11, v13  }
0x306: {  	v9 =	vadd.f32 v12, v9;
	v12 =	vld [tilespmem:s6+$0xFFFFFC00]  }
0x307: {  	v13 =	vld [tilespmem:s14+$0x15480];
	v10 =	vadd.f32 v10, v11  }
0x308: {  	v9 =	vadd.f32 v15, v9;
	v11 =	vld [tilespmem:s6+$0xFFFFFE00]  }
0x309: {  	v15 =	vld [tilespmem:s14+$0x15680];
	v10 =	vadd.f32 v14, v10  }
0x30a: {  	v9 =	vadd.f32 v16, v9;
	v14 =	vld [tilespmem:s6+$0x0]  }
0x30b: {  	v16 =	vld [tilespmem:s14+$0x15880];
	v10 =	vadd.f32 v12, v10  }
0x30c: {  	v9 =	vadd.f32 v13, v9;
	v12 =	vld [tilespmem:s6+$0x200]  }
0x30d: {  	v13 =	vld [tilespmem:s14+$0x15A80];
	v10 =	vadd.f32 v11, v10  }
0x30e: {  	v9 =	vadd.f32 v15, v9;
	v11 =	vld [tilespmem:s6+$0x400]  }
0x30f: {  	v15 =	vld [tilespmem:s14+$0x15C80];
	v10 =	vadd.f32 v14, v10  }
0x310: {  	v9 =	vadd.f32 v16, v9;
	v14 =	vld [tilespmem:s6+$0x600]  }
0x311: {  	v16 =	vld [tilespmem:s14+$0x15E80];
	v10 =	vadd.f32 v12, v10  }
0x312: {  	v12 =	vadd.f32 v13, v9;
	v17 =	vld [tilespmem:s6+$0x800]  }
.Ltmp1:
0x313: {  	v9 =	vld [tilespmem:s14+$0x16080];
	v13 =	vadd.f32 v11, v10;
	(pc) =	sbr.rel @p0 .LBB2_4-.Ltmp1, $4  }
0x314: {  	v12 =	vadd.f32 v15, v12;
	v10 =	vld [tilespmem:s6+$0xA00]  }
0x315: {  	v11 =	vld [tilespmem:s14+$0x16280];
	v15 =	vadd.f32 v14, v13  }
0x316: {  	v14 =	vadd.f32 v16, v12;
	v13 =	vld [tilespmem:s6+$0xC00]  }
0x317: {  	s7 =	sadd.s32 $0x20, s7;
	v15 =	vadd.f32 v17, v15;
	v12 =	vld [tilespmem:s6+$0xE00];
	s6 =	sadd.s32 $0x20, s6  }
0x318: {  	_ = 	snop  }
0x319: {  	v10 =	vadd.f32 v10, v15  }
0x31a: {  	v9 =	vadd.f32 v9, v14  }
0x31b: {  	v10 =	vadd.f32 v13, v10  }
0x31c: {  	v9 =	vadd.f32 v11, v9  }
0x31d: {  	s0 =	sadd.s32 $0x20, s0;
	v10 =	vadd.f32 v12, v10  }
0x31e: {  	[tilespmem:s0+$0xFFFFFFF0] =	vst v9  }
0x31f: {  	[tilespmem:s0+$0x0] =	vst v10  }
0x320: {  	s5 =	simm.s32 $0x16480;
	s0 =	rddreg [dreg:$0x9]  }
0x321: {  	[hbm4b:s0+s11] =	stream.strided.scatter [tilespmem:s5], [sflag:$0x5], $0x200, s12, s11, $0x38;
	[tilespmem:$0x16680] =	vst v63  }
0x322: {  	_ =	swait.ge [sflag:s13], $0x200  }
0x323: {  	s2 =	sadd.s32 $0x1, s2;
	s14 =	rddreg [dreg:$0xa]  }
0x324: {  	p0 =	sne.s32 s2, s14  }
.Ltmp2:
0x325: {  	_ = 	snop;
	(pc) =	sbr.rel @p0 .LBB2_1-.Ltmp2, $3  }
0x326: {  	_ =	sdelay $0x1  }
0x327: {  	[sflag:s13] =	ssyncset.done $0x0  }
0x328: {  	[sflag:s13] =	ssyncadd.s32 $0xFFFFFE00  }
0x329: {  	_ =	sfence.sel $0x180000  }
0x32a: {  	[bflag:$0x0] =	sbarrier.arrive $0xFFFF  }
0x32b: {  	_ =	strace $0x90000047  }
0x32c: {  	s0 =	stileid.u32;
	[bflag:$0x2] =	sbarrier.arrive $0xFFFF  }
0x32d: {  	p0 =	sne.s32 s0, $0x0;
	s0 =	rddreg [dreg:$0x4]  }
0x32e: {  	s0 =	sadd.s32 @!p0 $0x100000, s0  }
0x32f: {  	[sflag:s0] =	ssyncadd.tile.s32 @!p0 $0x1;
	_ =	shalt  }
.Lfunc_end2:
_tile_overlayer_lowered:
.L_overlay_start_2:
0x330: {  	(tag) =	ssettag $0x2  }
0x331: {  	s0 =	rddreg [dreg:$0x0];
	s2 =	stileid.u32  }
0x332: {  	s1 =	rddreg [dreg:$0x1];
	p0 =	sne.s32 s2, $0x0  }
0x333: {  	s3 =	rddreg [dreg:$0x2];
	[bflag:$0x3] =	sbarrier.arrive $0xFFFF;
	s2 =	simm.s32 @!p0 $0x1C05  }
0x334: {  	[timem:s3], [sflag:s2] =	dma.local @!p0 [hbm:s0], s1  }
0x335: {  	s0 =	simm.s32 @!p0 $0x5  }
0x336: {  	_ =	swait.ge @!p0 [sflag:s0], s1  }
0x337: {  	s1 =	ssub.s32 @!p0 $0x0, s1;
	[sflag:s0] =	ssyncset.done @!p0 $0x0  }
0x338: {  	[sflag:s0] =	ssyncadd.s32 @!p0 s1  }
0x339: {  	[bflag:$0x3] =	sbarrier.arrive $0xFFFF  }
0x33a: {  	_ =	shalt  }

</sc_bundles>
